<compile_context>
chip_gen: v7x
topology: tpu7x:2x2x1
jax: 0.10.2.dev20260603
libtpu: 0.0.44.dev20260713+nightly
codegen_flags: <defaults>
</compile_context>

<pallas_src>
import functools

import jax
import jax.numpy as jnp
from jax import lax
from jax.experimental import pallas as pl
from jax.experimental.pallas import tpu as pltpu
from jax.experimental.pallas import tpu_sc as plsc

_LANES = 16
_NUM_CORES = 2
_NUM_SUBCORES = 16


def _edge_scores(z_src_p, z_dst_p, src_idx, dst_idx, *, interpret=False):
    n_nodes, dw = z_src_p.shape
    nw = _NUM_CORES * _NUM_SUBCORES
    e = src_idx.shape[0]
    assert e % nw == 0, (e, nw)
    per_w = e // nw
    chunk = 80
    assert per_w % chunk == 0, (per_w, chunk)
    n_chunks = per_w // chunk
    n_groups = chunk // _LANES
    n_words = (dw // 2) // _LANES

    src_idx = src_idx.reshape(nw, n_chunks, chunk)
    dst_idx = dst_idx.reshape(nw, n_chunks, chunk)

    mesh = plsc.VectorSubcoreMesh(core_axis_name="c", subcore_axis_name="s",
                                  num_cores=_NUM_CORES,
                                  num_subcores=_NUM_SUBCORES)

    @functools.partial(
        pl.kernel,
        out_type=jax.ShapeDtypeStruct((nw, per_w), jnp.float32),
        mesh=mesh,
        scratch_types=[
            pltpu.VMEM((n_chunks, chunk), jnp.int32),
            pltpu.VMEM((n_chunks, chunk), jnp.int32),
            pltpu.VMEM((2, chunk, dw), jnp.int32),
            pltpu.VMEM((2, chunk, dw), jnp.int32),
            pltpu.VMEM((per_w,), jnp.float32),
            pltpu.SemaphoreType.DMA,
            pltpu.SemaphoreType.DMA,
        ],
        compiler_params=pltpu.CompilerParams(needs_layout_passes=False),
        interpret=interpret,
    )
    def _k(zsrc_hbm, zdst_hbm, sidx_hbm, didx_hbm, out_hbm,
           sidx_v, didx_v, srows_v, drows_v, out_v, sem_s, sem_d):
        wid = lax.axis_index("s") * _NUM_CORES + lax.axis_index("c")
        pltpu.sync_copy(sidx_hbm.at[wid], sidx_v)
        pltpu.sync_copy(didx_hbm.at[wid], didx_v)

        zeros16 = jnp.zeros((_LANES,), jnp.float32)

        def zero_out(v, carry):
            out_v[pl.ds(v * _LANES, _LANES)] = zeros16
            return carry

        lax.fori_loop(0, per_w // _LANES, zero_out, 0)

        def issue(g, b):
            pltpu.async_copy(zsrc_hbm.at[sidx_v.at[g]], srows_v.at[b], sem_s)
            pltpu.async_copy(zdst_hbm.at[didx_v.at[g]], drows_v.at[b], sem_d)

        def drain(g, b):
            pltpu.make_async_copy(zsrc_hbm.at[sidx_v.at[g]], srows_v.at[b],
                                  sem_s).wait()
            pltpu.make_async_copy(zdst_hbm.at[didx_v.at[g]], drows_v.at[b],
                                  sem_d).wait()

        def compute(g, b):
            sref, dref = srows_v.at[b], drows_v.at[b]

            def grp(grp_i, carry):
                e0 = grp_i * _LANES
                for e_loc in range(_LANES):
                    er = e0 + e_loc
                    prods = []
                    for j in range(n_words):
                        s = plsc.bitcast(sref[er, pl.ds(j * _LANES, _LANES)],
                                         jnp.bfloat16)
                        t = plsc.bitcast(dref[er, pl.ds(j * _LANES, _LANES)],
                                         jnp.bfloat16)
                        prods.append(s * t)
                    f32s = []
                    for j in range(0, n_words, 2):
                        pa, pb = plsc.unpack(prods[j] + prods[j + 1],
                                             format=plsc.PackFormat.INTERLEAVED)
                        f32s.append(pa + pb)
                    q = f32s[0]
                    for x in f32s[1:]:
                        q = q + x
                    pos = jnp.full((_LANES,), g * chunk + e0 + e_loc,
                                   jnp.int32)
                    plsc.addupdate_scatter(out_v, [pos], q)
                return carry

            lax.fori_loop(0, n_groups, grp, 0)

        issue(0, 0)

        def pair(k, carry):
            for b in (0, 1):
                g = 2 * k + b

                @pl.when(g < n_chunks)
                def _body():
                    @pl.when(g + 1 < n_chunks)
                    def _prefetch():
                        issue(g + 1, 1 - b)

                    drain(g, b)
                    compute(g, b)

            return carry

        lax.fori_loop(0, (n_chunks + 2) // 2, pair, 0)

        def sigmoid_pass(v, carry):
            x = out_v[pl.ds(v * _LANES, _LANES)]
            out_v[pl.ds(v * _LANES, _LANES)] = 1.0 / (1.0 + jnp.exp(-x))
            return carry

        lax.fori_loop(0, per_w // _LANES, sigmoid_pass, 0)
        pltpu.sync_copy(out_v, out_hbm.at[wid])

    out = _k(z_src_p, z_dst_p, src_idx, dst_idx)
    return out.reshape(e)


def _pack_table(z):
    zb = z.astype(jnp.bfloat16)
    n, d = zb.shape
    packed = lax.bitcast_convert_type(zb.reshape(n, d // 2, 2), jnp.int32)
    return jnp.concatenate(
        [packed, jnp.zeros((n, d - d // 2), jnp.int32)], axis=1)


def kernel(z_src, z_dst, edge_index):
    ei = edge_index.astype(jnp.int32)
    return _edge_scores(_pack_table(z_src), _pack_table(z_dst), ei[0], ei[1])

# --- scband reference (transcript-rebuilt; emitter-appended) ---
"""Pipeline reference for scband-edge-prediction-decoder-68118181315023 (READ-ONLY COPY).

The authoritative reference and input builder live on the scoring server;
editing this copy changes nothing except your own understanding.
"""

import jax, jax.numpy as jnp
import numpy as np


def setup_inputs(seed: int = 0) -> dict:
    key = jax.random.key(seed)
    k1, k2, k3 = jax.random.split(key, 3)
    z_src = jax.random.normal(k1, (10000, 128), dtype=jnp.float32)
    z_dst = jax.random.normal(k2, (10000, 128), dtype=jnp.float32)
    edge_index = jax.random.randint(k3, (2, 320000), 0, 10000, dtype=jnp.int64)
    return {"z_src": z_src, "z_dst": z_dst, "edge_index": edge_index}


def reference(z_src, z_dst, edge_index):
    # EdgePredictionDecoder for a single edge type (src_type, rel, dst_type):
    # gather source and destination node embeddings by edge endpoints,
    # elementwise multiply, sum over feature dim, sigmoid.
    src_emb = jnp.take(z_src, edge_index[0], axis=0)  # [E, d]
    dst_emb = jnp.take(z_dst, edge_index[1], axis=0)  # [E, d]
    edge_logits = jnp.sum(src_emb * dst_emb, axis=-1)  # [E]
    return jax.nn.sigmoid(edge_logits)

if __name__ == "__main__":
    import jax
    _d = setup_inputs()
    print(jax.jit(kernel)(*tuple(_d.values())))

</pallas_src>

<mosaic_0001>
#map = affine_map<(d0, d1) -> (0, 0)>
#map1 = affine_map<(d0, d1) -> (0, 0, 0)>
module attributes {stable_mosaic.version = 14 : i64} {
  func.func @_k(%arg0: i32, %arg1: i32, %arg2: memref<10000x128xi32, #tpu.memory_space<hbm>>, %arg3: memref<10000x128xi32, #tpu.memory_space<hbm>>, %arg4: memref<32x125x80xi32, #tpu.memory_space<hbm>>, %arg5: memref<32x125x80xi32, #tpu.memory_space<hbm>>, %arg6: memref<32x10000xf32, #tpu.memory_space<hbm>>, %arg7: memref<125x80xi32, #tpu.memory_space<vmem>>, %arg8: memref<125x80xi32, #tpu.memory_space<vmem>>, %arg9: memref<2x80x128xi32, #tpu.memory_space<vmem>>, %arg10: memref<2x80x128xi32, #tpu.memory_space<vmem>>, %arg11: memref<10000xf32, #tpu.memory_space<vmem>>, %arg12: memref<!tpu.dma_semaphore, #tpu.memory_space<semaphore_mem>>, %arg13: memref<!tpu.dma_semaphore, #tpu.memory_space<semaphore_mem>>) attributes {dimension_semantics = [#tpu.dimension_semantics<core_parallel>, #tpu.dimension_semantics<subcore_parallel>], iteration_bounds = array<i64: 2, 16>, scalar_prefetch = 0 : i64, scratch_operands = 7 : i64, tpu.core_type = #tpu.core_type<sc_vector_subcore>, window_params = [{transform_indices = #map}, {transform_indices = #map}, {transform_indices = #map1}, {transform_indices = #map1}, {transform_indices = #map}]} {
    %mul3A = arith.constant 2 : i32
    %mul3A_0 = arith.muli %arg1, %mul3A : i32
    %add3A = arith.addi %mul3A_0, %arg0 : i32
    "tpu.region"() ({
      %run_scoped3A = tpu.sem_alloc : memref<!tpu.dma_semaphore, #tpu.memory_space<semaphore_mem>>
      %dma_start3A_42 = arith.constant 0 : i32
      %dma_start3A_43 = arith.constant 0 : i32
      %dma_start3A_44 = tpu.memref_slice %arg4[%add3A, %dma_start3A_42, %dma_start3A_43] : memref<32x125x80xi32, #tpu.memory_space<hbm>> -> memref<1x125x80xi32, #tpu.memory_space<hbm>>
      %dma_start3A_45 = tpu.memref_squeeze %dma_start3A_44 : memref<1x125x80xi32, #tpu.memory_space<hbm>> -> memref<125x80xi32, #tpu.memory_space<hbm>>
      %dma_start3A_46 = arith.constant 0 : i32
      %dma_start3A_47 = arith.constant 0 : i32
      %dma_start3A_48 = tpu.memref_slice %arg4[%add3A, %dma_start3A_46, %dma_start3A_47] : memref<32x125x80xi32, #tpu.memory_space<hbm>> -> memref<1x125x80xi32, #tpu.memory_space<hbm>>
      %dma_start3A_49 = tpu.memref_squeeze %dma_start3A_48 : memref<1x125x80xi32, #tpu.memory_space<hbm>> -> memref<125x80xi32, #tpu.memory_space<hbm>>
      tpu.enqueue_dma source(%dma_start3A_49 : memref<125x80xi32, #tpu.memory_space<hbm>>) target(%arg7 : memref<125x80xi32, #tpu.memory_space<vmem>>) target_semaphore(%run_scoped3A : memref<!tpu.dma_semaphore, #tpu.memory_space<semaphore_mem>>)
      %dma_wait3A = arith.constant 0 : i32
      %dma_wait3A_50 = arith.constant 0 : i32
      %dma_wait3A_51 = tpu.memref_slice %arg4[%add3A, %dma_wait3A, %dma_wait3A_50] : memref<32x125x80xi32, #tpu.memory_space<hbm>> -> memref<1x125x80xi32, #tpu.memory_space<hbm>>
      %dma_wait3A_52 = tpu.memref_squeeze %dma_wait3A_51 : memref<1x125x80xi32, #tpu.memory_space<hbm>> -> memref<125x80xi32, #tpu.memory_space<hbm>>
      %dma_wait3A_53 = arith.constant 0 : i32
      %dma_wait3A_54 = arith.constant 0 : i32
      %dma_wait3A_55 = tpu.memref_slice %arg4[%add3A, %dma_wait3A_53, %dma_wait3A_54] : memref<32x125x80xi32, #tpu.memory_space<hbm>> -> memref<1x125x80xi32, #tpu.memory_space<hbm>>
      %dma_wait3A_56 = tpu.memref_squeeze %dma_wait3A_55 : memref<1x125x80xi32, #tpu.memory_space<hbm>> -> memref<125x80xi32, #tpu.memory_space<hbm>>
      tpu.wait_dma2 semaphore(%run_scoped3A : memref<!tpu.dma_semaphore, #tpu.memory_space<semaphore_mem>>) src(%dma_wait3A_56 : memref<125x80xi32, #tpu.memory_space<hbm>>) dst(%arg7 : memref<125x80xi32, #tpu.memory_space<vmem>>)
      tpu.yield
    }) : () -> ()
    "tpu.region"() ({
      %run_scoped3A = tpu.sem_alloc : memref<!tpu.dma_semaphore, #tpu.memory_space<semaphore_mem>>
      %dma_start3A_42 = arith.constant 0 : i32
      %dma_start3A_43 = arith.constant 0 : i32
      %dma_start3A_44 = tpu.memref_slice %arg5[%add3A, %dma_start3A_42, %dma_start3A_43] : memref<32x125x80xi32, #tpu.memory_space<hbm>> -> memref<1x125x80xi32, #tpu.memory_space<hbm>>
      %dma_start3A_45 = tpu.memref_squeeze %dma_start3A_44 : memref<1x125x80xi32, #tpu.memory_space<hbm>> -> memref<125x80xi32, #tpu.memory_space<hbm>>
      %dma_start3A_46 = arith.constant 0 : i32
      %dma_start3A_47 = arith.constant 0 : i32
      %dma_start3A_48 = tpu.memref_slice %arg5[%add3A, %dma_start3A_46, %dma_start3A_47] : memref<32x125x80xi32, #tpu.memory_space<hbm>> -> memref<1x125x80xi32, #tpu.memory_space<hbm>>
      %dma_start3A_49 = tpu.memref_squeeze %dma_start3A_48 : memref<1x125x80xi32, #tpu.memory_space<hbm>> -> memref<125x80xi32, #tpu.memory_space<hbm>>
      tpu.enqueue_dma source(%dma_start3A_49 : memref<125x80xi32, #tpu.memory_space<hbm>>) target(%arg8 : memref<125x80xi32, #tpu.memory_space<vmem>>) target_semaphore(%run_scoped3A : memref<!tpu.dma_semaphore, #tpu.memory_space<semaphore_mem>>)
      %dma_wait3A = arith.constant 0 : i32
      %dma_wait3A_50 = arith.constant 0 : i32
      %dma_wait3A_51 = tpu.memref_slice %arg5[%add3A, %dma_wait3A, %dma_wait3A_50] : memref<32x125x80xi32, #tpu.memory_space<hbm>> -> memref<1x125x80xi32, #tpu.memory_space<hbm>>
      %dma_wait3A_52 = tpu.memref_squeeze %dma_wait3A_51 : memref<1x125x80xi32, #tpu.memory_space<hbm>> -> memref<125x80xi32, #tpu.memory_space<hbm>>
      %dma_wait3A_53 = arith.constant 0 : i32
      %dma_wait3A_54 = arith.constant 0 : i32
      %dma_wait3A_55 = tpu.memref_slice %arg5[%add3A, %dma_wait3A_53, %dma_wait3A_54] : memref<32x125x80xi32, #tpu.memory_space<hbm>> -> memref<1x125x80xi32, #tpu.memory_space<hbm>>
      %dma_wait3A_56 = tpu.memref_squeeze %dma_wait3A_55 : memref<1x125x80xi32, #tpu.memory_space<hbm>> -> memref<125x80xi32, #tpu.memory_space<hbm>>
      tpu.wait_dma2 semaphore(%run_scoped3A : memref<!tpu.dma_semaphore, #tpu.memory_space<semaphore_mem>>) src(%dma_wait3A_56 : memref<125x80xi32, #tpu.memory_space<hbm>>) dst(%arg8 : memref<125x80xi32, #tpu.memory_space<vmem>>)
      tpu.yield
    }) : () -> ()
    %broadcast_in_dim3A = arith.constant 0.000000e+00 : f32
    %broadcast_in_dim3A_1 = vector.broadcast %broadcast_in_dim3A : f32 to vector<16xf32>
    %scan3A = arith.constant 0 : i32
    %scan3A_2 = arith.constant 0 : i32
    %scan3A_3 = arith.constant 625 : i32
    %scan3A_4 = arith.addi %scan3A_2, %scan3A_3 : i32
    %scan3A_5 = arith.constant 1 : i32
    scf.for %scan3A_42 = %scan3A_2 to %scan3A_4 step %scan3A_5  : i32 {
      %mul3A_43 = arith.constant 16 : i32
      %mul3A_44 = arith.muli %scan3A_42, %mul3A_43 : i32
      %swap3A = arith.index_cast %mul3A_44 : i32 to index
      %swap3A_45 = tpu.vector_load %arg11[%swap3A] {strides = array<i32>} : memref<10000xf32, #tpu.memory_space<vmem>>, vector<16xf32>,
      tpu.vector_store %arg11[%swap3A], %broadcast_in_dim3A_1 {strides = array<i32>} : memref<10000xf32, #tpu.memory_space<vmem>>, vector<16xf32>,
    }
    %scan3A_6 = arith.constant 625 : i32
    %dma_start3A = arith.constant 0 : i32
    %dma_start3A_7 = arith.constant 0 : i32
    %dma_start3A_8 = arith.constant 0 : i32
    %dma_start3A_9 = arith.constant 0 : i32
    %dma_start3A_10 = tpu.memref_slice %arg9[%dma_start3A_7, %dma_start3A_8, %dma_start3A_9] : memref<2x80x128xi32, #tpu.memory_space<vmem>> -> memref<1x80x128xi32, #tpu.memory_space<vmem>>
    %dma_start3A_11 = tpu.memref_squeeze %dma_start3A_10 : memref<1x80x128xi32, #tpu.memory_space<vmem>> -> memref<80x128xi32, #tpu.memory_space<vmem>>
    %dma_start3A_12 = arith.constant 0 : i32
    %dma_start3A_13 = tpu.memref_slice %arg7[%dma_start3A, %dma_start3A_12] : memref<125x80xi32, #tpu.memory_space<vmem>> -> memref<1x80xi32, #tpu.memory_space<vmem>>
    %dma_start3A_14 = tpu.memref_squeeze %dma_start3A_13 : memref<1x80xi32, #tpu.memory_space<vmem>> -> memref<80xi32, #tpu.memory_space<vmem>>
    %dma_start3A_15 = arith.constant 0 : i32
    %dma_start3A_16 = arith.constant 0 : i32
    %dma_start3A_17 = tpu.memref_slice %arg2[%dma_start3A_15, %dma_start3A_16] : memref<10000x128xi32, #tpu.memory_space<hbm>> -> memref<10000x128xi32, #tpu.memory_space<hbm>>
    tpu.enqueue_indirect_dma source(%dma_start3A_17 : memref<10000x128xi32, #tpu.memory_space<hbm>>) target(%dma_start3A_11 : memref<80x128xi32, #tpu.memory_space<vmem>>) offsets(%dma_start3A_14 : memref<80xi32, #tpu.memory_space<vmem>>) semaphore(%arg12 : memref<!tpu.dma_semaphore, #tpu.memory_space<semaphore_mem>>)
    %dma_start3A_18 = arith.constant 0 : i32
    %dma_start3A_19 = arith.constant 0 : i32
    %dma_start3A_20 = arith.constant 0 : i32
    %dma_start3A_21 = arith.constant 0 : i32
    %dma_start3A_22 = tpu.memref_slice %arg10[%dma_start3A_19, %dma_start3A_20, %dma_start3A_21] : memref<2x80x128xi32, #tpu.memory_space<vmem>> -> memref<1x80x128xi32, #tpu.memory_space<vmem>>
    %dma_start3A_23 = tpu.memref_squeeze %dma_start3A_22 : memref<1x80x128xi32, #tpu.memory_space<vmem>> -> memref<80x128xi32, #tpu.memory_space<vmem>>
    %dma_start3A_24 = arith.constant 0 : i32
    %dma_start3A_25 = tpu.memref_slice %arg8[%dma_start3A_18, %dma_start3A_24] : memref<125x80xi32, #tpu.memory_space<vmem>> -> memref<1x80xi32, #tpu.memory_space<vmem>>
    %dma_start3A_26 = tpu.memref_squeeze %dma_start3A_25 : memref<1x80xi32, #tpu.memory_space<vmem>> -> memref<80xi32, #tpu.memory_space<vmem>>
    %dma_start3A_27 = arith.constant 0 : i32
    %dma_start3A_28 = arith.constant 0 : i32
    %dma_start3A_29 = tpu.memref_slice %arg3[%dma_start3A_27, %dma_start3A_28] : memref<10000x128xi32, #tpu.memory_space<hbm>> -> memref<10000x128xi32, #tpu.memory_space<hbm>>
    tpu.enqueue_indirect_dma source(%dma_start3A_29 : memref<10000x128xi32, #tpu.memory_space<hbm>>) target(%dma_start3A_23 : memref<80x128xi32, #tpu.memory_space<vmem>>) offsets(%dma_start3A_26 : memref<80xi32, #tpu.memory_space<vmem>>) semaphore(%arg13 : memref<!tpu.dma_semaphore, #tpu.memory_space<semaphore_mem>>)
    %scan3A_30 = arith.constant 0 : i32
    %scan3A_31 = arith.constant 0 : i32
    %scan3A_32 = arith.constant 63 : i32
    %scan3A_33 = arith.addi %scan3A_31, %scan3A_32 : i32
    %scan3A_34 = arith.constant 1 : i32
    scf.for %scan3A_42 = %scan3A_31 to %scan3A_33 step %scan3A_34  : i32 {
      %mul3A_43 = arith.constant 2 : i32
      %mul3A_44 = arith.muli %mul3A_43, %scan3A_42 : i32
      %add3A_45 = arith.constant 0 : i32
      %add3A_46 = arith.addi %mul3A_44, %add3A_45 : i32
      %lt3A = arith.constant 125 : i32
      %lt3A_47 = arith.cmpi slt, %add3A_46, %lt3A : i32
      %convert_element_type3A = arith.extui %lt3A_47 : i1 to i32
      %cond3A = arith.constant 0 : i32
      %cond3A_48 = arith.cmpi ne, %convert_element_type3A, %cond3A : i32
      scf.if %cond3A_48 {
        %add3A_58 = arith.constant 1 : i32
        %add3A_59 = arith.addi %add3A_46, %add3A_58 : i32
        %lt3A_60 = arith.constant 125 : i32
        %lt3A_61 = arith.cmpi slt, %add3A_59, %lt3A_60 : i32
        %convert_element_type3A_62 = arith.extui %lt3A_61 : i1 to i32
        %cond3A_63 = arith.constant 0 : i32
        %cond3A_64 = arith.cmpi ne, %convert_element_type3A_62, %cond3A_63 : i32
        scf.if %cond3A_64 {
          %add3A_94 = arith.constant 1 : i32
          %add3A_95 = arith.addi %add3A_46, %add3A_94 : i32
          %dma_start3A_96 = arith.constant 1 : i32
          %dma_start3A_97 = arith.constant 0 : i32
          %dma_start3A_98 = arith.constant 0 : i32
          %dma_start3A_99 = tpu.memref_slice %arg9[%dma_start3A_96, %dma_start3A_97, %dma_start3A_98] : memref<2x80x128xi32, #tpu.memory_space<vmem>> -> memref<1x80x128xi32, #tpu.memory_space<vmem>>
          %dma_start3A_100 = tpu.memref_squeeze %dma_start3A_99 : memref<1x80x128xi32, #tpu.memory_space<vmem>> -> memref<80x128xi32, #tpu.memory_space<vmem>>
          %dma_start3A_101 = arith.constant 0 : i32
          %dma_start3A_102 = tpu.memref_slice %arg7[%add3A_95, %dma_start3A_101] : memref<125x80xi32, #tpu.memory_space<vmem>> -> memref<1x80xi32, #tpu.memory_space<vmem>>
          %dma_start3A_103 = tpu.memref_squeeze %dma_start3A_102 : memref<1x80xi32, #tpu.memory_space<vmem>> -> memref<80xi32, #tpu.memory_space<vmem>>
          %dma_start3A_104 = arith.constant 0 : i32
          %dma_start3A_105 = arith.constant 0 : i32
          %dma_start3A_106 = tpu.memref_slice %arg2[%dma_start3A_104, %dma_start3A_105] : memref<10000x128xi32, #tpu.memory_space<hbm>> -> memref<10000x128xi32, #tpu.memory_space<hbm>>
          tpu.enqueue_indirect_dma source(%dma_start3A_106 : memref<10000x128xi32, #tpu.memory_space<hbm>>) target(%dma_start3A_100 : memref<80x128xi32, #tpu.memory_space<vmem>>) offsets(%dma_start3A_103 : memref<80xi32, #tpu.memory_space<vmem>>) semaphore(%arg12 : memref<!tpu.dma_semaphore, #tpu.memory_space<semaphore_mem>>)
          %dma_start3A_107 = arith.constant 1 : i32
          %dma_start3A_108 = arith.constant 0 : i32
          %dma_start3A_109 = arith.constant 0 : i32
          %dma_start3A_110 = tpu.memref_slice %arg10[%dma_start3A_107, %dma_start3A_108, %dma_start3A_109] : memref<2x80x128xi32, #tpu.memory_space<vmem>> -> memref<1x80x128xi32, #tpu.memory_space<vmem>>
          %dma_start3A_111 = tpu.memref_squeeze %dma_start3A_110 : memref<1x80x128xi32, #tpu.memory_space<vmem>> -> memref<80x128xi32, #tpu.memory_space<vmem>>
          %dma_start3A_112 = arith.constant 0 : i32
          %dma_start3A_113 = tpu.memref_slice %arg8[%add3A_95, %dma_start3A_112] : memref<125x80xi32, #tpu.memory_space<vmem>> -> memref<1x80xi32, #tpu.memory_space<vmem>>
          %dma_start3A_114 = tpu.memref_squeeze %dma_start3A_113 : memref<1x80xi32, #tpu.memory_space<vmem>> -> memref<80xi32, #tpu.memory_space<vmem>>
          %dma_start3A_115 = arith.constant 0 : i32
          %dma_start3A_116 = arith.constant 0 : i32
          %dma_start3A_117 = tpu.memref_slice %arg3[%dma_start3A_115, %dma_start3A_116] : memref<10000x128xi32, #tpu.memory_space<hbm>> -> memref<10000x128xi32, #tpu.memory_space<hbm>>
          tpu.enqueue_indirect_dma source(%dma_start3A_117 : memref<10000x128xi32, #tpu.memory_space<hbm>>) target(%dma_start3A_111 : memref<80x128xi32, #tpu.memory_space<vmem>>) offsets(%dma_start3A_114 : memref<80xi32, #tpu.memory_space<vmem>>) semaphore(%arg13 : memref<!tpu.dma_semaphore, #tpu.memory_space<semaphore_mem>>)
        } else {
        }
        %dma_wait3A = arith.constant 0 : i32
        %dma_wait3A_65 = arith.constant 0 : i32
        %dma_wait3A_66 = arith.constant 0 : i32
        %dma_wait3A_67 = tpu.memref_slice %arg9[%dma_wait3A, %dma_wait3A_65, %dma_wait3A_66] : memref<2x80x128xi32, #tpu.memory_space<vmem>> -> memref<1x80x128xi32, #tpu.memory_space<vmem>>
        %dma_wait3A_68 = tpu.memref_squeeze %dma_wait3A_67 : memref<1x80x128xi32, #tpu.memory_space<vmem>> -> memref<80x128xi32, #tpu.memory_space<vmem>>
        %dma_wait3A_69 = arith.constant 0 : i32
        %dma_wait3A_70 = tpu.memref_slice %arg7[%add3A_46, %dma_wait3A_69] : memref<125x80xi32, #tpu.memory_space<vmem>> -> memref<1x80xi32, #tpu.memory_space<vmem>>
        %dma_wait3A_71 = tpu.memref_squeeze %dma_wait3A_70 : memref<1x80xi32, #tpu.memory_space<vmem>> -> memref<80xi32, #tpu.memory_space<vmem>>
        %dma_wait3A_72 = arith.constant 0 : i32
        %dma_wait3A_73 = arith.constant 0 : i32
        %dma_wait3A_74 = tpu.memref_slice %arg2[%dma_wait3A_72, %dma_wait3A_73] : memref<10000x128xi32, #tpu.memory_space<hbm>> -> memref<10000x128xi32, #tpu.memory_space<hbm>>
        tpu.wait_indirect_dma semaphore(%arg12 : memref<!tpu.dma_semaphore, #tpu.memory_space<semaphore_mem>>) src(%dma_wait3A_74 : memref<10000x128xi32, #tpu.memory_space<hbm>>) dst(%dma_wait3A_68 : memref<80x128xi32, #tpu.memory_space<vmem>>)
        %dma_wait3A_75 = arith.constant 0 : i32
        %dma_wait3A_76 = arith.constant 0 : i32
        %dma_wait3A_77 = arith.constant 0 : i32
        %dma_wait3A_78 = tpu.memref_slice %arg10[%dma_wait3A_75, %dma_wait3A_76, %dma_wait3A_77] : memref<2x80x128xi32, #tpu.memory_space<vmem>> -> memref<1x80x128xi32, #tpu.memory_space<vmem>>
        %dma_wait3A_79 = tpu.memref_squeeze %dma_wait3A_78 : memref<1x80x128xi32, #tpu.memory_space<vmem>> -> memref<80x128xi32, #tpu.memory_space<vmem>>
        %dma_wait3A_80 = arith.constant 0 : i32
        %dma_wait3A_81 = tpu.memref_slice %arg8[%add3A_46, %dma_wait3A_80] : memref<125x80xi32, #tpu.memory_space<vmem>> -> memref<1x80xi32, #tpu.memory_space<vmem>>
        %dma_wait3A_82 = tpu.memref_squeeze %dma_wait3A_81 : memref<1x80xi32, #tpu.memory_space<vmem>> -> memref<80xi32, #tpu.memory_space<vmem>>
        %dma_wait3A_83 = arith.constant 0 : i32
        %dma_wait3A_84 = arith.constant 0 : i32
        %dma_wait3A_85 = tpu.memref_slice %arg3[%dma_wait3A_83, %dma_wait3A_84] : memref<10000x128xi32, #tpu.memory_space<hbm>> -> memref<10000x128xi32, #tpu.memory_space<hbm>>
        tpu.wait_indirect_dma semaphore(%arg13 : memref<!tpu.dma_semaphore, #tpu.memory_space<semaphore_mem>>) src(%dma_wait3A_85 : memref<10000x128xi32, #tpu.memory_space<hbm>>) dst(%dma_wait3A_79 : memref<80x128xi32, #tpu.memory_space<vmem>>)
        %scan3A_86 = arith.constant 0 : i32
        %scan3A_87 = arith.constant 0 : i32
        %scan3A_88 = arith.constant 0 : i32
        %scan3A_89 = arith.constant 0 : i32
        %scan3A_90 = arith.constant 5 : i32
        %scan3A_91 = arith.addi %scan3A_89, %scan3A_90 : i32
        %scan3A_92 = arith.constant 1 : i32
        scf.for %scan3A_94 = %scan3A_89 to %scan3A_91 step %scan3A_92  : i32 {
          %mul3A_95 = arith.constant 16 : i32
          %mul3A_96 = arith.muli %scan3A_94, %mul3A_95 : i32
          %add3A_97 = arith.constant 0 : i32
          %add3A_98 = arith.addi %mul3A_96, %add3A_97 : i32
          %get3A = arith.constant 0 : i32
          %get3A_99 = arith.constant 0 : i32
          %get3A_100 = tpu.memref_slice %arg9[%scan3A_87, %get3A, %get3A_99] : memref<2x80x128xi32, #tpu.memory_space<vmem>> -> memref<1x80x128xi32, #tpu.memory_space<vmem>>
          %get3A_101 = tpu.memref_squeeze %get3A_100 : memref<1x80x128xi32, #tpu.memory_space<vmem>> -> memref<80x128xi32, #tpu.memory_space<vmem>>
          %get3A_102 = arith.index_cast %add3A_98 : i32 to index
          %get3A_103 = arith.constant 0 : index
          %get3A_104 = tpu.vector_load %get3A_101[%get3A_102, %get3A_103] {strides = array<i32>} : memref<80x128xi32, #tpu.memory_space<vmem>>, vector<16xi32>,
          %bitcast3A = vector.bitcast %get3A_104 : vector<16xi32> to vector<32xbf16>
          %get3A_105 = arith.constant 0 : i32
          %get3A_106 = arith.constant 0 : i32
          %get3A_107 = tpu.memref_slice %arg10[%scan3A_88, %get3A_105, %get3A_106] : memref<2x80x128xi32, #tpu.memory_space<vmem>> -> memref<1x80x128xi32, #tpu.memory_space<vmem>>
          %get3A_108 = tpu.memref_squeeze %get3A_107 : memref<1x80x128xi32, #tpu.memory_space<vmem>> -> memref<80x128xi32, #tpu.memory_space<vmem>>
          %get3A_109 = arith.index_cast %add3A_98 : i32 to index
          %get3A_110 = arith.constant 0 : index
          %get3A_111 = tpu.vector_load %get3A_108[%get3A_109, %get3A_110] {strides = array<i32>} : memref<80x128xi32, #tpu.memory_space<vmem>>, vector<16xi32>,
          %bitcast3A_112 = vector.bitcast %get3A_111 : vector<16xi32> to vector<32xbf16>
          %mul3A_113 = arith.mulf %bitcast3A, %bitcast3A_112 : vector<32xbf16>
          %get3A_114 = arith.constant 0 : i32
          %get3A_115 = arith.constant 0 : i32
          %get3A_116 = tpu.memref_slice %arg9[%scan3A_87, %get3A_114, %get3A_115] : memref<2x80x128xi32, #tpu.memory_space<vmem>> -> memref<1x80x128xi32, #tpu.memory_space<vmem>>
          %get3A_117 = tpu.memref_squeeze %get3A_116 : memref<1x80x128xi32, #tpu.memory_space<vmem>> -> memref<80x128xi32, #tpu.memory_space<vmem>>
          %get3A_118 = arith.index_cast %add3A_98 : i32 to index
          %get3A_119 = arith.constant 16 : index
          %get3A_120 = tpu.vector_load %get3A_117[%get3A_118, %get3A_119] {strides = array<i32>} : memref<80x128xi32, #tpu.memory_space<vmem>>, vector<16xi32>,
          %bitcast3A_121 = vector.bitcast %get3A_120 : vector<16xi32> to vector<32xbf16>
          %get3A_122 = arith.constant 0 : i32
          %get3A_123 = arith.constant 0 : i32
          %get3A_124 = tpu.memref_slice %arg10[%scan3A_88, %get3A_122, %get3A_123] : memref<2x80x128xi32, #tpu.memory_space<vmem>> -> memref<1x80x128xi32, #tpu.memory_space<vmem>>
          %get3A_125 = tpu.memref_squeeze %get3A_124 : memref<1x80x128xi32, #tpu.memory_space<vmem>> -> memref<80x128xi32, #tpu.memory_space<vmem>>
          %get3A_126 = arith.index_cast %add3A_98 : i32 to index
          %get3A_127 = arith.constant 16 : index
          %get3A_128 = tpu.vector_load %get3A_125[%get3A_126, %get3A_127] {strides = array<i32>} : memref<80x128xi32, #tpu.memory_space<vmem>>, vector<16xi32>,
          %bitcast3A_129 = vector.bitcast %get3A_128 : vector<16xi32> to vector<32xbf16>
          %mul3A_130 = arith.mulf %bitcast3A_121, %bitcast3A_129 : vector<32xbf16>
          %get3A_131 = arith.constant 0 : i32
          %get3A_132 = arith.constant 0 : i32
          %get3A_133 = tpu.memref_slice %arg9[%scan3A_87, %get3A_131, %get3A_132] : memref<2x80x128xi32, #tpu.memory_space<vmem>> -> memref<1x80x128xi32, #tpu.memory_space<vmem>>
          %get3A_134 = tpu.memref_squeeze %get3A_133 : memref<1x80x128xi32, #tpu.memory_space<vmem>> -> memref<80x128xi32, #tpu.memory_space<vmem>>
          %get3A_135 = arith.index_cast %add3A_98 : i32 to index
          %get3A_136 = arith.constant 32 : index
          %get3A_137 = tpu.vector_load %get3A_134[%get3A_135, %get3A_136] {strides = array<i32>} : memref<80x128xi32, #tpu.memory_space<vmem>>, vector<16xi32>,
          %bitcast3A_138 = vector.bitcast %get3A_137 : vector<16xi32> to vector<32xbf16>
          %get3A_139 = arith.constant 0 : i32
          %get3A_140 = arith.constant 0 : i32
          %get3A_141 = tpu.memref_slice %arg10[%scan3A_88, %get3A_139, %get3A_140] : memref<2x80x128xi32, #tpu.memory_space<vmem>> -> memref<1x80x128xi32, #tpu.memory_space<vmem>>
          %get3A_142 = tpu.memref_squeeze %get3A_141 : memref<1x80x128xi32, #tpu.memory_space<vmem>> -> memref<80x128xi32, #tpu.memory_space<vmem>>
          %get3A_143 = arith.index_cast %add3A_98 : i32 to index
          %get3A_144 = arith.constant 32 : index
          %get3A_145 = tpu.vector_load %get3A_142[%get3A_143, %get3A_144] {strides = array<i32>} : memref<80x128xi32, #tpu.memory_space<vmem>>, vector<16xi32>,
          %bitcast3A_146 = vector.bitcast %get3A_145 : vector<16xi32> to vector<32xbf16>
          %mul3A_147 = arith.mulf %bitcast3A_138, %bitcast3A_146 : vector<32xbf16>
          %get3A_148 = arith.constant 0 : i32
          %get3A_149 = arith.constant 0 : i32
          %get3A_150 = tpu.memref_slice %arg9[%scan3A_87, %get3A_148, %get3A_149] : memref<2x80x128xi32, #tpu.memory_space<vmem>> -> memref<1x80x128xi32, #tpu.memory_space<vmem>>
          %get3A_151 = tpu.memref_squeeze %get3A_150 : memref<1x80x128xi32, #tpu.memory_space<vmem>> -> memref<80x128xi32, #tpu.memory_space<vmem>>
          %get3A_152 = arith.index_cast %add3A_98 : i32 to index
          %get3A_153 = arith.constant 48 : index
          %get3A_154 = tpu.vector_load %get3A_151[%get3A_152, %get3A_153] {strides = array<i32>} : memref<80x128xi32, #tpu.memory_space<vmem>>, vector<16xi32>,
          %bitcast3A_155 = vector.bitcast %get3A_154 : vector<16xi32> to vector<32xbf16>
          %get3A_156 = arith.constant 0 : i32
          %get3A_157 = arith.constant 0 : i32
          %get3A_158 = tpu.memref_slice %arg10[%scan3A_88, %get3A_156, %get3A_157] : memref<2x80x128xi32, #tpu.memory_space<vmem>> -> memref<1x80x128xi32, #tpu.memory_space<vmem>>
          %get3A_159 = tpu.memref_squeeze %get3A_158 : memref<1x80x128xi32, #tpu.memory_space<vmem>> -> memref<80x128xi32, #tpu.memory_space<vmem>>
          %get3A_160 = arith.index_cast %add3A_98 : i32 to index
          %get3A_161 = arith.constant 48 : index
          %get3A_162 = tpu.vector_load %get3A_159[%get3A_160, %get3A_161] {strides = array<i32>} : memref<80x128xi32, #tpu.memory_space<vmem>>, vector<16xi32>,
          %bitcast3A_163 = vector.bitcast %get3A_162 : vector<16xi32> to vector<32xbf16>
          %mul3A_164 = arith.mulf %bitcast3A_155, %bitcast3A_163 : vector<32xbf16>
          %add3A_165 = arith.addf %mul3A_113, %mul3A_130 : vector<32xbf16>
          %unpack3A = tpu.unpack_subelements %add3A_165, 0 {pack_format = #tpu.pack_format<interleaved>} : vector<32xbf16> -> vector<16xf32>
          %unpack3A_166 = tpu.unpack_subelements %add3A_165, 1 {pack_format = #tpu.pack_format<interleaved>} : vector<32xbf16> -> vector<16xf32>
          %add3A_167 = arith.addf %unpack3A, %unpack3A_166 : vector<16xf32>
          %add3A_168 = arith.addf %mul3A_147, %mul3A_164 : vector<32xbf16>
          %unpack3A_169 = tpu.unpack_subelements %add3A_168, 0 {pack_format = #tpu.pack_format<interleaved>} : vector<32xbf16> -> vector<16xf32>
          %unpack3A_170 = tpu.unpack_subelements %add3A_168, 1 {pack_format = #tpu.pack_format<interleaved>} : vector<32xbf16> -> vector<16xf32>
          %add3A_171 = arith.addf %unpack3A_169, %unpack3A_170 : vector<16xf32>
          %add3A_172 = arith.addf %add3A_167, %add3A_171 : vector<16xf32>
          %mul3A_173 = arith.constant 80 : i32
          %mul3A_174 = arith.muli %add3A_46, %mul3A_173 : i32
          %add3A_175 = arith.addi %mul3A_174, %mul3A_96 : i32
          %add3A_176 = arith.constant 0 : i32
          %add3A_177 = arith.addi %add3A_175, %add3A_176 : i32
          %broadcast_in_dim3A_178 = vector.broadcast %add3A_177 : i32 to vector<16xi32>
          tpu.vector_store_idx %arg11[%broadcast_in_dim3A_178], %add3A_172 {add = true} : memref<10000xf32, #tpu.memory_space<vmem>>[vector<16xi32>], vector<16xf32>,
          %add3A_179 = arith.constant 1 : i32
          %add3A_180 = arith.addi %mul3A_96, %add3A_179 : i32
          %get3A_181 = arith.constant 0 : i32
          %get3A_182 = arith.constant 0 : i32
          %get3A_183 = tpu.memref_slice %arg9[%scan3A_87, %get3A_181, %get3A_182] : memref<2x80x128xi32, #tpu.memory_space<vmem>> -> memref<1x80x128xi32, #tpu.memory_space<vmem>>
          %get3A_184 = tpu.memref_squeeze %get3A_183 : memref<1x80x128xi32, #tpu.memory_space<vmem>> -> memref<80x128xi32, #tpu.memory_space<vmem>>
          %get3A_185 = arith.index_cast %add3A_180 : i32 to index
          %get3A_186 = arith.constant 0 : index
          %get3A_187 = tpu.vector_load %get3A_184[%get3A_185, %get3A_186] {strides = array<i32>} : memref<80x128xi32, #tpu.memory_space<vmem>>, vector<16xi32>,
          %bitcast3A_188 = vector.bitcast %get3A_187 : vector<16xi32> to vector<32xbf16>
          %get3A_189 = arith.constant 0 : i32
          %get3A_190 = arith.constant 0 : i32
          %get3A_191 = tpu.memref_slice %arg10[%scan3A_88, %get3A_189, %get3A_190] : memref<2x80x128xi32, #tpu.memory_space<vmem>> -> memref<1x80x128xi32, #tpu.memory_space<vmem>>
          %get3A_192 = tpu.memref_squeeze %get3A_191 : memref<1x80x128xi32, #tpu.memory_space<vmem>> -> memref<80x128xi32, #tpu.memory_space<vmem>>
          %get3A_193 = arith.index_cast %add3A_180 : i32 to index
          %get3A_194 = arith.constant 0 : index
          %get3A_195 = tpu.vector_load %get3A_192[%get3A_193, %get3A_194] {strides = array<i32>} : memref<80x128xi32, #tpu.memory_space<vmem>>, vector<16xi32>,
          %bitcast3A_196 = vector.bitcast %get3A_195 : vector<16xi32> to vector<32xbf16>
          %mul3A_197 = arith.mulf %bitcast3A_188, %bitcast3A_196 : vector<32xbf16>
          %get3A_198 = arith.constant 0 : i32
          %get3A_199 = arith.constant 0 : i32
          %get3A_200 = tpu.memref_slice %arg9[%scan3A_87, %get3A_198, %get3A_199] : memref<2x80x128xi32, #tpu.memory_space<vmem>> -> memref<1x80x128xi32, #tpu.memory_space<vmem>>
          %get3A_201 = tpu.memref_squeeze %get3A_200 : memref<1x80x128xi32, #tpu.memory_space<vmem>> -> memref<80x128xi32, #tpu.memory_space<vmem>>
          %get3A_202 = arith.index_cast %add3A_180 : i32 to index
          %get3A_203 = arith.constant 16 : index
          %get3A_204 = tpu.vector_load %get3A_201[%get3A_202, %get3A_203] {strides = array<i32>} : memref<80x128xi32, #tpu.memory_space<vmem>>, vector<16xi32>,
          %bitcast3A_205 = vector.bitcast %get3A_204 : vector<16xi32> to vector<32xbf16>
          %get3A_206 = arith.constant 0 : i32
          %get3A_207 = arith.constant 0 : i32
          %get3A_208 = tpu.memref_slice %arg10[%scan3A_88, %get3A_206, %get3A_207] : memref<2x80x128xi32, #tpu.memory_space<vmem>> -> memref<1x80x128xi32, #tpu.memory_space<vmem>>
          %get3A_209 = tpu.memref_squeeze %get3A_208 : memref<1x80x128xi32, #tpu.memory_space<vmem>> -> memref<80x128xi32, #tpu.memory_space<vmem>>
          %get3A_210 = arith.index_cast %add3A_180 : i32 to index
          %get3A_211 = arith.constant 16 : index
          %get3A_212 = tpu.vector_load %get3A_209[%get3A_210, %get3A_211] {strides = array<i32>} : memref<80x128xi32, #tpu.memory_space<vmem>>, vector<16xi32>,
          %bitcast3A_213 = vector.bitcast %get3A_212 : vector<16xi32> to vector<32xbf16>
          %mul3A_214 = arith.mulf %bitcast3A_205, %bitcast3A_213 : vector<32xbf16>
          %get3A_215 = arith.constant 0 : i32
          %get3A_216 = arith.constant 0 : i32
          %get3A_217 = tpu.memref_slice %arg9[%scan3A_87, %get3A_215, %get3A_216] : memref<2x80x128xi32, #tpu.memory_space<vmem>> -> memref<1x80x128xi32, #tpu.memory_space<vmem>>
          %get3A_218 = tpu.memref_squeeze %get3A_217 : memref<1x80x128xi32, #tpu.memory_space<vmem>> -> memref<80x128xi32, #tpu.memory_space<vmem>>
          %get3A_219 = arith.index_cast %add3A_180 : i32 to index
          %get3A_220 = arith.constant 32 : index
          %get3A_221 = tpu.vector_load %get3A_218[%get3A_219, %get3A_220] {strides = array<i32>} : memref<80x128xi32, #tpu.memory_space<vmem>>, vector<16xi32>,
          %bitcast3A_222 = vector.bitcast %get3A_221 : vector<16xi32> to vector<32xbf16>
          %get3A_223 = arith.constant 0 : i32
          %get3A_224 = arith.constant 0 : i32
          %get3A_225 = tpu.memref_slice %arg10[%scan3A_88, %get3A_223, %get3A_224] : memref<2x80x128xi32, #tpu.memory_space<vmem>> -> memref<1x80x128xi32, #tpu.memory_space<vmem>>
          %get3A_226 = tpu.memref_squeeze %get3A_225 : memref<1x80x128xi32, #tpu.memory_space<vmem>> -> memref<80x128xi32, #tpu.memory_space<vmem>>
          %get3A_227 = arith.index_cast %add3A_180 : i32 to index
          %get3A_228 = arith.constant 32 : index
          %get3A_229 = tpu.vector_load %get3A_226[%get3A_227, %get3A_228] {strides = array<i32>} : memref<80x128xi32, #tpu.memory_space<vmem>>, vector<16xi32>,
          %bitcast3A_230 = vector.bitcast %get3A_229 : vector<16xi32> to vector<32xbf16>
          %mul3A_231 = arith.mulf %bitcast3A_222, %bitcast3A_230 : vector<32xbf16>
          %get3A_232 = arith.constant 0 : i32
          %get3A_233 = arith.constant 0 : i32
          %get3A_234 = tpu.memref_slice %arg9[%scan3A_87, %get3A_232, %get3A_233] : memref<2x80x128xi32, #tpu.memory_space<vmem>> -> memref<1x80x128xi32, #tpu.memory_space<vmem>>
          %get3A_235 = tpu.memref_squeeze %get3A_234 : memref<1x80x128xi32, #tpu.memory_space<vmem>> -> memref<80x128xi32, #tpu.memory_space<vmem>>
          %get3A_236 = arith.index_cast %add3A_180 : i32 to index
          %get3A_237 = arith.constant 48 : index
          %get3A_238 = tpu.vector_load %get3A_235[%get3A_236, %get3A_237] {strides = array<i32>} : memref<80x128xi32, #tpu.memory_space<vmem>>, vector<16xi32>,
          %bitcast3A_239 = vector.bitcast %get3A_238 : vector<16xi32> to vector<32xbf16>
          %get3A_240 = arith.constant 0 : i32
          %get3A_241 = arith.constant 0 : i32
          %get3A_242 = tpu.memref_slice %arg10[%scan3A_88, %get3A_240, %get3A_241] : memref<2x80x128xi32, #tpu.memory_space<vmem>> -> memref<1x80x128xi32, #tpu.memory_space<vmem>>
          %get3A_243 = tpu.memref_squeeze %get3A_242 : memref<1x80x128xi32, #tpu.memory_space<vmem>> -> memref<80x128xi32, #tpu.memory_space<vmem>>
          %get3A_244 = arith.index_cast %add3A_180 : i32 to index
          %get3A_245 = arith.constant 48 : index
          %get3A_246 = tpu.vector_load %get3A_243[%get3A_244, %get3A_245] {strides = array<i32>} : memref<80x128xi32, #tpu.memory_space<vmem>>, vector<16xi32>,
          %bitcast3A_247 = vector.bitcast %get3A_246 : vector<16xi32> to vector<32xbf16>
          %mul3A_248 = arith.mulf %bitcast3A_239, %bitcast3A_247 : vector<32xbf16>
          %add3A_249 = arith.addf %mul3A_197, %mul3A_214 : vector<32xbf16>
          %unpack3A_250 = tpu.unpack_subelements %add3A_249, 0 {pack_format = #tpu.pack_format<interleaved>} : vector<32xbf16> -> vector<16xf32>
          %unpack3A_251 = tpu.unpack_subelements %add3A_249, 1 {pack_format = #tpu.pack_format<interleaved>} : vector<32xbf16> -> vector<16xf32>
          %add3A_252 = arith.addf %unpack3A_250, %unpack3A_251 : vector<16xf32>
          %add3A_253 = arith.addf %mul3A_231, %mul3A_248 : vector<32xbf16>
          %unpack3A_254 = tpu.unpack_subelements %add3A_253, 0 {pack_format = #tpu.pack_format<interleaved>} : vector<32xbf16> -> vector<16xf32>
          %unpack3A_255 = tpu.unpack_subelements %add3A_253, 1 {pack_format = #tpu.pack_format<interleaved>} : vector<32xbf16> -> vector<16xf32>
          %add3A_256 = arith.addf %unpack3A_254, %unpack3A_255 : vector<16xf32>
          %add3A_257 = arith.addf %add3A_252, %add3A_256 : vector<16xf32>
          %mul3A_258 = arith.constant 80 : i32
          %mul3A_259 = arith.muli %add3A_46, %mul3A_258 : i32
          %add3A_260 = arith.addi %mul3A_259, %mul3A_96 : i32
          %add3A_261 = arith.constant 1 : i32
          %add3A_262 = arith.addi %add3A_260, %add3A_261 : i32
          %broadcast_in_dim3A_263 = vector.broadcast %add3A_262 : i32 to vector<16xi32>
          tpu.vector_store_idx %arg11[%broadcast_in_dim3A_263], %add3A_257 {add = true} : memref<10000xf32, #tpu.memory_space<vmem>>[vector<16xi32>], vector<16xf32>,
          %add3A_264 = arith.constant 2 : i32
          %add3A_265 = arith.addi %mul3A_96, %add3A_264 : i32
          %get3A_266 = arith.constant 0 : i32
          %get3A_267 = arith.constant 0 : i32
          %get3A_268 = tpu.memref_slice %arg9[%scan3A_87, %get3A_266, %get3A_267] : memref<2x80x128xi32, #tpu.memory_space<vmem>> -> memref<1x80x128xi32, #tpu.memory_space<vmem>>
          %get3A_269 = tpu.memref_squeeze %get3A_268 : memref<1x80x128xi32, #tpu.memory_space<vmem>> -> memref<80x128xi32, #tpu.memory_space<vmem>>
          %get3A_270 = arith.index_cast %add3A_265 : i32 to index
          %get3A_271 = arith.constant 0 : index
          %get3A_272 = tpu.vector_load %get3A_269[%get3A_270, %get3A_271] {strides = array<i32>} : memref<80x128xi32, #tpu.memory_space<vmem>>, vector<16xi32>,
          %bitcast3A_273 = vector.bitcast %get3A_272 : vector<16xi32> to vector<32xbf16>
          %get3A_274 = arith.constant 0 : i32
          %get3A_275 = arith.constant 0 : i32
          %get3A_276 = tpu.memref_slice %arg10[%scan3A_88, %get3A_274, %get3A_275] : memref<2x80x128xi32, #tpu.memory_space<vmem>> -> memref<1x80x128xi32, #tpu.memory_space<vmem>>
          %get3A_277 = tpu.memref_squeeze %get3A_276 : memref<1x80x128xi32, #tpu.memory_space<vmem>> -> memref<80x128xi32, #tpu.memory_space<vmem>>
          %get3A_278 = arith.index_cast %add3A_265 : i32 to index
          %get3A_279 = arith.constant 0 : index
          %get3A_280 = tpu.vector_load %get3A_277[%get3A_278, %get3A_279] {strides = array<i32>} : memref<80x128xi32, #tpu.memory_space<vmem>>, vector<16xi32>,
          %bitcast3A_281 = vector.bitcast %get3A_280 : vector<16xi32> to vector<32xbf16>
          %mul3A_282 = arith.mulf %bitcast3A_273, %bitcast3A_281 : vector<32xbf16>
          %get3A_283 = arith.constant 0 : i32
          %get3A_284 = arith.constant 0 : i32
          %get3A_285 = tpu.memref_slice %arg9[%scan3A_87, %get3A_283, %get3A_284] : memref<2x80x128xi32, #tpu.memory_space<vmem>> -> memref<1x80x128xi32, #tpu.memory_space<vmem>>
          %get3A_286 = tpu.memref_squeeze %get3A_285 : memref<1x80x128xi32, #tpu.memory_space<vmem>> -> memref<80x128xi32, #tpu.memory_space<vmem>>
          %get3A_287 = arith.index_cast %add3A_265 : i32 to index
          %get3A_288 = arith.constant 16 : index
          %get3A_289 = tpu.vector_load %get3A_286[%get3A_287, %get3A_288] {strides = array<i32>} : memref<80x128xi32, #tpu.memory_space<vmem>>, vector<16xi32>,
          %bitcast3A_290 = vector.bitcast %get3A_289 : vector<16xi32> to vector<32xbf16>
          %get3A_291 = arith.constant 0 : i32
          %get3A_292 = arith.constant 0 : i32
          %get3A_293 = tpu.memref_slice %arg10[%scan3A_88, %get3A_291, %get3A_292] : memref<2x80x128xi32, #tpu.memory_space<vmem>> -> memref<1x80x128xi32, #tpu.memory_space<vmem>>
          %get3A_294 = tpu.memref_squeeze %get3A_293 : memref<1x80x128xi32, #tpu.memory_space<vmem>> -> memref<80x128xi32, #tpu.memory_space<vmem>>
          %get3A_295 = arith.index_cast %add3A_265 : i32 to index
          %get3A_296 = arith.constant 16 : index
          %get3A_297 = tpu.vector_load %get3A_294[%get3A_295, %get3A_296] {strides = array<i32>} : memref<80x128xi32, #tpu.memory_space<vmem>>, vector<16xi32>,
          %bitcast3A_298 = vector.bitcast %get3A_297 : vector<16xi32> to vector<32xbf16>
          %mul3A_299 = arith.mulf %bitcast3A_290, %bitcast3A_298 : vector<32xbf16>
          %get3A_300 = arith.constant 0 : i32
          %get3A_301 = arith.constant 0 : i32
          %get3A_302 = tpu.memref_slice %arg9[%scan3A_87, %get3A_300, %get3A_301] : memref<2x80x128xi32, #tpu.memory_space<vmem>> -> memref<1x80x128xi32, #tpu.memory_space<vmem>>
          %get3A_303 = tpu.memref_squeeze %get3A_302 : memref<1x80x128xi32, #tpu.memory_space<vmem>> -> memref<80x128xi32, #tpu.memory_space<vmem>>
          %get3A_304 = arith.index_cast %add3A_265 : i32 to index
          %get3A_305 = arith.constant 32 : index
          %get3A_306 = tpu.vector_load %get3A_303[%get3A_304, %get3A_305] {strides = array<i32>} : memref<80x128xi32, #tpu.memory_space<vmem>>, vector<16xi32>,
          %bitcast3A_307 = vector.bitcast %get3A_306 : vector<16xi32> to vector<32xbf16>
          %get3A_308 = arith.constant 0 : i32
          %get3A_309 = arith.constant 0 : i32
          %get3A_310 = tpu.memref_slice %arg10[%scan3A_88, %get3A_308, %get3A_309] : memref<2x80x128xi32, #tpu.memory_space<vmem>> -> memref<1x80x128xi32, #tpu.memory_space<vmem>>
          %get3A_311 = tpu.memref_squeeze %get3A_310 : memref<1x80x128xi32, #tpu.memory_space<vmem>> -> memref<80x128xi32, #tpu.memory_space<vmem>>
          %get3A_312 = arith.index_cast %add3A_265 : i32 to index
          %get3A_313 = arith.constant 32 : index
          %get3A_314 = tpu.vector_load %get3A_311[%get3A_312, %get3A_313] {strides = array<i32>} : memref<80x128xi32, #tpu.memory_space<vmem>>, vector<16xi32>,
          %bitcast3A_315 = vector.bitcast %get3A_314 : vector<16xi32> to vector<32xbf16>
          %mul3A_316 = arith.mulf %bitcast3A_307, %bitcast3A_315 : vector<32xbf16>
          %get3A_317 = arith.constant 0 : i32
          %get3A_318 = arith.constant 0 : i32
          %get3A_319 = tpu.memref_slice %arg9[%scan3A_87, %get3A_317, %get3A_318] : memref<2x80x128xi32, #tpu.memory_space<vmem>> -> memref<1x80x128xi32, #tpu.memory_space<vmem>>
          %get3A_320 = tpu.memref_squeeze %get3A_319 : memref<1x80x128xi32, #tpu.memory_space<vmem>> -> memref<80x128xi32, #tpu.memory_space<vmem>>
          %get3A_321 = arith.index_cast %add3A_265 : i32 to index
          %get3A_322 = arith.constant 48 : index
          %get3A_323 = tpu.vector_load %get3A_320[%get3A_321, %get3A_322] {strides = array<i32>} : memref<80x128xi32, #tpu.memory_space<vmem>>, vector<16xi32>,
          %bitcast3A_324 = vector.bitcast %get3A_323 : vector<16xi32> to vector<32xbf16>
          %get3A_325 = arith.constant 0 : i32
          %get3A_326 = arith.constant 0 : i32
          %get3A_327 = tpu.memref_slice %arg10[%scan3A_88, %get3A_325, %get3A_326] : memref<2x80x128xi32, #tpu.memory_space<vmem>> -> memref<1x80x128xi32, #tpu.memory_space<vmem>>
          %get3A_328 = tpu.memref_squeeze %get3A_327 : memref<1x80x128xi32, #tpu.memory_space<vmem>> -> memref<80x128xi32, #tpu.memory_space<vmem>>
          %get3A_329 = arith.index_cast %add3A_265 : i32 to index
          %get3A_330 = arith.constant 48 : index
          %get3A_331 = tpu.vector_load %get3A_328[%get3A_329, %get3A_330] {strides = array<i32>} : memref<80x128xi32, #tpu.memory_space<vmem>>, vector<16xi32>,
          %bitcast3A_332 = vector.bitcast %get3A_331 : vector<16xi32> to vector<32xbf16>
          %mul3A_333 = arith.mulf %bitcast3A_324, %bitcast3A_332 : vector<32xbf16>
          %add3A_334 = arith.addf %mul3A_282, %mul3A_299 : vector<32xbf16>
          %unpack3A_335 = tpu.unpack_subelements %add3A_334, 0 {pack_format = #tpu.pack_format<interleaved>} : vector<32xbf16> -> vector<16xf32>
          %unpack3A_336 = tpu.unpack_subelements %add3A_334, 1 {pack_format = #tpu.pack_format<interleaved>} : vector<32xbf16> -> vector<16xf32>
          %add3A_337 = arith.addf %unpack3A_335, %unpack3A_336 : vector<16xf32>
          %add3A_338 = arith.addf %mul3A_316, %mul3A_333 : vector<32xbf16>
          %unpack3A_339 = tpu.unpack_subelements %add3A_338, 0 {pack_format = #tpu.pack_format<interleaved>} : vector<32xbf16> -> vector<16xf32>
          %unpack3A_340 = tpu.unpack_subelements %add3A_338, 1 {pack_format = #tpu.pack_format<interleaved>} : vector<32xbf16> -> vector<16xf32>
          %add3A_341 = arith.addf %unpack3A_339, %unpack3A_340 : vector<16xf32>
          %add3A_342 = arith.addf %add3A_337, %add3A_341 : vector<16xf32>
          %mul3A_343 = arith.constant 80 : i32
          %mul3A_344 = arith.muli %add3A_46, %mul3A_343 : i32
          %add3A_345 = arith.addi %mul3A_344, %mul3A_96 : i32
          %add3A_346 = arith.constant 2 : i32
          %add3A_347 = arith.addi %add3A_345, %add3A_346 : i32
          %broadcast_in_dim3A_348 = vector.broadcast %add3A_347 : i32 to vector<16xi32>
          tpu.vector_store_idx %arg11[%broadcast_in_dim3A_348], %add3A_342 {add = true} : memref<10000xf32, #tpu.memory_space<vmem>>[vector<16xi32>], vector<16xf32>,
          %add3A_349 = arith.constant 3 : i32
          %add3A_350 = arith.addi %mul3A_96, %add3A_349 : i32
          %get3A_351 = arith.constant 0 : i32
          %get3A_352 = arith.constant 0 : i32
          %get3A_353 = tpu.memref_slice %arg9[%scan3A_87, %get3A_351, %get3A_352] : memref<2x80x128xi32, #tpu.memory_space<vmem>> -> memref<1x80x128xi32, #tpu.memory_space<vmem>>
          %get3A_354 = tpu.memref_squeeze %get3A_353 : memref<1x80x128xi32, #tpu.memory_space<vmem>> -> memref<80x128xi32, #tpu.memory_space<vmem>>
          %get3A_355 = arith.index_cast %add3A_350 : i32 to index
          %get3A_356 = arith.constant 0 : index
          %get3A_357 = tpu.vector_load %get3A_354[%get3A_355, %get3A_356] {strides = array<i32>} : memref<80x128xi32, #tpu.memory_space<vmem>>, vector<16xi32>,
          %bitcast3A_358 = vector.bitcast %get3A_357 : vector<16xi32> to vector<32xbf16>
          %get3A_359 = arith.constant 0 : i32
          %get3A_360 = arith.constant 0 : i32
          %get3A_361 = tpu.memref_slice %arg10[%scan3A_88, %get3A_359, %get3A_360] : memref<2x80x128xi32, #tpu.memory_space<vmem>> -> memref<1x80x128xi32, #tpu.memory_space<vmem>>
          %get3A_362 = tpu.memref_squeeze %get3A_361 : memref<1x80x128xi32, #tpu.memory_space<vmem>> -> memref<80x128xi32, #tpu.memory_space<vmem>>
          %get3A_363 = arith.index_cast %add3A_350 : i32 to index
          %get3A_364 = arith.constant 0 : index
          %get3A_365 = tpu.vector_load %get3A_362[%get3A_363, %get3A_364] {strides = array<i32>} : memref<80x128xi32, #tpu.memory_space<vmem>>, vector<16xi32>,
          %bitcast3A_366 = vector.bitcast %get3A_365 : vector<16xi32> to vector<32xbf16>
          %mul3A_367 = arith.mulf %bitcast3A_358, %bitcast3A_366 : vector<32xbf16>
          %get3A_368 = arith.constant 0 : i32
          %get3A_369 = arith.constant 0 : i32
          %get3A_370 = tpu.memref_slice %arg9[%scan3A_87, %get3A_368, %get3A_369] : memref<2x80x128xi32, #tpu.memory_space<vmem>> -> memref<1x80x128xi32, #tpu.memory_space<vmem>>
          %get3A_371 = tpu.memref_squeeze %get3A_370 : memref<1x80x128xi32, #tpu.memory_space<vmem>> -> memref<80x128xi32, #tpu.memory_space<vmem>>
          %get3A_372 = arith.index_cast %add3A_350 : i32 to index
          %get3A_373 = arith.constant 16 : index
          %get3A_374 = tpu.vector_load %get3A_371[%get3A_372, %get3A_373] {strides = array<i32>} : memref<80x128xi32, #tpu.memory_space<vmem>>, vector<16xi32>,
          %bitcast3A_375 = vector.bitcast %get3A_374 : vector<16xi32> to vector<32xbf16>
          %get3A_376 = arith.constant 0 : i32
          %get3A_377 = arith.constant 0 : i32
          %get3A_378 = tpu.memref_slice %arg10[%scan3A_88, %get3A_376, %get3A_377] : memref<2x80x128xi32, #tpu.memory_space<vmem>> -> memref<1x80x128xi32, #tpu.memory_space<vmem>>
          %get3A_379 = tpu.memref_squeeze %get3A_378 : memref<1x80x128xi32, #tpu.memory_space<vmem>> -> memref<80x128xi32, #tpu.memory_space<vmem>>
          %get3A_380 = arith.index_cast %add3A_350 : i32 to index
          %get3A_381 = arith.constant 16 : index
          %get3A_382 = tpu.vector_load %get3A_379[%get3A_380, %get3A_381] {strides = array<i32>} : memref<80x128xi32, #tpu.memory_space<vmem>>, vector<16xi32>,
          %bitcast3A_383 = vector.bitcast %get3A_382 : vector<16xi32> to vector<32xbf16>
          %mul3A_384 = arith.mulf %bitcast3A_375, %bitcast3A_383 : vector<32xbf16>
          %get3A_385 = arith.constant 0 : i32
          %get3A_386 = arith.constant 0 : i32
          %get3A_387 = tpu.memref_slice %arg9[%scan3A_87, %get3A_385, %get3A_386] : memref<2x80x128xi32, #tpu.memory_space<vmem>> -> memref<1x80x128xi32, #tpu.memory_space<vmem>>
          %get3A_388 = tpu.memref_squeeze %get3A_387 : memref<1x80x128xi32, #tpu.memory_space<vmem>> -> memref<80x128xi32, #tpu.memory_space<vmem>>
          %get3A_389 = arith.index_cast %add3A_350 : i32 to index
          %get3A_390 = arith.constant 32 : index
          %get3A_391 = tpu.vector_load %get3A_388[%get3A_389, %get3A_390] {strides = array<i32>} : memref<80x128xi32, #tpu.memory_space<vmem>>, vector<16xi32>,
          %bitcast3A_392 = vector.bitcast %get3A_391 : vector<16xi32> to vector<32xbf16>
          %get3A_393 = arith.constant 0 : i32
          %get3A_394 = arith.constant 0 : i32
          %get3A_395 = tpu.memref_slice %arg10[%scan3A_88, %get3A_393, %get3A_394] : memref<2x80x128xi32, #tpu.memory_space<vmem>> -> memref<1x80x128xi32, #tpu.memory_space<vmem>>
          %get3A_396 = tpu.memref_squeeze %get3A_395 : memref<1x80x128xi32, #tpu.memory_space<vmem>> -> memref<80x128xi32, #tpu.memory_space<vmem>>
          %get3A_397 = arith.index_cast %add3A_350 : i32 to index
          %get3A_398 = arith.constant 32 : index
          %get3A_399 = tpu.vector_load %get3A_396[%get3A_397, %get3A_398] {strides = array<i32>} : memref<80x128xi32, #tpu.memory_space<vmem>>, vector<16xi32>,
          %bitcast3A_400 = vector.bitcast %get3A_399 : vector<16xi32> to vector<32xbf16>
          %mul3A_401 = arith.mulf %bitcast3A_392, %bitcast3A_400 : vector<32xbf16>
          %get3A_402 = arith.constant 0 : i32
          %get3A_403 = arith.constant 0 : i32
          %get3A_404 = tpu.memref_slice %arg9[%scan3A_87, %get3A_402, %get3A_403] : memref<2x80x128xi32, #tpu.memory_space<vmem>> -> memref<1x80x128xi32, #tpu.memory_space<vmem>>
          %get3A_405 = tpu.memref_squeeze %get3A_404 : memref<1x80x128xi32, #tpu.memory_space<vmem>> -> memref<80x128xi32, #tpu.memory_space<vmem>>
          %get3A_406 = arith.index_cast %add3A_350 : i32 to index
          %get3A_407 = arith.constant 48 : index
          %get3A_408 = tpu.vector_load %get3A_405[%get3A_406, %get3A_407] {strides = array<i32>} : memref<80x128xi32, #tpu.memory_space<vmem>>, vector<16xi32>,
          %bitcast3A_409 = vector.bitcast %get3A_408 : vector<16xi32> to vector<32xbf16>
          %get3A_410 = arith.constant 0 : i32
          %get3A_411 = arith.constant 0 : i32
          %get3A_412 = tpu.memref_slice %arg10[%scan3A_88, %get3A_410, %get3A_411] : memref<2x80x128xi32, #tpu.memory_space<vmem>> -> memref<1x80x128xi32, #tpu.memory_space<vmem>>
          %get3A_413 = tpu.memref_squeeze %get3A_412 : memref<1x80x128xi32, #tpu.memory_space<vmem>> -> memref<80x128xi32, #tpu.memory_space<vmem>>
          %get3A_414 = arith.index_cast %add3A_350 : i32 to index
          %get3A_415 = arith.constant 48 : index
          %get3A_416 = tpu.vector_load %get3A_413[%get3A_414, %get3A_415] {strides = array<i32>} : memref<80x128xi32, #tpu.memory_space<vmem>>, vector<16xi32>,
          %bitcast3A_417 = vector.bitcast %get3A_416 : vector<16xi32> to vector<32xbf16>
          %mul3A_418 = arith.mulf %bitcast3A_409, %bitcast3A_417 : vector<32xbf16>
          %add3A_419 = arith.addf %mul3A_367, %mul3A_384 : vector<32xbf16>
          %unpack3A_420 = tpu.unpack_subelements %add3A_419, 0 {pack_format = #tpu.pack_format<interleaved>} : vector<32xbf16> -> vector<16xf32>
          %unpack3A_421 = tpu.unpack_subelements %add3A_419, 1 {pack_format = #tpu.pack_format<interleaved>} : vector<32xbf16> -> vector<16xf32>
          %add3A_422 = arith.addf %unpack3A_420, %unpack3A_421 : vector<16xf32>
          %add3A_423 = arith.addf %mul3A_401, %mul3A_418 : vector<32xbf16>
          %unpack3A_424 = tpu.unpack_subelements %add3A_423, 0 {pack_format = #tpu.pack_format<interleaved>} : vector<32xbf16> -> vector<16xf32>
          %unpack3A_425 = tpu.unpack_subelements %add3A_423, 1 {pack_format = #tpu.pack_format<interleaved>} : vector<32xbf16> -> vector<16xf32>
          %add3A_426 = arith.addf %unpack3A_424, %unpack3A_425 : vector<16xf32>
          %add3A_427 = arith.addf %add3A_422, %add3A_426 : vector<16xf32>
          %mul3A_428 = arith.constant 80 : i32
          %mul3A_429 = arith.muli %add3A_46, %mul3A_428 : i32
          %add3A_430 = arith.addi %mul3A_429, %mul3A_96 : i32
          %add3A_431 = arith.constant 3 : i32
          %add3A_432 = arith.addi %add3A_430, %add3A_431 : i32
          %broadcast_in_dim3A_433 = vector.broadcast %add3A_432 : i32 to vector<16xi32>
          tpu.vector_store_idx %arg11[%broadcast_in_dim3A_433], %add3A_427 {add = true} : memref<10000xf32, #tpu.memory_space<vmem>>[vector<16xi32>], vector<16xf32>,
          %add3A_434 = arith.constant 4 : i32
          %add3A_435 = arith.addi %mul3A_96, %add3A_434 : i32
          %get3A_436 = arith.constant 0 : i32
          %get3A_437 = arith.constant 0 : i32
          %get3A_438 = tpu.memref_slice %arg9[%scan3A_87, %get3A_436, %get3A_437] : memref<2x80x128xi32, #tpu.memory_space<vmem>> -> memref<1x80x128xi32, #tpu.memory_space<vmem>>
          %get3A_439 = tpu.memref_squeeze %get3A_438 : memref<1x80x128xi32, #tpu.memory_space<vmem>> -> memref<80x128xi32, #tpu.memory_space<vmem>>
          %get3A_440 = arith.index_cast %add3A_435 : i32 to index
          %get3A_441 = arith.constant 0 : index
          %get3A_442 = tpu.vector_load %get3A_439[%get3A_440, %get3A_441] {strides = array<i32>} : memref<80x128xi32, #tpu.memory_space<vmem>>, vector<16xi32>,
          %bitcast3A_443 = vector.bitcast %get3A_442 : vector<16xi32> to vector<32xbf16>
          %get3A_444 = arith.constant 0 : i32
          %get3A_445 = arith.constant 0 : i32
          %get3A_446 = tpu.memref_slice %arg10[%scan3A_88, %get3A_444, %get3A_445] : memref<2x80x128xi32, #tpu.memory_space<vmem>> -> memref<1x80x128xi32, #tpu.memory_space<vmem>>
          %get3A_447 = tpu.memref_squeeze %get3A_446 : memref<1x80x128xi32, #tpu.memory_space<vmem>> -> memref<80x128xi32, #tpu.memory_space<vmem>>
          %get3A_448 = arith.index_cast %add3A_435 : i32 to index
          %get3A_449 = arith.constant 0 : index
          %get3A_450 = tpu.vector_load %get3A_447[%get3A_448, %get3A_449] {strides = array<i32>} : memref<80x128xi32, #tpu.memory_space<vmem>>, vector<16xi32>,
          %bitcast3A_451 = vector.bitcast %get3A_450 : vector<16xi32> to vector<32xbf16>
          %mul3A_452 = arith.mulf %bitcast3A_443, %bitcast3A_451 : vector<32xbf16>
          %get3A_453 = arith.constant 0 : i32
          %get3A_454 = arith.constant 0 : i32
          %get3A_455 = tpu.memref_slice %arg9[%scan3A_87, %get3A_453, %get3A_454] : memref<2x80x128xi32, #tpu.memory_space<vmem>> -> memref<1x80x128xi32, #tpu.memory_space<vmem>>
          %get3A_456 = tpu.memref_squeeze %get3A_455 : memref<1x80x128xi32, #tpu.memory_space<vmem>> -> memref<80x128xi32, #tpu.memory_space<vmem>>
          %get3A_457 = arith.index_cast %add3A_435 : i32 to index
          %get3A_458 = arith.constant 16 : index
          %get3A_459 = tpu.vector_load %get3A_456[%get3A_457, %get3A_458] {strides = array<i32>} : memref<80x128xi32, #tpu.memory_space<vmem>>, vector<16xi32>,
          %bitcast3A_460 = vector.bitcast %get3A_459 : vector<16xi32> to vector<32xbf16>
          %get3A_461 = arith.constant 0 : i32
          %get3A_462 = arith.constant 0 : i32
          %get3A_463 = tpu.memref_slice %arg10[%scan3A_88, %get3A_461, %get3A_462] : memref<2x80x128xi32, #tpu.memory_space<vmem>> -> memref<1x80x128xi32, #tpu.memory_space<vmem>>
          %get3A_464 = tpu.memref_squeeze %get3A_463 : memref<1x80x128xi32, #tpu.memory_space<vmem>> -> memref<80x128xi32, #tpu.memory_space<vmem>>
          %get3A_465 = arith.index_cast %add3A_435 : i32 to index
          %get3A_466 = arith.constant 16 : index
          %get3A_467 = tpu.vector_load %get3A_464[%get3A_465, %get3A_466] {strides = array<i32>} : memref<80x128xi32, #tpu.memory_space<vmem>>, vector<16xi32>,
          %bitcast3A_468 = vector.bitcast %get3A_467 : vector<16xi32> to vector<32xbf16>
          %mul3A_469 = arith.mulf %bitcast3A_460, %bitcast3A_468 : vector<32xbf16>
          %get3A_470 = arith.constant 0 : i32
          %get3A_471 = arith.constant 0 : i32
          %get3A_472 = tpu.memref_slice %arg9[%scan3A_87, %get3A_470, %get3A_471] : memref<2x80x128xi32, #tpu.memory_space<vmem>> -> memref<1x80x128xi32, #tpu.memory_space<vmem>>
          %get3A_473 = tpu.memref_squeeze %get3A_472 : memref<1x80x128xi32, #tpu.memory_space<vmem>> -> memref<80x128xi32, #tpu.memory_space<vmem>>
          %get3A_474 = arith.index_cast %add3A_435 : i32 to index
          %get3A_475 = arith.constant 32 : index
          %get3A_476 = tpu.vector_load %get3A_473[%get3A_474, %get3A_475] {strides = array<i32>} : memref<80x128xi32, #tpu.memory_space<vmem>>, vector<16xi32>,
          %bitcast3A_477 = vector.bitcast %get3A_476 : vector<16xi32> to vector<32xbf16>
          %get3A_478 = arith.constant 0 : i32
          %get3A_479 = arith.constant 0 : i32
          %get3A_480 = tpu.memref_slice %arg10[%scan3A_88, %get3A_478, %get3A_479] : memref<2x80x128xi32, #tpu.memory_space<vmem>> -> memref<1x80x128xi32, #tpu.memory_space<vmem>>
          %get3A_481 = tpu.memref_squeeze %get3A_480 : memref<1x80x128xi32, #tpu.memory_space<vmem>> -> memref<80x128xi32, #tpu.memory_space<vmem>>
          %get3A_482 = arith.index_cast %add3A_435 : i32 to index
          %get3A_483 = arith.constant 32 : index
          %get3A_484 = tpu.vector_load %get3A_481[%get3A_482, %get3A_483] {strides = array<i32>} : memref<80x128xi32, #tpu.memory_space<vmem>>, vector<16xi32>,
          %bitcast3A_485 = vector.bitcast %get3A_484 : vector<16xi32> to vector<32xbf16>
          %mul3A_486 = arith.mulf %bitcast3A_477, %bitcast3A_485 : vector<32xbf16>
          %get3A_487 = arith.constant 0 : i32
          %get3A_488 = arith.constant 0 : i32
          %get3A_489 = tpu.memref_slice %arg9[%scan3A_87, %get3A_487, %get3A_488] : memref<2x80x128xi32, #tpu.memory_space<vmem>> -> memref<1x80x128xi32, #tpu.memory_space<vmem>>
          %get3A_490 = tpu.memref_squeeze %get3A_489 : memref<1x80x128xi32, #tpu.memory_space<vmem>> -> memref<80x128xi32, #tpu.memory_space<vmem>>
          %get3A_491 = arith.index_cast %add3A_435 : i32 to index
          %get3A_492 = arith.constant 48 : index
          %get3A_493 = tpu.vector_load %get3A_490[%get3A_491, %get3A_492] {strides = array<i32>} : memref<80x128xi32, #tpu.memory_space<vmem>>, vector<16xi32>,
          %bitcast3A_494 = vector.bitcast %get3A_493 : vector<16xi32> to vector<32xbf16>
          %get3A_495 = arith.constant 0 : i32
          %get3A_496 = arith.constant 0 : i32
          %get3A_497 = tpu.memref_slice %arg10[%scan3A_88, %get3A_495, %get3A_496] : memref<2x80x128xi32, #tpu.memory_space<vmem>> -> memref<1x80x128xi32, #tpu.memory_space<vmem>>
          %get3A_498 = tpu.memref_squeeze %get3A_497 : memref<1x80x128xi32, #tpu.memory_space<vmem>> -> memref<80x128xi32, #tpu.memory_space<vmem>>
          %get3A_499 = arith.index_cast %add3A_435 : i32 to index
          %get3A_500 = arith.constant 48 : index
          %get3A_501 = tpu.vector_load %get3A_498[%get3A_499, %get3A_500] {strides = array<i32>} : memref<80x128xi32, #tpu.memory_space<vmem>>, vector<16xi32>,
          %bitcast3A_502 = vector.bitcast %get3A_501 : vector<16xi32> to vector<32xbf16>
          %mul3A_503 = arith.mulf %bitcast3A_494, %bitcast3A_502 : vector<32xbf16>
          %add3A_504 = arith.addf %mul3A_452, %mul3A_469 : vector<32xbf16>
          %unpack3A_505 = tpu.unpack_subelements %add3A_504, 0 {pack_format = #tpu.pack_format<interleaved>} : vector<32xbf16> -> vector<16xf32>
          %unpack3A_506 = tpu.unpack_subelements %add3A_504, 1 {pack_format = #tpu.pack_format<interleaved>} : vector<32xbf16> -> vector<16xf32>
          %add3A_507 = arith.addf %unpack3A_505, %unpack3A_506 : vector<16xf32>
          %add3A_508 = arith.addf %mul3A_486, %mul3A_503 : vector<32xbf16>
          %unpack3A_509 = tpu.unpack_subelements %add3A_508, 0 {pack_format = #tpu.pack_format<interleaved>} : vector<32xbf16> -> vector<16xf32>
          %unpack3A_510 = tpu.unpack_subelements %add3A_508, 1 {pack_format = #tpu.pack_format<interleaved>} : vector<32xbf16> -> vector<16xf32>
          %add3A_511 = arith.addf %unpack3A_509, %unpack3A_510 : vector<16xf32>
          %add3A_512 = arith.addf %add3A_507, %add3A_511 : vector<16xf32>
          %mul3A_513 = arith.constant 80 : i32
          %mul3A_514 = arith.muli %add3A_46, %mul3A_513 : i32
          %add3A_515 = arith.addi %mul3A_514, %mul3A_96 : i32
          %add3A_516 = arith.constant 4 : i32
          %add3A_517 = arith.addi %add3A_515, %add3A_516 : i32
          %broadcast_in_dim3A_518 = vector.broadcast %add3A_517 : i32 to vector<16xi32>
          tpu.vector_store_idx %arg11[%broadcast_in_dim3A_518], %add3A_512 {add = true} : memref<10000xf32, #tpu.memory_space<vmem>>[vector<16xi32>], vector<16xf32>,
          %add3A_519 = arith.constant 5 : i32
          %add3A_520 = arith.addi %mul3A_96, %add3A_519 : i32
          %get3A_521 = arith.constant 0 : i32
          %get3A_522 = arith.constant 0 : i32
          %get3A_523 = tpu.memref_slice %arg9[%scan3A_87, %get3A_521, %get3A_522] : memref<2x80x128xi32, #tpu.memory_space<vmem>> -> memref<1x80x128xi32, #tpu.memory_space<vmem>>
          %get3A_524 = tpu.memref_squeeze %get3A_523 : memref<1x80x128xi32, #tpu.memory_space<vmem>> -> memref<80x128xi32, #tpu.memory_space<vmem>>
          %get3A_525 = arith.index_cast %add3A_520 : i32 to index
          %get3A_526 = arith.constant 0 : index
          %get3A_527 = tpu.vector_load %get3A_524[%get3A_525, %get3A_526] {strides = array<i32>} : memref<80x128xi32, #tpu.memory_space<vmem>>, vector<16xi32>,
          %bitcast3A_528 = vector.bitcast %get3A_527 : vector<16xi32> to vector<32xbf16>
          %get3A_529 = arith.constant 0 : i32
          %get3A_530 = arith.constant 0 : i32
          %get3A_531 = tpu.memref_slice %arg10[%scan3A_88, %get3A_529, %get3A_530] : memref<2x80x128xi32, #tpu.memory_space<vmem>> -> memref<1x80x128xi32, #tpu.memory_space<vmem>>
          %get3A_532 = tpu.memref_squeeze %get3A_531 : memref<1x80x128xi32, #tpu.memory_space<vmem>> -> memref<80x128xi32, #tpu.memory_space<vmem>>
          %get3A_533 = arith.index_cast %add3A_520 : i32 to index
          %get3A_534 = arith.constant 0 : index
          %get3A_535 = tpu.vector_load %get3A_532[%get3A_533, %get3A_534] {strides = array<i32>} : memref<80x128xi32, #tpu.memory_space<vmem>>, vector<16xi32>,
          %bitcast3A_536 = vector.bitcast %get3A_535 : vector<16xi32> to vector<32xbf16>
          %mul3A_537 = arith.mulf %bitcast3A_528, %bitcast3A_536 : vector<32xbf16>
          %get3A_538 = arith.constant 0 : i32
          %get3A_539 = arith.constant 0 : i32
          %get3A_540 = tpu.memref_slice %arg9[%scan3A_87, %get3A_538, %get3A_539] : memref<2x80x128xi32, #tpu.memory_space<vmem>> -> memref<1x80x128xi32, #tpu.memory_space<vmem>>
          %get3A_541 = tpu.memref_squeeze %get3A_540 : memref<1x80x128xi32, #tpu.memory_space<vmem>> -> memref<80x128xi32, #tpu.memory_space<vmem>>
          %get3A_542 = arith.index_cast %add3A_520 : i32 to index
          %get3A_543 = arith.constant 16 : index
          %get3A_544 = tpu.vector_load %get3A_541[%get3A_542, %get3A_543] {strides = array<i32>} : memref<80x128xi32, #tpu.memory_space<vmem>>, vector<16xi32>,
          %bitcast3A_545 = vector.bitcast %get3A_544 : vector<16xi32> to vector<32xbf16>
          %get3A_546 = arith.constant 0 : i32
          %get3A_547 = arith.constant 0 : i32
          %get3A_548 = tpu.memref_slice %arg10[%scan3A_88, %get3A_546, %get3A_547] : memref<2x80x128xi32, #tpu.memory_space<vmem>> -> memref<1x80x128xi32, #tpu.memory_space<vmem>>
          %get3A_549 = tpu.memref_squeeze %get3A_548 : memref<1x80x128xi32, #tpu.memory_space<vmem>> -> memref<80x128xi32, #tpu.memory_space<vmem>>
          %get3A_550 = arith.index_cast %add3A_520 : i32 to index
          %get3A_551 = arith.constant 16 : index
          %get3A_552 = tpu.vector_load %get3A_549[%get3A_550, %get3A_551] {strides = array<i32>} : memref<80x128xi32, #tpu.memory_space<vmem>>, vector<16xi32>,
          %bitcast3A_553 = vector.bitcast %get3A_552 : vector<16xi32> to vector<32xbf16>
          %mul3A_554 = arith.mulf %bitcast3A_545, %bitcast3A_553 : vector<32xbf16>
          %get3A_555 = arith.constant 0 : i32
          %get3A_556 = arith.constant 0 : i32
          %get3A_557 = tpu.memref_slice %arg9[%scan3A_87, %get3A_555, %get3A_556] : memref<2x80x128xi32, #tpu.memory_space<vmem>> -> memref<1x80x128xi32, #tpu.memory_space<vmem>>
          %get3A_558 = tpu.memref_squeeze %get3A_557 : memref<1x80x128xi32, #tpu.memory_space<vmem>> -> memref<80x128xi32, #tpu.memory_space<vmem>>
          %get3A_559 = arith.index_cast %add3A_520 : i32 to index
          %get3A_560 = arith.constant 32 : index
          %get3A_561 = tpu.vector_load %get3A_558[%get3A_559, %get3A_560] {strides = array<i32>} : memref<80x128xi32, #tpu.memory_space<vmem>>, vector<16xi32>,
          %bitcast3A_562 = vector.bitcast %get3A_561 : vector<16xi32> to vector<32xbf16>
          %get3A_563 = arith.constant 0 : i32
          %get3A_564 = arith.constant 0 : i32
          %get3A_565 = tpu.memref_slice %arg10[%scan3A_88, %get3A_563, %get3A_564] : memref<2x80x128xi32, #tpu.memory_space<vmem>> -> memref<1x80x128xi32, #tpu.memory_space<vmem>>
          %get3A_566 = tpu.memref_squeeze %get3A_565 : memref<1x80x128xi32, #tpu.memory_space<vmem>> -> memref<80x128xi32, #tpu.memory_space<vmem>>
          %get3A_567 = arith.index_cast %add3A_520 : i32 to index
          %get3A_568 = arith.constant 32 : index
          %get3A_569 = tpu.vector_load %get3A_566[%get3A_567, %get3A_568] {strides = array<i32>} : memref<80x128xi32, #tpu.memory_space<vmem>>, vector<16xi32>,
          %bitcast3A_570 = vector.bitcast %get3A_569 : vector<16xi32> to vector<32xbf16>
          %mul3A_571 = arith.mulf %bitcast3A_562, %bitcast3A_570 : vector<32xbf16>
          %get3A_572 = arith.constant 0 : i32
          %get3A_573 = arith.constant 0 : i32
          %get3A_574 = tpu.memref_slice %arg9[%scan3A_87, %get3A_572, %get3A_573] : memref<2x80x128xi32, #tpu.memory_space<vmem>> -> memref<1x80x128xi32, #tpu.memory_space<vmem>>
          %get3A_575 = tpu.memref_squeeze %get3A_574 : memref<1x80x128xi32, #tpu.memory_space<vmem>> -> memref<80x128xi32, #tpu.memory_space<vmem>>
          %get3A_576 = arith.index_cast %add3A_520 : i32 to index
          %get3A_577 = arith.constant 48 : index
          %get3A_578 = tpu.vector_load %get3A_575[%get3A_576, %get3A_577] {strides = array<i32>} : memref<80x128xi32, #tpu.memory_space<vmem>>, vector<16xi32>,
          %bitcast3A_579 = vector.bitcast %get3A_578 : vector<16xi32> to vector<32xbf16>
          %get3A_580 = arith.constant 0 : i32
          %get3A_581 = arith.constant 0 : i32
          %get3A_582 = tpu.memref_slice %arg10[%scan3A_88, %get3A_580, %get3A_581] : memref<2x80x128xi32, #tpu.memory_space<vmem>> -> memref<1x80x128xi32, #tpu.memory_space<vmem>>
          %get3A_583 = tpu.memref_squeeze %get3A_582 : memref<1x80x128xi32, #tpu.memory_space<vmem>> -> memref<80x128xi32, #tpu.memory_space<vmem>>
          %get3A_584 = arith.index_cast %add3A_520 : i32 to index
          %get3A_585 = arith.constant 48 : index
          %get3A_586 = tpu.vector_load %get3A_583[%get3A_584, %get3A_585] {strides = array<i32>} : memref<80x128xi32, #tpu.memory_space<vmem>>, vector<16xi32>,
          %bitcast3A_587 = vector.bitcast %get3A_586 : vector<16xi32> to vector<32xbf16>
          %mul3A_588 = arith.mulf %bitcast3A_579, %bitcast3A_587 : vector<32xbf16>
          %add3A_589 = arith.addf %mul3A_537, %mul3A_554 : vector<32xbf16>
          %unpack3A_590 = tpu.unpack_subelements %add3A_589, 0 {pack_format = #tpu.pack_format<interleaved>} : vector<32xbf16> -> vector<16xf32>
          %unpack3A_591 = tpu.unpack_subelements %add3A_589, 1 {pack_format = #tpu.pack_format<interleaved>} : vector<32xbf16> -> vector<16xf32>
          %add3A_592 = arith.addf %unpack3A_590, %unpack3A_591 : vector<16xf32>
          %add3A_593 = arith.addf %mul3A_571, %mul3A_588 : vector<32xbf16>
          %unpack3A_594 = tpu.unpack_subelements %add3A_593, 0 {pack_format = #tpu.pack_format<interleaved>} : vector<32xbf16> -> vector<16xf32>
          %unpack3A_595 = tpu.unpack_subelements %add3A_593, 1 {pack_format = #tpu.pack_format<interleaved>} : vector<32xbf16> -> vector<16xf32>
          %add3A_596 = arith.addf %unpack3A_594, %unpack3A_595 : vector<16xf32>
          %add3A_597 = arith.addf %add3A_592, %add3A_596 : vector<16xf32>
          %mul3A_598 = arith.constant 80 : i32
          %mul3A_599 = arith.muli %add3A_46, %mul3A_598 : i32
          %add3A_600 = arith.addi %mul3A_599, %mul3A_96 : i32
          %add3A_601 = arith.constant 5 : i32
          %add3A_602 = arith.addi %add3A_600, %add3A_601 : i32
          %broadcast_in_dim3A_603 = vector.broadcast %add3A_602 : i32 to vector<16xi32>
          tpu.vector_store_idx %arg11[%broadcast_in_dim3A_603], %add3A_597 {add = true} : memref<10000xf32, #tpu.memory_space<vmem>>[vector<16xi32>], vector<16xf32>,
          %add3A_604 = arith.constant 6 : i32
          %add3A_605 = arith.addi %mul3A_96, %add3A_604 : i32
          %get3A_606 = arith.constant 0 : i32
          %get3A_607 = arith.constant 0 : i32
          %get3A_608 = tpu.memref_slice %arg9[%scan3A_87, %get3A_606, %get3A_607] : memref<2x80x128xi32, #tpu.memory_space<vmem>> -> memref<1x80x128xi32, #tpu.memory_space<vmem>>
          %get3A_609 = tpu.memref_squeeze %get3A_608 : memref<1x80x128xi32, #tpu.memory_space<vmem>> -> memref<80x128xi32, #tpu.memory_space<vmem>>
          %get3A_610 = arith.index_cast %add3A_605 : i32 to index
          %get3A_611 = arith.constant 0 : index
          %get3A_612 = tpu.vector_load %get3A_609[%get3A_610, %get3A_611] {strides = array<i32>} : memref<80x128xi32, #tpu.memory_space<vmem>>, vector<16xi32>,
          %bitcast3A_613 = vector.bitcast %get3A_612 : vector<16xi32> to vector<32xbf16>
          %get3A_614 = arith.constant 0 : i32
          %get3A_615 = arith.constant 0 : i32
          %get3A_616 = tpu.memref_slice %arg10[%scan3A_88, %get3A_614, %get3A_615] : memref<2x80x128xi32, #tpu.memory_space<vmem>> -> memref<1x80x128xi32, #tpu.memory_space<vmem>>
          %get3A_617 = tpu.memref_squeeze %get3A_616 : memref<1x80x128xi32, #tpu.memory_space<vmem>> -> memref<80x128xi32, #tpu.memory_space<vmem>>
          %get3A_618 = arith.index_cast %add3A_605 : i32 to index
          %get3A_619 = arith.constant 0 : index
          %get3A_620 = tpu.vector_load %get3A_617[%get3A_618, %get3A_619] {strides = array<i32>} : memref<80x128xi32, #tpu.memory_space<vmem>>, vector<16xi32>,
          %bitcast3A_621 = vector.bitcast %get3A_620 : vector<16xi32> to vector<32xbf16>
          %mul3A_622 = arith.mulf %bitcast3A_613, %bitcast3A_621 : vector<32xbf16>
          %get3A_623 = arith.constant 0 : i32
          %get3A_624 = arith.constant 0 : i32
          %get3A_625 = tpu.memref_slice %arg9[%scan3A_87, %get3A_623, %get3A_624] : memref<2x80x128xi32, #tpu.memory_space<vmem>> -> memref<1x80x128xi32, #tpu.memory_space<vmem>>
          %get3A_626 = tpu.memref_squeeze %get3A_625 : memref<1x80x128xi32, #tpu.memory_space<vmem>> -> memref<80x128xi32, #tpu.memory_space<vmem>>
          %get3A_627 = arith.index_cast %add3A_605 : i32 to index
          %get3A_628 = arith.constant 16 : index
          %get3A_629 = tpu.vector_load %get3A_626[%get3A_627, %get3A_628] {strides = array<i32>} : memref<80x128xi32, #tpu.memory_space<vmem>>, vector<16xi32>,
          %bitcast3A_630 = vector.bitcast %get3A_629 : vector<16xi32> to vector<32xbf16>
          %get3A_631 = arith.constant 0 : i32
          %get3A_632 = arith.constant 0 : i32
          %get3A_633 = tpu.memref_slice %arg10[%scan3A_88, %get3A_631, %get3A_632] : memref<2x80x128xi32, #tpu.memory_space<vmem>> -> memref<1x80x128xi32, #tpu.memory_space<vmem>>
          %get3A_634 = tpu.memref_squeeze %get3A_633 : memref<1x80x128xi32, #tpu.memory_space<vmem>> -> memref<80x128xi32, #tpu.memory_space<vmem>>
          %get3A_635 = arith.index_cast %add3A_605 : i32 to index
          %get3A_636 = arith.constant 16 : index
          %get3A_637 = tpu.vector_load %get3A_634[%get3A_635, %get3A_636] {strides = array<i32>} : memref<80x128xi32, #tpu.memory_space<vmem>>, vector<16xi32>,
          %bitcast3A_638 = vector.bitcast %get3A_637 : vector<16xi32> to vector<32xbf16>
          %mul3A_639 = arith.mulf %bitcast3A_630, %bitcast3A_638 : vector<32xbf16>
          %get3A_640 = arith.constant 0 : i32
          %get3A_641 = arith.constant 0 : i32
          %get3A_642 = tpu.memref_slice %arg9[%scan3A_87, %get3A_640, %get3A_641] : memref<2x80x128xi32, #tpu.memory_space<vmem>> -> memref<1x80x128xi32, #tpu.memory_space<vmem>>
          %get3A_643 = tpu.memref_squeeze %get3A_642 : memref<1x80x128xi32, #tpu.memory_space<vmem>> -> memref<80x128xi32, #tpu.memory_space<vmem>>
          %get3A_644 = arith.index_cast %add3A_605 : i32 to index
          %get3A_645 = arith.constant 32 : index
          %get3A_646 = tpu.vector_load %get3A_643[%get3A_644, %get3A_645] {strides = array<i32>} : memref<80x128xi32, #tpu.memory_space<vmem>>, vector<16xi32>,
          %bitcast3A_647 = vector.bitcast %get3A_646 : vector<16xi32> to vector<32xbf16>
          %get3A_648 = arith.constant 0 : i32
          %get3A_649 = arith.constant 0 : i32
          %get3A_650 = tpu.memref_slice %arg10[%scan3A_88, %get3A_648, %get3A_649] : memref<2x80x128xi32, #tpu.memory_space<vmem>> -> memref<1x80x128xi32, #tpu.memory_space<vmem>>
          %get3A_651 = tpu.memref_squeeze %get3A_650 : memref<1x80x128xi32, #tpu.memory_space<vmem>> -> memref<80x128xi32, #tpu.memory_space<vmem>>
          %get3A_652 = arith.index_cast %add3A_605 : i32 to index
          %get3A_653 = arith.constant 32 : index
          %get3A_654 = tpu.vector_load %get3A_651[%get3A_652, %get3A_653] {strides = array<i32>} : memref<80x128xi32, #tpu.memory_space<vmem>>, vector<16xi32>,
          %bitcast3A_655 = vector.bitcast %get3A_654 : vector<16xi32> to vector<32xbf16>
          %mul3A_656 = arith.mulf %bitcast3A_647, %bitcast3A_655 : vector<32xbf16>
          %get3A_657 = arith.constant 0 : i32
          %get3A_658 = arith.constant 0 : i32
          %get3A_659 = tpu.memref_slice %arg9[%scan3A_87, %get3A_657, %get3A_658] : memref<2x80x128xi32, #tpu.memory_space<vmem>> -> memref<1x80x128xi32, #tpu.memory_space<vmem>>
          %get3A_660 = tpu.memref_squeeze %get3A_659 : memref<1x80x128xi32, #tpu.memory_space<vmem>> -> memref<80x128xi32, #tpu.memory_space<vmem>>
          %get3A_661 = arith.index_cast %add3A_605 : i32 to index
          %get3A_662 = arith.constant 48 : index
          %get3A_663 = tpu.vector_load %get3A_660[%get3A_661, %get3A_662] {strides = array<i32>} : memref<80x128xi32, #tpu.memory_space<vmem>>, vector<16xi32>,
          %bitcast3A_664 = vector.bitcast %get3A_663 : vector<16xi32> to vector<32xbf16>
          %get3A_665 = arith.constant 0 : i32
          %get3A_666 = arith.constant 0 : i32
          %get3A_667 = tpu.memref_slice %arg10[%scan3A_88, %get3A_665, %get3A_666] : memref<2x80x128xi32, #tpu.memory_space<vmem>> -> memref<1x80x128xi32, #tpu.memory_space<vmem>>
          %get3A_668 = tpu.memref_squeeze %get3A_667 : memref<1x80x128xi32, #tpu.memory_space<vmem>> -> memref<80x128xi32, #tpu.memory_space<vmem>>
          %get3A_669 = arith.index_cast %add3A_605 : i32 to index
          %get3A_670 = arith.constant 48 : index
          %get3A_671 = tpu.vector_load %get3A_668[%get3A_669, %get3A_670] {strides = array<i32>} : memref<80x128xi32, #tpu.memory_space<vmem>>, vector<16xi32>,
          %bitcast3A_672 = vector.bitcast %get3A_671 : vector<16xi32> to vector<32xbf16>
          %mul3A_673 = arith.mulf %bitcast3A_664, %bitcast3A_672 : vector<32xbf16>
          %add3A_674 = arith.addf %mul3A_622, %mul3A_639 : vector<32xbf16>
          %unpack3A_675 = tpu.unpack_subelements %add3A_674, 0 {pack_format = #tpu.pack_format<interleaved>} : vector<32xbf16> -> vector<16xf32>
          %unpack3A_676 = tpu.unpack_subelements %add3A_674, 1 {pack_format = #tpu.pack_format<interleaved>} : vector<32xbf16> -> vector<16xf32>
          %add3A_677 = arith.addf %unpack3A_675, %unpack3A_676 : vector<16xf32>
          %add3A_678 = arith.addf %mul3A_656, %mul3A_673 : vector<32xbf16>
          %unpack3A_679 = tpu.unpack_subelements %add3A_678, 0 {pack_format = #tpu.pack_format<interleaved>} : vector<32xbf16> -> vector<16xf32>
          %unpack3A_680 = tpu.unpack_subelements %add3A_678, 1 {pack_format = #tpu.pack_format<interleaved>} : vector<32xbf16> -> vector<16xf32>
          %add3A_681 = arith.addf %unpack3A_679, %unpack3A_680 : vector<16xf32>
          %add3A_682 = arith.addf %add3A_677, %add3A_681 : vector<16xf32>
          %mul3A_683 = arith.constant 80 : i32
          %mul3A_684 = arith.muli %add3A_46, %mul3A_683 : i32
          %add3A_685 = arith.addi %mul3A_684, %mul3A_96 : i32
          %add3A_686 = arith.constant 6 : i32
          %add3A_687 = arith.addi %add3A_685, %add3A_686 : i32
          %broadcast_in_dim3A_688 = vector.broadcast %add3A_687 : i32 to vector<16xi32>
          tpu.vector_store_idx %arg11[%broadcast_in_dim3A_688], %add3A_682 {add = true} : memref<10000xf32, #tpu.memory_space<vmem>>[vector<16xi32>], vector<16xf32>,
          %add3A_689 = arith.constant 7 : i32
          %add3A_690 = arith.addi %mul3A_96, %add3A_689 : i32
          %get3A_691 = arith.constant 0 : i32
          %get3A_692 = arith.constant 0 : i32
          %get3A_693 = tpu.memref_slice %arg9[%scan3A_87, %get3A_691, %get3A_692] : memref<2x80x128xi32, #tpu.memory_space<vmem>> -> memref<1x80x128xi32, #tpu.memory_space<vmem>>
          %get3A_694 = tpu.memref_squeeze %get3A_693 : memref<1x80x128xi32, #tpu.memory_space<vmem>> -> memref<80x128xi32, #tpu.memory_space<vmem>>
          %get3A_695 = arith.index_cast %add3A_690 : i32 to index
          %get3A_696 = arith.constant 0 : index
          %get3A_697 = tpu.vector_load %get3A_694[%get3A_695, %get3A_696] {strides = array<i32>} : memref<80x128xi32, #tpu.memory_space<vmem>>, vector<16xi32>,
          %bitcast3A_698 = vector.bitcast %get3A_697 : vector<16xi32> to vector<32xbf16>
          %get3A_699 = arith.constant 0 : i32
          %get3A_700 = arith.constant 0 : i32
          %get3A_701 = tpu.memref_slice %arg10[%scan3A_88, %get3A_699, %get3A_700] : memref<2x80x128xi32, #tpu.memory_space<vmem>> -> memref<1x80x128xi32, #tpu.memory_space<vmem>>
          %get3A_702 = tpu.memref_squeeze %get3A_701 : memref<1x80x128xi32, #tpu.memory_space<vmem>> -> memref<80x128xi32, #tpu.memory_space<vmem>>
          %get3A_703 = arith.index_cast %add3A_690 : i32 to index
          %get3A_704 = arith.constant 0 : index
          %get3A_705 = tpu.vector_load %get3A_702[%get3A_703, %get3A_704] {strides = array<i32>} : memref<80x128xi32, #tpu.memory_space<vmem>>, vector<16xi32>,
          %bitcast3A_706 = vector.bitcast %get3A_705 : vector<16xi32> to vector<32xbf16>
          %mul3A_707 = arith.mulf %bitcast3A_698, %bitcast3A_706 : vector<32xbf16>
          %get3A_708 = arith.constant 0 : i32
          %get3A_709 = arith.constant 0 : i32
          %get3A_710 = tpu.memref_slice %arg9[%scan3A_87, %get3A_708, %get3A_709] : memref<2x80x128xi32, #tpu.memory_space<vmem>> -> memref<1x80x128xi32, #tpu.memory_space<vmem>>
          %get3A_711 = tpu.memref_squeeze %get3A_710 : memref<1x80x128xi32, #tpu.memory_space<vmem>> -> memref<80x128xi32, #tpu.memory_space<vmem>>
          %get3A_712 = arith.index_cast %add3A_690 : i32 to index
          %get3A_713 = arith.constant 16 : index
          %get3A_714 = tpu.vector_load %get3A_711[%get3A_712, %get3A_713] {strides = array<i32>} : memref<80x128xi32, #tpu.memory_space<vmem>>, vector<16xi32>,
          %bitcast3A_715 = vector.bitcast %get3A_714 : vector<16xi32> to vector<32xbf16>
          %get3A_716 = arith.constant 0 : i32
          %get3A_717 = arith.constant 0 : i32
          %get3A_718 = tpu.memref_slice %arg10[%scan3A_88, %get3A_716, %get3A_717] : memref<2x80x128xi32, #tpu.memory_space<vmem>> -> memref<1x80x128xi32, #tpu.memory_space<vmem>>
          %get3A_719 = tpu.memref_squeeze %get3A_718 : memref<1x80x128xi32, #tpu.memory_space<vmem>> -> memref<80x128xi32, #tpu.memory_space<vmem>>
          %get3A_720 = arith.index_cast %add3A_690 : i32 to index
          %get3A_721 = arith.constant 16 : index
          %get3A_722 = tpu.vector_load %get3A_719[%get3A_720, %get3A_721] {strides = array<i32>} : memref<80x128xi32, #tpu.memory_space<vmem>>, vector<16xi32>,
          %bitcast3A_723 = vector.bitcast %get3A_722 : vector<16xi32> to vector<32xbf16>
          %mul3A_724 = arith.mulf %bitcast3A_715, %bitcast3A_723 : vector<32xbf16>
          %get3A_725 = arith.constant 0 : i32
          %get3A_726 = arith.constant 0 : i32
          %get3A_727 = tpu.memref_slice %arg9[%scan3A_87, %get3A_725, %get3A_726] : memref<2x80x128xi32, #tpu.memory_space<vmem>> -> memref<1x80x128xi32, #tpu.memory_space<vmem>>
          %get3A_728 = tpu.memref_squeeze %get3A_727 : memref<1x80x128xi32, #tpu.memory_space<vmem>> -> memref<80x128xi32, #tpu.memory_space<vmem>>
          %get3A_729 = arith.index_cast %add3A_690 : i32 to index
          %get3A_730 = arith.constant 32 : index
          %get3A_731 = tpu.vector_load %get3A_728[%get3A_729, %get3A_730] {strides = array<i32>} : memref<80x128xi32, #tpu.memory_space<vmem>>, vector<16xi32>,
          %bitcast3A_732 = vector.bitcast %get3A_731 : vector<16xi32> to vector<32xbf16>
          %get3A_733 = arith.constant 0 : i32
          %get3A_734 = arith.constant 0 : i32
          %get3A_735 = tpu.memref_slice %arg10[%scan3A_88, %get3A_733, %get3A_734] : memref<2x80x128xi32, #tpu.memory_space<vmem>> -> memref<1x80x128xi32, #tpu.memory_space<vmem>>
          %get3A_736 = tpu.memref_squeeze %get3A_735 : memref<1x80x128xi32, #tpu.memory_space<vmem>> -> memref<80x128xi32, #tpu.memory_space<vmem>>
          %get3A_737 = arith.index_cast %add3A_690 : i32 to index
          %get3A_738 = arith.constant 32 : index
          %get3A_739 = tpu.vector_load %get3A_736[%get3A_737, %get3A_738] {strides = array<i32>} : memref<80x128xi32, #tpu.memory_space<vmem>>, vector<16xi32>,
          %bitcast3A_740 = vector.bitcast %get3A_739 : vector<16xi32> to vector<32xbf16>
          %mul3A_741 = arith.mulf %bitcast3A_732, %bitcast3A_740 : vector<32xbf16>
          %get3A_742 = arith.constant 0 : i32
          %get3A_743 = arith.constant 0 : i32
          %get3A_744 = tpu.memref_slice %arg9[%scan3A_87, %get3A_742, %get3A_743] : memref<2x80x128xi32, #tpu.memory_space<vmem>> -> memref<1x80x128xi32, #tpu.memory_space<vmem>>
          %get3A_745 = tpu.memref_squeeze %get3A_744 : memref<1x80x128xi32, #tpu.memory_space<vmem>> -> memref<80x128xi32, #tpu.memory_space<vmem>>
          %get3A_746 = arith.index_cast %add3A_690 : i32 to index
          %get3A_747 = arith.constant 48 : index
          %get3A_748 = tpu.vector_load %get3A_745[%get3A_746, %get3A_747] {strides = array<i32>} : memref<80x128xi32, #tpu.memory_space<vmem>>, vector<16xi32>,
          %bitcast3A_749 = vector.bitcast %get3A_748 : vector<16xi32> to vector<32xbf16>
          %get3A_750 = arith.constant 0 : i32
          %get3A_751 = arith.constant 0 : i32
          %get3A_752 = tpu.memref_slice %arg10[%scan3A_88, %get3A_750, %get3A_751] : memref<2x80x128xi32, #tpu.memory_space<vmem>> -> memref<1x80x128xi32, #tpu.memory_space<vmem>>
          %get3A_753 = tpu.memref_squeeze %get3A_752 : memref<1x80x128xi32, #tpu.memory_space<vmem>> -> memref<80x128xi32, #tpu.memory_space<vmem>>
          %get3A_754 = arith.index_cast %add3A_690 : i32 to index
          %get3A_755 = arith.constant 48 : index
          %get3A_756 = tpu.vector_load %get3A_753[%get3A_754, %get3A_755] {strides = array<i32>} : memref<80x128xi32, #tpu.memory_space<vmem>>, vector<16xi32>,
          %bitcast3A_757 = vector.bitcast %get3A_756 : vector<16xi32> to vector<32xbf16>
          %mul3A_758 = arith.mulf %bitcast3A_749, %bitcast3A_757 : vector<32xbf16>
          %add3A_759 = arith.addf %mul3A_707, %mul3A_724 : vector<32xbf16>
          %unpack3A_760 = tpu.unpack_subelements %add3A_759, 0 {pack_format = #tpu.pack_format<interleaved>} : vector<32xbf16> -> vector<16xf32>
          %unpack3A_761 = tpu.unpack_subelements %add3A_759, 1 {pack_format = #tpu.pack_format<interleaved>} : vector<32xbf16> -> vector<16xf32>
          %add3A_762 = arith.addf %unpack3A_760, %unpack3A_761 : vector<16xf32>
          %add3A_763 = arith.addf %mul3A_741, %mul3A_758 : vector<32xbf16>
          %unpack3A_764 = tpu.unpack_subelements %add3A_763, 0 {pack_format = #tpu.pack_format<interleaved>} : vector<32xbf16> -> vector<16xf32>
          %unpack3A_765 = tpu.unpack_subelements %add3A_763, 1 {pack_format = #tpu.pack_format<interleaved>} : vector<32xbf16> -> vector<16xf32>
          %add3A_766 = arith.addf %unpack3A_764, %unpack3A_765 : vector<16xf32>
          %add3A_767 = arith.addf %add3A_762, %add3A_766 : vector<16xf32>
          %mul3A_768 = arith.constant 80 : i32
          %mul3A_769 = arith.muli %add3A_46, %mul3A_768 : i32
          %add3A_770 = arith.addi %mul3A_769, %mul3A_96 : i32
          %add3A_771 = arith.constant 7 : i32
          %add3A_772 = arith.addi %add3A_770, %add3A_771 : i32
          %broadcast_in_dim3A_773 = vector.broadcast %add3A_772 : i32 to vector<16xi32>
          tpu.vector_store_idx %arg11[%broadcast_in_dim3A_773], %add3A_767 {add = true} : memref<10000xf32, #tpu.memory_space<vmem>>[vector<16xi32>], vector<16xf32>,
          %add3A_774 = arith.constant 8 : i32
          %add3A_775 = arith.addi %mul3A_96, %add3A_774 : i32
          %get3A_776 = arith.constant 0 : i32
          %get3A_777 = arith.constant 0 : i32
          %get3A_778 = tpu.memref_slice %arg9[%scan3A_87, %get3A_776, %get3A_777] : memref<2x80x128xi32, #tpu.memory_space<vmem>> -> memref<1x80x128xi32, #tpu.memory_space<vmem>>
          %get3A_779 = tpu.memref_squeeze %get3A_778 : memref<1x80x128xi32, #tpu.memory_space<vmem>> -> memref<80x128xi32, #tpu.memory_space<vmem>>
          %get3A_780 = arith.index_cast %add3A_775 : i32 to index
          %get3A_781 = arith.constant 0 : index
          %get3A_782 = tpu.vector_load %get3A_779[%get3A_780, %get3A_781] {strides = array<i32>} : memref<80x128xi32, #tpu.memory_space<vmem>>, vector<16xi32>,
          %bitcast3A_783 = vector.bitcast %get3A_782 : vector<16xi32> to vector<32xbf16>
          %get3A_784 = arith.constant 0 : i32
          %get3A_785 = arith.constant 0 : i32
          %get3A_786 = tpu.memref_slice %arg10[%scan3A_88, %get3A_784, %get3A_785] : memref<2x80x128xi32, #tpu.memory_space<vmem>> -> memref<1x80x128xi32, #tpu.memory_space<vmem>>
          %get3A_787 = tpu.memref_squeeze %get3A_786 : memref<1x80x128xi32, #tpu.memory_space<vmem>> -> memref<80x128xi32, #tpu.memory_space<vmem>>
          %get3A_788 = arith.index_cast %add3A_775 : i32 to index
          %get3A_789 = arith.constant 0 : index
          %get3A_790 = tpu.vector_load %get3A_787[%get3A_788, %get3A_789] {strides = array<i32>} : memref<80x128xi32, #tpu.memory_space<vmem>>, vector<16xi32>,
          %bitcast3A_791 = vector.bitcast %get3A_790 : vector<16xi32> to vector<32xbf16>
          %mul3A_792 = arith.mulf %bitcast3A_783, %bitcast3A_791 : vector<32xbf16>
          %get3A_793 = arith.constant 0 : i32
          %get3A_794 = arith.constant 0 : i32
          %get3A_795 = tpu.memref_slice %arg9[%scan3A_87, %get3A_793, %get3A_794] : memref<2x80x128xi32, #tpu.memory_space<vmem>> -> memref<1x80x128xi32, #tpu.memory_space<vmem>>
          %get3A_796 = tpu.memref_squeeze %get3A_795 : memref<1x80x128xi32, #tpu.memory_space<vmem>> -> memref<80x128xi32, #tpu.memory_space<vmem>>
          %get3A_797 = arith.index_cast %add3A_775 : i32 to index
          %get3A_798 = arith.constant 16 : index
          %get3A_799 = tpu.vector_load %get3A_796[%get3A_797, %get3A_798] {strides = array<i32>} : memref<80x128xi32, #tpu.memory_space<vmem>>, vector<16xi32>,
          %bitcast3A_800 = vector.bitcast %get3A_799 : vector<16xi32> to vector<32xbf16>
          %get3A_801 = arith.constant 0 : i32
          %get3A_802 = arith.constant 0 : i32
          %get3A_803 = tpu.memref_slice %arg10[%scan3A_88, %get3A_801, %get3A_802] : memref<2x80x128xi32, #tpu.memory_space<vmem>> -> memref<1x80x128xi32, #tpu.memory_space<vmem>>
          %get3A_804 = tpu.memref_squeeze %get3A_803 : memref<1x80x128xi32, #tpu.memory_space<vmem>> -> memref<80x128xi32, #tpu.memory_space<vmem>>
          %get3A_805 = arith.index_cast %add3A_775 : i32 to index
          %get3A_806 = arith.constant 16 : index
          %get3A_807 = tpu.vector_load %get3A_804[%get3A_805, %get3A_806] {strides = array<i32>} : memref<80x128xi32, #tpu.memory_space<vmem>>, vector<16xi32>,
          %bitcast3A_808 = vector.bitcast %get3A_807 : vector<16xi32> to vector<32xbf16>
          %mul3A_809 = arith.mulf %bitcast3A_800, %bitcast3A_808 : vector<32xbf16>
          %get3A_810 = arith.constant 0 : i32
          %get3A_811 = arith.constant 0 : i32
          %get3A_812 = tpu.memref_slice %arg9[%scan3A_87, %get3A_810, %get3A_811] : memref<2x80x128xi32, #tpu.memory_space<vmem>> -> memref<1x80x128xi32, #tpu.memory_space<vmem>>
          %get3A_813 = tpu.memref_squeeze %get3A_812 : memref<1x80x128xi32, #tpu.memory_space<vmem>> -> memref<80x128xi32, #tpu.memory_space<vmem>>
          %get3A_814 = arith.index_cast %add3A_775 : i32 to index
          %get3A_815 = arith.constant 32 : index
          %get3A_816 = tpu.vector_load %get3A_813[%get3A_814, %get3A_815] {strides = array<i32>} : memref<80x128xi32, #tpu.memory_space<vmem>>, vector<16xi32>,
          %bitcast3A_817 = vector.bitcast %get3A_816 : vector<16xi32> to vector<32xbf16>
          %get3A_818 = arith.constant 0 : i32
          %get3A_819 = arith.constant 0 : i32
          %get3A_820 = tpu.memref_slice %arg10[%scan3A_88, %get3A_818, %get3A_819] : memref<2x80x128xi32, #tpu.memory_space<vmem>> -> memref<1x80x128xi32, #tpu.memory_space<vmem>>
          %get3A_821 = tpu.memref_squeeze %get3A_820 : memref<1x80x128xi32, #tpu.memory_space<vmem>> -> memref<80x128xi32, #tpu.memory_space<vmem>>
          %get3A_822 = arith.index_cast %add3A_775 : i32 to index
          %get3A_823 = arith.constant 32 : index
          %get3A_824 = tpu.vector_load %get3A_821[%get3A_822, %get3A_823] {strides = array<i32>} : memref<80x128xi32, #tpu.memory_space<vmem>>, vector<16xi32>,
          %bitcast3A_825 = vector.bitcast %get3A_824 : vector<16xi32> to vector<32xbf16>
          %mul3A_826 = arith.mulf %bitcast3A_817, %bitcast3A_825 : vector<32xbf16>
          %get3A_827 = arith.constant 0 : i32
          %get3A_828 = arith.constant 0 : i32
          %get3A_829 = tpu.memref_slice %arg9[%scan3A_87, %get3A_827, %get3A_828] : memref<2x80x128xi32, #tpu.memory_space<vmem>> -> memref<1x80x128xi32, #tpu.memory_space<vmem>>
          %get3A_830 = tpu.memref_squeeze %get3A_829 : memref<1x80x128xi32, #tpu.memory_space<vmem>> -> memref<80x128xi32, #tpu.memory_space<vmem>>
          %get3A_831 = arith.index_cast %add3A_775 : i32 to index
          %get3A_832 = arith.constant 48 : index
          %get3A_833 = tpu.vector_load %get3A_830[%get3A_831, %get3A_832] {strides = array<i32>} : memref<80x128xi32, #tpu.memory_space<vmem>>, vector<16xi32>,
          %bitcast3A_834 = vector.bitcast %get3A_833 : vector<16xi32> to vector<32xbf16>
          %get3A_835 = arith.constant 0 : i32
          %get3A_836 = arith.constant 0 : i32
          %get3A_837 = tpu.memref_slice %arg10[%scan3A_88, %get3A_835, %get3A_836] : memref<2x80x128xi32, #tpu.memory_space<vmem>> -> memref<1x80x128xi32, #tpu.memory_space<vmem>>
          %get3A_838 = tpu.memref_squeeze %get3A_837 : memref<1x80x128xi32, #tpu.memory_space<vmem>> -> memref<80x128xi32, #tpu.memory_space<vmem>>
          %get3A_839 = arith.index_cast %add3A_775 : i32 to index
          %get3A_840 = arith.constant 48 : index
          %get3A_841 = tpu.vector_load %get3A_838[%get3A_839, %get3A_840] {strides = array<i32>} : memref<80x128xi32, #tpu.memory_space<vmem>>, vector<16xi32>,
          %bitcast3A_842 = vector.bitcast %get3A_841 : vector<16xi32> to vector<32xbf16>
          %mul3A_843 = arith.mulf %bitcast3A_834, %bitcast3A_842 : vector<32xbf16>
          %add3A_844 = arith.addf %mul3A_792, %mul3A_809 : vector<32xbf16>
          %unpack3A_845 = tpu.unpack_subelements %add3A_844, 0 {pack_format = #tpu.pack_format<interleaved>} : vector<32xbf16> -> vector<16xf32>
          %unpack3A_846 = tpu.unpack_subelements %add3A_844, 1 {pack_format = #tpu.pack_format<interleaved>} : vector<32xbf16> -> vector<16xf32>
          %add3A_847 = arith.addf %unpack3A_845, %unpack3A_846 : vector<16xf32>
          %add3A_848 = arith.addf %mul3A_826, %mul3A_843 : vector<32xbf16>
          %unpack3A_849 = tpu.unpack_subelements %add3A_848, 0 {pack_format = #tpu.pack_format<interleaved>} : vector<32xbf16> -> vector<16xf32>
          %unpack3A_850 = tpu.unpack_subelements %add3A_848, 1 {pack_format = #tpu.pack_format<interleaved>} : vector<32xbf16> -> vector<16xf32>
          %add3A_851 = arith.addf %unpack3A_849, %unpack3A_850 : vector<16xf32>
          %add3A_852 = arith.addf %add3A_847, %add3A_851 : vector<16xf32>
          %mul3A_853 = arith.constant 80 : i32
          %mul3A_854 = arith.muli %add3A_46, %mul3A_853 : i32
          %add3A_855 = arith.addi %mul3A_854, %mul3A_96 : i32
          %add3A_856 = arith.constant 8 : i32
          %add3A_857 = arith.addi %add3A_855, %add3A_856 : i32
          %broadcast_in_dim3A_858 = vector.broadcast %add3A_857 : i32 to vector<16xi32>
          tpu.vector_store_idx %arg11[%broadcast_in_dim3A_858], %add3A_852 {add = true} : memref<10000xf32, #tpu.memory_space<vmem>>[vector<16xi32>], vector<16xf32>,
          %add3A_859 = arith.constant 9 : i32
          %add3A_860 = arith.addi %mul3A_96, %add3A_859 : i32
          %get3A_861 = arith.constant 0 : i32
          %get3A_862 = arith.constant 0 : i32
          %get3A_863 = tpu.memref_slice %arg9[%scan3A_87, %get3A_861, %get3A_862] : memref<2x80x128xi32, #tpu.memory_space<vmem>> -> memref<1x80x128xi32, #tpu.memory_space<vmem>>
          %get3A_864 = tpu.memref_squeeze %get3A_863 : memref<1x80x128xi32, #tpu.memory_space<vmem>> -> memref<80x128xi32, #tpu.memory_space<vmem>>
          %get3A_865 = arith.index_cast %add3A_860 : i32 to index
          %get3A_866 = arith.constant 0 : index
          %get3A_867 = tpu.vector_load %get3A_864[%get3A_865, %get3A_866] {strides = array<i32>} : memref<80x128xi32, #tpu.memory_space<vmem>>, vector<16xi32>,
          %bitcast3A_868 = vector.bitcast %get3A_867 : vector<16xi32> to vector<32xbf16>
          %get3A_869 = arith.constant 0 : i32
          %get3A_870 = arith.constant 0 : i32
          %get3A_871 = tpu.memref_slice %arg10[%scan3A_88, %get3A_869, %get3A_870] : memref<2x80x128xi32, #tpu.memory_space<vmem>> -> memref<1x80x128xi32, #tpu.memory_space<vmem>>
          %get3A_872 = tpu.memref_squeeze %get3A_871 : memref<1x80x128xi32, #tpu.memory_space<vmem>> -> memref<80x128xi32, #tpu.memory_space<vmem>>
          %get3A_873 = arith.index_cast %add3A_860 : i32 to index
          %get3A_874 = arith.constant 0 : index
          %get3A_875 = tpu.vector_load %get3A_872[%get3A_873, %get3A_874] {strides = array<i32>} : memref<80x128xi32, #tpu.memory_space<vmem>>, vector<16xi32>,
          %bitcast3A_876 = vector.bitcast %get3A_875 : vector<16xi32> to vector<32xbf16>
          %mul3A_877 = arith.mulf %bitcast3A_868, %bitcast3A_876 : vector<32xbf16>
          %get3A_878 = arith.constant 0 : i32
          %get3A_879 = arith.constant 0 : i32
          %get3A_880 = tpu.memref_slice %arg9[%scan3A_87, %get3A_878, %get3A_879] : memref<2x80x128xi32, #tpu.memory_space<vmem>> -> memref<1x80x128xi32, #tpu.memory_space<vmem>>
          %get3A_881 = tpu.memref_squeeze %get3A_880 : memref<1x80x128xi32, #tpu.memory_space<vmem>> -> memref<80x128xi32, #tpu.memory_space<vmem>>
          %get3A_882 = arith.index_cast %add3A_860 : i32 to index
          %get3A_883 = arith.constant 16 : index
          %get3A_884 = tpu.vector_load %get3A_881[%get3A_882, %get3A_883] {strides = array<i32>} : memref<80x128xi32, #tpu.memory_space<vmem>>, vector<16xi32>,
          %bitcast3A_885 = vector.bitcast %get3A_884 : vector<16xi32> to vector<32xbf16>
          %get3A_886 = arith.constant 0 : i32
          %get3A_887 = arith.constant 0 : i32
          %get3A_888 = tpu.memref_slice %arg10[%scan3A_88, %get3A_886, %get3A_887] : memref<2x80x128xi32, #tpu.memory_space<vmem>> -> memref<1x80x128xi32, #tpu.memory_space<vmem>>
          %get3A_889 = tpu.memref_squeeze %get3A_888 : memref<1x80x128xi32, #tpu.memory_space<vmem>> -> memref<80x128xi32, #tpu.memory_space<vmem>>
          %get3A_890 = arith.index_cast %add3A_860 : i32 to index
          %get3A_891 = arith.constant 16 : index
          %get3A_892 = tpu.vector_load %get3A_889[%get3A_890, %get3A_891] {strides = array<i32>} : memref<80x128xi32, #tpu.memory_space<vmem>>, vector<16xi32>,
          %bitcast3A_893 = vector.bitcast %get3A_892 : vector<16xi32> to vector<32xbf16>
          %mul3A_894 = arith.mulf %bitcast3A_885, %bitcast3A_893 : vector<32xbf16>
          %get3A_895 = arith.constant 0 : i32
          %get3A_896 = arith.constant 0 : i32
          %get3A_897 = tpu.memref_slice %arg9[%scan3A_87, %get3A_895, %get3A_896] : memref<2x80x128xi32, #tpu.memory_space<vmem>> -> memref<1x80x128xi32, #tpu.memory_space<vmem>>
          %get3A_898 = tpu.memref_squeeze %get3A_897 : memref<1x80x128xi32, #tpu.memory_space<vmem>> -> memref<80x128xi32, #tpu.memory_space<vmem>>
          %get3A_899 = arith.index_cast %add3A_860 : i32 to index
          %get3A_900 = arith.constant 32 : index
          %get3A_901 = tpu.vector_load %get3A_898[%get3A_899, %get3A_900] {strides = array<i32>} : memref<80x128xi32, #tpu.memory_space<vmem>>, vector<16xi32>,
          %bitcast3A_902 = vector.bitcast %get3A_901 : vector<16xi32> to vector<32xbf16>
          %get3A_903 = arith.constant 0 : i32
          %get3A_904 = arith.constant 0 : i32
          %get3A_905 = tpu.memref_slice %arg10[%scan3A_88, %get3A_903, %get3A_904] : memref<2x80x128xi32, #tpu.memory_space<vmem>> -> memref<1x80x128xi32, #tpu.memory_space<vmem>>
          %get3A_906 = tpu.memref_squeeze %get3A_905 : memref<1x80x128xi32, #tpu.memory_space<vmem>> -> memref<80x128xi32, #tpu.memory_space<vmem>>
          %get3A_907 = arith.index_cast %add3A_860 : i32 to index
          %get3A_908 = arith.constant 32 : index
          %get3A_909 = tpu.vector_load %get3A_906[%get3A_907, %get3A_908] {strides = array<i32>} : memref<80x128xi32, #tpu.memory_space<vmem>>, vector<16xi32>,
          %bitcast3A_910 = vector.bitcast %get3A_909 : vector<16xi32> to vector<32xbf16>
          %mul3A_911 = arith.mulf %bitcast3A_902, %bitcast3A_910 : vector<32xbf16>
          %get3A_912 = arith.constant 0 : i32
          %get3A_913 = arith.constant 0 : i32
          %get3A_914 = tpu.memref_slice %arg9[%scan3A_87, %get3A_912, %get3A_913] : memref<2x80x128xi32, #tpu.memory_space<vmem>> -> memref<1x80x128xi32, #tpu.memory_space<vmem>>
          %get3A_915 = tpu.memref_squeeze %get3A_914 : memref<1x80x128xi32, #tpu.memory_space<vmem>> -> memref<80x128xi32, #tpu.memory_space<vmem>>
          %get3A_916 = arith.index_cast %add3A_860 : i32 to index
          %get3A_917 = arith.constant 48 : index
          %get3A_918 = tpu.vector_load %get3A_915[%get3A_916, %get3A_917] {strides = array<i32>} : memref<80x128xi32, #tpu.memory_space<vmem>>, vector<16xi32>,
          %bitcast3A_919 = vector.bitcast %get3A_918 : vector<16xi32> to vector<32xbf16>
          %get3A_920 = arith.constant 0 : i32
          %get3A_921 = arith.constant 0 : i32
          %get3A_922 = tpu.memref_slice %arg10[%scan3A_88, %get3A_920, %get3A_921] : memref<2x80x128xi32, #tpu.memory_space<vmem>> -> memref<1x80x128xi32, #tpu.memory_space<vmem>>
          %get3A_923 = tpu.memref_squeeze %get3A_922 : memref<1x80x128xi32, #tpu.memory_space<vmem>> -> memref<80x128xi32, #tpu.memory_space<vmem>>
          %get3A_924 = arith.index_cast %add3A_860 : i32 to index
          %get3A_925 = arith.constant 48 : index
          %get3A_926 = tpu.vector_load %get3A_923[%get3A_924, %get3A_925] {strides = array<i32>} : memref<80x128xi32, #tpu.memory_space<vmem>>, vector<16xi32>,
          %bitcast3A_927 = vector.bitcast %get3A_926 : vector<16xi32> to vector<32xbf16>
          %mul3A_928 = arith.mulf %bitcast3A_919, %bitcast3A_927 : vector<32xbf16>
          %add3A_929 = arith.addf %mul3A_877, %mul3A_894 : vector<32xbf16>
          %unpack3A_930 = tpu.unpack_subelements %add3A_929, 0 {pack_format = #tpu.pack_format<interleaved>} : vector<32xbf16> -> vector<16xf32>
          %unpack3A_931 = tpu.unpack_subelements %add3A_929, 1 {pack_format = #tpu.pack_format<interleaved>} : vector<32xbf16> -> vector<16xf32>
          %add3A_932 = arith.addf %unpack3A_930, %unpack3A_931 : vector<16xf32>
          %add3A_933 = arith.addf %mul3A_911, %mul3A_928 : vector<32xbf16>
          %unpack3A_934 = tpu.unpack_subelements %add3A_933, 0 {pack_format = #tpu.pack_format<interleaved>} : vector<32xbf16> -> vector<16xf32>
          %unpack3A_935 = tpu.unpack_subelements %add3A_933, 1 {pack_format = #tpu.pack_format<interleaved>} : vector<32xbf16> -> vector<16xf32>
          %add3A_936 = arith.addf %unpack3A_934, %unpack3A_935 : vector<16xf32>
          %add3A_937 = arith.addf %add3A_932, %add3A_936 : vector<16xf32>
          %mul3A_938 = arith.constant 80 : i32
          %mul3A_939 = arith.muli %add3A_46, %mul3A_938 : i32
          %add3A_940 = arith.addi %mul3A_939, %mul3A_96 : i32
          %add3A_941 = arith.constant 9 : i32
          %add3A_942 = arith.addi %add3A_940, %add3A_941 : i32
          %broadcast_in_dim3A_943 = vector.broadcast %add3A_942 : i32 to vector<16xi32>
          tpu.vector_store_idx %arg11[%broadcast_in_dim3A_943], %add3A_937 {add = true} : memref<10000xf32, #tpu.memory_space<vmem>>[vector<16xi32>], vector<16xf32>,
          %add3A_944 = arith.constant 10 : i32
          %add3A_945 = arith.addi %mul3A_96, %add3A_944 : i32
          %get3A_946 = arith.constant 0 : i32
          %get3A_947 = arith.constant 0 : i32
          %get3A_948 = tpu.memref_slice %arg9[%scan3A_87, %get3A_946, %get3A_947] : memref<2x80x128xi32, #tpu.memory_space<vmem>> -> memref<1x80x128xi32, #tpu.memory_space<vmem>>
          %get3A_949 = tpu.memref_squeeze %get3A_948 : memref<1x80x128xi32, #tpu.memory_space<vmem>> -> memref<80x128xi32, #tpu.memory_space<vmem>>
          %get3A_950 = arith.index_cast %add3A_945 : i32 to index
          %get3A_951 = arith.constant 0 : index
          %get3A_952 = tpu.vector_load %get3A_949[%get3A_950, %get3A_951] {strides = array<i32>} : memref<80x128xi32, #tpu.memory_space<vmem>>, vector<16xi32>,
          %bitcast3A_953 = vector.bitcast %get3A_952 : vector<16xi32> to vector<32xbf16>
          %get3A_954 = arith.constant 0 : i32
          %get3A_955 = arith.constant 0 : i32
          %get3A_956 = tpu.memref_slice %arg10[%scan3A_88, %get3A_954, %get3A_955] : memref<2x80x128xi32, #tpu.memory_space<vmem>> -> memref<1x80x128xi32, #tpu.memory_space<vmem>>
          %get3A_957 = tpu.memref_squeeze %get3A_956 : memref<1x80x128xi32, #tpu.memory_space<vmem>> -> memref<80x128xi32, #tpu.memory_space<vmem>>
          %get3A_958 = arith.index_cast %add3A_945 : i32 to index
          %get3A_959 = arith.constant 0 : index
          %get3A_960 = tpu.vector_load %get3A_957[%get3A_958, %get3A_959] {strides = array<i32>} : memref<80x128xi32, #tpu.memory_space<vmem>>, vector<16xi32>,
          %bitcast3A_961 = vector.bitcast %get3A_960 : vector<16xi32> to vector<32xbf16>
          %mul3A_962 = arith.mulf %bitcast3A_953, %bitcast3A_961 : vector<32xbf16>
          %get3A_963 = arith.constant 0 : i32
          %get3A_964 = arith.constant 0 : i32
          %get3A_965 = tpu.memref_slice %arg9[%scan3A_87, %get3A_963, %get3A_964] : memref<2x80x128xi32, #tpu.memory_space<vmem>> -> memref<1x80x128xi32, #tpu.memory_space<vmem>>
          %get3A_966 = tpu.memref_squeeze %get3A_965 : memref<1x80x128xi32, #tpu.memory_space<vmem>> -> memref<80x128xi32, #tpu.memory_space<vmem>>
          %get3A_967 = arith.index_cast %add3A_945 : i32 to index
          %get3A_968 = arith.constant 16 : index
          %get3A_969 = tpu.vector_load %get3A_966[%get3A_967, %get3A_968] {strides = array<i32>} : memref<80x128xi32, #tpu.memory_space<vmem>>, vector<16xi32>,
          %bitcast3A_970 = vector.bitcast %get3A_969 : vector<16xi32> to vector<32xbf16>
          %get3A_971 = arith.constant 0 : i32
          %get3A_972 = arith.constant 0 : i32
          %get3A_973 = tpu.memref_slice %arg10[%scan3A_88, %get3A_971, %get3A_972] : memref<2x80x128xi32, #tpu.memory_space<vmem>> -> memref<1x80x128xi32, #tpu.memory_space<vmem>>
          %get3A_974 = tpu.memref_squeeze %get3A_973 : memref<1x80x128xi32, #tpu.memory_space<vmem>> -> memref<80x128xi32, #tpu.memory_space<vmem>>
          %get3A_975 = arith.index_cast %add3A_945 : i32 to index
          %get3A_976 = arith.constant 16 : index
          %get3A_977 = tpu.vector_load %get3A_974[%get3A_975, %get3A_976] {strides = array<i32>} : memref<80x128xi32, #tpu.memory_space<vmem>>, vector<16xi32>,
          %bitcast3A_978 = vector.bitcast %get3A_977 : vector<16xi32> to vector<32xbf16>
          %mul3A_979 = arith.mulf %bitcast3A_970, %bitcast3A_978 : vector<32xbf16>
          %get3A_980 = arith.constant 0 : i32
          %get3A_981 = arith.constant 0 : i32
          %get3A_982 = tpu.memref_slice %arg9[%scan3A_87, %get3A_980, %get3A_981] : memref<2x80x128xi32, #tpu.memory_space<vmem>> -> memref<1x80x128xi32, #tpu.memory_space<vmem>>
          %get3A_983 = tpu.memref_squeeze %get3A_982 : memref<1x80x128xi32, #tpu.memory_space<vmem>> -> memref<80x128xi32, #tpu.memory_space<vmem>>
          %get3A_984 = arith.index_cast %add3A_945 : i32 to index
          %get3A_985 = arith.constant 32 : index
          %get3A_986 = tpu.vector_load %get3A_983[%get3A_984, %get3A_985] {strides = array<i32>} : memref<80x128xi32, #tpu.memory_space<vmem>>, vector<16xi32>,
          %bitcast3A_987 = vector.bitcast %get3A_986 : vector<16xi32> to vector<32xbf16>
          %get3A_988 = arith.constant 0 : i32
          %get3A_989 = arith.constant 0 : i32
          %get3A_990 = tpu.memref_slice %arg10[%scan3A_88, %get3A_988, %get3A_989] : memref<2x80x128xi32, #tpu.memory_space<vmem>> -> memref<1x80x128xi32, #tpu.memory_space<vmem>>
          %get3A_991 = tpu.memref_squeeze %get3A_990 : memref<1x80x128xi32, #tpu.memory_space<vmem>> -> memref<80x128xi32, #tpu.memory_space<vmem>>
          %get3A_992 = arith.index_cast %add3A_945 : i32 to index
          %get3A_993 = arith.constant 32 : index
          %get3A_994 = tpu.vector_load %get3A_991[%get3A_992, %get3A_993] {strides = array<i32>} : memref<80x128xi32, #tpu.memory_space<vmem>>, vector<16xi32>,
          %bitcast3A_995 = vector.bitcast %get3A_994 : vector<16xi32> to vector<32xbf16>
          %mul3A_996 = arith.mulf %bitcast3A_987, %bitcast3A_995 : vector<32xbf16>
          %get3A_997 = arith.constant 0 : i32
          %get3A_998 = arith.constant 0 : i32
          %get3A_999 = tpu.memref_slice %arg9[%scan3A_87, %get3A_997, %get3A_998] : memref<2x80x128xi32, #tpu.memory_space<vmem>> -> memref<1x80x128xi32, #tpu.memory_space<vmem>>
          %get3A_1000 = tpu.memref_squeeze %get3A_999 : memref<1x80x128xi32, #tpu.memory_space<vmem>> -> memref<80x128xi32, #tpu.memory_space<vmem>>
          %get3A_1001 = arith.index_cast %add3A_945 : i32 to index
          %get3A_1002 = arith.constant 48 : index
          %get3A_1003 = tpu.vector_load %get3A_1000[%get3A_1001, %get3A_1002] {strides = array<i32>} : memref<80x128xi32, #tpu.memory_space<vmem>>, vector<16xi32>,
          %bitcast3A_1004 = vector.bitcast %get3A_1003 : vector<16xi32> to vector<32xbf16>
          %get3A_1005 = arith.constant 0 : i32
          %get3A_1006 = arith.constant 0 : i32
          %get3A_1007 = tpu.memref_slice %arg10[%scan3A_88, %get3A_1005, %get3A_1006] : memref<2x80x128xi32, #tpu.memory_space<vmem>> -> memref<1x80x128xi32, #tpu.memory_space<vmem>>
          %get3A_1008 = tpu.memref_squeeze %get3A_1007 : memref<1x80x128xi32, #tpu.memory_space<vmem>> -> memref<80x128xi32, #tpu.memory_space<vmem>>
          %get3A_1009 = arith.index_cast %add3A_945 : i32 to index
          %get3A_1010 = arith.constant 48 : index
          %get3A_1011 = tpu.vector_load %get3A_1008[%get3A_1009, %get3A_1010] {strides = array<i32>} : memref<80x128xi32, #tpu.memory_space<vmem>>, vector<16xi32>,
          %bitcast3A_1012 = vector.bitcast %get3A_1011 : vector<16xi32> to vector<32xbf16>
          %mul3A_1013 = arith.mulf %bitcast3A_1004, %bitcast3A_1012 : vector<32xbf16>
          %add3A_1014 = arith.addf %mul3A_962, %mul3A_979 : vector<32xbf16>
          %unpack3A_1015 = tpu.unpack_subelements %add3A_1014, 0 {pack_format = #tpu.pack_format<interleaved>} : vector<32xbf16> -> vector<16xf32>
          %unpack3A_1016 = tpu.unpack_subelements %add3A_1014, 1 {pack_format = #tpu.pack_format<interleaved>} : vector<32xbf16> -> vector<16xf32>
          %add3A_1017 = arith.addf %unpack3A_1015, %unpack3A_1016 : vector<16xf32>
          %add3A_1018 = arith.addf %mul3A_996, %mul3A_1013 : vector<32xbf16>
          %unpack3A_1019 = tpu.unpack_subelements %add3A_1018, 0 {pack_format = #tpu.pack_format<interleaved>} : vector<32xbf16> -> vector<16xf32>
          %unpack3A_1020 = tpu.unpack_subelements %add3A_1018, 1 {pack_format = #tpu.pack_format<interleaved>} : vector<32xbf16> -> vector<16xf32>
          %add3A_1021 = arith.addf %unpack3A_1019, %unpack3A_1020 : vector<16xf32>
          %add3A_1022 = arith.addf %add3A_1017, %add3A_1021 : vector<16xf32>
          %mul3A_1023 = arith.constant 80 : i32
          %mul3A_1024 = arith.muli %add3A_46, %mul3A_1023 : i32
          %add3A_1025 = arith.addi %mul3A_1024, %mul3A_96 : i32
          %add3A_1026 = arith.constant 10 : i32
          %add3A_1027 = arith.addi %add3A_1025, %add3A_1026 : i32
          %broadcast_in_dim3A_1028 = vector.broadcast %add3A_1027 : i32 to vector<16xi32>
          tpu.vector_store_idx %arg11[%broadcast_in_dim3A_1028], %add3A_1022 {add = true} : memref<10000xf32, #tpu.memory_space<vmem>>[vector<16xi32>], vector<16xf32>,
          %add3A_1029 = arith.constant 11 : i32
          %add3A_1030 = arith.addi %mul3A_96, %add3A_1029 : i32
          %get3A_1031 = arith.constant 0 : i32
          %get3A_1032 = arith.constant 0 : i32
          %get3A_1033 = tpu.memref_slice %arg9[%scan3A_87, %get3A_1031, %get3A_1032] : memref<2x80x128xi32, #tpu.memory_space<vmem>> -> memref<1x80x128xi32, #tpu.memory_space<vmem>>
          %get3A_1034 = tpu.memref_squeeze %get3A_1033 : memref<1x80x128xi32, #tpu.memory_space<vmem>> -> memref<80x128xi32, #tpu.memory_space<vmem>>
          %get3A_1035 = arith.index_cast %add3A_1030 : i32 to index
          %get3A_1036 = arith.constant 0 : index
          %get3A_1037 = tpu.vector_load %get3A_1034[%get3A_1035, %get3A_1036] {strides = array<i32>} : memref<80x128xi32, #tpu.memory_space<vmem>>, vector<16xi32>,
          %bitcast3A_1038 = vector.bitcast %get3A_1037 : vector<16xi32> to vector<32xbf16>
          %get3A_1039 = arith.constant 0 : i32
          %get3A_1040 = arith.constant 0 : i32
          %get3A_1041 = tpu.memref_slice %arg10[%scan3A_88, %get3A_1039, %get3A_1040] : memref<2x80x128xi32, #tpu.memory_space<vmem>> -> memref<1x80x128xi32, #tpu.memory_space<vmem>>
          %get3A_1042 = tpu.memref_squeeze %get3A_1041 : memref<1x80x128xi32, #tpu.memory_space<vmem>> -> memref<80x128xi32, #tpu.memory_space<vmem>>
          %get3A_1043 = arith.index_cast %add3A_1030 : i32 to index
          %get3A_1044 = arith.constant 0 : index
          %get3A_1045 = tpu.vector_load %get3A_1042[%get3A_1043, %get3A_1044] {strides = array<i32>} : memref<80x128xi32, #tpu.memory_space<vmem>>, vector<16xi32>,
          %bitcast3A_1046 = vector.bitcast %get3A_1045 : vector<16xi32> to vector<32xbf16>
          %mul3A_1047 = arith.mulf %bitcast3A_1038, %bitcast3A_1046 : vector<32xbf16>
          %get3A_1048 = arith.constant 0 : i32
          %get3A_1049 = arith.constant 0 : i32
          %get3A_1050 = tpu.memref_slice %arg9[%scan3A_87, %get3A_1048, %get3A_1049] : memref<2x80x128xi32, #tpu.memory_space<vmem>> -> memref<1x80x128xi32, #tpu.memory_space<vmem>>
          %get3A_1051 = tpu.memref_squeeze %get3A_1050 : memref<1x80x128xi32, #tpu.memory_space<vmem>> -> memref<80x128xi32, #tpu.memory_space<vmem>>
          %get3A_1052 = arith.index_cast %add3A_1030 : i32 to index
          %get3A_1053 = arith.constant 16 : index
          %get3A_1054 = tpu.vector_load %get3A_1051[%get3A_1052, %get3A_1053] {strides = array<i32>} : memref<80x128xi32, #tpu.memory_space<vmem>>, vector<16xi32>,
          %bitcast3A_1055 = vector.bitcast %get3A_1054 : vector<16xi32> to vector<32xbf16>
          %get3A_1056 = arith.constant 0 : i32
          %get3A_1057 = arith.constant 0 : i32
          %get3A_1058 = tpu.memref_slice %arg10[%scan3A_88, %get3A_1056, %get3A_1057] : memref<2x80x128xi32, #tpu.memory_space<vmem>> -> memref<1x80x128xi32, #tpu.memory_space<vmem>>
          %get3A_1059 = tpu.memref_squeeze %get3A_1058 : memref<1x80x128xi32, #tpu.memory_space<vmem>> -> memref<80x128xi32, #tpu.memory_space<vmem>>
          %get3A_1060 = arith.index_cast %add3A_1030 : i32 to index
          %get3A_1061 = arith.constant 16 : index
          %get3A_1062 = tpu.vector_load %get3A_1059[%get3A_1060, %get3A_1061] {strides = array<i32>} : memref<80x128xi32, #tpu.memory_space<vmem>>, vector<16xi32>,
          %bitcast3A_1063 = vector.bitcast %get3A_1062 : vector<16xi32> to vector<32xbf16>
          %mul3A_1064 = arith.mulf %bitcast3A_1055, %bitcast3A_1063 : vector<32xbf16>
          %get3A_1065 = arith.constant 0 : i32
          %get3A_1066 = arith.constant 0 : i32
          %get3A_1067 = tpu.memref_slice %arg9[%scan3A_87, %get3A_1065, %get3A_1066] : memref<2x80x128xi32, #tpu.memory_space<vmem>> -> memref<1x80x128xi32, #tpu.memory_space<vmem>>
          %get3A_1068 = tpu.memref_squeeze %get3A_1067 : memref<1x80x128xi32, #tpu.memory_space<vmem>> -> memref<80x128xi32, #tpu.memory_space<vmem>>
          %get3A_1069 = arith.index_cast %add3A_1030 : i32 to index
          %get3A_1070 = arith.constant 32 : index
          %get3A_1071 = tpu.vector_load %get3A_1068[%get3A_1069, %get3A_1070] {strides = array<i32>} : memref<80x128xi32, #tpu.memory_space<vmem>>, vector<16xi32>,
          %bitcast3A_1072 = vector.bitcast %get3A_1071 : vector<16xi32> to vector<32xbf16>
          %get3A_1073 = arith.constant 0 : i32
          %get3A_1074 = arith.constant 0 : i32
          %get3A_1075 = tpu.memref_slice %arg10[%scan3A_88, %get3A_1073, %get3A_1074] : memref<2x80x128xi32, #tpu.memory_space<vmem>> -> memref<1x80x128xi32, #tpu.memory_space<vmem>>
          %get3A_1076 = tpu.memref_squeeze %get3A_1075 : memref<1x80x128xi32, #tpu.memory_space<vmem>> -> memref<80x128xi32, #tpu.memory_space<vmem>>
          %get3A_1077 = arith.index_cast %add3A_1030 : i32 to index
          %get3A_1078 = arith.constant 32 : index
          %get3A_1079 = tpu.vector_load %get3A_1076[%get3A_1077, %get3A_1078] {strides = array<i32>} : memref<80x128xi32, #tpu.memory_space<vmem>>, vector<16xi32>,
          %bitcast3A_1080 = vector.bitcast %get3A_1079 : vector<16xi32> to vector<32xbf16>
          %mul3A_1081 = arith.mulf %bitcast3A_1072, %bitcast3A_1080 : vector<32xbf16>
          %get3A_1082 = arith.constant 0 : i32
          %get3A_1083 = arith.constant 0 : i32
          %get3A_1084 = tpu.memref_slice %arg9[%scan3A_87, %get3A_1082, %get3A_1083] : memref<2x80x128xi32, #tpu.memory_space<vmem>> -> memref<1x80x128xi32, #tpu.memory_space<vmem>>
          %get3A_1085 = tpu.memref_squeeze %get3A_1084 : memref<1x80x128xi32, #tpu.memory_space<vmem>> -> memref<80x128xi32, #tpu.memory_space<vmem>>
          %get3A_1086 = arith.index_cast %add3A_1030 : i32 to index
          %get3A_1087 = arith.constant 48 : index
          %get3A_1088 = tpu.vector_load %get3A_1085[%get3A_1086, %get3A_1087] {strides = array<i32>} : memref<80x128xi32, #tpu.memory_space<vmem>>, vector<16xi32>,
          %bitcast3A_1089 = vector.bitcast %get3A_1088 : vector<16xi32> to vector<32xbf16>
          %get3A_1090 = arith.constant 0 : i32
          %get3A_1091 = arith.constant 0 : i32
          %get3A_1092 = tpu.memref_slice %arg10[%scan3A_88, %get3A_1090, %get3A_1091] : memref<2x80x128xi32, #tpu.memory_space<vmem>> -> memref<1x80x128xi32, #tpu.memory_space<vmem>>
          %get3A_1093 = tpu.memref_squeeze %get3A_1092 : memref<1x80x128xi32, #tpu.memory_space<vmem>> -> memref<80x128xi32, #tpu.memory_space<vmem>>
          %get3A_1094 = arith.index_cast %add3A_1030 : i32 to index
          %get3A_1095 = arith.constant 48 : index
          %get3A_1096 = tpu.vector_load %get3A_1093[%get3A_1094, %get3A_1095] {strides = array<i32>} : memref<80x128xi32, #tpu.memory_space<vmem>>, vector<16xi32>,
          %bitcast3A_1097 = vector.bitcast %get3A_1096 : vector<16xi32> to vector<32xbf16>
          %mul3A_1098 = arith.mulf %bitcast3A_1089, %bitcast3A_1097 : vector<32xbf16>
          %add3A_1099 = arith.addf %mul3A_1047, %mul3A_1064 : vector<32xbf16>
          %unpack3A_1100 = tpu.unpack_subelements %add3A_1099, 0 {pack_format = #tpu.pack_format<interleaved>} : vector<32xbf16> -> vector<16xf32>
          %unpack3A_1101 = tpu.unpack_subelements %add3A_1099, 1 {pack_format = #tpu.pack_format<interleaved>} : vector<32xbf16> -> vector<16xf32>
          %add3A_1102 = arith.addf %unpack3A_1100, %unpack3A_1101 : vector<16xf32>
          %add3A_1103 = arith.addf %mul3A_1081, %mul3A_1098 : vector<32xbf16>
          %unpack3A_1104 = tpu.unpack_subelements %add3A_1103, 0 {pack_format = #tpu.pack_format<interleaved>} : vector<32xbf16> -> vector<16xf32>
          %unpack3A_1105 = tpu.unpack_subelements %add3A_1103, 1 {pack_format = #tpu.pack_format<interleaved>} : vector<32xbf16> -> vector<16xf32>
          %add3A_1106 = arith.addf %unpack3A_1104, %unpack3A_1105 : vector<16xf32>
          %add3A_1107 = arith.addf %add3A_1102, %add3A_1106 : vector<16xf32>
          %mul3A_1108 = arith.constant 80 : i32
          %mul3A_1109 = arith.muli %add3A_46, %mul3A_1108 : i32
          %add3A_1110 = arith.addi %mul3A_1109, %mul3A_96 : i32
          %add3A_1111 = arith.constant 11 : i32
          %add3A_1112 = arith.addi %add3A_1110, %add3A_1111 : i32
          %broadcast_in_dim3A_1113 = vector.broadcast %add3A_1112 : i32 to vector<16xi32>
          tpu.vector_store_idx %arg11[%broadcast_in_dim3A_1113], %add3A_1107 {add = true} : memref<10000xf32, #tpu.memory_space<vmem>>[vector<16xi32>], vector<16xf32>,
          %add3A_1114 = arith.constant 12 : i32
          %add3A_1115 = arith.addi %mul3A_96, %add3A_1114 : i32
          %get3A_1116 = arith.constant 0 : i32
          %get3A_1117 = arith.constant 0 : i32
          %get3A_1118 = tpu.memref_slice %arg9[%scan3A_87, %get3A_1116, %get3A_1117] : memref<2x80x128xi32, #tpu.memory_space<vmem>> -> memref<1x80x128xi32, #tpu.memory_space<vmem>>
          %get3A_1119 = tpu.memref_squeeze %get3A_1118 : memref<1x80x128xi32, #tpu.memory_space<vmem>> -> memref<80x128xi32, #tpu.memory_space<vmem>>
          %get3A_1120 = arith.index_cast %add3A_1115 : i32 to index
          %get3A_1121 = arith.constant 0 : index
          %get3A_1122 = tpu.vector_load %get3A_1119[%get3A_1120, %get3A_1121] {strides = array<i32>} : memref<80x128xi32, #tpu.memory_space<vmem>>, vector<16xi32>,
          %bitcast3A_1123 = vector.bitcast %get3A_1122 : vector<16xi32> to vector<32xbf16>
          %get3A_1124 = arith.constant 0 : i32
          %get3A_1125 = arith.constant 0 : i32
          %get3A_1126 = tpu.memref_slice %arg10[%scan3A_88, %get3A_1124, %get3A_1125] : memref<2x80x128xi32, #tpu.memory_space<vmem>> -> memref<1x80x128xi32, #tpu.memory_space<vmem>>
          %get3A_1127 = tpu.memref_squeeze %get3A_1126 : memref<1x80x128xi32, #tpu.memory_space<vmem>> -> memref<80x128xi32, #tpu.memory_space<vmem>>
          %get3A_1128 = arith.index_cast %add3A_1115 : i32 to index
          %get3A_1129 = arith.constant 0 : index
          %get3A_1130 = tpu.vector_load %get3A_1127[%get3A_1128, %get3A_1129] {strides = array<i32>} : memref<80x128xi32, #tpu.memory_space<vmem>>, vector<16xi32>,
          %bitcast3A_1131 = vector.bitcast %get3A_1130 : vector<16xi32> to vector<32xbf16>
          %mul3A_1132 = arith.mulf %bitcast3A_1123, %bitcast3A_1131 : vector<32xbf16>
          %get3A_1133 = arith.constant 0 : i32
          %get3A_1134 = arith.constant 0 : i32
          %get3A_1135 = tpu.memref_slice %arg9[%scan3A_87, %get3A_1133, %get3A_1134] : memref<2x80x128xi32, #tpu.memory_space<vmem>> -> memref<1x80x128xi32, #tpu.memory_space<vmem>>
          %get3A_1136 = tpu.memref_squeeze %get3A_1135 : memref<1x80x128xi32, #tpu.memory_space<vmem>> -> memref<80x128xi32, #tpu.memory_space<vmem>>
          %get3A_1137 = arith.index_cast %add3A_1115 : i32 to index
          %get3A_1138 = arith.constant 16 : index
          %get3A_1139 = tpu.vector_load %get3A_1136[%get3A_1137, %get3A_1138] {strides = array<i32>} : memref<80x128xi32, #tpu.memory_space<vmem>>, vector<16xi32>,
          %bitcast3A_1140 = vector.bitcast %get3A_1139 : vector<16xi32> to vector<32xbf16>
          %get3A_1141 = arith.constant 0 : i32
          %get3A_1142 = arith.constant 0 : i32
          %get3A_1143 = tpu.memref_slice %arg10[%scan3A_88, %get3A_1141, %get3A_1142] : memref<2x80x128xi32, #tpu.memory_space<vmem>> -> memref<1x80x128xi32, #tpu.memory_space<vmem>>
          %get3A_1144 = tpu.memref_squeeze %get3A_1143 : memref<1x80x128xi32, #tpu.memory_space<vmem>> -> memref<80x128xi32, #tpu.memory_space<vmem>>
          %get3A_1145 = arith.index_cast %add3A_1115 : i32 to index
          %get3A_1146 = arith.constant 16 : index
          %get3A_1147 = tpu.vector_load %get3A_1144[%get3A_1145, %get3A_1146] {strides = array<i32>} : memref<80x128xi32, #tpu.memory_space<vmem>>, vector<16xi32>,
          %bitcast3A_1148 = vector.bitcast %get3A_1147 : vector<16xi32> to vector<32xbf16>
          %mul3A_1149 = arith.mulf %bitcast3A_1140, %bitcast3A_1148 : vector<32xbf16>
          %get3A_1150 = arith.constant 0 : i32
          %get3A_1151 = arith.constant 0 : i32
          %get3A_1152 = tpu.memref_slice %arg9[%scan3A_87, %get3A_1150, %get3A_1151] : memref<2x80x128xi32, #tpu.memory_space<vmem>> -> memref<1x80x128xi32, #tpu.memory_space<vmem>>
          %get3A_1153 = tpu.memref_squeeze %get3A_1152 : memref<1x80x128xi32, #tpu.memory_space<vmem>> -> memref<80x128xi32, #tpu.memory_space<vmem>>
          %get3A_1154 = arith.index_cast %add3A_1115 : i32 to index
          %get3A_1155 = arith.constant 32 : index
          %get3A_1156 = tpu.vector_load %get3A_1153[%get3A_1154, %get3A_1155] {strides = array<i32>} : memref<80x128xi32, #tpu.memory_space<vmem>>, vector<16xi32>,
          %bitcast3A_1157 = vector.bitcast %get3A_1156 : vector<16xi32> to vector<32xbf16>
          %get3A_1158 = arith.constant 0 : i32
          %get3A_1159 = arith.constant 0 : i32
          %get3A_1160 = tpu.memref_slice %arg10[%scan3A_88, %get3A_1158, %get3A_1159] : memref<2x80x128xi32, #tpu.memory_space<vmem>> -> memref<1x80x128xi32, #tpu.memory_space<vmem>>
          %get3A_1161 = tpu.memref_squeeze %get3A_1160 : memref<1x80x128xi32, #tpu.memory_space<vmem>> -> memref<80x128xi32, #tpu.memory_space<vmem>>
          %get3A_1162 = arith.index_cast %add3A_1115 : i32 to index
          %get3A_1163 = arith.constant 32 : index
          %get3A_1164 = tpu.vector_load %get3A_1161[%get3A_1162, %get3A_1163] {strides = array<i32>} : memref<80x128xi32, #tpu.memory_space<vmem>>, vector<16xi32>,
          %bitcast3A_1165 = vector.bitcast %get3A_1164 : vector<16xi32> to vector<32xbf16>
          %mul3A_1166 = arith.mulf %bitcast3A_1157, %bitcast3A_1165 : vector<32xbf16>
          %get3A_1167 = arith.constant 0 : i32
          %get3A_1168 = arith.constant 0 : i32
          %get3A_1169 = tpu.memref_slice %arg9[%scan3A_87, %get3A_1167, %get3A_1168] : memref<2x80x128xi32, #tpu.memory_space<vmem>> -> memref<1x80x128xi32, #tpu.memory_space<vmem>>
          %get3A_1170 = tpu.memref_squeeze %get3A_1169 : memref<1x80x128xi32, #tpu.memory_space<vmem>> -> memref<80x128xi32, #tpu.memory_space<vmem>>
          %get3A_1171 = arith.index_cast %add3A_1115 : i32 to index
          %get3A_1172 = arith.constant 48 : index
          %get3A_1173 = tpu.vector_load %get3A_1170[%get3A_1171, %get3A_1172] {strides = array<i32>} : memref<80x128xi32, #tpu.memory_space<vmem>>, vector<16xi32>,
          %bitcast3A_1174 = vector.bitcast %get3A_1173 : vector<16xi32> to vector<32xbf16>
          %get3A_1175 = arith.constant 0 : i32
          %get3A_1176 = arith.constant 0 : i32
          %get3A_1177 = tpu.memref_slice %arg10[%scan3A_88, %get3A_1175, %get3A_1176] : memref<2x80x128xi32, #tpu.memory_space<vmem>> -> memref<1x80x128xi32, #tpu.memory_space<vmem>>
          %get3A_1178 = tpu.memref_squeeze %get3A_1177 : memref<1x80x128xi32, #tpu.memory_space<vmem>> -> memref<80x128xi32, #tpu.memory_space<vmem>>
          %get3A_1179 = arith.index_cast %add3A_1115 : i32 to index
          %get3A_1180 = arith.constant 48 : index
          %get3A_1181 = tpu.vector_load %get3A_1178[%get3A_1179, %get3A_1180] {strides = array<i32>} : memref<80x128xi32, #tpu.memory_space<vmem>>, vector<16xi32>,
          %bitcast3A_1182 = vector.bitcast %get3A_1181 : vector<16xi32> to vector<32xbf16>
          %mul3A_1183 = arith.mulf %bitcast3A_1174, %bitcast3A_1182 : vector<32xbf16>
          %add3A_1184 = arith.addf %mul3A_1132, %mul3A_1149 : vector<32xbf16>
          %unpack3A_1185 = tpu.unpack_subelements %add3A_1184, 0 {pack_format = #tpu.pack_format<interleaved>} : vector<32xbf16> -> vector<16xf32>
          %unpack3A_1186 = tpu.unpack_subelements %add3A_1184, 1 {pack_format = #tpu.pack_format<interleaved>} : vector<32xbf16> -> vector<16xf32>
          %add3A_1187 = arith.addf %unpack3A_1185, %unpack3A_1186 : vector<16xf32>
          %add3A_1188 = arith.addf %mul3A_1166, %mul3A_1183 : vector<32xbf16>
          %unpack3A_1189 = tpu.unpack_subelements %add3A_1188, 0 {pack_format = #tpu.pack_format<interleaved>} : vector<32xbf16> -> vector<16xf32>
          %unpack3A_1190 = tpu.unpack_subelements %add3A_1188, 1 {pack_format = #tpu.pack_format<interleaved>} : vector<32xbf16> -> vector<16xf32>
          %add3A_1191 = arith.addf %unpack3A_1189, %unpack3A_1190 : vector<16xf32>
          %add3A_1192 = arith.addf %add3A_1187, %add3A_1191 : vector<16xf32>
          %mul3A_1193 = arith.constant 80 : i32
          %mul3A_1194 = arith.muli %add3A_46, %mul3A_1193 : i32
          %add3A_1195 = arith.addi %mul3A_1194, %mul3A_96 : i32
          %add3A_1196 = arith.constant 12 : i32
          %add3A_1197 = arith.addi %add3A_1195, %add3A_1196 : i32
          %broadcast_in_dim3A_1198 = vector.broadcast %add3A_1197 : i32 to vector<16xi32>
          tpu.vector_store_idx %arg11[%broadcast_in_dim3A_1198], %add3A_1192 {add = true} : memref<10000xf32, #tpu.memory_space<vmem>>[vector<16xi32>], vector<16xf32>,
          %add3A_1199 = arith.constant 13 : i32
          %add3A_1200 = arith.addi %mul3A_96, %add3A_1199 : i32
          %get3A_1201 = arith.constant 0 : i32
          %get3A_1202 = arith.constant 0 : i32
          %get3A_1203 = tpu.memref_slice %arg9[%scan3A_87, %get3A_1201, %get3A_1202] : memref<2x80x128xi32, #tpu.memory_space<vmem>> -> memref<1x80x128xi32, #tpu.memory_space<vmem>>
          %get3A_1204 = tpu.memref_squeeze %get3A_1203 : memref<1x80x128xi32, #tpu.memory_space<vmem>> -> memref<80x128xi32, #tpu.memory_space<vmem>>
          %get3A_1205 = arith.index_cast %add3A_1200 : i32 to index
          %get3A_1206 = arith.constant 0 : index
          %get3A_1207 = tpu.vector_load %get3A_1204[%get3A_1205, %get3A_1206] {strides = array<i32>} : memref<80x128xi32, #tpu.memory_space<vmem>>, vector<16xi32>,
          %bitcast3A_1208 = vector.bitcast %get3A_1207 : vector<16xi32> to vector<32xbf16>
          %get3A_1209 = arith.constant 0 : i32
          %get3A_1210 = arith.constant 0 : i32
          %get3A_1211 = tpu.memref_slice %arg10[%scan3A_88, %get3A_1209, %get3A_1210] : memref<2x80x128xi32, #tpu.memory_space<vmem>> -> memref<1x80x128xi32, #tpu.memory_space<vmem>>
          %get3A_1212 = tpu.memref_squeeze %get3A_1211 : memref<1x80x128xi32, #tpu.memory_space<vmem>> -> memref<80x128xi32, #tpu.memory_space<vmem>>
          %get3A_1213 = arith.index_cast %add3A_1200 : i32 to index
          %get3A_1214 = arith.constant 0 : index
          %get3A_1215 = tpu.vector_load %get3A_1212[%get3A_1213, %get3A_1214] {strides = array<i32>} : memref<80x128xi32, #tpu.memory_space<vmem>>, vector<16xi32>,
          %bitcast3A_1216 = vector.bitcast %get3A_1215 : vector<16xi32> to vector<32xbf16>
          %mul3A_1217 = arith.mulf %bitcast3A_1208, %bitcast3A_1216 : vector<32xbf16>
          %get3A_1218 = arith.constant 0 : i32
          %get3A_1219 = arith.constant 0 : i32
          %get3A_1220 = tpu.memref_slice %arg9[%scan3A_87, %get3A_1218, %get3A_1219] : memref<2x80x128xi32, #tpu.memory_space<vmem>> -> memref<1x80x128xi32, #tpu.memory_space<vmem>>
          %get3A_1221 = tpu.memref_squeeze %get3A_1220 : memref<1x80x128xi32, #tpu.memory_space<vmem>> -> memref<80x128xi32, #tpu.memory_space<vmem>>
          %get3A_1222 = arith.index_cast %add3A_1200 : i32 to index
          %get3A_1223 = arith.constant 16 : index
          %get3A_1224 = tpu.vector_load %get3A_1221[%get3A_1222, %get3A_1223] {strides = array<i32>} : memref<80x128xi32, #tpu.memory_space<vmem>>, vector<16xi32>,
          %bitcast3A_1225 = vector.bitcast %get3A_1224 : vector<16xi32> to vector<32xbf16>
          %get3A_1226 = arith.constant 0 : i32
          %get3A_1227 = arith.constant 0 : i32
          %get3A_1228 = tpu.memref_slice %arg10[%scan3A_88, %get3A_1226, %get3A_1227] : memref<2x80x128xi32, #tpu.memory_space<vmem>> -> memref<1x80x128xi32, #tpu.memory_space<vmem>>
          %get3A_1229 = tpu.memref_squeeze %get3A_1228 : memref<1x80x128xi32, #tpu.memory_space<vmem>> -> memref<80x128xi32, #tpu.memory_space<vmem>>
          %get3A_1230 = arith.index_cast %add3A_1200 : i32 to index
          %get3A_1231 = arith.constant 16 : index
          %get3A_1232 = tpu.vector_load %get3A_1229[%get3A_1230, %get3A_1231] {strides = array<i32>} : memref<80x128xi32, #tpu.memory_space<vmem>>, vector<16xi32>,
          %bitcast3A_1233 = vector.bitcast %get3A_1232 : vector<16xi32> to vector<32xbf16>
          %mul3A_1234 = arith.mulf %bitcast3A_1225, %bitcast3A_1233 : vector<32xbf16>
          %get3A_1235 = arith.constant 0 : i32
          %get3A_1236 = arith.constant 0 : i32
          %get3A_1237 = tpu.memref_slice %arg9[%scan3A_87, %get3A_1235, %get3A_1236] : memref<2x80x128xi32, #tpu.memory_space<vmem>> -> memref<1x80x128xi32, #tpu.memory_space<vmem>>
          %get3A_1238 = tpu.memref_squeeze %get3A_1237 : memref<1x80x128xi32, #tpu.memory_space<vmem>> -> memref<80x128xi32, #tpu.memory_space<vmem>>
          %get3A_1239 = arith.index_cast %add3A_1200 : i32 to index
          %get3A_1240 = arith.constant 32 : index
          %get3A_1241 = tpu.vector_load %get3A_1238[%get3A_1239, %get3A_1240] {strides = array<i32>} : memref<80x128xi32, #tpu.memory_space<vmem>>, vector<16xi32>,
          %bitcast3A_1242 = vector.bitcast %get3A_1241 : vector<16xi32> to vector<32xbf16>
          %get3A_1243 = arith.constant 0 : i32
          %get3A_1244 = arith.constant 0 : i32
          %get3A_1245 = tpu.memref_slice %arg10[%scan3A_88, %get3A_1243, %get3A_1244] : memref<2x80x128xi32, #tpu.memory_space<vmem>> -> memref<1x80x128xi32, #tpu.memory_space<vmem>>
          %get3A_1246 = tpu.memref_squeeze %get3A_1245 : memref<1x80x128xi32, #tpu.memory_space<vmem>> -> memref<80x128xi32, #tpu.memory_space<vmem>>
          %get3A_1247 = arith.index_cast %add3A_1200 : i32 to index
          %get3A_1248 = arith.constant 32 : index
          %get3A_1249 = tpu.vector_load %get3A_1246[%get3A_1247, %get3A_1248] {strides = array<i32>} : memref<80x128xi32, #tpu.memory_space<vmem>>, vector<16xi32>,
          %bitcast3A_1250 = vector.bitcast %get3A_1249 : vector<16xi32> to vector<32xbf16>
          %mul3A_1251 = arith.mulf %bitcast3A_1242, %bitcast3A_1250 : vector<32xbf16>
          %get3A_1252 = arith.constant 0 : i32
          %get3A_1253 = arith.constant 0 : i32
          %get3A_1254 = tpu.memref_slice %arg9[%scan3A_87, %get3A_1252, %get3A_1253] : memref<2x80x128xi32, #tpu.memory_space<vmem>> -> memref<1x80x128xi32, #tpu.memory_space<vmem>>
          %get3A_1255 = tpu.memref_squeeze %get3A_1254 : memref<1x80x128xi32, #tpu.memory_space<vmem>> -> memref<80x128xi32, #tpu.memory_space<vmem>>
          %get3A_1256 = arith.index_cast %add3A_1200 : i32 to index
          %get3A_1257 = arith.constant 48 : index
          %get3A_1258 = tpu.vector_load %get3A_1255[%get3A_1256, %get3A_1257] {strides = array<i32>} : memref<80x128xi32, #tpu.memory_space<vmem>>, vector<16xi32>,
          %bitcast3A_1259 = vector.bitcast %get3A_1258 : vector<16xi32> to vector<32xbf16>
          %get3A_1260 = arith.constant 0 : i32
          %get3A_1261 = arith.constant 0 : i32
          %get3A_1262 = tpu.memref_slice %arg10[%scan3A_88, %get3A_1260, %get3A_1261] : memref<2x80x128xi32, #tpu.memory_space<vmem>> -> memref<1x80x128xi32, #tpu.memory_space<vmem>>
          %get3A_1263 = tpu.memref_squeeze %get3A_1262 : memref<1x80x128xi32, #tpu.memory_space<vmem>> -> memref<80x128xi32, #tpu.memory_space<vmem>>
          %get3A_1264 = arith.index_cast %add3A_1200 : i32 to index
          %get3A_1265 = arith.constant 48 : index
          %get3A_1266 = tpu.vector_load %get3A_1263[%get3A_1264, %get3A_1265] {strides = array<i32>} : memref<80x128xi32, #tpu.memory_space<vmem>>, vector<16xi32>,
          %bitcast3A_1267 = vector.bitcast %get3A_1266 : vector<16xi32> to vector<32xbf16>
          %mul3A_1268 = arith.mulf %bitcast3A_1259, %bitcast3A_1267 : vector<32xbf16>
          %add3A_1269 = arith.addf %mul3A_1217, %mul3A_1234 : vector<32xbf16>
          %unpack3A_1270 = tpu.unpack_subelements %add3A_1269, 0 {pack_format = #tpu.pack_format<interleaved>} : vector<32xbf16> -> vector<16xf32>
          %unpack3A_1271 = tpu.unpack_subelements %add3A_1269, 1 {pack_format = #tpu.pack_format<interleaved>} : vector<32xbf16> -> vector<16xf32>
          %add3A_1272 = arith.addf %unpack3A_1270, %unpack3A_1271 : vector<16xf32>
          %add3A_1273 = arith.addf %mul3A_1251, %mul3A_1268 : vector<32xbf16>
          %unpack3A_1274 = tpu.unpack_subelements %add3A_1273, 0 {pack_format = #tpu.pack_format<interleaved>} : vector<32xbf16> -> vector<16xf32>
          %unpack3A_1275 = tpu.unpack_subelements %add3A_1273, 1 {pack_format = #tpu.pack_format<interleaved>} : vector<32xbf16> -> vector<16xf32>
          %add3A_1276 = arith.addf %unpack3A_1274, %unpack3A_1275 : vector<16xf32>
          %add3A_1277 = arith.addf %add3A_1272, %add3A_1276 : vector<16xf32>
          %mul3A_1278 = arith.constant 80 : i32
          %mul3A_1279 = arith.muli %add3A_46, %mul3A_1278 : i32
          %add3A_1280 = arith.addi %mul3A_1279, %mul3A_96 : i32
          %add3A_1281 = arith.constant 13 : i32
          %add3A_1282 = arith.addi %add3A_1280, %add3A_1281 : i32
          %broadcast_in_dim3A_1283 = vector.broadcast %add3A_1282 : i32 to vector<16xi32>
          tpu.vector_store_idx %arg11[%broadcast_in_dim3A_1283], %add3A_1277 {add = true} : memref<10000xf32, #tpu.memory_space<vmem>>[vector<16xi32>], vector<16xf32>,
          %add3A_1284 = arith.constant 14 : i32
          %add3A_1285 = arith.addi %mul3A_96, %add3A_1284 : i32
          %get3A_1286 = arith.constant 0 : i32
          %get3A_1287 = arith.constant 0 : i32
          %get3A_1288 = tpu.memref_slice %arg9[%scan3A_87, %get3A_1286, %get3A_1287] : memref<2x80x128xi32, #tpu.memory_space<vmem>> -> memref<1x80x128xi32, #tpu.memory_space<vmem>>
          %get3A_1289 = tpu.memref_squeeze %get3A_1288 : memref<1x80x128xi32, #tpu.memory_space<vmem>> -> memref<80x128xi32, #tpu.memory_space<vmem>>
          %get3A_1290 = arith.index_cast %add3A_1285 : i32 to index
          %get3A_1291 = arith.constant 0 : index
          %get3A_1292 = tpu.vector_load %get3A_1289[%get3A_1290, %get3A_1291] {strides = array<i32>} : memref<80x128xi32, #tpu.memory_space<vmem>>, vector<16xi32>,
          %bitcast3A_1293 = vector.bitcast %get3A_1292 : vector<16xi32> to vector<32xbf16>
          %get3A_1294 = arith.constant 0 : i32
          %get3A_1295 = arith.constant 0 : i32
          %get3A_1296 = tpu.memref_slice %arg10[%scan3A_88, %get3A_1294, %get3A_1295] : memref<2x80x128xi32, #tpu.memory_space<vmem>> -> memref<1x80x128xi32, #tpu.memory_space<vmem>>
          %get3A_1297 = tpu.memref_squeeze %get3A_1296 : memref<1x80x128xi32, #tpu.memory_space<vmem>> -> memref<80x128xi32, #tpu.memory_space<vmem>>
          %get3A_1298 = arith.index_cast %add3A_1285 : i32 to index
          %get3A_1299 = arith.constant 0 : index
          %get3A_1300 = tpu.vector_load %get3A_1297[%get3A_1298, %get3A_1299] {strides = array<i32>} : memref<80x128xi32, #tpu.memory_space<vmem>>, vector<16xi32>,
          %bitcast3A_1301 = vector.bitcast %get3A_1300 : vector<16xi32> to vector<32xbf16>
          %mul3A_1302 = arith.mulf %bitcast3A_1293, %bitcast3A_1301 : vector<32xbf16>
          %get3A_1303 = arith.constant 0 : i32
          %get3A_1304 = arith.constant 0 : i32
          %get3A_1305 = tpu.memref_slice %arg9[%scan3A_87, %get3A_1303, %get3A_1304] : memref<2x80x128xi32, #tpu.memory_space<vmem>> -> memref<1x80x128xi32, #tpu.memory_space<vmem>>
          %get3A_1306 = tpu.memref_squeeze %get3A_1305 : memref<1x80x128xi32, #tpu.memory_space<vmem>> -> memref<80x128xi32, #tpu.memory_space<vmem>>
          %get3A_1307 = arith.index_cast %add3A_1285 : i32 to index
          %get3A_1308 = arith.constant 16 : index
          %get3A_1309 = tpu.vector_load %get3A_1306[%get3A_1307, %get3A_1308] {strides = array<i32>} : memref<80x128xi32, #tpu.memory_space<vmem>>, vector<16xi32>,
          %bitcast3A_1310 = vector.bitcast %get3A_1309 : vector<16xi32> to vector<32xbf16>
          %get3A_1311 = arith.constant 0 : i32
          %get3A_1312 = arith.constant 0 : i32
          %get3A_1313 = tpu.memref_slice %arg10[%scan3A_88, %get3A_1311, %get3A_1312] : memref<2x80x128xi32, #tpu.memory_space<vmem>> -> memref<1x80x128xi32, #tpu.memory_space<vmem>>
          %get3A_1314 = tpu.memref_squeeze %get3A_1313 : memref<1x80x128xi32, #tpu.memory_space<vmem>> -> memref<80x128xi32, #tpu.memory_space<vmem>>
          %get3A_1315 = arith.index_cast %add3A_1285 : i32 to index
          %get3A_1316 = arith.constant 16 : index
          %get3A_1317 = tpu.vector_load %get3A_1314[%get3A_1315, %get3A_1316] {strides = array<i32>} : memref<80x128xi32, #tpu.memory_space<vmem>>, vector<16xi32>,
          %bitcast3A_1318 = vector.bitcast %get3A_1317 : vector<16xi32> to vector<32xbf16>
          %mul3A_1319 = arith.mulf %bitcast3A_1310, %bitcast3A_1318 : vector<32xbf16>
          %get3A_1320 = arith.constant 0 : i32
          %get3A_1321 = arith.constant 0 : i32
          %get3A_1322 = tpu.memref_slice %arg9[%scan3A_87, %get3A_1320, %get3A_1321] : memref<2x80x128xi32, #tpu.memory_space<vmem>> -> memref<1x80x128xi32, #tpu.memory_space<vmem>>
          %get3A_1323 = tpu.memref_squeeze %get3A_1322 : memref<1x80x128xi32, #tpu.memory_space<vmem>> -> memref<80x128xi32, #tpu.memory_space<vmem>>
          %get3A_1324 = arith.index_cast %add3A_1285 : i32 to index
          %get3A_1325 = arith.constant 32 : index
          %get3A_1326 = tpu.vector_load %get3A_1323[%get3A_1324, %get3A_1325] {strides = array<i32>} : memref<80x128xi32, #tpu.memory_space<vmem>>, vector<16xi32>,
          %bitcast3A_1327 = vector.bitcast %get3A_1326 : vector<16xi32> to vector<32xbf16>
          %get3A_1328 = arith.constant 0 : i32
          %get3A_1329 = arith.constant 0 : i32
          %get3A_1330 = tpu.memref_slice %arg10[%scan3A_88, %get3A_1328, %get3A_1329] : memref<2x80x128xi32, #tpu.memory_space<vmem>> -> memref<1x80x128xi32, #tpu.memory_space<vmem>>
          %get3A_1331 = tpu.memref_squeeze %get3A_1330 : memref<1x80x128xi32, #tpu.memory_space<vmem>> -> memref<80x128xi32, #tpu.memory_space<vmem>>
          %get3A_1332 = arith.index_cast %add3A_1285 : i32 to index
          %get3A_1333 = arith.constant 32 : index
          %get3A_1334 = tpu.vector_load %get3A_1331[%get3A_1332, %get3A_1333] {strides = array<i32>} : memref<80x128xi32, #tpu.memory_space<vmem>>, vector<16xi32>,
          %bitcast3A_1335 = vector.bitcast %get3A_1334 : vector<16xi32> to vector<32xbf16>
          %mul3A_1336 = arith.mulf %bitcast3A_1327, %bitcast3A_1335 : vector<32xbf16>
          %get3A_1337 = arith.constant 0 : i32
          %get3A_1338 = arith.constant 0 : i32
          %get3A_1339 = tpu.memref_slice %arg9[%scan3A_87, %get3A_1337, %get3A_1338] : memref<2x80x128xi32, #tpu.memory_space<vmem>> -> memref<1x80x128xi32, #tpu.memory_space<vmem>>
          %get3A_1340 = tpu.memref_squeeze %get3A_1339 : memref<1x80x128xi32, #tpu.memory_space<vmem>> -> memref<80x128xi32, #tpu.memory_space<vmem>>
          %get3A_1341 = arith.index_cast %add3A_1285 : i32 to index
          %get3A_1342 = arith.constant 48 : index
          %get3A_1343 = tpu.vector_load %get3A_1340[%get3A_1341, %get3A_1342] {strides = array<i32>} : memref<80x128xi32, #tpu.memory_space<vmem>>, vector<16xi32>,
          %bitcast3A_1344 = vector.bitcast %get3A_1343 : vector<16xi32> to vector<32xbf16>
          %get3A_1345 = arith.constant 0 : i32
          %get3A_1346 = arith.constant 0 : i32
          %get3A_1347 = tpu.memref_slice %arg10[%scan3A_88, %get3A_1345, %get3A_1346] : memref<2x80x128xi32, #tpu.memory_space<vmem>> -> memref<1x80x128xi32, #tpu.memory_space<vmem>>
          %get3A_1348 = tpu.memref_squeeze %get3A_1347 : memref<1x80x128xi32, #tpu.memory_space<vmem>> -> memref<80x128xi32, #tpu.memory_space<vmem>>
          %get3A_1349 = arith.index_cast %add3A_1285 : i32 to index
          %get3A_1350 = arith.constant 48 : index
          %get3A_1351 = tpu.vector_load %get3A_1348[%get3A_1349, %get3A_1350] {strides = array<i32>} : memref<80x128xi32, #tpu.memory_space<vmem>>, vector<16xi32>,
          %bitcast3A_1352 = vector.bitcast %get3A_1351 : vector<16xi32> to vector<32xbf16>
          %mul3A_1353 = arith.mulf %bitcast3A_1344, %bitcast3A_1352 : vector<32xbf16>
          %add3A_1354 = arith.addf %mul3A_1302, %mul3A_1319 : vector<32xbf16>
          %unpack3A_1355 = tpu.unpack_subelements %add3A_1354, 0 {pack_format = #tpu.pack_format<interleaved>} : vector<32xbf16> -> vector<16xf32>
          %unpack3A_1356 = tpu.unpack_subelements %add3A_1354, 1 {pack_format = #tpu.pack_format<interleaved>} : vector<32xbf16> -> vector<16xf32>
          %add3A_1357 = arith.addf %unpack3A_1355, %unpack3A_1356 : vector<16xf32>
          %add3A_1358 = arith.addf %mul3A_1336, %mul3A_1353 : vector<32xbf16>
          %unpack3A_1359 = tpu.unpack_subelements %add3A_1358, 0 {pack_format = #tpu.pack_format<interleaved>} : vector<32xbf16> -> vector<16xf32>
          %unpack3A_1360 = tpu.unpack_subelements %add3A_1358, 1 {pack_format = #tpu.pack_format<interleaved>} : vector<32xbf16> -> vector<16xf32>
          %add3A_1361 = arith.addf %unpack3A_1359, %unpack3A_1360 : vector<16xf32>
          %add3A_1362 = arith.addf %add3A_1357, %add3A_1361 : vector<16xf32>
          %mul3A_1363 = arith.constant 80 : i32
          %mul3A_1364 = arith.muli %add3A_46, %mul3A_1363 : i32
          %add3A_1365 = arith.addi %mul3A_1364, %mul3A_96 : i32
          %add3A_1366 = arith.constant 14 : i32
          %add3A_1367 = arith.addi %add3A_1365, %add3A_1366 : i32
          %broadcast_in_dim3A_1368 = vector.broadcast %add3A_1367 : i32 to vector<16xi32>
          tpu.vector_store_idx %arg11[%broadcast_in_dim3A_1368], %add3A_1362 {add = true} : memref<10000xf32, #tpu.memory_space<vmem>>[vector<16xi32>], vector<16xf32>,
          %add3A_1369 = arith.constant 15 : i32
          %add3A_1370 = arith.addi %mul3A_96, %add3A_1369 : i32
          %get3A_1371 = arith.constant 0 : i32
          %get3A_1372 = arith.constant 0 : i32
          %get3A_1373 = tpu.memref_slice %arg9[%scan3A_87, %get3A_1371, %get3A_1372] : memref<2x80x128xi32, #tpu.memory_space<vmem>> -> memref<1x80x128xi32, #tpu.memory_space<vmem>>
          %get3A_1374 = tpu.memref_squeeze %get3A_1373 : memref<1x80x128xi32, #tpu.memory_space<vmem>> -> memref<80x128xi32, #tpu.memory_space<vmem>>
          %get3A_1375 = arith.index_cast %add3A_1370 : i32 to index
          %get3A_1376 = arith.constant 0 : index
          %get3A_1377 = tpu.vector_load %get3A_1374[%get3A_1375, %get3A_1376] {strides = array<i32>} : memref<80x128xi32, #tpu.memory_space<vmem>>, vector<16xi32>,
          %bitcast3A_1378 = vector.bitcast %get3A_1377 : vector<16xi32> to vector<32xbf16>
          %get3A_1379 = arith.constant 0 : i32
          %get3A_1380 = arith.constant 0 : i32
          %get3A_1381 = tpu.memref_slice %arg10[%scan3A_88, %get3A_1379, %get3A_1380] : memref<2x80x128xi32, #tpu.memory_space<vmem>> -> memref<1x80x128xi32, #tpu.memory_space<vmem>>
          %get3A_1382 = tpu.memref_squeeze %get3A_1381 : memref<1x80x128xi32, #tpu.memory_space<vmem>> -> memref<80x128xi32, #tpu.memory_space<vmem>>
          %get3A_1383 = arith.index_cast %add3A_1370 : i32 to index
          %get3A_1384 = arith.constant 0 : index
          %get3A_1385 = tpu.vector_load %get3A_1382[%get3A_1383, %get3A_1384] {strides = array<i32>} : memref<80x128xi32, #tpu.memory_space<vmem>>, vector<16xi32>,
          %bitcast3A_1386 = vector.bitcast %get3A_1385 : vector<16xi32> to vector<32xbf16>
          %mul3A_1387 = arith.mulf %bitcast3A_1378, %bitcast3A_1386 : vector<32xbf16>
          %get3A_1388 = arith.constant 0 : i32
          %get3A_1389 = arith.constant 0 : i32
          %get3A_1390 = tpu.memref_slice %arg9[%scan3A_87, %get3A_1388, %get3A_1389] : memref<2x80x128xi32, #tpu.memory_space<vmem>> -> memref<1x80x128xi32, #tpu.memory_space<vmem>>
          %get3A_1391 = tpu.memref_squeeze %get3A_1390 : memref<1x80x128xi32, #tpu.memory_space<vmem>> -> memref<80x128xi32, #tpu.memory_space<vmem>>
          %get3A_1392 = arith.index_cast %add3A_1370 : i32 to index
          %get3A_1393 = arith.constant 16 : index
          %get3A_1394 = tpu.vector_load %get3A_1391[%get3A_1392, %get3A_1393] {strides = array<i32>} : memref<80x128xi32, #tpu.memory_space<vmem>>, vector<16xi32>,
          %bitcast3A_1395 = vector.bitcast %get3A_1394 : vector<16xi32> to vector<32xbf16>
          %get3A_1396 = arith.constant 0 : i32
          %get3A_1397 = arith.constant 0 : i32
          %get3A_1398 = tpu.memref_slice %arg10[%scan3A_88, %get3A_1396, %get3A_1397] : memref<2x80x128xi32, #tpu.memory_space<vmem>> -> memref<1x80x128xi32, #tpu.memory_space<vmem>>
          %get3A_1399 = tpu.memref_squeeze %get3A_1398 : memref<1x80x128xi32, #tpu.memory_space<vmem>> -> memref<80x128xi32, #tpu.memory_space<vmem>>
          %get3A_1400 = arith.index_cast %add3A_1370 : i32 to index
          %get3A_1401 = arith.constant 16 : index
          %get3A_1402 = tpu.vector_load %get3A_1399[%get3A_1400, %get3A_1401] {strides = array<i32>} : memref<80x128xi32, #tpu.memory_space<vmem>>, vector<16xi32>,
          %bitcast3A_1403 = vector.bitcast %get3A_1402 : vector<16xi32> to vector<32xbf16>
          %mul3A_1404 = arith.mulf %bitcast3A_1395, %bitcast3A_1403 : vector<32xbf16>
          %get3A_1405 = arith.constant 0 : i32
          %get3A_1406 = arith.constant 0 : i32
          %get3A_1407 = tpu.memref_slice %arg9[%scan3A_87, %get3A_1405, %get3A_1406] : memref<2x80x128xi32, #tpu.memory_space<vmem>> -> memref<1x80x128xi32, #tpu.memory_space<vmem>>
          %get3A_1408 = tpu.memref_squeeze %get3A_1407 : memref<1x80x128xi32, #tpu.memory_space<vmem>> -> memref<80x128xi32, #tpu.memory_space<vmem>>
          %get3A_1409 = arith.index_cast %add3A_1370 : i32 to index
          %get3A_1410 = arith.constant 32 : index
          %get3A_1411 = tpu.vector_load %get3A_1408[%get3A_1409, %get3A_1410] {strides = array<i32>} : memref<80x128xi32, #tpu.memory_space<vmem>>, vector<16xi32>,
          %bitcast3A_1412 = vector.bitcast %get3A_1411 : vector<16xi32> to vector<32xbf16>
          %get3A_1413 = arith.constant 0 : i32
          %get3A_1414 = arith.constant 0 : i32
          %get3A_1415 = tpu.memref_slice %arg10[%scan3A_88, %get3A_1413, %get3A_1414] : memref<2x80x128xi32, #tpu.memory_space<vmem>> -> memref<1x80x128xi32, #tpu.memory_space<vmem>>
          %get3A_1416 = tpu.memref_squeeze %get3A_1415 : memref<1x80x128xi32, #tpu.memory_space<vmem>> -> memref<80x128xi32, #tpu.memory_space<vmem>>
          %get3A_1417 = arith.index_cast %add3A_1370 : i32 to index
          %get3A_1418 = arith.constant 32 : index
          %get3A_1419 = tpu.vector_load %get3A_1416[%get3A_1417, %get3A_1418] {strides = array<i32>} : memref<80x128xi32, #tpu.memory_space<vmem>>, vector<16xi32>,
          %bitcast3A_1420 = vector.bitcast %get3A_1419 : vector<16xi32> to vector<32xbf16>
          %mul3A_1421 = arith.mulf %bitcast3A_1412, %bitcast3A_1420 : vector<32xbf16>
          %get3A_1422 = arith.constant 0 : i32
          %get3A_1423 = arith.constant 0 : i32
          %get3A_1424 = tpu.memref_slice %arg9[%scan3A_87, %get3A_1422, %get3A_1423] : memref<2x80x128xi32, #tpu.memory_space<vmem>> -> memref<1x80x128xi32, #tpu.memory_space<vmem>>
          %get3A_1425 = tpu.memref_squeeze %get3A_1424 : memref<1x80x128xi32, #tpu.memory_space<vmem>> -> memref<80x128xi32, #tpu.memory_space<vmem>>
          %get3A_1426 = arith.index_cast %add3A_1370 : i32 to index
          %get3A_1427 = arith.constant 48 : index
          %get3A_1428 = tpu.vector_load %get3A_1425[%get3A_1426, %get3A_1427] {strides = array<i32>} : memref<80x128xi32, #tpu.memory_space<vmem>>, vector<16xi32>,
          %bitcast3A_1429 = vector.bitcast %get3A_1428 : vector<16xi32> to vector<32xbf16>
          %get3A_1430 = arith.constant 0 : i32
          %get3A_1431 = arith.constant 0 : i32
          %get3A_1432 = tpu.memref_slice %arg10[%scan3A_88, %get3A_1430, %get3A_1431] : memref<2x80x128xi32, #tpu.memory_space<vmem>> -> memref<1x80x128xi32, #tpu.memory_space<vmem>>
          %get3A_1433 = tpu.memref_squeeze %get3A_1432 : memref<1x80x128xi32, #tpu.memory_space<vmem>> -> memref<80x128xi32, #tpu.memory_space<vmem>>
          %get3A_1434 = arith.index_cast %add3A_1370 : i32 to index
          %get3A_1435 = arith.constant 48 : index
          %get3A_1436 = tpu.vector_load %get3A_1433[%get3A_1434, %get3A_1435] {strides = array<i32>} : memref<80x128xi32, #tpu.memory_space<vmem>>, vector<16xi32>,
          %bitcast3A_1437 = vector.bitcast %get3A_1436 : vector<16xi32> to vector<32xbf16>
          %mul3A_1438 = arith.mulf %bitcast3A_1429, %bitcast3A_1437 : vector<32xbf16>
          %add3A_1439 = arith.addf %mul3A_1387, %mul3A_1404 : vector<32xbf16>
          %unpack3A_1440 = tpu.unpack_subelements %add3A_1439, 0 {pack_format = #tpu.pack_format<interleaved>} : vector<32xbf16> -> vector<16xf32>
          %unpack3A_1441 = tpu.unpack_subelements %add3A_1439, 1 {pack_format = #tpu.pack_format<interleaved>} : vector<32xbf16> -> vector<16xf32>
          %add3A_1442 = arith.addf %unpack3A_1440, %unpack3A_1441 : vector<16xf32>
          %add3A_1443 = arith.addf %mul3A_1421, %mul3A_1438 : vector<32xbf16>
          %unpack3A_1444 = tpu.unpack_subelements %add3A_1443, 0 {pack_format = #tpu.pack_format<interleaved>} : vector<32xbf16> -> vector<16xf32>
          %unpack3A_1445 = tpu.unpack_subelements %add3A_1443, 1 {pack_format = #tpu.pack_format<interleaved>} : vector<32xbf16> -> vector<16xf32>
          %add3A_1446 = arith.addf %unpack3A_1444, %unpack3A_1445 : vector<16xf32>
          %add3A_1447 = arith.addf %add3A_1442, %add3A_1446 : vector<16xf32>
          %mul3A_1448 = arith.constant 80 : i32
          %mul3A_1449 = arith.muli %add3A_46, %mul3A_1448 : i32
          %add3A_1450 = arith.addi %mul3A_1449, %mul3A_96 : i32
          %add3A_1451 = arith.constant 15 : i32
          %add3A_1452 = arith.addi %add3A_1450, %add3A_1451 : i32
          %broadcast_in_dim3A_1453 = vector.broadcast %add3A_1452 : i32 to vector<16xi32>
          tpu.vector_store_idx %arg11[%broadcast_in_dim3A_1453], %add3A_1447 {add = true} : memref<10000xf32, #tpu.memory_space<vmem>>[vector<16xi32>], vector<16xf32>,
        }
        %scan3A_93 = arith.constant 5 : i32
      } else {
      }
      %mul3A_49 = arith.constant 2 : i32
      %mul3A_50 = arith.muli %mul3A_49, %scan3A_42 : i32
      %add3A_51 = arith.constant 1 : i32
      %add3A_52 = arith.addi %mul3A_50, %add3A_51 : i32
      %lt3A_53 = arith.constant 125 : i32
      %lt3A_54 = arith.cmpi slt, %add3A_52, %lt3A_53 : i32
      %convert_element_type3A_55 = arith.extui %lt3A_54 : i1 to i32
      %cond3A_56 = arith.constant 0 : i32
      %cond3A_57 = arith.cmpi ne, %convert_element_type3A_55, %cond3A_56 : i32
      scf.if %cond3A_57 {
        %add3A_58 = arith.constant 1 : i32
        %add3A_59 = arith.addi %add3A_52, %add3A_58 : i32
        %lt3A_60 = arith.constant 125 : i32
        %lt3A_61 = arith.cmpi slt, %add3A_59, %lt3A_60 : i32
        %convert_element_type3A_62 = arith.extui %lt3A_61 : i1 to i32
        %cond3A_63 = arith.constant 0 : i32
        %cond3A_64 = arith.cmpi ne, %convert_element_type3A_62, %cond3A_63 : i32
        scf.if %cond3A_64 {
          %add3A_94 = arith.constant 1 : i32
          %add3A_95 = arith.addi %add3A_52, %add3A_94 : i32
          %dma_start3A_96 = arith.constant 0 : i32
          %dma_start3A_97 = arith.constant 0 : i32
          %dma_start3A_98 = arith.constant 0 : i32
          %dma_start3A_99 = tpu.memref_slice %arg9[%dma_start3A_96, %dma_start3A_97, %dma_start3A_98] : memref<2x80x128xi32, #tpu.memory_space<vmem>> -> memref<1x80x128xi32, #tpu.memory_space<vmem>>
          %dma_start3A_100 = tpu.memref_squeeze %dma_start3A_99 : memref<1x80x128xi32, #tpu.memory_space<vmem>> -> memref<80x128xi32, #tpu.memory_space<vmem>>
          %dma_start3A_101 = arith.constant 0 : i32
          %dma_start3A_102 = tpu.memref_slice %arg7[%add3A_95, %dma_start3A_101] : memref<125x80xi32, #tpu.memory_space<vmem>> -> memref<1x80xi32, #tpu.memory_space<vmem>>
          %dma_start3A_103 = tpu.memref_squeeze %dma_start3A_102 : memref<1x80xi32, #tpu.memory_space<vmem>> -> memref<80xi32, #tpu.memory_space<vmem>>
          %dma_start3A_104 = arith.constant 0 : i32
          %dma_start3A_105 = arith.constant 0 : i32
          %dma_start3A_106 = tpu.memref_slice %arg2[%dma_start3A_104, %dma_start3A_105] : memref<10000x128xi32, #tpu.memory_space<hbm>> -> memref<10000x128xi32, #tpu.memory_space<hbm>>
          tpu.enqueue_indirect_dma source(%dma_start3A_106 : memref<10000x128xi32, #tpu.memory_space<hbm>>) target(%dma_start3A_100 : memref<80x128xi32, #tpu.memory_space<vmem>>) offsets(%dma_start3A_103 : memref<80xi32, #tpu.memory_space<vmem>>) semaphore(%arg12 : memref<!tpu.dma_semaphore, #tpu.memory_space<semaphore_mem>>)
          %dma_start3A_107 = arith.constant 0 : i32
          %dma_start3A_108 = arith.constant 0 : i32
          %dma_start3A_109 = arith.constant 0 : i32
          %dma_start3A_110 = tpu.memref_slice %arg10[%dma_start3A_107, %dma_start3A_108, %dma_start3A_109] : memref<2x80x128xi32, #tpu.memory_space<vmem>> -> memref<1x80x128xi32, #tpu.memory_space<vmem>>
          %dma_start3A_111 = tpu.memref_squeeze %dma_start3A_110 : memref<1x80x128xi32, #tpu.memory_space<vmem>> -> memref<80x128xi32, #tpu.memory_space<vmem>>
          %dma_start3A_112 = arith.constant 0 : i32
          %dma_start3A_113 = tpu.memref_slice %arg8[%add3A_95, %dma_start3A_112] : memref<125x80xi32, #tpu.memory_space<vmem>> -> memref<1x80xi32, #tpu.memory_space<vmem>>
          %dma_start3A_114 = tpu.memref_squeeze %dma_start3A_113 : memref<1x80xi32, #tpu.memory_space<vmem>> -> memref<80xi32, #tpu.memory_space<vmem>>
          %dma_start3A_115 = arith.constant 0 : i32
          %dma_start3A_116 = arith.constant 0 : i32
          %dma_start3A_117 = tpu.memref_slice %arg3[%dma_start3A_115, %dma_start3A_116] : memref<10000x128xi32, #tpu.memory_space<hbm>> -> memref<10000x128xi32, #tpu.memory_space<hbm>>
          tpu.enqueue_indirect_dma source(%dma_start3A_117 : memref<10000x128xi32, #tpu.memory_space<hbm>>) target(%dma_start3A_111 : memref<80x128xi32, #tpu.memory_space<vmem>>) offsets(%dma_start3A_114 : memref<80xi32, #tpu.memory_space<vmem>>) semaphore(%arg13 : memref<!tpu.dma_semaphore, #tpu.memory_space<semaphore_mem>>)
        } else {
        }
        %dma_wait3A = arith.constant 1 : i32
        %dma_wait3A_65 = arith.constant 0 : i32
        %dma_wait3A_66 = arith.constant 0 : i32
        %dma_wait3A_67 = tpu.memref_slice %arg9[%dma_wait3A, %dma_wait3A_65, %dma_wait3A_66] : memref<2x80x128xi32, #tpu.memory_space<vmem>> -> memref<1x80x128xi32, #tpu.memory_space<vmem>>
        %dma_wait3A_68 = tpu.memref_squeeze %dma_wait3A_67 : memref<1x80x128xi32, #tpu.memory_space<vmem>> -> memref<80x128xi32, #tpu.memory_space<vmem>>
        %dma_wait3A_69 = arith.constant 0 : i32
        %dma_wait3A_70 = tpu.memref_slice %arg7[%add3A_52, %dma_wait3A_69] : memref<125x80xi32, #tpu.memory_space<vmem>> -> memref<1x80xi32, #tpu.memory_space<vmem>>
        %dma_wait3A_71 = tpu.memref_squeeze %dma_wait3A_70 : memref<1x80xi32, #tpu.memory_space<vmem>> -> memref<80xi32, #tpu.memory_space<vmem>>
        %dma_wait3A_72 = arith.constant 0 : i32
        %dma_wait3A_73 = arith.constant 0 : i32
        %dma_wait3A_74 = tpu.memref_slice %arg2[%dma_wait3A_72, %dma_wait3A_73] : memref<10000x128xi32, #tpu.memory_space<hbm>> -> memref<10000x128xi32, #tpu.memory_space<hbm>>
        tpu.wait_indirect_dma semaphore(%arg12 : memref<!tpu.dma_semaphore, #tpu.memory_space<semaphore_mem>>) src(%dma_wait3A_74 : memref<10000x128xi32, #tpu.memory_space<hbm>>) dst(%dma_wait3A_68 : memref<80x128xi32, #tpu.memory_space<vmem>>)
        %dma_wait3A_75 = arith.constant 1 : i32
        %dma_wait3A_76 = arith.constant 0 : i32
        %dma_wait3A_77 = arith.constant 0 : i32
        %dma_wait3A_78 = tpu.memref_slice %arg10[%dma_wait3A_75, %dma_wait3A_76, %dma_wait3A_77] : memref<2x80x128xi32, #tpu.memory_space<vmem>> -> memref<1x80x128xi32, #tpu.memory_space<vmem>>
        %dma_wait3A_79 = tpu.memref_squeeze %dma_wait3A_78 : memref<1x80x128xi32, #tpu.memory_space<vmem>> -> memref<80x128xi32, #tpu.memory_space<vmem>>
        %dma_wait3A_80 = arith.constant 0 : i32
        %dma_wait3A_81 = tpu.memref_slice %arg8[%add3A_52, %dma_wait3A_80] : memref<125x80xi32, #tpu.memory_space<vmem>> -> memref<1x80xi32, #tpu.memory_space<vmem>>
        %dma_wait3A_82 = tpu.memref_squeeze %dma_wait3A_81 : memref<1x80xi32, #tpu.memory_space<vmem>> -> memref<80xi32, #tpu.memory_space<vmem>>
        %dma_wait3A_83 = arith.constant 0 : i32
        %dma_wait3A_84 = arith.constant 0 : i32
        %dma_wait3A_85 = tpu.memref_slice %arg3[%dma_wait3A_83, %dma_wait3A_84] : memref<10000x128xi32, #tpu.memory_space<hbm>> -> memref<10000x128xi32, #tpu.memory_space<hbm>>
        tpu.wait_indirect_dma semaphore(%arg13 : memref<!tpu.dma_semaphore, #tpu.memory_space<semaphore_mem>>) src(%dma_wait3A_85 : memref<10000x128xi32, #tpu.memory_space<hbm>>) dst(%dma_wait3A_79 : memref<80x128xi32, #tpu.memory_space<vmem>>)
        %scan3A_86 = arith.constant 0 : i32
        %scan3A_87 = arith.constant 1 : i32
        %scan3A_88 = arith.constant 1 : i32
        %scan3A_89 = arith.constant 0 : i32
        %scan3A_90 = arith.constant 5 : i32
        %scan3A_91 = arith.addi %scan3A_89, %scan3A_90 : i32
        %scan3A_92 = arith.constant 1 : i32
        scf.for %scan3A_94 = %scan3A_89 to %scan3A_91 step %scan3A_92  : i32 {
          %mul3A_95 = arith.constant 16 : i32
          %mul3A_96 = arith.muli %scan3A_94, %mul3A_95 : i32
          %add3A_97 = arith.constant 0 : i32
          %add3A_98 = arith.addi %mul3A_96, %add3A_97 : i32
          %get3A = arith.constant 0 : i32
          %get3A_99 = arith.constant 0 : i32
          %get3A_100 = tpu.memref_slice %arg9[%scan3A_87, %get3A, %get3A_99] : memref<2x80x128xi32, #tpu.memory_space<vmem>> -> memref<1x80x128xi32, #tpu.memory_space<vmem>>
          %get3A_101 = tpu.memref_squeeze %get3A_100 : memref<1x80x128xi32, #tpu.memory_space<vmem>> -> memref<80x128xi32, #tpu.memory_space<vmem>>
          %get3A_102 = arith.index_cast %add3A_98 : i32 to index
          %get3A_103 = arith.constant 0 : index
          %get3A_104 = tpu.vector_load %get3A_101[%get3A_102, %get3A_103] {strides = array<i32>} : memref<80x128xi32, #tpu.memory_space<vmem>>, vector<16xi32>,
          %bitcast3A = vector.bitcast %get3A_104 : vector<16xi32> to vector<32xbf16>
          %get3A_105 = arith.constant 0 : i32
          %get3A_106 = arith.constant 0 : i32
          %get3A_107 = tpu.memref_slice %arg10[%scan3A_88, %get3A_105, %get3A_106] : memref<2x80x128xi32, #tpu.memory_space<vmem>> -> memref<1x80x128xi32, #tpu.memory_space<vmem>>
          %get3A_108 = tpu.memref_squeeze %get3A_107 : memref<1x80x128xi32, #tpu.memory_space<vmem>> -> memref<80x128xi32, #tpu.memory_space<vmem>>
          %get3A_109 = arith.index_cast %add3A_98 : i32 to index
          %get3A_110 = arith.constant 0 : index
          %get3A_111 = tpu.vector_load %get3A_108[%get3A_109, %get3A_110] {strides = array<i32>} : memref<80x128xi32, #tpu.memory_space<vmem>>, vector<16xi32>,
          %bitcast3A_112 = vector.bitcast %get3A_111 : vector<16xi32> to vector<32xbf16>
          %mul3A_113 = arith.mulf %bitcast3A, %bitcast3A_112 : vector<32xbf16>
          %get3A_114 = arith.constant 0 : i32
          %get3A_115 = arith.constant 0 : i32
          %get3A_116 = tpu.memref_slice %arg9[%scan3A_87, %get3A_114, %get3A_115] : memref<2x80x128xi32, #tpu.memory_space<vmem>> -> memref<1x80x128xi32, #tpu.memory_space<vmem>>
          %get3A_117 = tpu.memref_squeeze %get3A_116 : memref<1x80x128xi32, #tpu.memory_space<vmem>> -> memref<80x128xi32, #tpu.memory_space<vmem>>
          %get3A_118 = arith.index_cast %add3A_98 : i32 to index
          %get3A_119 = arith.constant 16 : index
          %get3A_120 = tpu.vector_load %get3A_117[%get3A_118, %get3A_119] {strides = array<i32>} : memref<80x128xi32, #tpu.memory_space<vmem>>, vector<16xi32>,
          %bitcast3A_121 = vector.bitcast %get3A_120 : vector<16xi32> to vector<32xbf16>
          %get3A_122 = arith.constant 0 : i32
          %get3A_123 = arith.constant 0 : i32
          %get3A_124 = tpu.memref_slice %arg10[%scan3A_88, %get3A_122, %get3A_123] : memref<2x80x128xi32, #tpu.memory_space<vmem>> -> memref<1x80x128xi32, #tpu.memory_space<vmem>>
          %get3A_125 = tpu.memref_squeeze %get3A_124 : memref<1x80x128xi32, #tpu.memory_space<vmem>> -> memref<80x128xi32, #tpu.memory_space<vmem>>
          %get3A_126 = arith.index_cast %add3A_98 : i32 to index
          %get3A_127 = arith.constant 16 : index
          %get3A_128 = tpu.vector_load %get3A_125[%get3A_126, %get3A_127] {strides = array<i32>} : memref<80x128xi32, #tpu.memory_space<vmem>>, vector<16xi32>,
          %bitcast3A_129 = vector.bitcast %get3A_128 : vector<16xi32> to vector<32xbf16>
          %mul3A_130 = arith.mulf %bitcast3A_121, %bitcast3A_129 : vector<32xbf16>
          %get3A_131 = arith.constant 0 : i32
          %get3A_132 = arith.constant 0 : i32
          %get3A_133 = tpu.memref_slice %arg9[%scan3A_87, %get3A_131, %get3A_132] : memref<2x80x128xi32, #tpu.memory_space<vmem>> -> memref<1x80x128xi32, #tpu.memory_space<vmem>>
          %get3A_134 = tpu.memref_squeeze %get3A_133 : memref<1x80x128xi32, #tpu.memory_space<vmem>> -> memref<80x128xi32, #tpu.memory_space<vmem>>
          %get3A_135 = arith.index_cast %add3A_98 : i32 to index
          %get3A_136 = arith.constant 32 : index
          %get3A_137 = tpu.vector_load %get3A_134[%get3A_135, %get3A_136] {strides = array<i32>} : memref<80x128xi32, #tpu.memory_space<vmem>>, vector<16xi32>,
          %bitcast3A_138 = vector.bitcast %get3A_137 : vector<16xi32> to vector<32xbf16>
          %get3A_139 = arith.constant 0 : i32
          %get3A_140 = arith.constant 0 : i32
          %get3A_141 = tpu.memref_slice %arg10[%scan3A_88, %get3A_139, %get3A_140] : memref<2x80x128xi32, #tpu.memory_space<vmem>> -> memref<1x80x128xi32, #tpu.memory_space<vmem>>
          %get3A_142 = tpu.memref_squeeze %get3A_141 : memref<1x80x128xi32, #tpu.memory_space<vmem>> -> memref<80x128xi32, #tpu.memory_space<vmem>>
          %get3A_143 = arith.index_cast %add3A_98 : i32 to index
          %get3A_144 = arith.constant 32 : index
          %get3A_145 = tpu.vector_load %get3A_142[%get3A_143, %get3A_144] {strides = array<i32>} : memref<80x128xi32, #tpu.memory_space<vmem>>, vector<16xi32>,
          %bitcast3A_146 = vector.bitcast %get3A_145 : vector<16xi32> to vector<32xbf16>
          %mul3A_147 = arith.mulf %bitcast3A_138, %bitcast3A_146 : vector<32xbf16>
          %get3A_148 = arith.constant 0 : i32
          %get3A_149 = arith.constant 0 : i32
          %get3A_150 = tpu.memref_slice %arg9[%scan3A_87, %get3A_148, %get3A_149] : memref<2x80x128xi32, #tpu.memory_space<vmem>> -> memref<1x80x128xi32, #tpu.memory_space<vmem>>
          %get3A_151 = tpu.memref_squeeze %get3A_150 : memref<1x80x128xi32, #tpu.memory_space<vmem>> -> memref<80x128xi32, #tpu.memory_space<vmem>>
          %get3A_152 = arith.index_cast %add3A_98 : i32 to index
          %get3A_153 = arith.constant 48 : index
          %get3A_154 = tpu.vector_load %get3A_151[%get3A_152, %get3A_153] {strides = array<i32>} : memref<80x128xi32, #tpu.memory_space<vmem>>, vector<16xi32>,
          %bitcast3A_155 = vector.bitcast %get3A_154 : vector<16xi32> to vector<32xbf16>
          %get3A_156 = arith.constant 0 : i32
          %get3A_157 = arith.constant 0 : i32
          %get3A_158 = tpu.memref_slice %arg10[%scan3A_88, %get3A_156, %get3A_157] : memref<2x80x128xi32, #tpu.memory_space<vmem>> -> memref<1x80x128xi32, #tpu.memory_space<vmem>>
          %get3A_159 = tpu.memref_squeeze %get3A_158 : memref<1x80x128xi32, #tpu.memory_space<vmem>> -> memref<80x128xi32, #tpu.memory_space<vmem>>
          %get3A_160 = arith.index_cast %add3A_98 : i32 to index
          %get3A_161 = arith.constant 48 : index
          %get3A_162 = tpu.vector_load %get3A_159[%get3A_160, %get3A_161] {strides = array<i32>} : memref<80x128xi32, #tpu.memory_space<vmem>>, vector<16xi32>,
          %bitcast3A_163 = vector.bitcast %get3A_162 : vector<16xi32> to vector<32xbf16>
          %mul3A_164 = arith.mulf %bitcast3A_155, %bitcast3A_163 : vector<32xbf16>
          %add3A_165 = arith.addf %mul3A_113, %mul3A_130 : vector<32xbf16>
          %unpack3A = tpu.unpack_subelements %add3A_165, 0 {pack_format = #tpu.pack_format<interleaved>} : vector<32xbf16> -> vector<16xf32>
          %unpack3A_166 = tpu.unpack_subelements %add3A_165, 1 {pack_format = #tpu.pack_format<interleaved>} : vector<32xbf16> -> vector<16xf32>
          %add3A_167 = arith.addf %unpack3A, %unpack3A_166 : vector<16xf32>
          %add3A_168 = arith.addf %mul3A_147, %mul3A_164 : vector<32xbf16>
          %unpack3A_169 = tpu.unpack_subelements %add3A_168, 0 {pack_format = #tpu.pack_format<interleaved>} : vector<32xbf16> -> vector<16xf32>
          %unpack3A_170 = tpu.unpack_subelements %add3A_168, 1 {pack_format = #tpu.pack_format<interleaved>} : vector<32xbf16> -> vector<16xf32>
          %add3A_171 = arith.addf %unpack3A_169, %unpack3A_170 : vector<16xf32>
          %add3A_172 = arith.addf %add3A_167, %add3A_171 : vector<16xf32>
          %mul3A_173 = arith.constant 80 : i32
          %mul3A_174 = arith.muli %add3A_52, %mul3A_173 : i32
          %add3A_175 = arith.addi %mul3A_174, %mul3A_96 : i32
          %add3A_176 = arith.constant 0 : i32
          %add3A_177 = arith.addi %add3A_175, %add3A_176 : i32
          %broadcast_in_dim3A_178 = vector.broadcast %add3A_177 : i32 to vector<16xi32>
          tpu.vector_store_idx %arg11[%broadcast_in_dim3A_178], %add3A_172 {add = true} : memref<10000xf32, #tpu.memory_space<vmem>>[vector<16xi32>], vector<16xf32>,
          %add3A_179 = arith.constant 1 : i32
          %add3A_180 = arith.addi %mul3A_96, %add3A_179 : i32
          %get3A_181 = arith.constant 0 : i32
          %get3A_182 = arith.constant 0 : i32
          %get3A_183 = tpu.memref_slice %arg9[%scan3A_87, %get3A_181, %get3A_182] : memref<2x80x128xi32, #tpu.memory_space<vmem>> -> memref<1x80x128xi32, #tpu.memory_space<vmem>>
          %get3A_184 = tpu.memref_squeeze %get3A_183 : memref<1x80x128xi32, #tpu.memory_space<vmem>> -> memref<80x128xi32, #tpu.memory_space<vmem>>
          %get3A_185 = arith.index_cast %add3A_180 : i32 to index
          %get3A_186 = arith.constant 0 : index
          %get3A_187 = tpu.vector_load %get3A_184[%get3A_185, %get3A_186] {strides = array<i32>} : memref<80x128xi32, #tpu.memory_space<vmem>>, vector<16xi32>,
          %bitcast3A_188 = vector.bitcast %get3A_187 : vector<16xi32> to vector<32xbf16>
          %get3A_189 = arith.constant 0 : i32
          %get3A_190 = arith.constant 0 : i32
          %get3A_191 = tpu.memref_slice %arg10[%scan3A_88, %get3A_189, %get3A_190] : memref<2x80x128xi32, #tpu.memory_space<vmem>> -> memref<1x80x128xi32, #tpu.memory_space<vmem>>
          %get3A_192 = tpu.memref_squeeze %get3A_191 : memref<1x80x128xi32, #tpu.memory_space<vmem>> -> memref<80x128xi32, #tpu.memory_space<vmem>>
          %get3A_193 = arith.index_cast %add3A_180 : i32 to index
          %get3A_194 = arith.constant 0 : index
          %get3A_195 = tpu.vector_load %get3A_192[%get3A_193, %get3A_194] {strides = array<i32>} : memref<80x128xi32, #tpu.memory_space<vmem>>, vector<16xi32>,
          %bitcast3A_196 = vector.bitcast %get3A_195 : vector<16xi32> to vector<32xbf16>
          %mul3A_197 = arith.mulf %bitcast3A_188, %bitcast3A_196 : vector<32xbf16>
          %get3A_198 = arith.constant 0 : i32
          %get3A_199 = arith.constant 0 : i32
          %get3A_200 = tpu.memref_slice %arg9[%scan3A_87, %get3A_198, %get3A_199] : memref<2x80x128xi32, #tpu.memory_space<vmem>> -> memref<1x80x128xi32, #tpu.memory_space<vmem>>
          %get3A_201 = tpu.memref_squeeze %get3A_200 : memref<1x80x128xi32, #tpu.memory_space<vmem>> -> memref<80x128xi32, #tpu.memory_space<vmem>>
          %get3A_202 = arith.index_cast %add3A_180 : i32 to index
          %get3A_203 = arith.constant 16 : index
          %get3A_204 = tpu.vector_load %get3A_201[%get3A_202, %get3A_203] {strides = array<i32>} : memref<80x128xi32, #tpu.memory_space<vmem>>, vector<16xi32>,
          %bitcast3A_205 = vector.bitcast %get3A_204 : vector<16xi32> to vector<32xbf16>
          %get3A_206 = arith.constant 0 : i32
          %get3A_207 = arith.constant 0 : i32
          %get3A_208 = tpu.memref_slice %arg10[%scan3A_88, %get3A_206, %get3A_207] : memref<2x80x128xi32, #tpu.memory_space<vmem>> -> memref<1x80x128xi32, #tpu.memory_space<vmem>>
          %get3A_209 = tpu.memref_squeeze %get3A_208 : memref<1x80x128xi32, #tpu.memory_space<vmem>> -> memref<80x128xi32, #tpu.memory_space<vmem>>
          %get3A_210 = arith.index_cast %add3A_180 : i32 to index
          %get3A_211 = arith.constant 16 : index
          %get3A_212 = tpu.vector_load %get3A_209[%get3A_210, %get3A_211] {strides = array<i32>} : memref<80x128xi32, #tpu.memory_space<vmem>>, vector<16xi32>,
          %bitcast3A_213 = vector.bitcast %get3A_212 : vector<16xi32> to vector<32xbf16>
          %mul3A_214 = arith.mulf %bitcast3A_205, %bitcast3A_213 : vector<32xbf16>
          %get3A_215 = arith.constant 0 : i32
          %get3A_216 = arith.constant 0 : i32
          %get3A_217 = tpu.memref_slice %arg9[%scan3A_87, %get3A_215, %get3A_216] : memref<2x80x128xi32, #tpu.memory_space<vmem>> -> memref<1x80x128xi32, #tpu.memory_space<vmem>>
          %get3A_218 = tpu.memref_squeeze %get3A_217 : memref<1x80x128xi32, #tpu.memory_space<vmem>> -> memref<80x128xi32, #tpu.memory_space<vmem>>
          %get3A_219 = arith.index_cast %add3A_180 : i32 to index
          %get3A_220 = arith.constant 32 : index
          %get3A_221 = tpu.vector_load %get3A_218[%get3A_219, %get3A_220] {strides = array<i32>} : memref<80x128xi32, #tpu.memory_space<vmem>>, vector<16xi32>,
          %bitcast3A_222 = vector.bitcast %get3A_221 : vector<16xi32> to vector<32xbf16>
          %get3A_223 = arith.constant 0 : i32
          %get3A_224 = arith.constant 0 : i32
          %get3A_225 = tpu.memref_slice %arg10[%scan3A_88, %get3A_223, %get3A_224] : memref<2x80x128xi32, #tpu.memory_space<vmem>> -> memref<1x80x128xi32, #tpu.memory_space<vmem>>
          %get3A_226 = tpu.memref_squeeze %get3A_225 : memref<1x80x128xi32, #tpu.memory_space<vmem>> -> memref<80x128xi32, #tpu.memory_space<vmem>>
          %get3A_227 = arith.index_cast %add3A_180 : i32 to index
          %get3A_228 = arith.constant 32 : index
          %get3A_229 = tpu.vector_load %get3A_226[%get3A_227, %get3A_228] {strides = array<i32>} : memref<80x128xi32, #tpu.memory_space<vmem>>, vector<16xi32>,
          %bitcast3A_230 = vector.bitcast %get3A_229 : vector<16xi32> to vector<32xbf16>
          %mul3A_231 = arith.mulf %bitcast3A_222, %bitcast3A_230 : vector<32xbf16>
          %get3A_232 = arith.constant 0 : i32
          %get3A_233 = arith.constant 0 : i32
          %get3A_234 = tpu.memref_slice %arg9[%scan3A_87, %get3A_232, %get3A_233] : memref<2x80x128xi32, #tpu.memory_space<vmem>> -> memref<1x80x128xi32, #tpu.memory_space<vmem>>
          %get3A_235 = tpu.memref_squeeze %get3A_234 : memref<1x80x128xi32, #tpu.memory_space<vmem>> -> memref<80x128xi32, #tpu.memory_space<vmem>>
          %get3A_236 = arith.index_cast %add3A_180 : i32 to index
          %get3A_237 = arith.constant 48 : index
          %get3A_238 = tpu.vector_load %get3A_235[%get3A_236, %get3A_237] {strides = array<i32>} : memref<80x128xi32, #tpu.memory_space<vmem>>, vector<16xi32>,
          %bitcast3A_239 = vector.bitcast %get3A_238 : vector<16xi32> to vector<32xbf16>
          %get3A_240 = arith.constant 0 : i32
          %get3A_241 = arith.constant 0 : i32
          %get3A_242 = tpu.memref_slice %arg10[%scan3A_88, %get3A_240, %get3A_241] : memref<2x80x128xi32, #tpu.memory_space<vmem>> -> memref<1x80x128xi32, #tpu.memory_space<vmem>>
          %get3A_243 = tpu.memref_squeeze %get3A_242 : memref<1x80x128xi32, #tpu.memory_space<vmem>> -> memref<80x128xi32, #tpu.memory_space<vmem>>
          %get3A_244 = arith.index_cast %add3A_180 : i32 to index
          %get3A_245 = arith.constant 48 : index
          %get3A_246 = tpu.vector_load %get3A_243[%get3A_244, %get3A_245] {strides = array<i32>} : memref<80x128xi32, #tpu.memory_space<vmem>>, vector<16xi32>,
          %bitcast3A_247 = vector.bitcast %get3A_246 : vector<16xi32> to vector<32xbf16>
          %mul3A_248 = arith.mulf %bitcast3A_239, %bitcast3A_247 : vector<32xbf16>
          %add3A_249 = arith.addf %mul3A_197, %mul3A_214 : vector<32xbf16>
          %unpack3A_250 = tpu.unpack_subelements %add3A_249, 0 {pack_format = #tpu.pack_format<interleaved>} : vector<32xbf16> -> vector<16xf32>
          %unpack3A_251 = tpu.unpack_subelements %add3A_249, 1 {pack_format = #tpu.pack_format<interleaved>} : vector<32xbf16> -> vector<16xf32>
          %add3A_252 = arith.addf %unpack3A_250, %unpack3A_251 : vector<16xf32>
          %add3A_253 = arith.addf %mul3A_231, %mul3A_248 : vector<32xbf16>
          %unpack3A_254 = tpu.unpack_subelements %add3A_253, 0 {pack_format = #tpu.pack_format<interleaved>} : vector<32xbf16> -> vector<16xf32>
          %unpack3A_255 = tpu.unpack_subelements %add3A_253, 1 {pack_format = #tpu.pack_format<interleaved>} : vector<32xbf16> -> vector<16xf32>
          %add3A_256 = arith.addf %unpack3A_254, %unpack3A_255 : vector<16xf32>
          %add3A_257 = arith.addf %add3A_252, %add3A_256 : vector<16xf32>
          %mul3A_258 = arith.constant 80 : i32
          %mul3A_259 = arith.muli %add3A_52, %mul3A_258 : i32
          %add3A_260 = arith.addi %mul3A_259, %mul3A_96 : i32
          %add3A_261 = arith.constant 1 : i32
          %add3A_262 = arith.addi %add3A_260, %add3A_261 : i32
          %broadcast_in_dim3A_263 = vector.broadcast %add3A_262 : i32 to vector<16xi32>
          tpu.vector_store_idx %arg11[%broadcast_in_dim3A_263], %add3A_257 {add = true} : memref<10000xf32, #tpu.memory_space<vmem>>[vector<16xi32>], vector<16xf32>,
          %add3A_264 = arith.constant 2 : i32
          %add3A_265 = arith.addi %mul3A_96, %add3A_264 : i32
          %get3A_266 = arith.constant 0 : i32
          %get3A_267 = arith.constant 0 : i32
          %get3A_268 = tpu.memref_slice %arg9[%scan3A_87, %get3A_266, %get3A_267] : memref<2x80x128xi32, #tpu.memory_space<vmem>> -> memref<1x80x128xi32, #tpu.memory_space<vmem>>
          %get3A_269 = tpu.memref_squeeze %get3A_268 : memref<1x80x128xi32, #tpu.memory_space<vmem>> -> memref<80x128xi32, #tpu.memory_space<vmem>>
          %get3A_270 = arith.index_cast %add3A_265 : i32 to index
          %get3A_271 = arith.constant 0 : index
          %get3A_272 = tpu.vector_load %get3A_269[%get3A_270, %get3A_271] {strides = array<i32>} : memref<80x128xi32, #tpu.memory_space<vmem>>, vector<16xi32>,
          %bitcast3A_273 = vector.bitcast %get3A_272 : vector<16xi32> to vector<32xbf16>
          %get3A_274 = arith.constant 0 : i32
          %get3A_275 = arith.constant 0 : i32
          %get3A_276 = tpu.memref_slice %arg10[%scan3A_88, %get3A_274, %get3A_275] : memref<2x80x128xi32, #tpu.memory_space<vmem>> -> memref<1x80x128xi32, #tpu.memory_space<vmem>>
          %get3A_277 = tpu.memref_squeeze %get3A_276 : memref<1x80x128xi32, #tpu.memory_space<vmem>> -> memref<80x128xi32, #tpu.memory_space<vmem>>
          %get3A_278 = arith.index_cast %add3A_265 : i32 to index
          %get3A_279 = arith.constant 0 : index
          %get3A_280 = tpu.vector_load %get3A_277[%get3A_278, %get3A_279] {strides = array<i32>} : memref<80x128xi32, #tpu.memory_space<vmem>>, vector<16xi32>,
          %bitcast3A_281 = vector.bitcast %get3A_280 : vector<16xi32> to vector<32xbf16>
          %mul3A_282 = arith.mulf %bitcast3A_273, %bitcast3A_281 : vector<32xbf16>
          %get3A_283 = arith.constant 0 : i32
          %get3A_284 = arith.constant 0 : i32
          %get3A_285 = tpu.memref_slice %arg9[%scan3A_87, %get3A_283, %get3A_284] : memref<2x80x128xi32, #tpu.memory_space<vmem>> -> memref<1x80x128xi32, #tpu.memory_space<vmem>>
          %get3A_286 = tpu.memref_squeeze %get3A_285 : memref<1x80x128xi32, #tpu.memory_space<vmem>> -> memref<80x128xi32, #tpu.memory_space<vmem>>
          %get3A_287 = arith.index_cast %add3A_265 : i32 to index
          %get3A_288 = arith.constant 16 : index
          %get3A_289 = tpu.vector_load %get3A_286[%get3A_287, %get3A_288] {strides = array<i32>} : memref<80x128xi32, #tpu.memory_space<vmem>>, vector<16xi32>,
          %bitcast3A_290 = vector.bitcast %get3A_289 : vector<16xi32> to vector<32xbf16>
          %get3A_291 = arith.constant 0 : i32
          %get3A_292 = arith.constant 0 : i32
          %get3A_293 = tpu.memref_slice %arg10[%scan3A_88, %get3A_291, %get3A_292] : memref<2x80x128xi32, #tpu.memory_space<vmem>> -> memref<1x80x128xi32, #tpu.memory_space<vmem>>
          %get3A_294 = tpu.memref_squeeze %get3A_293 : memref<1x80x128xi32, #tpu.memory_space<vmem>> -> memref<80x128xi32, #tpu.memory_space<vmem>>
          %get3A_295 = arith.index_cast %add3A_265 : i32 to index
          %get3A_296 = arith.constant 16 : index
          %get3A_297 = tpu.vector_load %get3A_294[%get3A_295, %get3A_296] {strides = array<i32>} : memref<80x128xi32, #tpu.memory_space<vmem>>, vector<16xi32>,
          %bitcast3A_298 = vector.bitcast %get3A_297 : vector<16xi32> to vector<32xbf16>
          %mul3A_299 = arith.mulf %bitcast3A_290, %bitcast3A_298 : vector<32xbf16>
          %get3A_300 = arith.constant 0 : i32
          %get3A_301 = arith.constant 0 : i32
          %get3A_302 = tpu.memref_slice %arg9[%scan3A_87, %get3A_300, %get3A_301] : memref<2x80x128xi32, #tpu.memory_space<vmem>> -> memref<1x80x128xi32, #tpu.memory_space<vmem>>
          %get3A_303 = tpu.memref_squeeze %get3A_302 : memref<1x80x128xi32, #tpu.memory_space<vmem>> -> memref<80x128xi32, #tpu.memory_space<vmem>>
          %get3A_304 = arith.index_cast %add3A_265 : i32 to index
          %get3A_305 = arith.constant 32 : index
          %get3A_306 = tpu.vector_load %get3A_303[%get3A_304, %get3A_305] {strides = array<i32>} : memref<80x128xi32, #tpu.memory_space<vmem>>, vector<16xi32>,
          %bitcast3A_307 = vector.bitcast %get3A_306 : vector<16xi32> to vector<32xbf16>
          %get3A_308 = arith.constant 0 : i32
          %get3A_309 = arith.constant 0 : i32
          %get3A_310 = tpu.memref_slice %arg10[%scan3A_88, %get3A_308, %get3A_309] : memref<2x80x128xi32, #tpu.memory_space<vmem>> -> memref<1x80x128xi32, #tpu.memory_space<vmem>>
          %get3A_311 = tpu.memref_squeeze %get3A_310 : memref<1x80x128xi32, #tpu.memory_space<vmem>> -> memref<80x128xi32, #tpu.memory_space<vmem>>
          %get3A_312 = arith.index_cast %add3A_265 : i32 to index
          %get3A_313 = arith.constant 32 : index
          %get3A_314 = tpu.vector_load %get3A_311[%get3A_312, %get3A_313] {strides = array<i32>} : memref<80x128xi32, #tpu.memory_space<vmem>>, vector<16xi32>,
          %bitcast3A_315 = vector.bitcast %get3A_314 : vector<16xi32> to vector<32xbf16>
          %mul3A_316 = arith.mulf %bitcast3A_307, %bitcast3A_315 : vector<32xbf16>
          %get3A_317 = arith.constant 0 : i32
          %get3A_318 = arith.constant 0 : i32
          %get3A_319 = tpu.memref_slice %arg9[%scan3A_87, %get3A_317, %get3A_318] : memref<2x80x128xi32, #tpu.memory_space<vmem>> -> memref<1x80x128xi32, #tpu.memory_space<vmem>>
          %get3A_320 = tpu.memref_squeeze %get3A_319 : memref<1x80x128xi32, #tpu.memory_space<vmem>> -> memref<80x128xi32, #tpu.memory_space<vmem>>
          %get3A_321 = arith.index_cast %add3A_265 : i32 to index
          %get3A_322 = arith.constant 48 : index
          %get3A_323 = tpu.vector_load %get3A_320[%get3A_321, %get3A_322] {strides = array<i32>} : memref<80x128xi32, #tpu.memory_space<vmem>>, vector<16xi32>,
          %bitcast3A_324 = vector.bitcast %get3A_323 : vector<16xi32> to vector<32xbf16>
          %get3A_325 = arith.constant 0 : i32
          %get3A_326 = arith.constant 0 : i32
          %get3A_327 = tpu.memref_slice %arg10[%scan3A_88, %get3A_325, %get3A_326] : memref<2x80x128xi32, #tpu.memory_space<vmem>> -> memref<1x80x128xi32, #tpu.memory_space<vmem>>
          %get3A_328 = tpu.memref_squeeze %get3A_327 : memref<1x80x128xi32, #tpu.memory_space<vmem>> -> memref<80x128xi32, #tpu.memory_space<vmem>>
          %get3A_329 = arith.index_cast %add3A_265 : i32 to index
          %get3A_330 = arith.constant 48 : index
          %get3A_331 = tpu.vector_load %get3A_328[%get3A_329, %get3A_330] {strides = array<i32>} : memref<80x128xi32, #tpu.memory_space<vmem>>, vector<16xi32>,
          %bitcast3A_332 = vector.bitcast %get3A_331 : vector<16xi32> to vector<32xbf16>
          %mul3A_333 = arith.mulf %bitcast3A_324, %bitcast3A_332 : vector<32xbf16>
          %add3A_334 = arith.addf %mul3A_282, %mul3A_299 : vector<32xbf16>
          %unpack3A_335 = tpu.unpack_subelements %add3A_334, 0 {pack_format = #tpu.pack_format<interleaved>} : vector<32xbf16> -> vector<16xf32>
          %unpack3A_336 = tpu.unpack_subelements %add3A_334, 1 {pack_format = #tpu.pack_format<interleaved>} : vector<32xbf16> -> vector<16xf32>
          %add3A_337 = arith.addf %unpack3A_335, %unpack3A_336 : vector<16xf32>
          %add3A_338 = arith.addf %mul3A_316, %mul3A_333 : vector<32xbf16>
          %unpack3A_339 = tpu.unpack_subelements %add3A_338, 0 {pack_format = #tpu.pack_format<interleaved>} : vector<32xbf16> -> vector<16xf32>
          %unpack3A_340 = tpu.unpack_subelements %add3A_338, 1 {pack_format = #tpu.pack_format<interleaved>} : vector<32xbf16> -> vector<16xf32>
          %add3A_341 = arith.addf %unpack3A_339, %unpack3A_340 : vector<16xf32>
          %add3A_342 = arith.addf %add3A_337, %add3A_341 : vector<16xf32>
          %mul3A_343 = arith.constant 80 : i32
          %mul3A_344 = arith.muli %add3A_52, %mul3A_343 : i32
          %add3A_345 = arith.addi %mul3A_344, %mul3A_96 : i32
          %add3A_346 = arith.constant 2 : i32
          %add3A_347 = arith.addi %add3A_345, %add3A_346 : i32
          %broadcast_in_dim3A_348 = vector.broadcast %add3A_347 : i32 to vector<16xi32>
          tpu.vector_store_idx %arg11[%broadcast_in_dim3A_348], %add3A_342 {add = true} : memref<10000xf32, #tpu.memory_space<vmem>>[vector<16xi32>], vector<16xf32>,
          %add3A_349 = arith.constant 3 : i32
          %add3A_350 = arith.addi %mul3A_96, %add3A_349 : i32
          %get3A_351 = arith.constant 0 : i32
          %get3A_352 = arith.constant 0 : i32
          %get3A_353 = tpu.memref_slice %arg9[%scan3A_87, %get3A_351, %get3A_352] : memref<2x80x128xi32, #tpu.memory_space<vmem>> -> memref<1x80x128xi32, #tpu.memory_space<vmem>>
          %get3A_354 = tpu.memref_squeeze %get3A_353 : memref<1x80x128xi32, #tpu.memory_space<vmem>> -> memref<80x128xi32, #tpu.memory_space<vmem>>
          %get3A_355 = arith.index_cast %add3A_350 : i32 to index
          %get3A_356 = arith.constant 0 : index
          %get3A_357 = tpu.vector_load %get3A_354[%get3A_355, %get3A_356] {strides = array<i32>} : memref<80x128xi32, #tpu.memory_space<vmem>>, vector<16xi32>,
          %bitcast3A_358 = vector.bitcast %get3A_357 : vector<16xi32> to vector<32xbf16>
          %get3A_359 = arith.constant 0 : i32
          %get3A_360 = arith.constant 0 : i32
          %get3A_361 = tpu.memref_slice %arg10[%scan3A_88, %get3A_359, %get3A_360] : memref<2x80x128xi32, #tpu.memory_space<vmem>> -> memref<1x80x128xi32, #tpu.memory_space<vmem>>
          %get3A_362 = tpu.memref_squeeze %get3A_361 : memref<1x80x128xi32, #tpu.memory_space<vmem>> -> memref<80x128xi32, #tpu.memory_space<vmem>>
          %get3A_363 = arith.index_cast %add3A_350 : i32 to index
          %get3A_364 = arith.constant 0 : index
          %get3A_365 = tpu.vector_load %get3A_362[%get3A_363, %get3A_364] {strides = array<i32>} : memref<80x128xi32, #tpu.memory_space<vmem>>, vector<16xi32>,
          %bitcast3A_366 = vector.bitcast %get3A_365 : vector<16xi32> to vector<32xbf16>
          %mul3A_367 = arith.mulf %bitcast3A_358, %bitcast3A_366 : vector<32xbf16>
          %get3A_368 = arith.constant 0 : i32
          %get3A_369 = arith.constant 0 : i32
          %get3A_370 = tpu.memref_slice %arg9[%scan3A_87, %get3A_368, %get3A_369] : memref<2x80x128xi32, #tpu.memory_space<vmem>> -> memref<1x80x128xi32, #tpu.memory_space<vmem>>
          %get3A_371 = tpu.memref_squeeze %get3A_370 : memref<1x80x128xi32, #tpu.memory_space<vmem>> -> memref<80x128xi32, #tpu.memory_space<vmem>>
          %get3A_372 = arith.index_cast %add3A_350 : i32 to index
          %get3A_373 = arith.constant 16 : index
          %get3A_374 = tpu.vector_load %get3A_371[%get3A_372, %get3A_373] {strides = array<i32>} : memref<80x128xi32, #tpu.memory_space<vmem>>, vector<16xi32>,
          %bitcast3A_375 = vector.bitcast %get3A_374 : vector<16xi32> to vector<32xbf16>
          %get3A_376 = arith.constant 0 : i32
          %get3A_377 = arith.constant 0 : i32
          %get3A_378 = tpu.memref_slice %arg10[%scan3A_88, %get3A_376, %get3A_377] : memref<2x80x128xi32, #tpu.memory_space<vmem>> -> memref<1x80x128xi32, #tpu.memory_space<vmem>>
          %get3A_379 = tpu.memref_squeeze %get3A_378 : memref<1x80x128xi32, #tpu.memory_space<vmem>> -> memref<80x128xi32, #tpu.memory_space<vmem>>
          %get3A_380 = arith.index_cast %add3A_350 : i32 to index
          %get3A_381 = arith.constant 16 : index
          %get3A_382 = tpu.vector_load %get3A_379[%get3A_380, %get3A_381] {strides = array<i32>} : memref<80x128xi32, #tpu.memory_space<vmem>>, vector<16xi32>,
          %bitcast3A_383 = vector.bitcast %get3A_382 : vector<16xi32> to vector<32xbf16>
          %mul3A_384 = arith.mulf %bitcast3A_375, %bitcast3A_383 : vector<32xbf16>
          %get3A_385 = arith.constant 0 : i32
          %get3A_386 = arith.constant 0 : i32
          %get3A_387 = tpu.memref_slice %arg9[%scan3A_87, %get3A_385, %get3A_386] : memref<2x80x128xi32, #tpu.memory_space<vmem>> -> memref<1x80x128xi32, #tpu.memory_space<vmem>>
          %get3A_388 = tpu.memref_squeeze %get3A_387 : memref<1x80x128xi32, #tpu.memory_space<vmem>> -> memref<80x128xi32, #tpu.memory_space<vmem>>
          %get3A_389 = arith.index_cast %add3A_350 : i32 to index
          %get3A_390 = arith.constant 32 : index
          %get3A_391 = tpu.vector_load %get3A_388[%get3A_389, %get3A_390] {strides = array<i32>} : memref<80x128xi32, #tpu.memory_space<vmem>>, vector<16xi32>,
          %bitcast3A_392 = vector.bitcast %get3A_391 : vector<16xi32> to vector<32xbf16>
          %get3A_393 = arith.constant 0 : i32
          %get3A_394 = arith.constant 0 : i32
          %get3A_395 = tpu.memref_slice %arg10[%scan3A_88, %get3A_393, %get3A_394] : memref<2x80x128xi32, #tpu.memory_space<vmem>> -> memref<1x80x128xi32, #tpu.memory_space<vmem>>
          %get3A_396 = tpu.memref_squeeze %get3A_395 : memref<1x80x128xi32, #tpu.memory_space<vmem>> -> memref<80x128xi32, #tpu.memory_space<vmem>>
          %get3A_397 = arith.index_cast %add3A_350 : i32 to index
          %get3A_398 = arith.constant 32 : index
          %get3A_399 = tpu.vector_load %get3A_396[%get3A_397, %get3A_398] {strides = array<i32>} : memref<80x128xi32, #tpu.memory_space<vmem>>, vector<16xi32>,
          %bitcast3A_400 = vector.bitcast %get3A_399 : vector<16xi32> to vector<32xbf16>
          %mul3A_401 = arith.mulf %bitcast3A_392, %bitcast3A_400 : vector<32xbf16>
          %get3A_402 = arith.constant 0 : i32
          %get3A_403 = arith.constant 0 : i32
          %get3A_404 = tpu.memref_slice %arg9[%scan3A_87, %get3A_402, %get3A_403] : memref<2x80x128xi32, #tpu.memory_space<vmem>> -> memref<1x80x128xi32, #tpu.memory_space<vmem>>
          %get3A_405 = tpu.memref_squeeze %get3A_404 : memref<1x80x128xi32, #tpu.memory_space<vmem>> -> memref<80x128xi32, #tpu.memory_space<vmem>>
          %get3A_406 = arith.index_cast %add3A_350 : i32 to index
          %get3A_407 = arith.constant 48 : index
          %get3A_408 = tpu.vector_load %get3A_405[%get3A_406, %get3A_407] {strides = array<i32>} : memref<80x128xi32, #tpu.memory_space<vmem>>, vector<16xi32>,
          %bitcast3A_409 = vector.bitcast %get3A_408 : vector<16xi32> to vector<32xbf16>
          %get3A_410 = arith.constant 0 : i32
          %get3A_411 = arith.constant 0 : i32
          %get3A_412 = tpu.memref_slice %arg10[%scan3A_88, %get3A_410, %get3A_411] : memref<2x80x128xi32, #tpu.memory_space<vmem>> -> memref<1x80x128xi32, #tpu.memory_space<vmem>>
          %get3A_413 = tpu.memref_squeeze %get3A_412 : memref<1x80x128xi32, #tpu.memory_space<vmem>> -> memref<80x128xi32, #tpu.memory_space<vmem>>
          %get3A_414 = arith.index_cast %add3A_350 : i32 to index
          %get3A_415 = arith.constant 48 : index
          %get3A_416 = tpu.vector_load %get3A_413[%get3A_414, %get3A_415] {strides = array<i32>} : memref<80x128xi32, #tpu.memory_space<vmem>>, vector<16xi32>,
          %bitcast3A_417 = vector.bitcast %get3A_416 : vector<16xi32> to vector<32xbf16>
          %mul3A_418 = arith.mulf %bitcast3A_409, %bitcast3A_417 : vector<32xbf16>
          %add3A_419 = arith.addf %mul3A_367, %mul3A_384 : vector<32xbf16>
          %unpack3A_420 = tpu.unpack_subelements %add3A_419, 0 {pack_format = #tpu.pack_format<interleaved>} : vector<32xbf16> -> vector<16xf32>
          %unpack3A_421 = tpu.unpack_subelements %add3A_419, 1 {pack_format = #tpu.pack_format<interleaved>} : vector<32xbf16> -> vector<16xf32>
          %add3A_422 = arith.addf %unpack3A_420, %unpack3A_421 : vector<16xf32>
          %add3A_423 = arith.addf %mul3A_401, %mul3A_418 : vector<32xbf16>
          %unpack3A_424 = tpu.unpack_subelements %add3A_423, 0 {pack_format = #tpu.pack_format<interleaved>} : vector<32xbf16> -> vector<16xf32>
          %unpack3A_425 = tpu.unpack_subelements %add3A_423, 1 {pack_format = #tpu.pack_format<interleaved>} : vector<32xbf16> -> vector<16xf32>
          %add3A_426 = arith.addf %unpack3A_424, %unpack3A_425 : vector<16xf32>
          %add3A_427 = arith.addf %add3A_422, %add3A_426 : vector<16xf32>
          %mul3A_428 = arith.constant 80 : i32
          %mul3A_429 = arith.muli %add3A_52, %mul3A_428 : i32
          %add3A_430 = arith.addi %mul3A_429, %mul3A_96 : i32
          %add3A_431 = arith.constant 3 : i32
          %add3A_432 = arith.addi %add3A_430, %add3A_431 : i32
          %broadcast_in_dim3A_433 = vector.broadcast %add3A_432 : i32 to vector<16xi32>
          tpu.vector_store_idx %arg11[%broadcast_in_dim3A_433], %add3A_427 {add = true} : memref<10000xf32, #tpu.memory_space<vmem>>[vector<16xi32>], vector<16xf32>,
          %add3A_434 = arith.constant 4 : i32
          %add3A_435 = arith.addi %mul3A_96, %add3A_434 : i32
          %get3A_436 = arith.constant 0 : i32
          %get3A_437 = arith.constant 0 : i32
          %get3A_438 = tpu.memref_slice %arg9[%scan3A_87, %get3A_436, %get3A_437] : memref<2x80x128xi32, #tpu.memory_space<vmem>> -> memref<1x80x128xi32, #tpu.memory_space<vmem>>
          %get3A_439 = tpu.memref_squeeze %get3A_438 : memref<1x80x128xi32, #tpu.memory_space<vmem>> -> memref<80x128xi32, #tpu.memory_space<vmem>>
          %get3A_440 = arith.index_cast %add3A_435 : i32 to index
          %get3A_441 = arith.constant 0 : index
          %get3A_442 = tpu.vector_load %get3A_439[%get3A_440, %get3A_441] {strides = array<i32>} : memref<80x128xi32, #tpu.memory_space<vmem>>, vector<16xi32>,
          %bitcast3A_443 = vector.bitcast %get3A_442 : vector<16xi32> to vector<32xbf16>
          %get3A_444 = arith.constant 0 : i32
          %get3A_445 = arith.constant 0 : i32
          %get3A_446 = tpu.memref_slice %arg10[%scan3A_88, %get3A_444, %get3A_445] : memref<2x80x128xi32, #tpu.memory_space<vmem>> -> memref<1x80x128xi32, #tpu.memory_space<vmem>>
          %get3A_447 = tpu.memref_squeeze %get3A_446 : memref<1x80x128xi32, #tpu.memory_space<vmem>> -> memref<80x128xi32, #tpu.memory_space<vmem>>
          %get3A_448 = arith.index_cast %add3A_435 : i32 to index
          %get3A_449 = arith.constant 0 : index
          %get3A_450 = tpu.vector_load %get3A_447[%get3A_448, %get3A_449] {strides = array<i32>} : memref<80x128xi32, #tpu.memory_space<vmem>>, vector<16xi32>,
          %bitcast3A_451 = vector.bitcast %get3A_450 : vector<16xi32> to vector<32xbf16>
          %mul3A_452 = arith.mulf %bitcast3A_443, %bitcast3A_451 : vector<32xbf16>
          %get3A_453 = arith.constant 0 : i32
          %get3A_454 = arith.constant 0 : i32
          %get3A_455 = tpu.memref_slice %arg9[%scan3A_87, %get3A_453, %get3A_454] : memref<2x80x128xi32, #tpu.memory_space<vmem>> -> memref<1x80x128xi32, #tpu.memory_space<vmem>>
          %get3A_456 = tpu.memref_squeeze %get3A_455 : memref<1x80x128xi32, #tpu.memory_space<vmem>> -> memref<80x128xi32, #tpu.memory_space<vmem>>
          %get3A_457 = arith.index_cast %add3A_435 : i32 to index
          %get3A_458 = arith.constant 16 : index
          %get3A_459 = tpu.vector_load %get3A_456[%get3A_457, %get3A_458] {strides = array<i32>} : memref<80x128xi32, #tpu.memory_space<vmem>>, vector<16xi32>,
          %bitcast3A_460 = vector.bitcast %get3A_459 : vector<16xi32> to vector<32xbf16>
          %get3A_461 = arith.constant 0 : i32
          %get3A_462 = arith.constant 0 : i32
          %get3A_463 = tpu.memref_slice %arg10[%scan3A_88, %get3A_461, %get3A_462] : memref<2x80x128xi32, #tpu.memory_space<vmem>> -> memref<1x80x128xi32, #tpu.memory_space<vmem>>
          %get3A_464 = tpu.memref_squeeze %get3A_463 : memref<1x80x128xi32, #tpu.memory_space<vmem>> -> memref<80x128xi32, #tpu.memory_space<vmem>>
          %get3A_465 = arith.index_cast %add3A_435 : i32 to index
          %get3A_466 = arith.constant 16 : index
          %get3A_467 = tpu.vector_load %get3A_464[%get3A_465, %get3A_466] {strides = array<i32>} : memref<80x128xi32, #tpu.memory_space<vmem>>, vector<16xi32>,
          %bitcast3A_468 = vector.bitcast %get3A_467 : vector<16xi32> to vector<32xbf16>
          %mul3A_469 = arith.mulf %bitcast3A_460, %bitcast3A_468 : vector<32xbf16>
          %get3A_470 = arith.constant 0 : i32
          %get3A_471 = arith.constant 0 : i32
          %get3A_472 = tpu.memref_slice %arg9[%scan3A_87, %get3A_470, %get3A_471] : memref<2x80x128xi32, #tpu.memory_space<vmem>> -> memref<1x80x128xi32, #tpu.memory_space<vmem>>
          %get3A_473 = tpu.memref_squeeze %get3A_472 : memref<1x80x128xi32, #tpu.memory_space<vmem>> -> memref<80x128xi32, #tpu.memory_space<vmem>>
          %get3A_474 = arith.index_cast %add3A_435 : i32 to index
          %get3A_475 = arith.constant 32 : index
          %get3A_476 = tpu.vector_load %get3A_473[%get3A_474, %get3A_475] {strides = array<i32>} : memref<80x128xi32, #tpu.memory_space<vmem>>, vector<16xi32>,
          %bitcast3A_477 = vector.bitcast %get3A_476 : vector<16xi32> to vector<32xbf16>
          %get3A_478 = arith.constant 0 : i32
          %get3A_479 = arith.constant 0 : i32
          %get3A_480 = tpu.memref_slice %arg10[%scan3A_88, %get3A_478, %get3A_479] : memref<2x80x128xi32, #tpu.memory_space<vmem>> -> memref<1x80x128xi32, #tpu.memory_space<vmem>>
          %get3A_481 = tpu.memref_squeeze %get3A_480 : memref<1x80x128xi32, #tpu.memory_space<vmem>> -> memref<80x128xi32, #tpu.memory_space<vmem>>
          %get3A_482 = arith.index_cast %add3A_435 : i32 to index
          %get3A_483 = arith.constant 32 : index
          %get3A_484 = tpu.vector_load %get3A_481[%get3A_482, %get3A_483] {strides = array<i32>} : memref<80x128xi32, #tpu.memory_space<vmem>>, vector<16xi32>,
          %bitcast3A_485 = vector.bitcast %get3A_484 : vector<16xi32> to vector<32xbf16>
          %mul3A_486 = arith.mulf %bitcast3A_477, %bitcast3A_485 : vector<32xbf16>
          %get3A_487 = arith.constant 0 : i32
          %get3A_488 = arith.constant 0 : i32
          %get3A_489 = tpu.memref_slice %arg9[%scan3A_87, %get3A_487, %get3A_488] : memref<2x80x128xi32, #tpu.memory_space<vmem>> -> memref<1x80x128xi32, #tpu.memory_space<vmem>>
          %get3A_490 = tpu.memref_squeeze %get3A_489 : memref<1x80x128xi32, #tpu.memory_space<vmem>> -> memref<80x128xi32, #tpu.memory_space<vmem>>
          %get3A_491 = arith.index_cast %add3A_435 : i32 to index
          %get3A_492 = arith.constant 48 : index
          %get3A_493 = tpu.vector_load %get3A_490[%get3A_491, %get3A_492] {strides = array<i32>} : memref<80x128xi32, #tpu.memory_space<vmem>>, vector<16xi32>,
          %bitcast3A_494 = vector.bitcast %get3A_493 : vector<16xi32> to vector<32xbf16>
          %get3A_495 = arith.constant 0 : i32
          %get3A_496 = arith.constant 0 : i32
          %get3A_497 = tpu.memref_slice %arg10[%scan3A_88, %get3A_495, %get3A_496] : memref<2x80x128xi32, #tpu.memory_space<vmem>> -> memref<1x80x128xi32, #tpu.memory_space<vmem>>
          %get3A_498 = tpu.memref_squeeze %get3A_497 : memref<1x80x128xi32, #tpu.memory_space<vmem>> -> memref<80x128xi32, #tpu.memory_space<vmem>>
          %get3A_499 = arith.index_cast %add3A_435 : i32 to index
          %get3A_500 = arith.constant 48 : index
          %get3A_501 = tpu.vector_load %get3A_498[%get3A_499, %get3A_500] {strides = array<i32>} : memref<80x128xi32, #tpu.memory_space<vmem>>, vector<16xi32>,
          %bitcast3A_502 = vector.bitcast %get3A_501 : vector<16xi32> to vector<32xbf16>
          %mul3A_503 = arith.mulf %bitcast3A_494, %bitcast3A_502 : vector<32xbf16>
          %add3A_504 = arith.addf %mul3A_452, %mul3A_469 : vector<32xbf16>
          %unpack3A_505 = tpu.unpack_subelements %add3A_504, 0 {pack_format = #tpu.pack_format<interleaved>} : vector<32xbf16> -> vector<16xf32>
          %unpack3A_506 = tpu.unpack_subelements %add3A_504, 1 {pack_format = #tpu.pack_format<interleaved>} : vector<32xbf16> -> vector<16xf32>
          %add3A_507 = arith.addf %unpack3A_505, %unpack3A_506 : vector<16xf32>
          %add3A_508 = arith.addf %mul3A_486, %mul3A_503 : vector<32xbf16>
          %unpack3A_509 = tpu.unpack_subelements %add3A_508, 0 {pack_format = #tpu.pack_format<interleaved>} : vector<32xbf16> -> vector<16xf32>
          %unpack3A_510 = tpu.unpack_subelements %add3A_508, 1 {pack_format = #tpu.pack_format<interleaved>} : vector<32xbf16> -> vector<16xf32>
          %add3A_511 = arith.addf %unpack3A_509, %unpack3A_510 : vector<16xf32>
          %add3A_512 = arith.addf %add3A_507, %add3A_511 : vector<16xf32>
          %mul3A_513 = arith.constant 80 : i32
          %mul3A_514 = arith.muli %add3A_52, %mul3A_513 : i32
          %add3A_515 = arith.addi %mul3A_514, %mul3A_96 : i32
          %add3A_516 = arith.constant 4 : i32
          %add3A_517 = arith.addi %add3A_515, %add3A_516 : i32
          %broadcast_in_dim3A_518 = vector.broadcast %add3A_517 : i32 to vector<16xi32>
          tpu.vector_store_idx %arg11[%broadcast_in_dim3A_518], %add3A_512 {add = true} : memref<10000xf32, #tpu.memory_space<vmem>>[vector<16xi32>], vector<16xf32>,
          %add3A_519 = arith.constant 5 : i32
          %add3A_520 = arith.addi %mul3A_96, %add3A_519 : i32
          %get3A_521 = arith.constant 0 : i32
          %get3A_522 = arith.constant 0 : i32
          %get3A_523 = tpu.memref_slice %arg9[%scan3A_87, %get3A_521, %get3A_522] : memref<2x80x128xi32, #tpu.memory_space<vmem>> -> memref<1x80x128xi32, #tpu.memory_space<vmem>>
          %get3A_524 = tpu.memref_squeeze %get3A_523 : memref<1x80x128xi32, #tpu.memory_space<vmem>> -> memref<80x128xi32, #tpu.memory_space<vmem>>
          %get3A_525 = arith.index_cast %add3A_520 : i32 to index
          %get3A_526 = arith.constant 0 : index
          %get3A_527 = tpu.vector_load %get3A_524[%get3A_525, %get3A_526] {strides = array<i32>} : memref<80x128xi32, #tpu.memory_space<vmem>>, vector<16xi32>,
          %bitcast3A_528 = vector.bitcast %get3A_527 : vector<16xi32> to vector<32xbf16>
          %get3A_529 = arith.constant 0 : i32
          %get3A_530 = arith.constant 0 : i32
          %get3A_531 = tpu.memref_slice %arg10[%scan3A_88, %get3A_529, %get3A_530] : memref<2x80x128xi32, #tpu.memory_space<vmem>> -> memref<1x80x128xi32, #tpu.memory_space<vmem>>
          %get3A_532 = tpu.memref_squeeze %get3A_531 : memref<1x80x128xi32, #tpu.memory_space<vmem>> -> memref<80x128xi32, #tpu.memory_space<vmem>>
          %get3A_533 = arith.index_cast %add3A_520 : i32 to index
          %get3A_534 = arith.constant 0 : index
          %get3A_535 = tpu.vector_load %get3A_532[%get3A_533, %get3A_534] {strides = array<i32>} : memref<80x128xi32, #tpu.memory_space<vmem>>, vector<16xi32>,
          %bitcast3A_536 = vector.bitcast %get3A_535 : vector<16xi32> to vector<32xbf16>
          %mul3A_537 = arith.mulf %bitcast3A_528, %bitcast3A_536 : vector<32xbf16>
          %get3A_538 = arith.constant 0 : i32
          %get3A_539 = arith.constant 0 : i32
          %get3A_540 = tpu.memref_slice %arg9[%scan3A_87, %get3A_538, %get3A_539] : memref<2x80x128xi32, #tpu.memory_space<vmem>> -> memref<1x80x128xi32, #tpu.memory_space<vmem>>
          %get3A_541 = tpu.memref_squeeze %get3A_540 : memref<1x80x128xi32, #tpu.memory_space<vmem>> -> memref<80x128xi32, #tpu.memory_space<vmem>>
          %get3A_542 = arith.index_cast %add3A_520 : i32 to index
          %get3A_543 = arith.constant 16 : index
          %get3A_544 = tpu.vector_load %get3A_541[%get3A_542, %get3A_543] {strides = array<i32>} : memref<80x128xi32, #tpu.memory_space<vmem>>, vector<16xi32>,
          %bitcast3A_545 = vector.bitcast %get3A_544 : vector<16xi32> to vector<32xbf16>
          %get3A_546 = arith.constant 0 : i32
          %get3A_547 = arith.constant 0 : i32
          %get3A_548 = tpu.memref_slice %arg10[%scan3A_88, %get3A_546, %get3A_547] : memref<2x80x128xi32, #tpu.memory_space<vmem>> -> memref<1x80x128xi32, #tpu.memory_space<vmem>>
          %get3A_549 = tpu.memref_squeeze %get3A_548 : memref<1x80x128xi32, #tpu.memory_space<vmem>> -> memref<80x128xi32, #tpu.memory_space<vmem>>
          %get3A_550 = arith.index_cast %add3A_520 : i32 to index
          %get3A_551 = arith.constant 16 : index
          %get3A_552 = tpu.vector_load %get3A_549[%get3A_550, %get3A_551] {strides = array<i32>} : memref<80x128xi32, #tpu.memory_space<vmem>>, vector<16xi32>,
          %bitcast3A_553 = vector.bitcast %get3A_552 : vector<16xi32> to vector<32xbf16>
          %mul3A_554 = arith.mulf %bitcast3A_545, %bitcast3A_553 : vector<32xbf16>
          %get3A_555 = arith.constant 0 : i32
          %get3A_556 = arith.constant 0 : i32
          %get3A_557 = tpu.memref_slice %arg9[%scan3A_87, %get3A_555, %get3A_556] : memref<2x80x128xi32, #tpu.memory_space<vmem>> -> memref<1x80x128xi32, #tpu.memory_space<vmem>>
          %get3A_558 = tpu.memref_squeeze %get3A_557 : memref<1x80x128xi32, #tpu.memory_space<vmem>> -> memref<80x128xi32, #tpu.memory_space<vmem>>
          %get3A_559 = arith.index_cast %add3A_520 : i32 to index
          %get3A_560 = arith.constant 32 : index
          %get3A_561 = tpu.vector_load %get3A_558[%get3A_559, %get3A_560] {strides = array<i32>} : memref<80x128xi32, #tpu.memory_space<vmem>>, vector<16xi32>,
          %bitcast3A_562 = vector.bitcast %get3A_561 : vector<16xi32> to vector<32xbf16>
          %get3A_563 = arith.constant 0 : i32
          %get3A_564 = arith.constant 0 : i32
          %get3A_565 = tpu.memref_slice %arg10[%scan3A_88, %get3A_563, %get3A_564] : memref<2x80x128xi32, #tpu.memory_space<vmem>> -> memref<1x80x128xi32, #tpu.memory_space<vmem>>
          %get3A_566 = tpu.memref_squeeze %get3A_565 : memref<1x80x128xi32, #tpu.memory_space<vmem>> -> memref<80x128xi32, #tpu.memory_space<vmem>>
          %get3A_567 = arith.index_cast %add3A_520 : i32 to index
          %get3A_568 = arith.constant 32 : index
          %get3A_569 = tpu.vector_load %get3A_566[%get3A_567, %get3A_568] {strides = array<i32>} : memref<80x128xi32, #tpu.memory_space<vmem>>, vector<16xi32>,
          %bitcast3A_570 = vector.bitcast %get3A_569 : vector<16xi32> to vector<32xbf16>
          %mul3A_571 = arith.mulf %bitcast3A_562, %bitcast3A_570 : vector<32xbf16>
          %get3A_572 = arith.constant 0 : i32
          %get3A_573 = arith.constant 0 : i32
          %get3A_574 = tpu.memref_slice %arg9[%scan3A_87, %get3A_572, %get3A_573] : memref<2x80x128xi32, #tpu.memory_space<vmem>> -> memref<1x80x128xi32, #tpu.memory_space<vmem>>
          %get3A_575 = tpu.memref_squeeze %get3A_574 : memref<1x80x128xi32, #tpu.memory_space<vmem>> -> memref<80x128xi32, #tpu.memory_space<vmem>>
          %get3A_576 = arith.index_cast %add3A_520 : i32 to index
          %get3A_577 = arith.constant 48 : index
          %get3A_578 = tpu.vector_load %get3A_575[%get3A_576, %get3A_577] {strides = array<i32>} : memref<80x128xi32, #tpu.memory_space<vmem>>, vector<16xi32>,
          %bitcast3A_579 = vector.bitcast %get3A_578 : vector<16xi32> to vector<32xbf16>
          %get3A_580 = arith.constant 0 : i32
          %get3A_581 = arith.constant 0 : i32
          %get3A_582 = tpu.memref_slice %arg10[%scan3A_88, %get3A_580, %get3A_581] : memref<2x80x128xi32, #tpu.memory_space<vmem>> -> memref<1x80x128xi32, #tpu.memory_space<vmem>>
          %get3A_583 = tpu.memref_squeeze %get3A_582 : memref<1x80x128xi32, #tpu.memory_space<vmem>> -> memref<80x128xi32, #tpu.memory_space<vmem>>
          %get3A_584 = arith.index_cast %add3A_520 : i32 to index
          %get3A_585 = arith.constant 48 : index
          %get3A_586 = tpu.vector_load %get3A_583[%get3A_584, %get3A_585] {strides = array<i32>} : memref<80x128xi32, #tpu.memory_space<vmem>>, vector<16xi32>,
          %bitcast3A_587 = vector.bitcast %get3A_586 : vector<16xi32> to vector<32xbf16>
          %mul3A_588 = arith.mulf %bitcast3A_579, %bitcast3A_587 : vector<32xbf16>
          %add3A_589 = arith.addf %mul3A_537, %mul3A_554 : vector<32xbf16>
          %unpack3A_590 = tpu.unpack_subelements %add3A_589, 0 {pack_format = #tpu.pack_format<interleaved>} : vector<32xbf16> -> vector<16xf32>
          %unpack3A_591 = tpu.unpack_subelements %add3A_589, 1 {pack_format = #tpu.pack_format<interleaved>} : vector<32xbf16> -> vector<16xf32>
          %add3A_592 = arith.addf %unpack3A_590, %unpack3A_591 : vector<16xf32>
          %add3A_593 = arith.addf %mul3A_571, %mul3A_588 : vector<32xbf16>
          %unpack3A_594 = tpu.unpack_subelements %add3A_593, 0 {pack_format = #tpu.pack_format<interleaved>} : vector<32xbf16> -> vector<16xf32>
          %unpack3A_595 = tpu.unpack_subelements %add3A_593, 1 {pack_format = #tpu.pack_format<interleaved>} : vector<32xbf16> -> vector<16xf32>
          %add3A_596 = arith.addf %unpack3A_594, %unpack3A_595 : vector<16xf32>
          %add3A_597 = arith.addf %add3A_592, %add3A_596 : vector<16xf32>
          %mul3A_598 = arith.constant 80 : i32
          %mul3A_599 = arith.muli %add3A_52, %mul3A_598 : i32
          %add3A_600 = arith.addi %mul3A_599, %mul3A_96 : i32
          %add3A_601 = arith.constant 5 : i32
          %add3A_602 = arith.addi %add3A_600, %add3A_601 : i32
          %broadcast_in_dim3A_603 = vector.broadcast %add3A_602 : i32 to vector<16xi32>
          tpu.vector_store_idx %arg11[%broadcast_in_dim3A_603], %add3A_597 {add = true} : memref<10000xf32, #tpu.memory_space<vmem>>[vector<16xi32>], vector<16xf32>,
          %add3A_604 = arith.constant 6 : i32
          %add3A_605 = arith.addi %mul3A_96, %add3A_604 : i32
          %get3A_606 = arith.constant 0 : i32
          %get3A_607 = arith.constant 0 : i32
          %get3A_608 = tpu.memref_slice %arg9[%scan3A_87, %get3A_606, %get3A_607] : memref<2x80x128xi32, #tpu.memory_space<vmem>> -> memref<1x80x128xi32, #tpu.memory_space<vmem>>
          %get3A_609 = tpu.memref_squeeze %get3A_608 : memref<1x80x128xi32, #tpu.memory_space<vmem>> -> memref<80x128xi32, #tpu.memory_space<vmem>>
          %get3A_610 = arith.index_cast %add3A_605 : i32 to index
          %get3A_611 = arith.constant 0 : index
          %get3A_612 = tpu.vector_load %get3A_609[%get3A_610, %get3A_611] {strides = array<i32>} : memref<80x128xi32, #tpu.memory_space<vmem>>, vector<16xi32>,
          %bitcast3A_613 = vector.bitcast %get3A_612 : vector<16xi32> to vector<32xbf16>
          %get3A_614 = arith.constant 0 : i32
          %get3A_615 = arith.constant 0 : i32
          %get3A_616 = tpu.memref_slice %arg10[%scan3A_88, %get3A_614, %get3A_615] : memref<2x80x128xi32, #tpu.memory_space<vmem>> -> memref<1x80x128xi32, #tpu.memory_space<vmem>>
          %get3A_617 = tpu.memref_squeeze %get3A_616 : memref<1x80x128xi32, #tpu.memory_space<vmem>> -> memref<80x128xi32, #tpu.memory_space<vmem>>
          %get3A_618 = arith.index_cast %add3A_605 : i32 to index
          %get3A_619 = arith.constant 0 : index
          %get3A_620 = tpu.vector_load %get3A_617[%get3A_618, %get3A_619] {strides = array<i32>} : memref<80x128xi32, #tpu.memory_space<vmem>>, vector<16xi32>,
          %bitcast3A_621 = vector.bitcast %get3A_620 : vector<16xi32> to vector<32xbf16>
          %mul3A_622 = arith.mulf %bitcast3A_613, %bitcast3A_621 : vector<32xbf16>
          %get3A_623 = arith.constant 0 : i32
          %get3A_624 = arith.constant 0 : i32
          %get3A_625 = tpu.memref_slice %arg9[%scan3A_87, %get3A_623, %get3A_624] : memref<2x80x128xi32, #tpu.memory_space<vmem>> -> memref<1x80x128xi32, #tpu.memory_space<vmem>>
          %get3A_626 = tpu.memref_squeeze %get3A_625 : memref<1x80x128xi32, #tpu.memory_space<vmem>> -> memref<80x128xi32, #tpu.memory_space<vmem>>
          %get3A_627 = arith.index_cast %add3A_605 : i32 to index
          %get3A_628 = arith.constant 16 : index
          %get3A_629 = tpu.vector_load %get3A_626[%get3A_627, %get3A_628] {strides = array<i32>} : memref<80x128xi32, #tpu.memory_space<vmem>>, vector<16xi32>,
          %bitcast3A_630 = vector.bitcast %get3A_629 : vector<16xi32> to vector<32xbf16>
          %get3A_631 = arith.constant 0 : i32
          %get3A_632 = arith.constant 0 : i32
          %get3A_633 = tpu.memref_slice %arg10[%scan3A_88, %get3A_631, %get3A_632] : memref<2x80x128xi32, #tpu.memory_space<vmem>> -> memref<1x80x128xi32, #tpu.memory_space<vmem>>
          %get3A_634 = tpu.memref_squeeze %get3A_633 : memref<1x80x128xi32, #tpu.memory_space<vmem>> -> memref<80x128xi32, #tpu.memory_space<vmem>>
          %get3A_635 = arith.index_cast %add3A_605 : i32 to index
          %get3A_636 = arith.constant 16 : index
          %get3A_637 = tpu.vector_load %get3A_634[%get3A_635, %get3A_636] {strides = array<i32>} : memref<80x128xi32, #tpu.memory_space<vmem>>, vector<16xi32>,
          %bitcast3A_638 = vector.bitcast %get3A_637 : vector<16xi32> to vector<32xbf16>
          %mul3A_639 = arith.mulf %bitcast3A_630, %bitcast3A_638 : vector<32xbf16>
          %get3A_640 = arith.constant 0 : i32
          %get3A_641 = arith.constant 0 : i32
          %get3A_642 = tpu.memref_slice %arg9[%scan3A_87, %get3A_640, %get3A_641] : memref<2x80x128xi32, #tpu.memory_space<vmem>> -> memref<1x80x128xi32, #tpu.memory_space<vmem>>
          %get3A_643 = tpu.memref_squeeze %get3A_642 : memref<1x80x128xi32, #tpu.memory_space<vmem>> -> memref<80x128xi32, #tpu.memory_space<vmem>>
          %get3A_644 = arith.index_cast %add3A_605 : i32 to index
          %get3A_645 = arith.constant 32 : index
          %get3A_646 = tpu.vector_load %get3A_643[%get3A_644, %get3A_645] {strides = array<i32>} : memref<80x128xi32, #tpu.memory_space<vmem>>, vector<16xi32>,
          %bitcast3A_647 = vector.bitcast %get3A_646 : vector<16xi32> to vector<32xbf16>
          %get3A_648 = arith.constant 0 : i32
          %get3A_649 = arith.constant 0 : i32
          %get3A_650 = tpu.memref_slice %arg10[%scan3A_88, %get3A_648, %get3A_649] : memref<2x80x128xi32, #tpu.memory_space<vmem>> -> memref<1x80x128xi32, #tpu.memory_space<vmem>>
          %get3A_651 = tpu.memref_squeeze %get3A_650 : memref<1x80x128xi32, #tpu.memory_space<vmem>> -> memref<80x128xi32, #tpu.memory_space<vmem>>
          %get3A_652 = arith.index_cast %add3A_605 : i32 to index
          %get3A_653 = arith.constant 32 : index
          %get3A_654 = tpu.vector_load %get3A_651[%get3A_652, %get3A_653] {strides = array<i32>} : memref<80x128xi32, #tpu.memory_space<vmem>>, vector<16xi32>,
          %bitcast3A_655 = vector.bitcast %get3A_654 : vector<16xi32> to vector<32xbf16>
          %mul3A_656 = arith.mulf %bitcast3A_647, %bitcast3A_655 : vector<32xbf16>
          %get3A_657 = arith.constant 0 : i32
          %get3A_658 = arith.constant 0 : i32
          %get3A_659 = tpu.memref_slice %arg9[%scan3A_87, %get3A_657, %get3A_658] : memref<2x80x128xi32, #tpu.memory_space<vmem>> -> memref<1x80x128xi32, #tpu.memory_space<vmem>>
          %get3A_660 = tpu.memref_squeeze %get3A_659 : memref<1x80x128xi32, #tpu.memory_space<vmem>> -> memref<80x128xi32, #tpu.memory_space<vmem>>
          %get3A_661 = arith.index_cast %add3A_605 : i32 to index
          %get3A_662 = arith.constant 48 : index
          %get3A_663 = tpu.vector_load %get3A_660[%get3A_661, %get3A_662] {strides = array<i32>} : memref<80x128xi32, #tpu.memory_space<vmem>>, vector<16xi32>,
          %bitcast3A_664 = vector.bitcast %get3A_663 : vector<16xi32> to vector<32xbf16>
          %get3A_665 = arith.constant 0 : i32
          %get3A_666 = arith.constant 0 : i32
          %get3A_667 = tpu.memref_slice %arg10[%scan3A_88, %get3A_665, %get3A_666] : memref<2x80x128xi32, #tpu.memory_space<vmem>> -> memref<1x80x128xi32, #tpu.memory_space<vmem>>
          %get3A_668 = tpu.memref_squeeze %get3A_667 : memref<1x80x128xi32, #tpu.memory_space<vmem>> -> memref<80x128xi32, #tpu.memory_space<vmem>>
          %get3A_669 = arith.index_cast %add3A_605 : i32 to index
          %get3A_670 = arith.constant 48 : index
          %get3A_671 = tpu.vector_load %get3A_668[%get3A_669, %get3A_670] {strides = array<i32>} : memref<80x128xi32, #tpu.memory_space<vmem>>, vector<16xi32>,
          %bitcast3A_672 = vector.bitcast %get3A_671 : vector<16xi32> to vector<32xbf16>
          %mul3A_673 = arith.mulf %bitcast3A_664, %bitcast3A_672 : vector<32xbf16>
          %add3A_674 = arith.addf %mul3A_622, %mul3A_639 : vector<32xbf16>
          %unpack3A_675 = tpu.unpack_subelements %add3A_674, 0 {pack_format = #tpu.pack_format<interleaved>} : vector<32xbf16> -> vector<16xf32>
          %unpack3A_676 = tpu.unpack_subelements %add3A_674, 1 {pack_format = #tpu.pack_format<interleaved>} : vector<32xbf16> -> vector<16xf32>
          %add3A_677 = arith.addf %unpack3A_675, %unpack3A_676 : vector<16xf32>
          %add3A_678 = arith.addf %mul3A_656, %mul3A_673 : vector<32xbf16>
          %unpack3A_679 = tpu.unpack_subelements %add3A_678, 0 {pack_format = #tpu.pack_format<interleaved>} : vector<32xbf16> -> vector<16xf32>
          %unpack3A_680 = tpu.unpack_subelements %add3A_678, 1 {pack_format = #tpu.pack_format<interleaved>} : vector<32xbf16> -> vector<16xf32>
          %add3A_681 = arith.addf %unpack3A_679, %unpack3A_680 : vector<16xf32>
          %add3A_682 = arith.addf %add3A_677, %add3A_681 : vector<16xf32>
          %mul3A_683 = arith.constant 80 : i32
          %mul3A_684 = arith.muli %add3A_52, %mul3A_683 : i32
          %add3A_685 = arith.addi %mul3A_684, %mul3A_96 : i32
          %add3A_686 = arith.constant 6 : i32
          %add3A_687 = arith.addi %add3A_685, %add3A_686 : i32
          %broadcast_in_dim3A_688 = vector.broadcast %add3A_687 : i32 to vector<16xi32>
          tpu.vector_store_idx %arg11[%broadcast_in_dim3A_688], %add3A_682 {add = true} : memref<10000xf32, #tpu.memory_space<vmem>>[vector<16xi32>], vector<16xf32>,
          %add3A_689 = arith.constant 7 : i32
          %add3A_690 = arith.addi %mul3A_96, %add3A_689 : i32
          %get3A_691 = arith.constant 0 : i32
          %get3A_692 = arith.constant 0 : i32
          %get3A_693 = tpu.memref_slice %arg9[%scan3A_87, %get3A_691, %get3A_692] : memref<2x80x128xi32, #tpu.memory_space<vmem>> -> memref<1x80x128xi32, #tpu.memory_space<vmem>>
          %get3A_694 = tpu.memref_squeeze %get3A_693 : memref<1x80x128xi32, #tpu.memory_space<vmem>> -> memref<80x128xi32, #tpu.memory_space<vmem>>
          %get3A_695 = arith.index_cast %add3A_690 : i32 to index
          %get3A_696 = arith.constant 0 : index
          %get3A_697 = tpu.vector_load %get3A_694[%get3A_695, %get3A_696] {strides = array<i32>} : memref<80x128xi32, #tpu.memory_space<vmem>>, vector<16xi32>,
          %bitcast3A_698 = vector.bitcast %get3A_697 : vector<16xi32> to vector<32xbf16>
          %get3A_699 = arith.constant 0 : i32
          %get3A_700 = arith.constant 0 : i32
          %get3A_701 = tpu.memref_slice %arg10[%scan3A_88, %get3A_699, %get3A_700] : memref<2x80x128xi32, #tpu.memory_space<vmem>> -> memref<1x80x128xi32, #tpu.memory_space<vmem>>
          %get3A_702 = tpu.memref_squeeze %get3A_701 : memref<1x80x128xi32, #tpu.memory_space<vmem>> -> memref<80x128xi32, #tpu.memory_space<vmem>>
          %get3A_703 = arith.index_cast %add3A_690 : i32 to index
          %get3A_704 = arith.constant 0 : index
          %get3A_705 = tpu.vector_load %get3A_702[%get3A_703, %get3A_704] {strides = array<i32>} : memref<80x128xi32, #tpu.memory_space<vmem>>, vector<16xi32>,
          %bitcast3A_706 = vector.bitcast %get3A_705 : vector<16xi32> to vector<32xbf16>
          %mul3A_707 = arith.mulf %bitcast3A_698, %bitcast3A_706 : vector<32xbf16>
          %get3A_708 = arith.constant 0 : i32
          %get3A_709 = arith.constant 0 : i32
          %get3A_710 = tpu.memref_slice %arg9[%scan3A_87, %get3A_708, %get3A_709] : memref<2x80x128xi32, #tpu.memory_space<vmem>> -> memref<1x80x128xi32, #tpu.memory_space<vmem>>
          %get3A_711 = tpu.memref_squeeze %get3A_710 : memref<1x80x128xi32, #tpu.memory_space<vmem>> -> memref<80x128xi32, #tpu.memory_space<vmem>>
          %get3A_712 = arith.index_cast %add3A_690 : i32 to index
          %get3A_713 = arith.constant 16 : index
          %get3A_714 = tpu.vector_load %get3A_711[%get3A_712, %get3A_713] {strides = array<i32>} : memref<80x128xi32, #tpu.memory_space<vmem>>, vector<16xi32>,
          %bitcast3A_715 = vector.bitcast %get3A_714 : vector<16xi32> to vector<32xbf16>
          %get3A_716 = arith.constant 0 : i32
          %get3A_717 = arith.constant 0 : i32
          %get3A_718 = tpu.memref_slice %arg10[%scan3A_88, %get3A_716, %get3A_717] : memref<2x80x128xi32, #tpu.memory_space<vmem>> -> memref<1x80x128xi32, #tpu.memory_space<vmem>>
          %get3A_719 = tpu.memref_squeeze %get3A_718 : memref<1x80x128xi32, #tpu.memory_space<vmem>> -> memref<80x128xi32, #tpu.memory_space<vmem>>
          %get3A_720 = arith.index_cast %add3A_690 : i32 to index
          %get3A_721 = arith.constant 16 : index
          %get3A_722 = tpu.vector_load %get3A_719[%get3A_720, %get3A_721] {strides = array<i32>} : memref<80x128xi32, #tpu.memory_space<vmem>>, vector<16xi32>,
          %bitcast3A_723 = vector.bitcast %get3A_722 : vector<16xi32> to vector<32xbf16>
          %mul3A_724 = arith.mulf %bitcast3A_715, %bitcast3A_723 : vector<32xbf16>
          %get3A_725 = arith.constant 0 : i32
          %get3A_726 = arith.constant 0 : i32
          %get3A_727 = tpu.memref_slice %arg9[%scan3A_87, %get3A_725, %get3A_726] : memref<2x80x128xi32, #tpu.memory_space<vmem>> -> memref<1x80x128xi32, #tpu.memory_space<vmem>>
          %get3A_728 = tpu.memref_squeeze %get3A_727 : memref<1x80x128xi32, #tpu.memory_space<vmem>> -> memref<80x128xi32, #tpu.memory_space<vmem>>
          %get3A_729 = arith.index_cast %add3A_690 : i32 to index
          %get3A_730 = arith.constant 32 : index
          %get3A_731 = tpu.vector_load %get3A_728[%get3A_729, %get3A_730] {strides = array<i32>} : memref<80x128xi32, #tpu.memory_space<vmem>>, vector<16xi32>,
          %bitcast3A_732 = vector.bitcast %get3A_731 : vector<16xi32> to vector<32xbf16>
          %get3A_733 = arith.constant 0 : i32
          %get3A_734 = arith.constant 0 : i32
          %get3A_735 = tpu.memref_slice %arg10[%scan3A_88, %get3A_733, %get3A_734] : memref<2x80x128xi32, #tpu.memory_space<vmem>> -> memref<1x80x128xi32, #tpu.memory_space<vmem>>
          %get3A_736 = tpu.memref_squeeze %get3A_735 : memref<1x80x128xi32, #tpu.memory_space<vmem>> -> memref<80x128xi32, #tpu.memory_space<vmem>>
          %get3A_737 = arith.index_cast %add3A_690 : i32 to index
          %get3A_738 = arith.constant 32 : index
          %get3A_739 = tpu.vector_load %get3A_736[%get3A_737, %get3A_738] {strides = array<i32>} : memref<80x128xi32, #tpu.memory_space<vmem>>, vector<16xi32>,
          %bitcast3A_740 = vector.bitcast %get3A_739 : vector<16xi32> to vector<32xbf16>
          %mul3A_741 = arith.mulf %bitcast3A_732, %bitcast3A_740 : vector<32xbf16>
          %get3A_742 = arith.constant 0 : i32
          %get3A_743 = arith.constant 0 : i32
          %get3A_744 = tpu.memref_slice %arg9[%scan3A_87, %get3A_742, %get3A_743] : memref<2x80x128xi32, #tpu.memory_space<vmem>> -> memref<1x80x128xi32, #tpu.memory_space<vmem>>
          %get3A_745 = tpu.memref_squeeze %get3A_744 : memref<1x80x128xi32, #tpu.memory_space<vmem>> -> memref<80x128xi32, #tpu.memory_space<vmem>>
          %get3A_746 = arith.index_cast %add3A_690 : i32 to index
          %get3A_747 = arith.constant 48 : index
          %get3A_748 = tpu.vector_load %get3A_745[%get3A_746, %get3A_747] {strides = array<i32>} : memref<80x128xi32, #tpu.memory_space<vmem>>, vector<16xi32>,
          %bitcast3A_749 = vector.bitcast %get3A_748 : vector<16xi32> to vector<32xbf16>
          %get3A_750 = arith.constant 0 : i32
          %get3A_751 = arith.constant 0 : i32
          %get3A_752 = tpu.memref_slice %arg10[%scan3A_88, %get3A_750, %get3A_751] : memref<2x80x128xi32, #tpu.memory_space<vmem>> -> memref<1x80x128xi32, #tpu.memory_space<vmem>>
          %get3A_753 = tpu.memref_squeeze %get3A_752 : memref<1x80x128xi32, #tpu.memory_space<vmem>> -> memref<80x128xi32, #tpu.memory_space<vmem>>
          %get3A_754 = arith.index_cast %add3A_690 : i32 to index
          %get3A_755 = arith.constant 48 : index
          %get3A_756 = tpu.vector_load %get3A_753[%get3A_754, %get3A_755] {strides = array<i32>} : memref<80x128xi32, #tpu.memory_space<vmem>>, vector<16xi32>,
          %bitcast3A_757 = vector.bitcast %get3A_756 : vector<16xi32> to vector<32xbf16>
          %mul3A_758 = arith.mulf %bitcast3A_749, %bitcast3A_757 : vector<32xbf16>
          %add3A_759 = arith.addf %mul3A_707, %mul3A_724 : vector<32xbf16>
          %unpack3A_760 = tpu.unpack_subelements %add3A_759, 0 {pack_format = #tpu.pack_format<interleaved>} : vector<32xbf16> -> vector<16xf32>
          %unpack3A_761 = tpu.unpack_subelements %add3A_759, 1 {pack_format = #tpu.pack_format<interleaved>} : vector<32xbf16> -> vector<16xf32>
          %add3A_762 = arith.addf %unpack3A_760, %unpack3A_761 : vector<16xf32>
          %add3A_763 = arith.addf %mul3A_741, %mul3A_758 : vector<32xbf16>
          %unpack3A_764 = tpu.unpack_subelements %add3A_763, 0 {pack_format = #tpu.pack_format<interleaved>} : vector<32xbf16> -> vector<16xf32>
          %unpack3A_765 = tpu.unpack_subelements %add3A_763, 1 {pack_format = #tpu.pack_format<interleaved>} : vector<32xbf16> -> vector<16xf32>
          %add3A_766 = arith.addf %unpack3A_764, %unpack3A_765 : vector<16xf32>
          %add3A_767 = arith.addf %add3A_762, %add3A_766 : vector<16xf32>
          %mul3A_768 = arith.constant 80 : i32
          %mul3A_769 = arith.muli %add3A_52, %mul3A_768 : i32
          %add3A_770 = arith.addi %mul3A_769, %mul3A_96 : i32
          %add3A_771 = arith.constant 7 : i32
          %add3A_772 = arith.addi %add3A_770, %add3A_771 : i32
          %broadcast_in_dim3A_773 = vector.broadcast %add3A_772 : i32 to vector<16xi32>
          tpu.vector_store_idx %arg11[%broadcast_in_dim3A_773], %add3A_767 {add = true} : memref<10000xf32, #tpu.memory_space<vmem>>[vector<16xi32>], vector<16xf32>,
          %add3A_774 = arith.constant 8 : i32
          %add3A_775 = arith.addi %mul3A_96, %add3A_774 : i32
          %get3A_776 = arith.constant 0 : i32
          %get3A_777 = arith.constant 0 : i32
          %get3A_778 = tpu.memref_slice %arg9[%scan3A_87, %get3A_776, %get3A_777] : memref<2x80x128xi32, #tpu.memory_space<vmem>> -> memref<1x80x128xi32, #tpu.memory_space<vmem>>
          %get3A_779 = tpu.memref_squeeze %get3A_778 : memref<1x80x128xi32, #tpu.memory_space<vmem>> -> memref<80x128xi32, #tpu.memory_space<vmem>>
          %get3A_780 = arith.index_cast %add3A_775 : i32 to index
          %get3A_781 = arith.constant 0 : index
          %get3A_782 = tpu.vector_load %get3A_779[%get3A_780, %get3A_781] {strides = array<i32>} : memref<80x128xi32, #tpu.memory_space<vmem>>, vector<16xi32>,
          %bitcast3A_783 = vector.bitcast %get3A_782 : vector<16xi32> to vector<32xbf16>
          %get3A_784 = arith.constant 0 : i32
          %get3A_785 = arith.constant 0 : i32
          %get3A_786 = tpu.memref_slice %arg10[%scan3A_88, %get3A_784, %get3A_785] : memref<2x80x128xi32, #tpu.memory_space<vmem>> -> memref<1x80x128xi32, #tpu.memory_space<vmem>>
          %get3A_787 = tpu.memref_squeeze %get3A_786 : memref<1x80x128xi32, #tpu.memory_space<vmem>> -> memref<80x128xi32, #tpu.memory_space<vmem>>
          %get3A_788 = arith.index_cast %add3A_775 : i32 to index
          %get3A_789 = arith.constant 0 : index
          %get3A_790 = tpu.vector_load %get3A_787[%get3A_788, %get3A_789] {strides = array<i32>} : memref<80x128xi32, #tpu.memory_space<vmem>>, vector<16xi32>,
          %bitcast3A_791 = vector.bitcast %get3A_790 : vector<16xi32> to vector<32xbf16>
          %mul3A_792 = arith.mulf %bitcast3A_783, %bitcast3A_791 : vector<32xbf16>
          %get3A_793 = arith.constant 0 : i32
          %get3A_794 = arith.constant 0 : i32
          %get3A_795 = tpu.memref_slice %arg9[%scan3A_87, %get3A_793, %get3A_794] : memref<2x80x128xi32, #tpu.memory_space<vmem>> -> memref<1x80x128xi32, #tpu.memory_space<vmem>>
          %get3A_796 = tpu.memref_squeeze %get3A_795 : memref<1x80x128xi32, #tpu.memory_space<vmem>> -> memref<80x128xi32, #tpu.memory_space<vmem>>
          %get3A_797 = arith.index_cast %add3A_775 : i32 to index
          %get3A_798 = arith.constant 16 : index
          %get3A_799 = tpu.vector_load %get3A_796[%get3A_797, %get3A_798] {strides = array<i32>} : memref<80x128xi32, #tpu.memory_space<vmem>>, vector<16xi32>,
          %bitcast3A_800 = vector.bitcast %get3A_799 : vector<16xi32> to vector<32xbf16>
          %get3A_801 = arith.constant 0 : i32
          %get3A_802 = arith.constant 0 : i32
          %get3A_803 = tpu.memref_slice %arg10[%scan3A_88, %get3A_801, %get3A_802] : memref<2x80x128xi32, #tpu.memory_space<vmem>> -> memref<1x80x128xi32, #tpu.memory_space<vmem>>
          %get3A_804 = tpu.memref_squeeze %get3A_803 : memref<1x80x128xi32, #tpu.memory_space<vmem>> -> memref<80x128xi32, #tpu.memory_space<vmem>>
          %get3A_805 = arith.index_cast %add3A_775 : i32 to index
          %get3A_806 = arith.constant 16 : index
          %get3A_807 = tpu.vector_load %get3A_804[%get3A_805, %get3A_806] {strides = array<i32>} : memref<80x128xi32, #tpu.memory_space<vmem>>, vector<16xi32>,
          %bitcast3A_808 = vector.bitcast %get3A_807 : vector<16xi32> to vector<32xbf16>
          %mul3A_809 = arith.mulf %bitcast3A_800, %bitcast3A_808 : vector<32xbf16>
          %get3A_810 = arith.constant 0 : i32
          %get3A_811 = arith.constant 0 : i32
          %get3A_812 = tpu.memref_slice %arg9[%scan3A_87, %get3A_810, %get3A_811] : memref<2x80x128xi32, #tpu.memory_space<vmem>> -> memref<1x80x128xi32, #tpu.memory_space<vmem>>
          %get3A_813 = tpu.memref_squeeze %get3A_812 : memref<1x80x128xi32, #tpu.memory_space<vmem>> -> memref<80x128xi32, #tpu.memory_space<vmem>>
          %get3A_814 = arith.index_cast %add3A_775 : i32 to index
          %get3A_815 = arith.constant 32 : index
          %get3A_816 = tpu.vector_load %get3A_813[%get3A_814, %get3A_815] {strides = array<i32>} : memref<80x128xi32, #tpu.memory_space<vmem>>, vector<16xi32>,
          %bitcast3A_817 = vector.bitcast %get3A_816 : vector<16xi32> to vector<32xbf16>
          %get3A_818 = arith.constant 0 : i32
          %get3A_819 = arith.constant 0 : i32
          %get3A_820 = tpu.memref_slice %arg10[%scan3A_88, %get3A_818, %get3A_819] : memref<2x80x128xi32, #tpu.memory_space<vmem>> -> memref<1x80x128xi32, #tpu.memory_space<vmem>>
          %get3A_821 = tpu.memref_squeeze %get3A_820 : memref<1x80x128xi32, #tpu.memory_space<vmem>> -> memref<80x128xi32, #tpu.memory_space<vmem>>
          %get3A_822 = arith.index_cast %add3A_775 : i32 to index
          %get3A_823 = arith.constant 32 : index
          %get3A_824 = tpu.vector_load %get3A_821[%get3A_822, %get3A_823] {strides = array<i32>} : memref<80x128xi32, #tpu.memory_space<vmem>>, vector<16xi32>,
          %bitcast3A_825 = vector.bitcast %get3A_824 : vector<16xi32> to vector<32xbf16>
          %mul3A_826 = arith.mulf %bitcast3A_817, %bitcast3A_825 : vector<32xbf16>
          %get3A_827 = arith.constant 0 : i32
          %get3A_828 = arith.constant 0 : i32
          %get3A_829 = tpu.memref_slice %arg9[%scan3A_87, %get3A_827, %get3A_828] : memref<2x80x128xi32, #tpu.memory_space<vmem>> -> memref<1x80x128xi32, #tpu.memory_space<vmem>>
          %get3A_830 = tpu.memref_squeeze %get3A_829 : memref<1x80x128xi32, #tpu.memory_space<vmem>> -> memref<80x128xi32, #tpu.memory_space<vmem>>
          %get3A_831 = arith.index_cast %add3A_775 : i32 to index
          %get3A_832 = arith.constant 48 : index
          %get3A_833 = tpu.vector_load %get3A_830[%get3A_831, %get3A_832] {strides = array<i32>} : memref<80x128xi32, #tpu.memory_space<vmem>>, vector<16xi32>,
          %bitcast3A_834 = vector.bitcast %get3A_833 : vector<16xi32> to vector<32xbf16>
          %get3A_835 = arith.constant 0 : i32
          %get3A_836 = arith.constant 0 : i32
          %get3A_837 = tpu.memref_slice %arg10[%scan3A_88, %get3A_835, %get3A_836] : memref<2x80x128xi32, #tpu.memory_space<vmem>> -> memref<1x80x128xi32, #tpu.memory_space<vmem>>
          %get3A_838 = tpu.memref_squeeze %get3A_837 : memref<1x80x128xi32, #tpu.memory_space<vmem>> -> memref<80x128xi32, #tpu.memory_space<vmem>>
          %get3A_839 = arith.index_cast %add3A_775 : i32 to index
          %get3A_840 = arith.constant 48 : index
          %get3A_841 = tpu.vector_load %get3A_838[%get3A_839, %get3A_840] {strides = array<i32>} : memref<80x128xi32, #tpu.memory_space<vmem>>, vector<16xi32>,
          %bitcast3A_842 = vector.bitcast %get3A_841 : vector<16xi32> to vector<32xbf16>
          %mul3A_843 = arith.mulf %bitcast3A_834, %bitcast3A_842 : vector<32xbf16>
          %add3A_844 = arith.addf %mul3A_792, %mul3A_809 : vector<32xbf16>
          %unpack3A_845 = tpu.unpack_subelements %add3A_844, 0 {pack_format = #tpu.pack_format<interleaved>} : vector<32xbf16> -> vector<16xf32>
          %unpack3A_846 = tpu.unpack_subelements %add3A_844, 1 {pack_format = #tpu.pack_format<interleaved>} : vector<32xbf16> -> vector<16xf32>
          %add3A_847 = arith.addf %unpack3A_845, %unpack3A_846 : vector<16xf32>
          %add3A_848 = arith.addf %mul3A_826, %mul3A_843 : vector<32xbf16>
          %unpack3A_849 = tpu.unpack_subelements %add3A_848, 0 {pack_format = #tpu.pack_format<interleaved>} : vector<32xbf16> -> vector<16xf32>
          %unpack3A_850 = tpu.unpack_subelements %add3A_848, 1 {pack_format = #tpu.pack_format<interleaved>} : vector<32xbf16> -> vector<16xf32>
          %add3A_851 = arith.addf %unpack3A_849, %unpack3A_850 : vector<16xf32>
          %add3A_852 = arith.addf %add3A_847, %add3A_851 : vector<16xf32>
          %mul3A_853 = arith.constant 80 : i32
          %mul3A_854 = arith.muli %add3A_52, %mul3A_853 : i32
          %add3A_855 = arith.addi %mul3A_854, %mul3A_96 : i32
          %add3A_856 = arith.constant 8 : i32
          %add3A_857 = arith.addi %add3A_855, %add3A_856 : i32
          %broadcast_in_dim3A_858 = vector.broadcast %add3A_857 : i32 to vector<16xi32>
          tpu.vector_store_idx %arg11[%broadcast_in_dim3A_858], %add3A_852 {add = true} : memref<10000xf32, #tpu.memory_space<vmem>>[vector<16xi32>], vector<16xf32>,
          %add3A_859 = arith.constant 9 : i32
          %add3A_860 = arith.addi %mul3A_96, %add3A_859 : i32
          %get3A_861 = arith.constant 0 : i32
          %get3A_862 = arith.constant 0 : i32
          %get3A_863 = tpu.memref_slice %arg9[%scan3A_87, %get3A_861, %get3A_862] : memref<2x80x128xi32, #tpu.memory_space<vmem>> -> memref<1x80x128xi32, #tpu.memory_space<vmem>>
          %get3A_864 = tpu.memref_squeeze %get3A_863 : memref<1x80x128xi32, #tpu.memory_space<vmem>> -> memref<80x128xi32, #tpu.memory_space<vmem>>
          %get3A_865 = arith.index_cast %add3A_860 : i32 to index
          %get3A_866 = arith.constant 0 : index
          %get3A_867 = tpu.vector_load %get3A_864[%get3A_865, %get3A_866] {strides = array<i32>} : memref<80x128xi32, #tpu.memory_space<vmem>>, vector<16xi32>,
          %bitcast3A_868 = vector.bitcast %get3A_867 : vector<16xi32> to vector<32xbf16>
          %get3A_869 = arith.constant 0 : i32
          %get3A_870 = arith.constant 0 : i32
          %get3A_871 = tpu.memref_slice %arg10[%scan3A_88, %get3A_869, %get3A_870] : memref<2x80x128xi32, #tpu.memory_space<vmem>> -> memref<1x80x128xi32, #tpu.memory_space<vmem>>
          %get3A_872 = tpu.memref_squeeze %get3A_871 : memref<1x80x128xi32, #tpu.memory_space<vmem>> -> memref<80x128xi32, #tpu.memory_space<vmem>>
          %get3A_873 = arith.index_cast %add3A_860 : i32 to index
          %get3A_874 = arith.constant 0 : index
          %get3A_875 = tpu.vector_load %get3A_872[%get3A_873, %get3A_874] {strides = array<i32>} : memref<80x128xi32, #tpu.memory_space<vmem>>, vector<16xi32>,
          %bitcast3A_876 = vector.bitcast %get3A_875 : vector<16xi32> to vector<32xbf16>
          %mul3A_877 = arith.mulf %bitcast3A_868, %bitcast3A_876 : vector<32xbf16>
          %get3A_878 = arith.constant 0 : i32
          %get3A_879 = arith.constant 0 : i32
          %get3A_880 = tpu.memref_slice %arg9[%scan3A_87, %get3A_878, %get3A_879] : memref<2x80x128xi32, #tpu.memory_space<vmem>> -> memref<1x80x128xi32, #tpu.memory_space<vmem>>
          %get3A_881 = tpu.memref_squeeze %get3A_880 : memref<1x80x128xi32, #tpu.memory_space<vmem>> -> memref<80x128xi32, #tpu.memory_space<vmem>>
          %get3A_882 = arith.index_cast %add3A_860 : i32 to index
          %get3A_883 = arith.constant 16 : index
          %get3A_884 = tpu.vector_load %get3A_881[%get3A_882, %get3A_883] {strides = array<i32>} : memref<80x128xi32, #tpu.memory_space<vmem>>, vector<16xi32>,
          %bitcast3A_885 = vector.bitcast %get3A_884 : vector<16xi32> to vector<32xbf16>
          %get3A_886 = arith.constant 0 : i32
          %get3A_887 = arith.constant 0 : i32
          %get3A_888 = tpu.memref_slice %arg10[%scan3A_88, %get3A_886, %get3A_887] : memref<2x80x128xi32, #tpu.memory_space<vmem>> -> memref<1x80x128xi32, #tpu.memory_space<vmem>>
          %get3A_889 = tpu.memref_squeeze %get3A_888 : memref<1x80x128xi32, #tpu.memory_space<vmem>> -> memref<80x128xi32, #tpu.memory_space<vmem>>
          %get3A_890 = arith.index_cast %add3A_860 : i32 to index
          %get3A_891 = arith.constant 16 : index
          %get3A_892 = tpu.vector_load %get3A_889[%get3A_890, %get3A_891] {strides = array<i32>} : memref<80x128xi32, #tpu.memory_space<vmem>>, vector<16xi32>,
          %bitcast3A_893 = vector.bitcast %get3A_892 : vector<16xi32> to vector<32xbf16>
          %mul3A_894 = arith.mulf %bitcast3A_885, %bitcast3A_893 : vector<32xbf16>
          %get3A_895 = arith.constant 0 : i32
          %get3A_896 = arith.constant 0 : i32
          %get3A_897 = tpu.memref_slice %arg9[%scan3A_87, %get3A_895, %get3A_896] : memref<2x80x128xi32, #tpu.memory_space<vmem>> -> memref<1x80x128xi32, #tpu.memory_space<vmem>>
          %get3A_898 = tpu.memref_squeeze %get3A_897 : memref<1x80x128xi32, #tpu.memory_space<vmem>> -> memref<80x128xi32, #tpu.memory_space<vmem>>
          %get3A_899 = arith.index_cast %add3A_860 : i32 to index
          %get3A_900 = arith.constant 32 : index
          %get3A_901 = tpu.vector_load %get3A_898[%get3A_899, %get3A_900] {strides = array<i32>} : memref<80x128xi32, #tpu.memory_space<vmem>>, vector<16xi32>,
          %bitcast3A_902 = vector.bitcast %get3A_901 : vector<16xi32> to vector<32xbf16>
          %get3A_903 = arith.constant 0 : i32
          %get3A_904 = arith.constant 0 : i32
          %get3A_905 = tpu.memref_slice %arg10[%scan3A_88, %get3A_903, %get3A_904] : memref<2x80x128xi32, #tpu.memory_space<vmem>> -> memref<1x80x128xi32, #tpu.memory_space<vmem>>
          %get3A_906 = tpu.memref_squeeze %get3A_905 : memref<1x80x128xi32, #tpu.memory_space<vmem>> -> memref<80x128xi32, #tpu.memory_space<vmem>>
          %get3A_907 = arith.index_cast %add3A_860 : i32 to index
          %get3A_908 = arith.constant 32 : index
          %get3A_909 = tpu.vector_load %get3A_906[%get3A_907, %get3A_908] {strides = array<i32>} : memref<80x128xi32, #tpu.memory_space<vmem>>, vector<16xi32>,
          %bitcast3A_910 = vector.bitcast %get3A_909 : vector<16xi32> to vector<32xbf16>
          %mul3A_911 = arith.mulf %bitcast3A_902, %bitcast3A_910 : vector<32xbf16>
          %get3A_912 = arith.constant 0 : i32
          %get3A_913 = arith.constant 0 : i32
          %get3A_914 = tpu.memref_slice %arg9[%scan3A_87, %get3A_912, %get3A_913] : memref<2x80x128xi32, #tpu.memory_space<vmem>> -> memref<1x80x128xi32, #tpu.memory_space<vmem>>
          %get3A_915 = tpu.memref_squeeze %get3A_914 : memref<1x80x128xi32, #tpu.memory_space<vmem>> -> memref<80x128xi32, #tpu.memory_space<vmem>>
          %get3A_916 = arith.index_cast %add3A_860 : i32 to index
          %get3A_917 = arith.constant 48 : index
          %get3A_918 = tpu.vector_load %get3A_915[%get3A_916, %get3A_917] {strides = array<i32>} : memref<80x128xi32, #tpu.memory_space<vmem>>, vector<16xi32>,
          %bitcast3A_919 = vector.bitcast %get3A_918 : vector<16xi32> to vector<32xbf16>
          %get3A_920 = arith.constant 0 : i32
          %get3A_921 = arith.constant 0 : i32
          %get3A_922 = tpu.memref_slice %arg10[%scan3A_88, %get3A_920, %get3A_921] : memref<2x80x128xi32, #tpu.memory_space<vmem>> -> memref<1x80x128xi32, #tpu.memory_space<vmem>>
          %get3A_923 = tpu.memref_squeeze %get3A_922 : memref<1x80x128xi32, #tpu.memory_space<vmem>> -> memref<80x128xi32, #tpu.memory_space<vmem>>
          %get3A_924 = arith.index_cast %add3A_860 : i32 to index
          %get3A_925 = arith.constant 48 : index
          %get3A_926 = tpu.vector_load %get3A_923[%get3A_924, %get3A_925] {strides = array<i32>} : memref<80x128xi32, #tpu.memory_space<vmem>>, vector<16xi32>,
          %bitcast3A_927 = vector.bitcast %get3A_926 : vector<16xi32> to vector<32xbf16>
          %mul3A_928 = arith.mulf %bitcast3A_919, %bitcast3A_927 : vector<32xbf16>
          %add3A_929 = arith.addf %mul3A_877, %mul3A_894 : vector<32xbf16>
          %unpack3A_930 = tpu.unpack_subelements %add3A_929, 0 {pack_format = #tpu.pack_format<interleaved>} : vector<32xbf16> -> vector<16xf32>
          %unpack3A_931 = tpu.unpack_subelements %add3A_929, 1 {pack_format = #tpu.pack_format<interleaved>} : vector<32xbf16> -> vector<16xf32>
          %add3A_932 = arith.addf %unpack3A_930, %unpack3A_931 : vector<16xf32>
          %add3A_933 = arith.addf %mul3A_911, %mul3A_928 : vector<32xbf16>
          %unpack3A_934 = tpu.unpack_subelements %add3A_933, 0 {pack_format = #tpu.pack_format<interleaved>} : vector<32xbf16> -> vector<16xf32>
          %unpack3A_935 = tpu.unpack_subelements %add3A_933, 1 {pack_format = #tpu.pack_format<interleaved>} : vector<32xbf16> -> vector<16xf32>
          %add3A_936 = arith.addf %unpack3A_934, %unpack3A_935 : vector<16xf32>
          %add3A_937 = arith.addf %add3A_932, %add3A_936 : vector<16xf32>
          %mul3A_938 = arith.constant 80 : i32
          %mul3A_939 = arith.muli %add3A_52, %mul3A_938 : i32
          %add3A_940 = arith.addi %mul3A_939, %mul3A_96 : i32
          %add3A_941 = arith.constant 9 : i32
          %add3A_942 = arith.addi %add3A_940, %add3A_941 : i32
          %broadcast_in_dim3A_943 = vector.broadcast %add3A_942 : i32 to vector<16xi32>
          tpu.vector_store_idx %arg11[%broadcast_in_dim3A_943], %add3A_937 {add = true} : memref<10000xf32, #tpu.memory_space<vmem>>[vector<16xi32>], vector<16xf32>,
          %add3A_944 = arith.constant 10 : i32
          %add3A_945 = arith.addi %mul3A_96, %add3A_944 : i32
          %get3A_946 = arith.constant 0 : i32
          %get3A_947 = arith.constant 0 : i32
          %get3A_948 = tpu.memref_slice %arg9[%scan3A_87, %get3A_946, %get3A_947] : memref<2x80x128xi32, #tpu.memory_space<vmem>> -> memref<1x80x128xi32, #tpu.memory_space<vmem>>
          %get3A_949 = tpu.memref_squeeze %get3A_948 : memref<1x80x128xi32, #tpu.memory_space<vmem>> -> memref<80x128xi32, #tpu.memory_space<vmem>>
          %get3A_950 = arith.index_cast %add3A_945 : i32 to index
          %get3A_951 = arith.constant 0 : index
          %get3A_952 = tpu.vector_load %get3A_949[%get3A_950, %get3A_951] {strides = array<i32>} : memref<80x128xi32, #tpu.memory_space<vmem>>, vector<16xi32>,
          %bitcast3A_953 = vector.bitcast %get3A_952 : vector<16xi32> to vector<32xbf16>
          %get3A_954 = arith.constant 0 : i32
          %get3A_955 = arith.constant 0 : i32
          %get3A_956 = tpu.memref_slice %arg10[%scan3A_88, %get3A_954, %get3A_955] : memref<2x80x128xi32, #tpu.memory_space<vmem>> -> memref<1x80x128xi32, #tpu.memory_space<vmem>>
          %get3A_957 = tpu.memref_squeeze %get3A_956 : memref<1x80x128xi32, #tpu.memory_space<vmem>> -> memref<80x128xi32, #tpu.memory_space<vmem>>
          %get3A_958 = arith.index_cast %add3A_945 : i32 to index
          %get3A_959 = arith.constant 0 : index
          %get3A_960 = tpu.vector_load %get3A_957[%get3A_958, %get3A_959] {strides = array<i32>} : memref<80x128xi32, #tpu.memory_space<vmem>>, vector<16xi32>,
          %bitcast3A_961 = vector.bitcast %get3A_960 : vector<16xi32> to vector<32xbf16>
          %mul3A_962 = arith.mulf %bitcast3A_953, %bitcast3A_961 : vector<32xbf16>
          %get3A_963 = arith.constant 0 : i32
          %get3A_964 = arith.constant 0 : i32
          %get3A_965 = tpu.memref_slice %arg9[%scan3A_87, %get3A_963, %get3A_964] : memref<2x80x128xi32, #tpu.memory_space<vmem>> -> memref<1x80x128xi32, #tpu.memory_space<vmem>>
          %get3A_966 = tpu.memref_squeeze %get3A_965 : memref<1x80x128xi32, #tpu.memory_space<vmem>> -> memref<80x128xi32, #tpu.memory_space<vmem>>
          %get3A_967 = arith.index_cast %add3A_945 : i32 to index
          %get3A_968 = arith.constant 16 : index
          %get3A_969 = tpu.vector_load %get3A_966[%get3A_967, %get3A_968] {strides = array<i32>} : memref<80x128xi32, #tpu.memory_space<vmem>>, vector<16xi32>,
          %bitcast3A_970 = vector.bitcast %get3A_969 : vector<16xi32> to vector<32xbf16>
          %get3A_971 = arith.constant 0 : i32
          %get3A_972 = arith.constant 0 : i32
          %get3A_973 = tpu.memref_slice %arg10[%scan3A_88, %get3A_971, %get3A_972] : memref<2x80x128xi32, #tpu.memory_space<vmem>> -> memref<1x80x128xi32, #tpu.memory_space<vmem>>
          %get3A_974 = tpu.memref_squeeze %get3A_973 : memref<1x80x128xi32, #tpu.memory_space<vmem>> -> memref<80x128xi32, #tpu.memory_space<vmem>>
          %get3A_975 = arith.index_cast %add3A_945 : i32 to index
          %get3A_976 = arith.constant 16 : index
          %get3A_977 = tpu.vector_load %get3A_974[%get3A_975, %get3A_976] {strides = array<i32>} : memref<80x128xi32, #tpu.memory_space<vmem>>, vector<16xi32>,
          %bitcast3A_978 = vector.bitcast %get3A_977 : vector<16xi32> to vector<32xbf16>
          %mul3A_979 = arith.mulf %bitcast3A_970, %bitcast3A_978 : vector<32xbf16>
          %get3A_980 = arith.constant 0 : i32
          %get3A_981 = arith.constant 0 : i32
          %get3A_982 = tpu.memref_slice %arg9[%scan3A_87, %get3A_980, %get3A_981] : memref<2x80x128xi32, #tpu.memory_space<vmem>> -> memref<1x80x128xi32, #tpu.memory_space<vmem>>
          %get3A_983 = tpu.memref_squeeze %get3A_982 : memref<1x80x128xi32, #tpu.memory_space<vmem>> -> memref<80x128xi32, #tpu.memory_space<vmem>>
          %get3A_984 = arith.index_cast %add3A_945 : i32 to index
          %get3A_985 = arith.constant 32 : index
          %get3A_986 = tpu.vector_load %get3A_983[%get3A_984, %get3A_985] {strides = array<i32>} : memref<80x128xi32, #tpu.memory_space<vmem>>, vector<16xi32>,
          %bitcast3A_987 = vector.bitcast %get3A_986 : vector<16xi32> to vector<32xbf16>
          %get3A_988 = arith.constant 0 : i32
          %get3A_989 = arith.constant 0 : i32
          %get3A_990 = tpu.memref_slice %arg10[%scan3A_88, %get3A_988, %get3A_989] : memref<2x80x128xi32, #tpu.memory_space<vmem>> -> memref<1x80x128xi32, #tpu.memory_space<vmem>>
          %get3A_991 = tpu.memref_squeeze %get3A_990 : memref<1x80x128xi32, #tpu.memory_space<vmem>> -> memref<80x128xi32, #tpu.memory_space<vmem>>
          %get3A_992 = arith.index_cast %add3A_945 : i32 to index
          %get3A_993 = arith.constant 32 : index
          %get3A_994 = tpu.vector_load %get3A_991[%get3A_992, %get3A_993] {strides = array<i32>} : memref<80x128xi32, #tpu.memory_space<vmem>>, vector<16xi32>,
          %bitcast3A_995 = vector.bitcast %get3A_994 : vector<16xi32> to vector<32xbf16>
          %mul3A_996 = arith.mulf %bitcast3A_987, %bitcast3A_995 : vector<32xbf16>
          %get3A_997 = arith.constant 0 : i32
          %get3A_998 = arith.constant 0 : i32
          %get3A_999 = tpu.memref_slice %arg9[%scan3A_87, %get3A_997, %get3A_998] : memref<2x80x128xi32, #tpu.memory_space<vmem>> -> memref<1x80x128xi32, #tpu.memory_space<vmem>>
          %get3A_1000 = tpu.memref_squeeze %get3A_999 : memref<1x80x128xi32, #tpu.memory_space<vmem>> -> memref<80x128xi32, #tpu.memory_space<vmem>>
          %get3A_1001 = arith.index_cast %add3A_945 : i32 to index
          %get3A_1002 = arith.constant 48 : index
          %get3A_1003 = tpu.vector_load %get3A_1000[%get3A_1001, %get3A_1002] {strides = array<i32>} : memref<80x128xi32, #tpu.memory_space<vmem>>, vector<16xi32>,
          %bitcast3A_1004 = vector.bitcast %get3A_1003 : vector<16xi32> to vector<32xbf16>
          %get3A_1005 = arith.constant 0 : i32
          %get3A_1006 = arith.constant 0 : i32
          %get3A_1007 = tpu.memref_slice %arg10[%scan3A_88, %get3A_1005, %get3A_1006] : memref<2x80x128xi32, #tpu.memory_space<vmem>> -> memref<1x80x128xi32, #tpu.memory_space<vmem>>
          %get3A_1008 = tpu.memref_squeeze %get3A_1007 : memref<1x80x128xi32, #tpu.memory_space<vmem>> -> memref<80x128xi32, #tpu.memory_space<vmem>>
          %get3A_1009 = arith.index_cast %add3A_945 : i32 to index
          %get3A_1010 = arith.constant 48 : index
          %get3A_1011 = tpu.vector_load %get3A_1008[%get3A_1009, %get3A_1010] {strides = array<i32>} : memref<80x128xi32, #tpu.memory_space<vmem>>, vector<16xi32>,
          %bitcast3A_1012 = vector.bitcast %get3A_1011 : vector<16xi32> to vector<32xbf16>
          %mul3A_1013 = arith.mulf %bitcast3A_1004, %bitcast3A_1012 : vector<32xbf16>
          %add3A_1014 = arith.addf %mul3A_962, %mul3A_979 : vector<32xbf16>
          %unpack3A_1015 = tpu.unpack_subelements %add3A_1014, 0 {pack_format = #tpu.pack_format<interleaved>} : vector<32xbf16> -> vector<16xf32>
          %unpack3A_1016 = tpu.unpack_subelements %add3A_1014, 1 {pack_format = #tpu.pack_format<interleaved>} : vector<32xbf16> -> vector<16xf32>
          %add3A_1017 = arith.addf %unpack3A_1015, %unpack3A_1016 : vector<16xf32>
          %add3A_1018 = arith.addf %mul3A_996, %mul3A_1013 : vector<32xbf16>
          %unpack3A_1019 = tpu.unpack_subelements %add3A_1018, 0 {pack_format = #tpu.pack_format<interleaved>} : vector<32xbf16> -> vector<16xf32>
          %unpack3A_1020 = tpu.unpack_subelements %add3A_1018, 1 {pack_format = #tpu.pack_format<interleaved>} : vector<32xbf16> -> vector<16xf32>
          %add3A_1021 = arith.addf %unpack3A_1019, %unpack3A_1020 : vector<16xf32>
          %add3A_1022 = arith.addf %add3A_1017, %add3A_1021 : vector<16xf32>
          %mul3A_1023 = arith.constant 80 : i32
          %mul3A_1024 = arith.muli %add3A_52, %mul3A_1023 : i32
          %add3A_1025 = arith.addi %mul3A_1024, %mul3A_96 : i32
          %add3A_1026 = arith.constant 10 : i32
          %add3A_1027 = arith.addi %add3A_1025, %add3A_1026 : i32
          %broadcast_in_dim3A_1028 = vector.broadcast %add3A_1027 : i32 to vector<16xi32>
          tpu.vector_store_idx %arg11[%broadcast_in_dim3A_1028], %add3A_1022 {add = true} : memref<10000xf32, #tpu.memory_space<vmem>>[vector<16xi32>], vector<16xf32>,
          %add3A_1029 = arith.constant 11 : i32
          %add3A_1030 = arith.addi %mul3A_96, %add3A_1029 : i32
          %get3A_1031 = arith.constant 0 : i32
          %get3A_1032 = arith.constant 0 : i32
          %get3A_1033 = tpu.memref_slice %arg9[%scan3A_87, %get3A_1031, %get3A_1032] : memref<2x80x128xi32, #tpu.memory_space<vmem>> -> memref<1x80x128xi32, #tpu.memory_space<vmem>>
          %get3A_1034 = tpu.memref_squeeze %get3A_1033 : memref<1x80x128xi32, #tpu.memory_space<vmem>> -> memref<80x128xi32, #tpu.memory_space<vmem>>
          %get3A_1035 = arith.index_cast %add3A_1030 : i32 to index
          %get3A_1036 = arith.constant 0 : index
          %get3A_1037 = tpu.vector_load %get3A_1034[%get3A_1035, %get3A_1036] {strides = array<i32>} : memref<80x128xi32, #tpu.memory_space<vmem>>, vector<16xi32>,
          %bitcast3A_1038 = vector.bitcast %get3A_1037 : vector<16xi32> to vector<32xbf16>
          %get3A_1039 = arith.constant 0 : i32
          %get3A_1040 = arith.constant 0 : i32
          %get3A_1041 = tpu.memref_slice %arg10[%scan3A_88, %get3A_1039, %get3A_1040] : memref<2x80x128xi32, #tpu.memory_space<vmem>> -> memref<1x80x128xi32, #tpu.memory_space<vmem>>
          %get3A_1042 = tpu.memref_squeeze %get3A_1041 : memref<1x80x128xi32, #tpu.memory_space<vmem>> -> memref<80x128xi32, #tpu.memory_space<vmem>>
          %get3A_1043 = arith.index_cast %add3A_1030 : i32 to index
          %get3A_1044 = arith.constant 0 : index
          %get3A_1045 = tpu.vector_load %get3A_1042[%get3A_1043, %get3A_1044] {strides = array<i32>} : memref<80x128xi32, #tpu.memory_space<vmem>>, vector<16xi32>,
          %bitcast3A_1046 = vector.bitcast %get3A_1045 : vector<16xi32> to vector<32xbf16>
          %mul3A_1047 = arith.mulf %bitcast3A_1038, %bitcast3A_1046 : vector<32xbf16>
          %get3A_1048 = arith.constant 0 : i32
          %get3A_1049 = arith.constant 0 : i32
          %get3A_1050 = tpu.memref_slice %arg9[%scan3A_87, %get3A_1048, %get3A_1049] : memref<2x80x128xi32, #tpu.memory_space<vmem>> -> memref<1x80x128xi32, #tpu.memory_space<vmem>>
          %get3A_1051 = tpu.memref_squeeze %get3A_1050 : memref<1x80x128xi32, #tpu.memory_space<vmem>> -> memref<80x128xi32, #tpu.memory_space<vmem>>
          %get3A_1052 = arith.index_cast %add3A_1030 : i32 to index
          %get3A_1053 = arith.constant 16 : index
          %get3A_1054 = tpu.vector_load %get3A_1051[%get3A_1052, %get3A_1053] {strides = array<i32>} : memref<80x128xi32, #tpu.memory_space<vmem>>, vector<16xi32>,
          %bitcast3A_1055 = vector.bitcast %get3A_1054 : vector<16xi32> to vector<32xbf16>
          %get3A_1056 = arith.constant 0 : i32
          %get3A_1057 = arith.constant 0 : i32
          %get3A_1058 = tpu.memref_slice %arg10[%scan3A_88, %get3A_1056, %get3A_1057] : memref<2x80x128xi32, #tpu.memory_space<vmem>> -> memref<1x80x128xi32, #tpu.memory_space<vmem>>
          %get3A_1059 = tpu.memref_squeeze %get3A_1058 : memref<1x80x128xi32, #tpu.memory_space<vmem>> -> memref<80x128xi32, #tpu.memory_space<vmem>>
          %get3A_1060 = arith.index_cast %add3A_1030 : i32 to index
          %get3A_1061 = arith.constant 16 : index
          %get3A_1062 = tpu.vector_load %get3A_1059[%get3A_1060, %get3A_1061] {strides = array<i32>} : memref<80x128xi32, #tpu.memory_space<vmem>>, vector<16xi32>,
          %bitcast3A_1063 = vector.bitcast %get3A_1062 : vector<16xi32> to vector<32xbf16>
          %mul3A_1064 = arith.mulf %bitcast3A_1055, %bitcast3A_1063 : vector<32xbf16>
          %get3A_1065 = arith.constant 0 : i32
          %get3A_1066 = arith.constant 0 : i32
          %get3A_1067 = tpu.memref_slice %arg9[%scan3A_87, %get3A_1065, %get3A_1066] : memref<2x80x128xi32, #tpu.memory_space<vmem>> -> memref<1x80x128xi32, #tpu.memory_space<vmem>>
          %get3A_1068 = tpu.memref_squeeze %get3A_1067 : memref<1x80x128xi32, #tpu.memory_space<vmem>> -> memref<80x128xi32, #tpu.memory_space<vmem>>
          %get3A_1069 = arith.index_cast %add3A_1030 : i32 to index
          %get3A_1070 = arith.constant 32 : index
          %get3A_1071 = tpu.vector_load %get3A_1068[%get3A_1069, %get3A_1070] {strides = array<i32>} : memref<80x128xi32, #tpu.memory_space<vmem>>, vector<16xi32>,
          %bitcast3A_1072 = vector.bitcast %get3A_1071 : vector<16xi32> to vector<32xbf16>
          %get3A_1073 = arith.constant 0 : i32
          %get3A_1074 = arith.constant 0 : i32
          %get3A_1075 = tpu.memref_slice %arg10[%scan3A_88, %get3A_1073, %get3A_1074] : memref<2x80x128xi32, #tpu.memory_space<vmem>> -> memref<1x80x128xi32, #tpu.memory_space<vmem>>
          %get3A_1076 = tpu.memref_squeeze %get3A_1075 : memref<1x80x128xi32, #tpu.memory_space<vmem>> -> memref<80x128xi32, #tpu.memory_space<vmem>>
          %get3A_1077 = arith.index_cast %add3A_1030 : i32 to index
          %get3A_1078 = arith.constant 32 : index
          %get3A_1079 = tpu.vector_load %get3A_1076[%get3A_1077, %get3A_1078] {strides = array<i32>} : memref<80x128xi32, #tpu.memory_space<vmem>>, vector<16xi32>,
          %bitcast3A_1080 = vector.bitcast %get3A_1079 : vector<16xi32> to vector<32xbf16>
          %mul3A_1081 = arith.mulf %bitcast3A_1072, %bitcast3A_1080 : vector<32xbf16>
          %get3A_1082 = arith.constant 0 : i32
          %get3A_1083 = arith.constant 0 : i32
          %get3A_1084 = tpu.memref_slice %arg9[%scan3A_87, %get3A_1082, %get3A_1083] : memref<2x80x128xi32, #tpu.memory_space<vmem>> -> memref<1x80x128xi32, #tpu.memory_space<vmem>>
          %get3A_1085 = tpu.memref_squeeze %get3A_1084 : memref<1x80x128xi32, #tpu.memory_space<vmem>> -> memref<80x128xi32, #tpu.memory_space<vmem>>
          %get3A_1086 = arith.index_cast %add3A_1030 : i32 to index
          %get3A_1087 = arith.constant 48 : index
          %get3A_1088 = tpu.vector_load %get3A_1085[%get3A_1086, %get3A_1087] {strides = array<i32>} : memref<80x128xi32, #tpu.memory_space<vmem>>, vector<16xi32>,
          %bitcast3A_1089 = vector.bitcast %get3A_1088 : vector<16xi32> to vector<32xbf16>
          %get3A_1090 = arith.constant 0 : i32
          %get3A_1091 = arith.constant 0 : i32
          %get3A_1092 = tpu.memref_slice %arg10[%scan3A_88, %get3A_1090, %get3A_1091] : memref<2x80x128xi32, #tpu.memory_space<vmem>> -> memref<1x80x128xi32, #tpu.memory_space<vmem>>
          %get3A_1093 = tpu.memref_squeeze %get3A_1092 : memref<1x80x128xi32, #tpu.memory_space<vmem>> -> memref<80x128xi32, #tpu.memory_space<vmem>>
          %get3A_1094 = arith.index_cast %add3A_1030 : i32 to index
          %get3A_1095 = arith.constant 48 : index
          %get3A_1096 = tpu.vector_load %get3A_1093[%get3A_1094, %get3A_1095] {strides = array<i32>} : memref<80x128xi32, #tpu.memory_space<vmem>>, vector<16xi32>,
          %bitcast3A_1097 = vector.bitcast %get3A_1096 : vector<16xi32> to vector<32xbf16>
          %mul3A_1098 = arith.mulf %bitcast3A_1089, %bitcast3A_1097 : vector<32xbf16>
          %add3A_1099 = arith.addf %mul3A_1047, %mul3A_1064 : vector<32xbf16>
          %unpack3A_1100 = tpu.unpack_subelements %add3A_1099, 0 {pack_format = #tpu.pack_format<interleaved>} : vector<32xbf16> -> vector<16xf32>
          %unpack3A_1101 = tpu.unpack_subelements %add3A_1099, 1 {pack_format = #tpu.pack_format<interleaved>} : vector<32xbf16> -> vector<16xf32>
          %add3A_1102 = arith.addf %unpack3A_1100, %unpack3A_1101 : vector<16xf32>
          %add3A_1103 = arith.addf %mul3A_1081, %mul3A_1098 : vector<32xbf16>
          %unpack3A_1104 = tpu.unpack_subelements %add3A_1103, 0 {pack_format = #tpu.pack_format<interleaved>} : vector<32xbf16> -> vector<16xf32>
          %unpack3A_1105 = tpu.unpack_subelements %add3A_1103, 1 {pack_format = #tpu.pack_format<interleaved>} : vector<32xbf16> -> vector<16xf32>
          %add3A_1106 = arith.addf %unpack3A_1104, %unpack3A_1105 : vector<16xf32>
          %add3A_1107 = arith.addf %add3A_1102, %add3A_1106 : vector<16xf32>
          %mul3A_1108 = arith.constant 80 : i32
          %mul3A_1109 = arith.muli %add3A_52, %mul3A_1108 : i32
          %add3A_1110 = arith.addi %mul3A_1109, %mul3A_96 : i32
          %add3A_1111 = arith.constant 11 : i32
          %add3A_1112 = arith.addi %add3A_1110, %add3A_1111 : i32
          %broadcast_in_dim3A_1113 = vector.broadcast %add3A_1112 : i32 to vector<16xi32>
          tpu.vector_store_idx %arg11[%broadcast_in_dim3A_1113], %add3A_1107 {add = true} : memref<10000xf32, #tpu.memory_space<vmem>>[vector<16xi32>], vector<16xf32>,
          %add3A_1114 = arith.constant 12 : i32
          %add3A_1115 = arith.addi %mul3A_96, %add3A_1114 : i32
          %get3A_1116 = arith.constant 0 : i32
          %get3A_1117 = arith.constant 0 : i32
          %get3A_1118 = tpu.memref_slice %arg9[%scan3A_87, %get3A_1116, %get3A_1117] : memref<2x80x128xi32, #tpu.memory_space<vmem>> -> memref<1x80x128xi32, #tpu.memory_space<vmem>>
          %get3A_1119 = tpu.memref_squeeze %get3A_1118 : memref<1x80x128xi32, #tpu.memory_space<vmem>> -> memref<80x128xi32, #tpu.memory_space<vmem>>
          %get3A_1120 = arith.index_cast %add3A_1115 : i32 to index
          %get3A_1121 = arith.constant 0 : index
          %get3A_1122 = tpu.vector_load %get3A_1119[%get3A_1120, %get3A_1121] {strides = array<i32>} : memref<80x128xi32, #tpu.memory_space<vmem>>, vector<16xi32>,
          %bitcast3A_1123 = vector.bitcast %get3A_1122 : vector<16xi32> to vector<32xbf16>
          %get3A_1124 = arith.constant 0 : i32
          %get3A_1125 = arith.constant 0 : i32
          %get3A_1126 = tpu.memref_slice %arg10[%scan3A_88, %get3A_1124, %get3A_1125] : memref<2x80x128xi32, #tpu.memory_space<vmem>> -> memref<1x80x128xi32, #tpu.memory_space<vmem>>
          %get3A_1127 = tpu.memref_squeeze %get3A_1126 : memref<1x80x128xi32, #tpu.memory_space<vmem>> -> memref<80x128xi32, #tpu.memory_space<vmem>>
          %get3A_1128 = arith.index_cast %add3A_1115 : i32 to index
          %get3A_1129 = arith.constant 0 : index
          %get3A_1130 = tpu.vector_load %get3A_1127[%get3A_1128, %get3A_1129] {strides = array<i32>} : memref<80x128xi32, #tpu.memory_space<vmem>>, vector<16xi32>,
          %bitcast3A_1131 = vector.bitcast %get3A_1130 : vector<16xi32> to vector<32xbf16>
          %mul3A_1132 = arith.mulf %bitcast3A_1123, %bitcast3A_1131 : vector<32xbf16>
          %get3A_1133 = arith.constant 0 : i32
          %get3A_1134 = arith.constant 0 : i32
          %get3A_1135 = tpu.memref_slice %arg9[%scan3A_87, %get3A_1133, %get3A_1134] : memref<2x80x128xi32, #tpu.memory_space<vmem>> -> memref<1x80x128xi32, #tpu.memory_space<vmem>>
          %get3A_1136 = tpu.memref_squeeze %get3A_1135 : memref<1x80x128xi32, #tpu.memory_space<vmem>> -> memref<80x128xi32, #tpu.memory_space<vmem>>
          %get3A_1137 = arith.index_cast %add3A_1115 : i32 to index
          %get3A_1138 = arith.constant 16 : index
          %get3A_1139 = tpu.vector_load %get3A_1136[%get3A_1137, %get3A_1138] {strides = array<i32>} : memref<80x128xi32, #tpu.memory_space<vmem>>, vector<16xi32>,
          %bitcast3A_1140 = vector.bitcast %get3A_1139 : vector<16xi32> to vector<32xbf16>
          %get3A_1141 = arith.constant 0 : i32
          %get3A_1142 = arith.constant 0 : i32
          %get3A_1143 = tpu.memref_slice %arg10[%scan3A_88, %get3A_1141, %get3A_1142] : memref<2x80x128xi32, #tpu.memory_space<vmem>> -> memref<1x80x128xi32, #tpu.memory_space<vmem>>
          %get3A_1144 = tpu.memref_squeeze %get3A_1143 : memref<1x80x128xi32, #tpu.memory_space<vmem>> -> memref<80x128xi32, #tpu.memory_space<vmem>>
          %get3A_1145 = arith.index_cast %add3A_1115 : i32 to index
          %get3A_1146 = arith.constant 16 : index
          %get3A_1147 = tpu.vector_load %get3A_1144[%get3A_1145, %get3A_1146] {strides = array<i32>} : memref<80x128xi32, #tpu.memory_space<vmem>>, vector<16xi32>,
          %bitcast3A_1148 = vector.bitcast %get3A_1147 : vector<16xi32> to vector<32xbf16>
          %mul3A_1149 = arith.mulf %bitcast3A_1140, %bitcast3A_1148 : vector<32xbf16>
          %get3A_1150 = arith.constant 0 : i32
          %get3A_1151 = arith.constant 0 : i32
          %get3A_1152 = tpu.memref_slice %arg9[%scan3A_87, %get3A_1150, %get3A_1151] : memref<2x80x128xi32, #tpu.memory_space<vmem>> -> memref<1x80x128xi32, #tpu.memory_space<vmem>>
          %get3A_1153 = tpu.memref_squeeze %get3A_1152 : memref<1x80x128xi32, #tpu.memory_space<vmem>> -> memref<80x128xi32, #tpu.memory_space<vmem>>
          %get3A_1154 = arith.index_cast %add3A_1115 : i32 to index
          %get3A_1155 = arith.constant 32 : index
          %get3A_1156 = tpu.vector_load %get3A_1153[%get3A_1154, %get3A_1155] {strides = array<i32>} : memref<80x128xi32, #tpu.memory_space<vmem>>, vector<16xi32>,
          %bitcast3A_1157 = vector.bitcast %get3A_1156 : vector<16xi32> to vector<32xbf16>
          %get3A_1158 = arith.constant 0 : i32
          %get3A_1159 = arith.constant 0 : i32
          %get3A_1160 = tpu.memref_slice %arg10[%scan3A_88, %get3A_1158, %get3A_1159] : memref<2x80x128xi32, #tpu.memory_space<vmem>> -> memref<1x80x128xi32, #tpu.memory_space<vmem>>
          %get3A_1161 = tpu.memref_squeeze %get3A_1160 : memref<1x80x128xi32, #tpu.memory_space<vmem>> -> memref<80x128xi32, #tpu.memory_space<vmem>>
          %get3A_1162 = arith.index_cast %add3A_1115 : i32 to index
          %get3A_1163 = arith.constant 32 : index
          %get3A_1164 = tpu.vector_load %get3A_1161[%get3A_1162, %get3A_1163] {strides = array<i32>} : memref<80x128xi32, #tpu.memory_space<vmem>>, vector<16xi32>,
          %bitcast3A_1165 = vector.bitcast %get3A_1164 : vector<16xi32> to vector<32xbf16>
          %mul3A_1166 = arith.mulf %bitcast3A_1157, %bitcast3A_1165 : vector<32xbf16>
          %get3A_1167 = arith.constant 0 : i32
          %get3A_1168 = arith.constant 0 : i32
          %get3A_1169 = tpu.memref_slice %arg9[%scan3A_87, %get3A_1167, %get3A_1168] : memref<2x80x128xi32, #tpu.memory_space<vmem>> -> memref<1x80x128xi32, #tpu.memory_space<vmem>>
          %get3A_1170 = tpu.memref_squeeze %get3A_1169 : memref<1x80x128xi32, #tpu.memory_space<vmem>> -> memref<80x128xi32, #tpu.memory_space<vmem>>
          %get3A_1171 = arith.index_cast %add3A_1115 : i32 to index
          %get3A_1172 = arith.constant 48 : index
          %get3A_1173 = tpu.vector_load %get3A_1170[%get3A_1171, %get3A_1172] {strides = array<i32>} : memref<80x128xi32, #tpu.memory_space<vmem>>, vector<16xi32>,
          %bitcast3A_1174 = vector.bitcast %get3A_1173 : vector<16xi32> to vector<32xbf16>
          %get3A_1175 = arith.constant 0 : i32
          %get3A_1176 = arith.constant 0 : i32
          %get3A_1177 = tpu.memref_slice %arg10[%scan3A_88, %get3A_1175, %get3A_1176] : memref<2x80x128xi32, #tpu.memory_space<vmem>> -> memref<1x80x128xi32, #tpu.memory_space<vmem>>
          %get3A_1178 = tpu.memref_squeeze %get3A_1177 : memref<1x80x128xi32, #tpu.memory_space<vmem>> -> memref<80x128xi32, #tpu.memory_space<vmem>>
          %get3A_1179 = arith.index_cast %add3A_1115 : i32 to index
          %get3A_1180 = arith.constant 48 : index
          %get3A_1181 = tpu.vector_load %get3A_1178[%get3A_1179, %get3A_1180] {strides = array<i32>} : memref<80x128xi32, #tpu.memory_space<vmem>>, vector<16xi32>,
          %bitcast3A_1182 = vector.bitcast %get3A_1181 : vector<16xi32> to vector<32xbf16>
          %mul3A_1183 = arith.mulf %bitcast3A_1174, %bitcast3A_1182 : vector<32xbf16>
          %add3A_1184 = arith.addf %mul3A_1132, %mul3A_1149 : vector<32xbf16>
          %unpack3A_1185 = tpu.unpack_subelements %add3A_1184, 0 {pack_format = #tpu.pack_format<interleaved>} : vector<32xbf16> -> vector<16xf32>
          %unpack3A_1186 = tpu.unpack_subelements %add3A_1184, 1 {pack_format = #tpu.pack_format<interleaved>} : vector<32xbf16> -> vector<16xf32>
          %add3A_1187 = arith.addf %unpack3A_1185, %unpack3A_1186 : vector<16xf32>
          %add3A_1188 = arith.addf %mul3A_1166, %mul3A_1183 : vector<32xbf16>
          %unpack3A_1189 = tpu.unpack_subelements %add3A_1188, 0 {pack_format = #tpu.pack_format<interleaved>} : vector<32xbf16> -> vector<16xf32>
          %unpack3A_1190 = tpu.unpack_subelements %add3A_1188, 1 {pack_format = #tpu.pack_format<interleaved>} : vector<32xbf16> -> vector<16xf32>
          %add3A_1191 = arith.addf %unpack3A_1189, %unpack3A_1190 : vector<16xf32>
          %add3A_1192 = arith.addf %add3A_1187, %add3A_1191 : vector<16xf32>
          %mul3A_1193 = arith.constant 80 : i32
          %mul3A_1194 = arith.muli %add3A_52, %mul3A_1193 : i32
          %add3A_1195 = arith.addi %mul3A_1194, %mul3A_96 : i32
          %add3A_1196 = arith.constant 12 : i32
          %add3A_1197 = arith.addi %add3A_1195, %add3A_1196 : i32
          %broadcast_in_dim3A_1198 = vector.broadcast %add3A_1197 : i32 to vector<16xi32>
          tpu.vector_store_idx %arg11[%broadcast_in_dim3A_1198], %add3A_1192 {add = true} : memref<10000xf32, #tpu.memory_space<vmem>>[vector<16xi32>], vector<16xf32>,
          %add3A_1199 = arith.constant 13 : i32
          %add3A_1200 = arith.addi %mul3A_96, %add3A_1199 : i32
          %get3A_1201 = arith.constant 0 : i32
          %get3A_1202 = arith.constant 0 : i32
          %get3A_1203 = tpu.memref_slice %arg9[%scan3A_87, %get3A_1201, %get3A_1202] : memref<2x80x128xi32, #tpu.memory_space<vmem>> -> memref<1x80x128xi32, #tpu.memory_space<vmem>>
          %get3A_1204 = tpu.memref_squeeze %get3A_1203 : memref<1x80x128xi32, #tpu.memory_space<vmem>> -> memref<80x128xi32, #tpu.memory_space<vmem>>
          %get3A_1205 = arith.index_cast %add3A_1200 : i32 to index
          %get3A_1206 = arith.constant 0 : index
          %get3A_1207 = tpu.vector_load %get3A_1204[%get3A_1205, %get3A_1206] {strides = array<i32>} : memref<80x128xi32, #tpu.memory_space<vmem>>, vector<16xi32>,
          %bitcast3A_1208 = vector.bitcast %get3A_1207 : vector<16xi32> to vector<32xbf16>
          %get3A_1209 = arith.constant 0 : i32
          %get3A_1210 = arith.constant 0 : i32
          %get3A_1211 = tpu.memref_slice %arg10[%scan3A_88, %get3A_1209, %get3A_1210] : memref<2x80x128xi32, #tpu.memory_space<vmem>> -> memref<1x80x128xi32, #tpu.memory_space<vmem>>
          %get3A_1212 = tpu.memref_squeeze %get3A_1211 : memref<1x80x128xi32, #tpu.memory_space<vmem>> -> memref<80x128xi32, #tpu.memory_space<vmem>>
          %get3A_1213 = arith.index_cast %add3A_1200 : i32 to index
          %get3A_1214 = arith.constant 0 : index
          %get3A_1215 = tpu.vector_load %get3A_1212[%get3A_1213, %get3A_1214] {strides = array<i32>} : memref<80x128xi32, #tpu.memory_space<vmem>>, vector<16xi32>,
          %bitcast3A_1216 = vector.bitcast %get3A_1215 : vector<16xi32> to vector<32xbf16>
          %mul3A_1217 = arith.mulf %bitcast3A_1208, %bitcast3A_1216 : vector<32xbf16>
          %get3A_1218 = arith.constant 0 : i32
          %get3A_1219 = arith.constant 0 : i32
          %get3A_1220 = tpu.memref_slice %arg9[%scan3A_87, %get3A_1218, %get3A_1219] : memref<2x80x128xi32, #tpu.memory_space<vmem>> -> memref<1x80x128xi32, #tpu.memory_space<vmem>>
          %get3A_1221 = tpu.memref_squeeze %get3A_1220 : memref<1x80x128xi32, #tpu.memory_space<vmem>> -> memref<80x128xi32, #tpu.memory_space<vmem>>
          %get3A_1222 = arith.index_cast %add3A_1200 : i32 to index
          %get3A_1223 = arith.constant 16 : index
          %get3A_1224 = tpu.vector_load %get3A_1221[%get3A_1222, %get3A_1223] {strides = array<i32>} : memref<80x128xi32, #tpu.memory_space<vmem>>, vector<16xi32>,
          %bitcast3A_1225 = vector.bitcast %get3A_1224 : vector<16xi32> to vector<32xbf16>
          %get3A_1226 = arith.constant 0 : i32
          %get3A_1227 = arith.constant 0 : i32
          %get3A_1228 = tpu.memref_slice %arg10[%scan3A_88, %get3A_1226, %get3A_1227] : memref<2x80x128xi32, #tpu.memory_space<vmem>> -> memref<1x80x128xi32, #tpu.memory_space<vmem>>
          %get3A_1229 = tpu.memref_squeeze %get3A_1228 : memref<1x80x128xi32, #tpu.memory_space<vmem>> -> memref<80x128xi32, #tpu.memory_space<vmem>>
          %get3A_1230 = arith.index_cast %add3A_1200 : i32 to index
          %get3A_1231 = arith.constant 16 : index
          %get3A_1232 = tpu.vector_load %get3A_1229[%get3A_1230, %get3A_1231] {strides = array<i32>} : memref<80x128xi32, #tpu.memory_space<vmem>>, vector<16xi32>,
          %bitcast3A_1233 = vector.bitcast %get3A_1232 : vector<16xi32> to vector<32xbf16>
          %mul3A_1234 = arith.mulf %bitcast3A_1225, %bitcast3A_1233 : vector<32xbf16>
          %get3A_1235 = arith.constant 0 : i32
          %get3A_1236 = arith.constant 0 : i32
          %get3A_1237 = tpu.memref_slice %arg9[%scan3A_87, %get3A_1235, %get3A_1236] : memref<2x80x128xi32, #tpu.memory_space<vmem>> -> memref<1x80x128xi32, #tpu.memory_space<vmem>>
          %get3A_1238 = tpu.memref_squeeze %get3A_1237 : memref<1x80x128xi32, #tpu.memory_space<vmem>> -> memref<80x128xi32, #tpu.memory_space<vmem>>
          %get3A_1239 = arith.index_cast %add3A_1200 : i32 to index
          %get3A_1240 = arith.constant 32 : index
          %get3A_1241 = tpu.vector_load %get3A_1238[%get3A_1239, %get3A_1240] {strides = array<i32>} : memref<80x128xi32, #tpu.memory_space<vmem>>, vector<16xi32>,
          %bitcast3A_1242 = vector.bitcast %get3A_1241 : vector<16xi32> to vector<32xbf16>
          %get3A_1243 = arith.constant 0 : i32
          %get3A_1244 = arith.constant 0 : i32
          %get3A_1245 = tpu.memref_slice %arg10[%scan3A_88, %get3A_1243, %get3A_1244] : memref<2x80x128xi32, #tpu.memory_space<vmem>> -> memref<1x80x128xi32, #tpu.memory_space<vmem>>
          %get3A_1246 = tpu.memref_squeeze %get3A_1245 : memref<1x80x128xi32, #tpu.memory_space<vmem>> -> memref<80x128xi32, #tpu.memory_space<vmem>>
          %get3A_1247 = arith.index_cast %add3A_1200 : i32 to index
          %get3A_1248 = arith.constant 32 : index
          %get3A_1249 = tpu.vector_load %get3A_1246[%get3A_1247, %get3A_1248] {strides = array<i32>} : memref<80x128xi32, #tpu.memory_space<vmem>>, vector<16xi32>,
          %bitcast3A_1250 = vector.bitcast %get3A_1249 : vector<16xi32> to vector<32xbf16>
          %mul3A_1251 = arith.mulf %bitcast3A_1242, %bitcast3A_1250 : vector<32xbf16>
          %get3A_1252 = arith.constant 0 : i32
          %get3A_1253 = arith.constant 0 : i32
          %get3A_1254 = tpu.memref_slice %arg9[%scan3A_87, %get3A_1252, %get3A_1253] : memref<2x80x128xi32, #tpu.memory_space<vmem>> -> memref<1x80x128xi32, #tpu.memory_space<vmem>>
          %get3A_1255 = tpu.memref_squeeze %get3A_1254 : memref<1x80x128xi32, #tpu.memory_space<vmem>> -> memref<80x128xi32, #tpu.memory_space<vmem>>
          %get3A_1256 = arith.index_cast %add3A_1200 : i32 to index
          %get3A_1257 = arith.constant 48 : index
          %get3A_1258 = tpu.vector_load %get3A_1255[%get3A_1256, %get3A_1257] {strides = array<i32>} : memref<80x128xi32, #tpu.memory_space<vmem>>, vector<16xi32>,
          %bitcast3A_1259 = vector.bitcast %get3A_1258 : vector<16xi32> to vector<32xbf16>
          %get3A_1260 = arith.constant 0 : i32
          %get3A_1261 = arith.constant 0 : i32
          %get3A_1262 = tpu.memref_slice %arg10[%scan3A_88, %get3A_1260, %get3A_1261] : memref<2x80x128xi32, #tpu.memory_space<vmem>> -> memref<1x80x128xi32, #tpu.memory_space<vmem>>
          %get3A_1263 = tpu.memref_squeeze %get3A_1262 : memref<1x80x128xi32, #tpu.memory_space<vmem>> -> memref<80x128xi32, #tpu.memory_space<vmem>>
          %get3A_1264 = arith.index_cast %add3A_1200 : i32 to index
          %get3A_1265 = arith.constant 48 : index
          %get3A_1266 = tpu.vector_load %get3A_1263[%get3A_1264, %get3A_1265] {strides = array<i32>} : memref<80x128xi32, #tpu.memory_space<vmem>>, vector<16xi32>,
          %bitcast3A_1267 = vector.bitcast %get3A_1266 : vector<16xi32> to vector<32xbf16>
          %mul3A_1268 = arith.mulf %bitcast3A_1259, %bitcast3A_1267 : vector<32xbf16>
          %add3A_1269 = arith.addf %mul3A_1217, %mul3A_1234 : vector<32xbf16>
          %unpack3A_1270 = tpu.unpack_subelements %add3A_1269, 0 {pack_format = #tpu.pack_format<interleaved>} : vector<32xbf16> -> vector<16xf32>
          %unpack3A_1271 = tpu.unpack_subelements %add3A_1269, 1 {pack_format = #tpu.pack_format<interleaved>} : vector<32xbf16> -> vector<16xf32>
          %add3A_1272 = arith.addf %unpack3A_1270, %unpack3A_1271 : vector<16xf32>
          %add3A_1273 = arith.addf %mul3A_1251, %mul3A_1268 : vector<32xbf16>
          %unpack3A_1274 = tpu.unpack_subelements %add3A_1273, 0 {pack_format = #tpu.pack_format<interleaved>} : vector<32xbf16> -> vector<16xf32>
          %unpack3A_1275 = tpu.unpack_subelements %add3A_1273, 1 {pack_format = #tpu.pack_format<interleaved>} : vector<32xbf16> -> vector<16xf32>
          %add3A_1276 = arith.addf %unpack3A_1274, %unpack3A_1275 : vector<16xf32>
          %add3A_1277 = arith.addf %add3A_1272, %add3A_1276 : vector<16xf32>
          %mul3A_1278 = arith.constant 80 : i32
          %mul3A_1279 = arith.muli %add3A_52, %mul3A_1278 : i32
          %add3A_1280 = arith.addi %mul3A_1279, %mul3A_96 : i32
          %add3A_1281 = arith.constant 13 : i32
          %add3A_1282 = arith.addi %add3A_1280, %add3A_1281 : i32
          %broadcast_in_dim3A_1283 = vector.broadcast %add3A_1282 : i32 to vector<16xi32>
          tpu.vector_store_idx %arg11[%broadcast_in_dim3A_1283], %add3A_1277 {add = true} : memref<10000xf32, #tpu.memory_space<vmem>>[vector<16xi32>], vector<16xf32>,
          %add3A_1284 = arith.constant 14 : i32
          %add3A_1285 = arith.addi %mul3A_96, %add3A_1284 : i32
          %get3A_1286 = arith.constant 0 : i32
          %get3A_1287 = arith.constant 0 : i32
          %get3A_1288 = tpu.memref_slice %arg9[%scan3A_87, %get3A_1286, %get3A_1287] : memref<2x80x128xi32, #tpu.memory_space<vmem>> -> memref<1x80x128xi32, #tpu.memory_space<vmem>>
          %get3A_1289 = tpu.memref_squeeze %get3A_1288 : memref<1x80x128xi32, #tpu.memory_space<vmem>> -> memref<80x128xi32, #tpu.memory_space<vmem>>
          %get3A_1290 = arith.index_cast %add3A_1285 : i32 to index
          %get3A_1291 = arith.constant 0 : index
          %get3A_1292 = tpu.vector_load %get3A_1289[%get3A_1290, %get3A_1291] {strides = array<i32>} : memref<80x128xi32, #tpu.memory_space<vmem>>, vector<16xi32>,
          %bitcast3A_1293 = vector.bitcast %get3A_1292 : vector<16xi32> to vector<32xbf16>
          %get3A_1294 = arith.constant 0 : i32
          %get3A_1295 = arith.constant 0 : i32
          %get3A_1296 = tpu.memref_slice %arg10[%scan3A_88, %get3A_1294, %get3A_1295] : memref<2x80x128xi32, #tpu.memory_space<vmem>> -> memref<1x80x128xi32, #tpu.memory_space<vmem>>
          %get3A_1297 = tpu.memref_squeeze %get3A_1296 : memref<1x80x128xi32, #tpu.memory_space<vmem>> -> memref<80x128xi32, #tpu.memory_space<vmem>>
          %get3A_1298 = arith.index_cast %add3A_1285 : i32 to index
          %get3A_1299 = arith.constant 0 : index
          %get3A_1300 = tpu.vector_load %get3A_1297[%get3A_1298, %get3A_1299] {strides = array<i32>} : memref<80x128xi32, #tpu.memory_space<vmem>>, vector<16xi32>,
          %bitcast3A_1301 = vector.bitcast %get3A_1300 : vector<16xi32> to vector<32xbf16>
          %mul3A_1302 = arith.mulf %bitcast3A_1293, %bitcast3A_1301 : vector<32xbf16>
          %get3A_1303 = arith.constant 0 : i32
          %get3A_1304 = arith.constant 0 : i32
          %get3A_1305 = tpu.memref_slice %arg9[%scan3A_87, %get3A_1303, %get3A_1304] : memref<2x80x128xi32, #tpu.memory_space<vmem>> -> memref<1x80x128xi32, #tpu.memory_space<vmem>>
          %get3A_1306 = tpu.memref_squeeze %get3A_1305 : memref<1x80x128xi32, #tpu.memory_space<vmem>> -> memref<80x128xi32, #tpu.memory_space<vmem>>
          %get3A_1307 = arith.index_cast %add3A_1285 : i32 to index
          %get3A_1308 = arith.constant 16 : index
          %get3A_1309 = tpu.vector_load %get3A_1306[%get3A_1307, %get3A_1308] {strides = array<i32>} : memref<80x128xi32, #tpu.memory_space<vmem>>, vector<16xi32>,
          %bitcast3A_1310 = vector.bitcast %get3A_1309 : vector<16xi32> to vector<32xbf16>
          %get3A_1311 = arith.constant 0 : i32
          %get3A_1312 = arith.constant 0 : i32
          %get3A_1313 = tpu.memref_slice %arg10[%scan3A_88, %get3A_1311, %get3A_1312] : memref<2x80x128xi32, #tpu.memory_space<vmem>> -> memref<1x80x128xi32, #tpu.memory_space<vmem>>
          %get3A_1314 = tpu.memref_squeeze %get3A_1313 : memref<1x80x128xi32, #tpu.memory_space<vmem>> -> memref<80x128xi32, #tpu.memory_space<vmem>>
          %get3A_1315 = arith.index_cast %add3A_1285 : i32 to index
          %get3A_1316 = arith.constant 16 : index
          %get3A_1317 = tpu.vector_load %get3A_1314[%get3A_1315, %get3A_1316] {strides = array<i32>} : memref<80x128xi32, #tpu.memory_space<vmem>>, vector<16xi32>,
          %bitcast3A_1318 = vector.bitcast %get3A_1317 : vector<16xi32> to vector<32xbf16>
          %mul3A_1319 = arith.mulf %bitcast3A_1310, %bitcast3A_1318 : vector<32xbf16>
          %get3A_1320 = arith.constant 0 : i32
          %get3A_1321 = arith.constant 0 : i32
          %get3A_1322 = tpu.memref_slice %arg9[%scan3A_87, %get3A_1320, %get3A_1321] : memref<2x80x128xi32, #tpu.memory_space<vmem>> -> memref<1x80x128xi32, #tpu.memory_space<vmem>>
          %get3A_1323 = tpu.memref_squeeze %get3A_1322 : memref<1x80x128xi32, #tpu.memory_space<vmem>> -> memref<80x128xi32, #tpu.memory_space<vmem>>
          %get3A_1324 = arith.index_cast %add3A_1285 : i32 to index
          %get3A_1325 = arith.constant 32 : index
          %get3A_1326 = tpu.vector_load %get3A_1323[%get3A_1324, %get3A_1325] {strides = array<i32>} : memref<80x128xi32, #tpu.memory_space<vmem>>, vector<16xi32>,
          %bitcast3A_1327 = vector.bitcast %get3A_1326 : vector<16xi32> to vector<32xbf16>
          %get3A_1328 = arith.constant 0 : i32
          %get3A_1329 = arith.constant 0 : i32
          %get3A_1330 = tpu.memref_slice %arg10[%scan3A_88, %get3A_1328, %get3A_1329] : memref<2x80x128xi32, #tpu.memory_space<vmem>> -> memref<1x80x128xi32, #tpu.memory_space<vmem>>
          %get3A_1331 = tpu.memref_squeeze %get3A_1330 : memref<1x80x128xi32, #tpu.memory_space<vmem>> -> memref<80x128xi32, #tpu.memory_space<vmem>>
          %get3A_1332 = arith.index_cast %add3A_1285 : i32 to index
          %get3A_1333 = arith.constant 32 : index
          %get3A_1334 = tpu.vector_load %get3A_1331[%get3A_1332, %get3A_1333] {strides = array<i32>} : memref<80x128xi32, #tpu.memory_space<vmem>>, vector<16xi32>,
          %bitcast3A_1335 = vector.bitcast %get3A_1334 : vector<16xi32> to vector<32xbf16>
          %mul3A_1336 = arith.mulf %bitcast3A_1327, %bitcast3A_1335 : vector<32xbf16>
          %get3A_1337 = arith.constant 0 : i32
          %get3A_1338 = arith.constant 0 : i32
          %get3A_1339 = tpu.memref_slice %arg9[%scan3A_87, %get3A_1337, %get3A_1338] : memref<2x80x128xi32, #tpu.memory_space<vmem>> -> memref<1x80x128xi32, #tpu.memory_space<vmem>>
          %get3A_1340 = tpu.memref_squeeze %get3A_1339 : memref<1x80x128xi32, #tpu.memory_space<vmem>> -> memref<80x128xi32, #tpu.memory_space<vmem>>
          %get3A_1341 = arith.index_cast %add3A_1285 : i32 to index
          %get3A_1342 = arith.constant 48 : index
          %get3A_1343 = tpu.vector_load %get3A_1340[%get3A_1341, %get3A_1342] {strides = array<i32>} : memref<80x128xi32, #tpu.memory_space<vmem>>, vector<16xi32>,
          %bitcast3A_1344 = vector.bitcast %get3A_1343 : vector<16xi32> to vector<32xbf16>
          %get3A_1345 = arith.constant 0 : i32
          %get3A_1346 = arith.constant 0 : i32
          %get3A_1347 = tpu.memref_slice %arg10[%scan3A_88, %get3A_1345, %get3A_1346] : memref<2x80x128xi32, #tpu.memory_space<vmem>> -> memref<1x80x128xi32, #tpu.memory_space<vmem>>
          %get3A_1348 = tpu.memref_squeeze %get3A_1347 : memref<1x80x128xi32, #tpu.memory_space<vmem>> -> memref<80x128xi32, #tpu.memory_space<vmem>>
          %get3A_1349 = arith.index_cast %add3A_1285 : i32 to index
          %get3A_1350 = arith.constant 48 : index
          %get3A_1351 = tpu.vector_load %get3A_1348[%get3A_1349, %get3A_1350] {strides = array<i32>} : memref<80x128xi32, #tpu.memory_space<vmem>>, vector<16xi32>,
          %bitcast3A_1352 = vector.bitcast %get3A_1351 : vector<16xi32> to vector<32xbf16>
          %mul3A_1353 = arith.mulf %bitcast3A_1344, %bitcast3A_1352 : vector<32xbf16>
          %add3A_1354 = arith.addf %mul3A_1302, %mul3A_1319 : vector<32xbf16>
          %unpack3A_1355 = tpu.unpack_subelements %add3A_1354, 0 {pack_format = #tpu.pack_format<interleaved>} : vector<32xbf16> -> vector<16xf32>
          %unpack3A_1356 = tpu.unpack_subelements %add3A_1354, 1 {pack_format = #tpu.pack_format<interleaved>} : vector<32xbf16> -> vector<16xf32>
          %add3A_1357 = arith.addf %unpack3A_1355, %unpack3A_1356 : vector<16xf32>
          %add3A_1358 = arith.addf %mul3A_1336, %mul3A_1353 : vector<32xbf16>
          %unpack3A_1359 = tpu.unpack_subelements %add3A_1358, 0 {pack_format = #tpu.pack_format<interleaved>} : vector<32xbf16> -> vector<16xf32>
          %unpack3A_1360 = tpu.unpack_subelements %add3A_1358, 1 {pack_format = #tpu.pack_format<interleaved>} : vector<32xbf16> -> vector<16xf32>
          %add3A_1361 = arith.addf %unpack3A_1359, %unpack3A_1360 : vector<16xf32>
          %add3A_1362 = arith.addf %add3A_1357, %add3A_1361 : vector<16xf32>
          %mul3A_1363 = arith.constant 80 : i32
          %mul3A_1364 = arith.muli %add3A_52, %mul3A_1363 : i32
          %add3A_1365 = arith.addi %mul3A_1364, %mul3A_96 : i32
          %add3A_1366 = arith.constant 14 : i32
          %add3A_1367 = arith.addi %add3A_1365, %add3A_1366 : i32
          %broadcast_in_dim3A_1368 = vector.broadcast %add3A_1367 : i32 to vector<16xi32>
          tpu.vector_store_idx %arg11[%broadcast_in_dim3A_1368], %add3A_1362 {add = true} : memref<10000xf32, #tpu.memory_space<vmem>>[vector<16xi32>], vector<16xf32>,
          %add3A_1369 = arith.constant 15 : i32
          %add3A_1370 = arith.addi %mul3A_96, %add3A_1369 : i32
          %get3A_1371 = arith.constant 0 : i32
          %get3A_1372 = arith.constant 0 : i32
          %get3A_1373 = tpu.memref_slice %arg9[%scan3A_87, %get3A_1371, %get3A_1372] : memref<2x80x128xi32, #tpu.memory_space<vmem>> -> memref<1x80x128xi32, #tpu.memory_space<vmem>>
          %get3A_1374 = tpu.memref_squeeze %get3A_1373 : memref<1x80x128xi32, #tpu.memory_space<vmem>> -> memref<80x128xi32, #tpu.memory_space<vmem>>
          %get3A_1375 = arith.index_cast %add3A_1370 : i32 to index
          %get3A_1376 = arith.constant 0 : index
          %get3A_1377 = tpu.vector_load %get3A_1374[%get3A_1375, %get3A_1376] {strides = array<i32>} : memref<80x128xi32, #tpu.memory_space<vmem>>, vector<16xi32>,
          %bitcast3A_1378 = vector.bitcast %get3A_1377 : vector<16xi32> to vector<32xbf16>
          %get3A_1379 = arith.constant 0 : i32
          %get3A_1380 = arith.constant 0 : i32
          %get3A_1381 = tpu.memref_slice %arg10[%scan3A_88, %get3A_1379, %get3A_1380] : memref<2x80x128xi32, #tpu.memory_space<vmem>> -> memref<1x80x128xi32, #tpu.memory_space<vmem>>
          %get3A_1382 = tpu.memref_squeeze %get3A_1381 : memref<1x80x128xi32, #tpu.memory_space<vmem>> -> memref<80x128xi32, #tpu.memory_space<vmem>>
          %get3A_1383 = arith.index_cast %add3A_1370 : i32 to index
          %get3A_1384 = arith.constant 0 : index
          %get3A_1385 = tpu.vector_load %get3A_1382[%get3A_1383, %get3A_1384] {strides = array<i32>} : memref<80x128xi32, #tpu.memory_space<vmem>>, vector<16xi32>,
          %bitcast3A_1386 = vector.bitcast %get3A_1385 : vector<16xi32> to vector<32xbf16>
          %mul3A_1387 = arith.mulf %bitcast3A_1378, %bitcast3A_1386 : vector<32xbf16>
          %get3A_1388 = arith.constant 0 : i32
          %get3A_1389 = arith.constant 0 : i32
          %get3A_1390 = tpu.memref_slice %arg9[%scan3A_87, %get3A_1388, %get3A_1389] : memref<2x80x128xi32, #tpu.memory_space<vmem>> -> memref<1x80x128xi32, #tpu.memory_space<vmem>>
          %get3A_1391 = tpu.memref_squeeze %get3A_1390 : memref<1x80x128xi32, #tpu.memory_space<vmem>> -> memref<80x128xi32, #tpu.memory_space<vmem>>
          %get3A_1392 = arith.index_cast %add3A_1370 : i32 to index
          %get3A_1393 = arith.constant 16 : index
          %get3A_1394 = tpu.vector_load %get3A_1391[%get3A_1392, %get3A_1393] {strides = array<i32>} : memref<80x128xi32, #tpu.memory_space<vmem>>, vector<16xi32>,
          %bitcast3A_1395 = vector.bitcast %get3A_1394 : vector<16xi32> to vector<32xbf16>
          %get3A_1396 = arith.constant 0 : i32
          %get3A_1397 = arith.constant 0 : i32
          %get3A_1398 = tpu.memref_slice %arg10[%scan3A_88, %get3A_1396, %get3A_1397] : memref<2x80x128xi32, #tpu.memory_space<vmem>> -> memref<1x80x128xi32, #tpu.memory_space<vmem>>
          %get3A_1399 = tpu.memref_squeeze %get3A_1398 : memref<1x80x128xi32, #tpu.memory_space<vmem>> -> memref<80x128xi32, #tpu.memory_space<vmem>>
          %get3A_1400 = arith.index_cast %add3A_1370 : i32 to index
          %get3A_1401 = arith.constant 16 : index
          %get3A_1402 = tpu.vector_load %get3A_1399[%get3A_1400, %get3A_1401] {strides = array<i32>} : memref<80x128xi32, #tpu.memory_space<vmem>>, vector<16xi32>,
          %bitcast3A_1403 = vector.bitcast %get3A_1402 : vector<16xi32> to vector<32xbf16>
          %mul3A_1404 = arith.mulf %bitcast3A_1395, %bitcast3A_1403 : vector<32xbf16>
          %get3A_1405 = arith.constant 0 : i32
          %get3A_1406 = arith.constant 0 : i32
          %get3A_1407 = tpu.memref_slice %arg9[%scan3A_87, %get3A_1405, %get3A_1406] : memref<2x80x128xi32, #tpu.memory_space<vmem>> -> memref<1x80x128xi32, #tpu.memory_space<vmem>>
          %get3A_1408 = tpu.memref_squeeze %get3A_1407 : memref<1x80x128xi32, #tpu.memory_space<vmem>> -> memref<80x128xi32, #tpu.memory_space<vmem>>
          %get3A_1409 = arith.index_cast %add3A_1370 : i32 to index
          %get3A_1410 = arith.constant 32 : index
          %get3A_1411 = tpu.vector_load %get3A_1408[%get3A_1409, %get3A_1410] {strides = array<i32>} : memref<80x128xi32, #tpu.memory_space<vmem>>, vector<16xi32>,
          %bitcast3A_1412 = vector.bitcast %get3A_1411 : vector<16xi32> to vector<32xbf16>
          %get3A_1413 = arith.constant 0 : i32
          %get3A_1414 = arith.constant 0 : i32
          %get3A_1415 = tpu.memref_slice %arg10[%scan3A_88, %get3A_1413, %get3A_1414] : memref<2x80x128xi32, #tpu.memory_space<vmem>> -> memref<1x80x128xi32, #tpu.memory_space<vmem>>
          %get3A_1416 = tpu.memref_squeeze %get3A_1415 : memref<1x80x128xi32, #tpu.memory_space<vmem>> -> memref<80x128xi32, #tpu.memory_space<vmem>>
          %get3A_1417 = arith.index_cast %add3A_1370 : i32 to index
          %get3A_1418 = arith.constant 32 : index
          %get3A_1419 = tpu.vector_load %get3A_1416[%get3A_1417, %get3A_1418] {strides = array<i32>} : memref<80x128xi32, #tpu.memory_space<vmem>>, vector<16xi32>,
          %bitcast3A_1420 = vector.bitcast %get3A_1419 : vector<16xi32> to vector<32xbf16>
          %mul3A_1421 = arith.mulf %bitcast3A_1412, %bitcast3A_1420 : vector<32xbf16>
          %get3A_1422 = arith.constant 0 : i32
          %get3A_1423 = arith.constant 0 : i32
          %get3A_1424 = tpu.memref_slice %arg9[%scan3A_87, %get3A_1422, %get3A_1423] : memref<2x80x128xi32, #tpu.memory_space<vmem>> -> memref<1x80x128xi32, #tpu.memory_space<vmem>>
          %get3A_1425 = tpu.memref_squeeze %get3A_1424 : memref<1x80x128xi32, #tpu.memory_space<vmem>> -> memref<80x128xi32, #tpu.memory_space<vmem>>
          %get3A_1426 = arith.index_cast %add3A_1370 : i32 to index
          %get3A_1427 = arith.constant 48 : index
          %get3A_1428 = tpu.vector_load %get3A_1425[%get3A_1426, %get3A_1427] {strides = array<i32>} : memref<80x128xi32, #tpu.memory_space<vmem>>, vector<16xi32>,
          %bitcast3A_1429 = vector.bitcast %get3A_1428 : vector<16xi32> to vector<32xbf16>
          %get3A_1430 = arith.constant 0 : i32
          %get3A_1431 = arith.constant 0 : i32
          %get3A_1432 = tpu.memref_slice %arg10[%scan3A_88, %get3A_1430, %get3A_1431] : memref<2x80x128xi32, #tpu.memory_space<vmem>> -> memref<1x80x128xi32, #tpu.memory_space<vmem>>
          %get3A_1433 = tpu.memref_squeeze %get3A_1432 : memref<1x80x128xi32, #tpu.memory_space<vmem>> -> memref<80x128xi32, #tpu.memory_space<vmem>>
          %get3A_1434 = arith.index_cast %add3A_1370 : i32 to index
          %get3A_1435 = arith.constant 48 : index
          %get3A_1436 = tpu.vector_load %get3A_1433[%get3A_1434, %get3A_1435] {strides = array<i32>} : memref<80x128xi32, #tpu.memory_space<vmem>>, vector<16xi32>,
          %bitcast3A_1437 = vector.bitcast %get3A_1436 : vector<16xi32> to vector<32xbf16>
          %mul3A_1438 = arith.mulf %bitcast3A_1429, %bitcast3A_1437 : vector<32xbf16>
          %add3A_1439 = arith.addf %mul3A_1387, %mul3A_1404 : vector<32xbf16>
          %unpack3A_1440 = tpu.unpack_subelements %add3A_1439, 0 {pack_format = #tpu.pack_format<interleaved>} : vector<32xbf16> -> vector<16xf32>
          %unpack3A_1441 = tpu.unpack_subelements %add3A_1439, 1 {pack_format = #tpu.pack_format<interleaved>} : vector<32xbf16> -> vector<16xf32>
          %add3A_1442 = arith.addf %unpack3A_1440, %unpack3A_1441 : vector<16xf32>
          %add3A_1443 = arith.addf %mul3A_1421, %mul3A_1438 : vector<32xbf16>
          %unpack3A_1444 = tpu.unpack_subelements %add3A_1443, 0 {pack_format = #tpu.pack_format<interleaved>} : vector<32xbf16> -> vector<16xf32>
          %unpack3A_1445 = tpu.unpack_subelements %add3A_1443, 1 {pack_format = #tpu.pack_format<interleaved>} : vector<32xbf16> -> vector<16xf32>
          %add3A_1446 = arith.addf %unpack3A_1444, %unpack3A_1445 : vector<16xf32>
          %add3A_1447 = arith.addf %add3A_1442, %add3A_1446 : vector<16xf32>
          %mul3A_1448 = arith.constant 80 : i32
          %mul3A_1449 = arith.muli %add3A_52, %mul3A_1448 : i32
          %add3A_1450 = arith.addi %mul3A_1449, %mul3A_96 : i32
          %add3A_1451 = arith.constant 15 : i32
          %add3A_1452 = arith.addi %add3A_1450, %add3A_1451 : i32
          %broadcast_in_dim3A_1453 = vector.broadcast %add3A_1452 : i32 to vector<16xi32>
          tpu.vector_store_idx %arg11[%broadcast_in_dim3A_1453], %add3A_1447 {add = true} : memref<10000xf32, #tpu.memory_space<vmem>>[vector<16xi32>], vector<16xf32>,
        }
        %scan3A_93 = arith.constant 5 : i32
      } else {
      }
    }
    %scan3A_35 = arith.constant 63 : i32
    %scan3A_36 = arith.constant 0 : i32
    %scan3A_37 = arith.constant 0 : i32
    %scan3A_38 = arith.constant 625 : i32
    %scan3A_39 = arith.addi %scan3A_37, %scan3A_38 : i32
    %scan3A_40 = arith.constant 1 : i32
    scf.for %scan3A_42 = %scan3A_37 to %scan3A_39 step %scan3A_40  : i32 {
      %mul3A_43 = arith.constant 16 : i32
      %mul3A_44 = arith.muli %scan3A_42, %mul3A_43 : i32
      %get3A = arith.index_cast %mul3A_44 : i32 to index
      %get3A_45 = tpu.vector_load %arg11[%get3A] {strides = array<i32>} : memref<10000xf32, #tpu.memory_space<vmem>>, vector<16xf32>,
      %neg3A = arith.constant 0.000000e+00 : f32
      %neg3A_46 = vector.broadcast %neg3A : f32 to vector<16xf32>
      %neg3A_47 = arith.subf %neg3A_46, %get3A_45 : vector<16xf32>
      %exp3A = math.exp %neg3A_47 : vector<16xf32>
      %add3A_48 = arith.constant 1.000000e+00 : f32
      %add3A_49 = vector.broadcast %add3A_48 : f32 to vector<16xf32>
      %add3A_50 = arith.addf %add3A_49, %exp3A : vector<16xf32>
      %div3A = arith.constant 1.000000e+00 : f32
      %div3A_51 = vector.broadcast %div3A : f32 to vector<16xf32>
      %div3A_52 = arith.divf %div3A_51, %add3A_50 : vector<16xf32>
      %mul3A_53 = arith.constant 16 : i32
      %mul3A_54 = arith.muli %scan3A_42, %mul3A_53 : i32
      %swap3A = arith.index_cast %mul3A_54 : i32 to index
      %swap3A_55 = tpu.vector_load %arg11[%swap3A] {strides = array<i32>} : memref<10000xf32, #tpu.memory_space<vmem>>, vector<16xf32>,
      tpu.vector_store %arg11[%swap3A], %div3A_52 {strides = array<i32>} : memref<10000xf32, #tpu.memory_space<vmem>>, vector<16xf32>,
    }
    %scan3A_41 = arith.constant 625 : i32
    "tpu.region"() ({
      %run_scoped3A = tpu.sem_alloc : memref<!tpu.dma_semaphore, #tpu.memory_space<semaphore_mem>>
      %dma_start3A_42 = arith.constant 0 : i32
      %dma_start3A_43 = tpu.memref_slice %arg6[%add3A, %dma_start3A_42] : memref<32x10000xf32, #tpu.memory_space<hbm>> -> memref<1x10000xf32, #tpu.memory_space<hbm>>
      %dma_start3A_44 = tpu.memref_squeeze %dma_start3A_43 : memref<1x10000xf32, #tpu.memory_space<hbm>> -> memref<10000xf32, #tpu.memory_space<hbm>>
      %dma_start3A_45 = arith.constant 0 : i32
      %dma_start3A_46 = tpu.memref_slice %arg6[%add3A, %dma_start3A_45] : memref<32x10000xf32, #tpu.memory_space<hbm>> -> memref<1x10000xf32, #tpu.memory_space<hbm>>
      %dma_start3A_47 = tpu.memref_squeeze %dma_start3A_46 : memref<1x10000xf32, #tpu.memory_space<hbm>> -> memref<10000xf32, #tpu.memory_space<hbm>>
      tpu.enqueue_dma source(%arg11 : memref<10000xf32, #tpu.memory_space<vmem>>) target(%dma_start3A_47 : memref<10000xf32, #tpu.memory_space<hbm>>) target_semaphore(%run_scoped3A : memref<!tpu.dma_semaphore, #tpu.memory_space<semaphore_mem>>)
      %dma_wait3A = arith.constant 0 : i32
      %dma_wait3A_48 = tpu.memref_slice %arg6[%add3A, %dma_wait3A] : memref<32x10000xf32, #tpu.memory_space<hbm>> -> memref<1x10000xf32, #tpu.memory_space<hbm>>
      %dma_wait3A_49 = tpu.memref_squeeze %dma_wait3A_48 : memref<1x10000xf32, #tpu.memory_space<hbm>> -> memref<10000xf32, #tpu.memory_space<hbm>>
      %dma_wait3A_50 = arith.constant 0 : i32
      %dma_wait3A_51 = tpu.memref_slice %arg6[%add3A, %dma_wait3A_50] : memref<32x10000xf32, #tpu.memory_space<hbm>> -> memref<1x10000xf32, #tpu.memory_space<hbm>>
      %dma_wait3A_52 = tpu.memref_squeeze %dma_wait3A_51 : memref<1x10000xf32, #tpu.memory_space<hbm>> -> memref<10000xf32, #tpu.memory_space<hbm>>
      tpu.wait_dma2 semaphore(%run_scoped3A : memref<!tpu.dma_semaphore, #tpu.memory_space<semaphore_mem>>) src(%arg11 : memref<10000xf32, #tpu.memory_space<vmem>>) dst(%dma_wait3A_52 : memref<10000xf32, #tpu.memory_space<hbm>>)
      tpu.yield
    }) : () -> ()
    return
  }
}

</mosaic_0001>

<sc_bundles>
// kernel: kernel.3.cloned.1.call-start
scs
__scs_entry_jumppad:
0x0: {  	(pc) =	sbr.rel $0x88, $3  }
0x1: {  	(tag) =	ssettag $0x0;
	lr =	simm.s32 $0x1  }
0x2: {  	[smem:$0x3F9E] =	sst lr;
	_ =	strace $0xD0000000  }
0x3: {  	_ = 	snop  }
0x4: {  	_ = 	snop  }
0x5: {  	_ = 	snop  }
0x6: {  	_ = 	snop  }
0x7: {  	_ = 	snop  }
__scs_overlays_trampoline_lowered:
0x8: {  	[smem:$0x3FAD] =	sst s0  }
0x9: {  	[smem:$0x3FAE] =	sst s1  }
0xa: {  	[smem:$0x3FAF] =	sst s2  }
0xb: {  	[smem:$0x3FB0] =	sst s3  }
0xc: {  	[smem:$0x3FB1] =	sst s4  }
0xd: {  	[smem:$0x3FB2] =	sst s5  }
0xe: {  	[smem:$0x3FB3] =	sst s6  }
0xf: {  	[smem:$0x3FB4] =	sst s7  }
0x10: {  	[smem:$0x3FB5] =	sst s8  }
0x11: {  	[smem:$0x3FB6] =	sst s9;
	s0 =	simm.s32 @!p0 $0x0  }
0x12: {  	s1 =	sld [smem:$0x3F9C];
	s0 =	simm.s32 @p0 $0x1  }
0x13: {  	[smem:$0x3FB7] =	sst s0;
	s0 =	simm.s32 @!p1 $0x0  }
0x14: {  	s2 =	sld [smem:$0x3F9B];
	s0 =	simm.s32 @p1 $0x1  }
0x15: {  	[smem:$0x3FB8] =	sst s0;
	s0 =	simm.s32 @!p2 $0x0  }
0x16: {  	s3 =	sld [smem:$0x3FDB];
	s0 =	simm.s32 @p2 $0x1  }
0x17: {  	s4 =	simm.s32 $0x1BF5;
	[smem:$0x3FBA] =	sst s0  }
0x18: {  	s0 =	sld [smem:$0x3F9D];
	_ =	swait.ge [sflag:s4], $0x0  }
0x19: {  	s7 =	sld [smem:$0x3F9E]  }
0x1a: {  	s8 =	sadd.s32 $0xFFFFE003, lr  }
0x1b: {  	s9 =	sadd.s32 $0xFFFFFEF7, lr;
	s5 =	simm.s32 $0xFFFFFFFF;
	p2 =	slt.u32 s8, $0xFFFFF086  }
0x1c: {  	p1 =	slt.u32 s9, $0xF7A;
	s5 =	simm.s32 @!p2 $0x0  }
0x1d: {  	s5 =	simm.s32 @p1 $0x1;
	p0 =	seq.s32 s7, s2  }
0x1e: {  	s7 =	smul.u32 @!p0 $0xF7A, s2;
	p2 =	seq.s32 @!p0 s5, $0x0  }
0x1f: {  	s9 =	smul.u32 $0xF7A, s1;
	s8 =	simm.s32 @!p0 $0x1BF5;
	p2 =	por !p2, p0  }
0x20: {  	[sflag:s8] =	ssyncset.s32 @!p0 $0xFFFFF086;
	s6 =	sadd.s32 @!p0 s3, s7;
	s7 =	simm.s32 @!p0 $0x108  }
0x21: {  	s3 =	sadd.s32 s3, s9;
	s6 =	sadd.s32 @!p0 $0x88, s6;
	s7 =	simm.s32 @p2 $0x1082  }
0x22: {  	[simem:s7], [sflag:s8] =	dma.local @!p0 [hbm:s6], $0xF7A  }
0x23: {  	s9 =	sor.u32 $0xD0000000, s2;
	s6 =	simm.s32 $0x108;
	_ =	swait.ge @!p0 [sflag:s8], $0x0  }
0x24: {  	s3 =	sadd.s32 $0x88, s3;
	s6 =	simm.s32 @!p1 $0x1082;
	[sflag:s4] =	ssyncset.s32 $0xFFFFF086  }
0x25: {  	[simem:s6], [sflag:s4] =	dma.local [hbm:s3], $0xF7A  }
0x26: {  	[smem:$0x3F9E] =	sst s1;
	(tag) =	ssettag s2;
	_ =	strace s9  }
0x27: {  	s1 =	sld [smem:$0x3FAE]  }
0x28: {  	s2 =	sld [smem:$0x3FAF]  }
0x29: {  	s4 =	sld [smem:$0x3FB1]  }
0x2a: {  	p0 =	seq.s32 s5, $0x0;
	s5 =	sld [smem:$0x3FB2]  }
0x2b: {  	s6 =	sld [smem:$0x3FB3]  }
0x2c: {  	s7 =	sld [smem:$0x3FB4]  }
0x2d: {  	s3 =	simm.s32 $0x108;
	s8 =	sld [smem:$0x3FB5]  }
0x2e: {  	s3 =	simm.s32 @!p0 $0x1082;
	s9 =	sld [smem:$0x3FB6]  }
0x2f: {  	lr =	sadd.s32 s0, s3;
	s0 =	sld [smem:$0x3FAD]  }
0x30: {  	s3 =	sld [smem:$0x3FB0]  }
0x31: {  	[smem:$0x3FB9] =	sst s10  }
0x32: {  	s10 =	sld [smem:$0x3FB7];
	_ =	sdelay $0x3  }
0x33: {  	p0 =	seq.s32 s10, $0x1;
	s10 =	sld [smem:$0x3FB9];
	_ =	sdelay $0x3  }
0x34: {  	[smem:$0x3FB9] =	sst s10  }
0x35: {  	s10 =	sld [smem:$0x3FB8];
	_ =	sdelay $0x3  }
0x36: {  	p1 =	seq.s32 s10, $0x1;
	s10 =	sld [smem:$0x3FB9];
	_ =	sdelay $0x3  }
0x37: {  	[smem:$0x3FB9] =	sst s10  }
0x38: {  	s10 =	sld [smem:$0x3FBA]  }
0x39: {  	_ = 	snop;
	(pc) =	sbr.ind lr, $3  }
0x3a: {  	_ = 	snop  }
0x3b: {  	_ = 	snop  }
0x3c: {  	p2 =	seq.s32 s10, $0x1;
	s10 =	sld [smem:$0x3FB9]  }
0x3d: {  	_ =	shalt  }
0x3e: {  	_ =	shalt  }
0x3f: {  	_ =	shalt  }
0x40: {  	_ =	shalt  }
0x41: {  	_ =	shalt  }
0x42: {  	_ =	shalt  }
0x43: {  	_ =	shalt  }
0x44: {  	_ =	shalt  }
0x45: {  	_ =	shalt  }
0x46: {  	_ =	shalt  }
0x47: {  	_ =	shalt  }
0x48: {  	_ =	shalt  }
0x49: {  	_ =	shalt  }
0x4a: {  	_ =	shalt  }
0x4b: {  	_ =	shalt  }
0x4c: {  	_ =	shalt  }
0x4d: {  	_ =	shalt  }
0x4e: {  	_ =	shalt  }
0x4f: {  	_ =	shalt  }
0x50: {  	_ =	shalt  }
0x51: {  	_ =	shalt  }
0x52: {  	_ =	shalt  }
0x53: {  	_ =	shalt  }
0x54: {  	_ =	shalt  }
0x55: {  	_ =	shalt  }
0x56: {  	_ =	shalt  }
0x57: {  	_ =	shalt  }
0x58: {  	_ =	shalt  }
0x59: {  	_ =	shalt  }
0x5a: {  	_ =	shalt  }
0x5b: {  	_ =	shalt  }
0x5c: {  	_ =	shalt  }
0x5d: {  	_ =	shalt  }
0x5e: {  	_ =	shalt  }
0x5f: {  	_ =	shalt  }
0x60: {  	_ =	shalt  }
0x61: {  	_ =	shalt  }
0x62: {  	_ =	shalt  }
0x63: {  	_ =	shalt  }
0x64: {  	_ =	shalt  }
0x65: {  	_ =	shalt  }
0x66: {  	_ =	shalt  }
0x67: {  	_ =	shalt  }
0x68: {  	_ =	shalt  }
0x69: {  	_ =	shalt  }
0x6a: {  	_ =	shalt  }
0x6b: {  	_ =	shalt  }
0x6c: {  	_ =	shalt  }
0x6d: {  	_ =	shalt  }
0x6e: {  	_ =	shalt  }
0x6f: {  	_ =	shalt  }
0x70: {  	_ =	shalt  }
0x71: {  	_ =	shalt  }
0x72: {  	_ =	shalt  }
0x73: {  	_ =	shalt  }
0x74: {  	_ =	shalt  }
0x75: {  	_ =	shalt  }
0x76: {  	_ =	shalt  }
0x77: {  	_ =	shalt  }
0x78: {  	_ =	shalt  }
0x79: {  	_ =	shalt  }
0x7a: {  	_ =	shalt  }
0x7b: {  	_ =	shalt  }
0x7c: {  	_ =	shalt  }
0x7d: {  	_ =	shalt  }
0x7e: {  	_ =	shalt  }
0x7f: {  	_ =	shalt  }
0x80: {  	_ =	shalt  }
0x81: {  	_ =	shalt  }
0x82: {  	_ =	shalt  }
0x83: {  	_ =	shalt  }
0x84: {  	_ =	shalt  }
0x85: {  	_ =	shalt  }
0x86: {  	_ =	shalt  }
0x87: {  	_ =	shalt  }
.Lfunc_end0:
.L_simem_size_0:
called_computation_lowered:
.L_overlay_start_0:
0x88: {  	s2 =	sld [smem:$0x3FD9]  }
0x89: {  	s3 =	sld [smem:$0x3FFE];
	_ =	sdelay $0x1  }
0x8a: {  	s1 =	srdreg.scid  }
0x8b: {  	s0 =	sand.u32 $0x1, s1  }
0x8c: {  	s16 =	sshll.u32 s0, $0xA;
	s2 =	sadd.s32 s3, s2  }
0x8d: {  	s2 =	sadd.s32 s2, s16  }
0x8e: {  	[smem:$0x3FC5] =	sst s2  }
0x8f: {  	_ = 	snop  }
0x90: {  	(tm) =	ssettm $0x1  }
0x91: {  	s17 =	sld [smem:$0x3FFB];
	_ =	sdelay $0x3  }
0x92: {  	_ =	strace s17  }
0x93: {  	s2 =	sld [smem:$0x3FFC];
	_ =	sdelay $0x3  }
0x94: {  	_ =	strace s2  }
0x95: {  	s2 =	sld [smem:$0x3FFD];
	_ =	sdelay $0x3  }
0x96: {  	_ =	strace s2  }
0x97: {  	_ =	strace $0x8FFFFFFF  }
0x98: {  	s18 =	sld [smem:$0x3FDB];
	_ =	sdelay $0x1  }
0x99: {  	s19 =	simm.s32 $_scs_section_size  }
0x9a: {  	s4 =	simm.s32 $_size__tile_overlayer_lowered;
	s5 =	simm.s32 $_tile_overlayer_lowered  }
0x9b: {  	s22 =	simm.s32 $0x1BFF;
	s21 =	sshll.u32 s5, $0x1;
	s2 =	sadd.s32 s19, s18  }
0x9c: {  	s6 =	simm.s32 $0x0;
	s20 =	sshll.u32 s4, $0x1;
	s4 =	sadd.s32 s21, s2  }
0x9d: {  	[timem:s6], [sflag:s22] =	dma.local [hbm:s4], s20  }
0x9e: {  	_ =	swait.ge [sflag:s22], s20  }
0x9f: {  	s3 =	ssub.s32 $0x0, s20;
	[sflag:s22] =	ssyncset.done $0x0  }
0xa0: {  	[sflag:s22] =	ssyncadd.s32 s3;
	_ =	sdelay $0x1  }
0xa1: {  	s23 =	simm.s32 $0x1B8B  }
0xa2: {  	_ =	swait.ge [sflag:s23], $0x1  }
0xa3: {  	[sflag:s23] =	ssyncset.done $0x0  }
0xa4: {  	s25 =	simm.s32 $0x1B8E;
	s24 =	sld [smem:$0x3FFE];
	[sflag:s23] =	ssyncadd.s32 $0xFFFFFFFF  }
0xa5: {  	s26 =	simm.s32 $execute0_lowered;
	[smem:$0x3FD2] =	sst s25  }
0xa6: {  	s4 =	sshll.u32 s26, $0x1;
	_ =	strace $0x80000046;
	[dreg:$0x1] =	wrdreg $0xFFFFFFFF  }
0xa7: {  	s28 =	simm.s32 $_size_execute0_lowered;
	s2 =	sadd.s32 s2, s4;
	[dreg:$0x0] =	wrdreg $0x0  }
0xa8: {  	s4 =	sshll.u32 s28, $0x1;
	[dreg:$0x2] =	wrdreg s2  }
0xa9: {  	[dreg:$0x3] =	wrdreg s4  }
0xaa: {  	[dreg:$0x4] =	wrdreg $0xC0  }
0xab: {  	_ =	task [dreg:s6], $0x5FFFF  }
0xac: {  	[dreg:$0x1] =	wrdreg $0xFFFFFFFF  }
0xad: {  	[dreg:$0x0] =	wrdreg $0x60  }
0xae: {  	[dreg:$0x2] =	wrdreg s24  }
0xaf: {  	[dreg:$0x3] =	wrdreg $0x9  }
0xb0: {  	_ =	task.clear_ibuf [dreg:s6], $0x4FFFF;
	_ =	strace $0x90000046  }
0xb1: {  	s29 =	simm.s32 $0x9;
	_ =	strace $0x80000048  }
0xb2: {  	_ =	swait.ge [sflag:s29], $0x1  }
0xb3: {  	[sflag:s29] =	ssyncadd.s32 $0xFFFFFFFF  }
0xb4: {  	_ =	strace $0x90000048  }
0xb5: {  	_ =	sfence  }
0xb6: {  	s30 =	sld [smem:$0x0];
	_ =	sdelay $0x2  }
0xb7: {  	s31 =	sshll.u32 s1, $0xD;
	s1 =	sshrl.u32 s1, $0x2  }
0xb8: {  	s3 =	sand.u32 $0x4000, s31;
	s1 =	sadd.s32 s1, s30  }
0xb9: {  	s0 =	sor.u32 s3, s0;
	s1 =	sshll.u32 s1, $0x11  }
0xba: {  	s0 =	sor.u32 s1, s0  }
0xbb: {  	s0 =	sadd.s32 $0x8F2B, s0  }
0xbc: {  	[sflag:s0] =	ssyncadd.remote.s32 $0x1  }
0xbd: {  	_ =	sfence.sel $0xFFFF  }
0xbe: {  	[dreg:$0x0] =	wrdreg $0xFFFFFFFF;
	(pc) =	sbr.abs _section_cstart, $3  }
0xbf: {  	[dreg:$0x1] =	wrdreg $0xFFFFFFFF  }
0xc0: {  	_ =	task.clear_ibuf [dreg:s6], $0x2FFFF;
	_ =	strace $0x9FFFFFFF  }
0xc1: {  	(tm) =	ssettm $0x7FFFFFFF  }
tec
execute0_lowered:
.L_overlay_start_1:
0x0: {  	(tag) =	ssettag $0x1  }
0x1: {  	s2 =	rddreg [dreg:$0x0];
	s3 =	srdreg.scid  }
0x2: {  	s1 =	stileid.u32;
	s0 =	rddreg [dreg:$0x1];
	s9 =	simm.s32 $0x3  }
0x3: {  	s10 =	simm.s32 $0x4000;
	s11 =	simm.s32 $0x50;
	s12 =	simm.s32 $0x8000  }
0x4: {  	s13 =	simm.s32 $0xD000;
	s14 =	simm.s32 $0x1;
	s15 =	simm.s32 $0x2  }
0x5: {  	s16 =	simm.s32 $0x12000;
	s17 =	simm.s32 $0x80;
	s18 =	simm.s32 $0x400  }
0x6: {  	s19 =	simm.s32 $0x0;
	s5 =	sand.u32 $0x1, s3;
	s4 =	sshll.u32 s1, $0x1  }
0x7: {  	s3 =	simm.s32 $0x0;
	s29 =	sshrl.u32 s1, $0x2;
	s6 =	sor.u32 s5, s4  }
0x8: {  	[smem:$0x7FF] =	sst s3;
	s7 =	smul.u32 $0x13C00, s29;
	s30 =	sshll.u32 s6, $0x7  }
0x9: {  	s4 =	sadd.s32 $0x27200, s2;
	s5 =	ssub.s32 $0x2, s5;
	s8 =	sand.u32 $0x380, s30  }
0xa: {  	_ =	strace $0x80000047;
	s6 =	sshll.u32 s6, $0xB;
	s7 =	sor.u32 s7, s8  }
0xb: {  	s31 =	sshrl.u32 s5, $0x1;
	s6 =	sadd.s32 s6, s2;
	s7 =	sshrl.u32 s7, $0x3  }
0xc: {  	s8 =	ssub.s32 s5, s31;
	s5 =	sadd.s32 $0x4E400, s6;
	s7 =	sadd.s32 s7, s2  }
0xd: {  	v0 =	vimm.f32 $0.0e+00;
	s6 =	sadd.s32 $0x5E400, s6;
	s8 =	smax.u32 s8, $0x1;
	s7 =	sadd.s32 $0x6E400, s7  }
.LBB2_1:
0xe: {  	[tilespmem:s3], [sflag:$0x3] =	stream.linear.gather [hbm4b:s5+s3], $0x3E80, $0x38;
	[tilespmem:$0x14780] =	vst v63  }
0xf: {  	_ =	swait.ge [sflag:s9], $0x3E80  }
0x10: {  	[sflag:s9] =	ssyncset.done $0x0  }
0x11: {  	[sflag:s9] =	ssyncadd.s32 $0xFFFFC180  }
0x12: {  	[tilespmem:s10], [sflag:$0x3] =	stream.linear.gather [hbm4b:s6+s3], $0x3E80, $0x38;
	[tilespmem:$0x14780] =	vst v63  }
0x13: {  	_ =	swait.ge [sflag:s9], $0x3E80  }
0x14: {  	[sflag:s9] =	ssyncset.done $0x0  }
0x15: {  	s20 =	simm.s32 $0x40;
	s21 =	simm.s32 $0x0;
	[sflag:s9] =	ssyncadd.s32 $0xFFFFC180  }
.LBB2_2:
0x16: {  	p0 =	sne.s32 s20, $0x9C00;
	[tilespmem:s21+$0x12000] =	vst v0;
	s21 =	smov.u32 s20;
	s20 =	sadd.s32 $0x40, s20  }
.Ltmp0:
0x17: {  	(pc) =	sbr.rel @p0 .LBB2_2-.Ltmp0, $2  }
0x18: {  	_ =	sdelay $0x2  }
0x19: {  	s21 =	sshra.s32 s21, $0x2  }
.Ltmp1:
0x1a: {  	(pc) =	sbr.rel .LBB2_4-.Ltmp1, $4  }
0x1b: {  	[tilespmem:s21+$0x12000] =	vst v0;
	s20 =	simm.s32 $0x0  }
0x1c: {  	[tilespmem:s12], [sflag:$0x1] =	stream.indirect.gather [hbm4b:s2+s11], $0x80, s20, s11, $0xb8;
	[tilespmem:$0x14780] =	vst v63  }
0x1d: {  	s21 =	simm.s32 $0x0  }
0x1e: {  	[tilespmem:s13], [sflag:$0x2] =	stream.indirect.gather [hbm4b:s4+s11], $0x80, s10, s11, $0xb8;
	[tilespmem:$0x14780] =	vst v63  }
.LBB2_9:
0x1f: {  	s21 =	sadd.s32 $0x1, s21  }
0x20: {  	p0 =	sne.s32 s21, $0x3F  }
.Ltmp2:
0x21: {  	_ = 	snop;
	(pc) =	sbr.rel @!p0 .LBB2_10-.Ltmp2, $2  }
0x22: {  	_ =	sdelay $0x2  }
0x23: {  	s20 =	sadd.s32 $0xA0, s20  }
.LBB2_4:
0x24: {  	s22 =	sshllo.u32 s21, $0x1  }
0x25: {  	p0 =	sgt.u32 s22, $0x7C  }
0x26: {  	s22 =	sshll.u32 @!p0 s22, $0x7;
	s23 =	simm.s32 @!p0 $0x50;
	s24 =	simm.s32 @!p0 $0xA800  }
0x27: {  	[tilespmem:s24], [sflag:$0x1] =	stream.indirect.gather @!p0 [hbm4b:s2+s23], $0x80, s22, s23, $0xb8;
	[tilespmem:$0x14780] =	vst v63  }
0x28: {  	s22 =	sadd.s32 @!p0 $0x4000, s22;
	s24 =	simm.s32 @!p0 $0xF800  }
0x29: {  	[tilespmem:s24], [sflag:$0x2] =	stream.indirect.gather @!p0 [hbm4b:s4+s23], $0x80, s22, s23, $0xb8;
	[tilespmem:$0x14780] =	vst v63  }
0x2a: {  	_ =	swait.ge [sflag:s14], $0x2800  }
0x2b: {  	[sflag:s14] =	ssyncset.done $0x0  }
0x2c: {  	[sflag:s14] =	ssyncadd.s32 $0xFFFFD800  }
0x2d: {  	_ =	swait.ge [sflag:s15], $0x2800  }
0x2e: {  	s22 =	simm.s32 $0x8400;
	[sflag:s15] =	ssyncset.done $0x0  }
0x2f: {  	s23 =	simm.s32 $0xD400;
	s24 =	simm.s32 $0x0;
	[sflag:s15] =	ssyncadd.s32 $0xFFFFD800  }
.LBB2_5:
0x30: {  	v1 =	vld [tilespmem:s22+$0xFFFFFC00]  }
0x31: {  	v2 =	vld [tilespmem:s23+$0xFFFFFC00]  }
0x32: {  	v3 =	vld [tilespmem:s22+$0xFFFFFC10]  }
0x33: {  	v4 =	vld [tilespmem:s23+$0xFFFFFC10]  }
0x34: {  	v5 =	vld [tilespmem:s22+$0xFFFFFC20]  }
0x35: {  	v6 =	vld [tilespmem:s23+$0xFFFFFC20]  }
0x36: {  	v7 =	vld [tilespmem:s22+$0xFFFFFC30]  }
0x37: {  	v8 =	vld [tilespmem:s23+$0xFFFFFC30];
	_ =	sdelay $0x3  }
0x38: {  	v1 =	vmul.bf16 v2, v1;
	v2 =	vmul.bf16 v4, v3  }
0x39: {  	s25 =	sadd.s32 s24, s20;
	v3 =	vmul.bf16 v6, v5;
	v48 =	vmul.bf16 v8, v7  }
0x3a: {  	v1 =	vadd.bf16 v2, v1;
	v2 =	vmov s25  }
0x3b: {  	v3 =	vadd.bf16 v48, v3;
	v2 =	vand.u32 $0xFFFFFFF0, v2  }
0x3c: {  	v49 =	vunpack.i.u.bf16.f32 v1;
	v2 =	vbroadcast v2, $0x0  }
0x3d: {  	v1 =	vunpack.i.l.bf16.f32 v1;
	v50 =	vunpack.i.u.bf16.f32 v3;
	v3 =	vunpack.i.l.bf16.f32 v3  }
0x3e: {  	v1 =	vadd.f32 v1, v49;
	v3 =	vadd.f32 v3, v50;
	_ =	sdelay $0x1  }
0x3f: {  	v1 =	vadd.f32 v3, v1;
	_ =	sdelay $0x1  }
0x40: {  	[tilespmem:v2+s16+$0x0] =	vst.idx.add.f32.msk $0xffff, v1  }
0x41: {  	v1 =	vld [tilespmem:s22+$0xFFFFFC80]  }
0x42: {  	v2 =	vld [tilespmem:s23+$0xFFFFFC80]  }
0x43: {  	v3 =	vld [tilespmem:s22+$0xFFFFFC90]  }
0x44: {  	v51 =	vld [tilespmem:s23+$0xFFFFFC90]  }
0x45: {  	v52 =	vld [tilespmem:s22+$0xFFFFFCA0]  }
0x46: {  	v53 =	vld [tilespmem:s23+$0xFFFFFCA0]  }
0x47: {  	v54 =	vld [tilespmem:s22+$0xFFFFFCB0]  }
0x48: {  	v55 =	vld [tilespmem:s23+$0xFFFFFCB0];
	_ =	sdelay $0x3  }
0x49: {  	v1 =	vmul.bf16 v2, v1;
	v2 =	vmul.bf16 v51, v3  }
0x4a: {  	s26 =	sadd.s32 $0x1, s25;
	v3 =	vmul.bf16 v53, v52;
	v56 =	vmul.bf16 v55, v54  }
0x4b: {  	v1 =	vadd.bf16 v2, v1;
	v2 =	vmov s26  }
0x4c: {  	v3 =	vadd.bf16 v56, v3;
	v2 =	vand.u32 $0xFFFFFFF1, v2  }
0x4d: {  	v57 =	vunpack.i.u.bf16.f32 v1;
	v2 =	vbroadcast v2, $0x0  }
0x4e: {  	v1 =	vunpack.i.l.bf16.f32 v1;
	v58 =	vunpack.i.u.bf16.f32 v3;
	v3 =	vunpack.i.l.bf16.f32 v3  }
0x4f: {  	v1 =	vadd.f32 v1, v57;
	v3 =	vadd.f32 v3, v58;
	_ =	sdelay $0x1  }
0x50: {  	v1 =	vadd.f32 v3, v1;
	_ =	sdelay $0x1  }
0x51: {  	[tilespmem:v2+s16+$0x0] =	vst.idx.add.f32.msk $0xffff, v1  }
0x52: {  	v1 =	vld [tilespmem:s22+$0xFFFFFD00]  }
0x53: {  	v2 =	vld [tilespmem:s23+$0xFFFFFD00]  }
0x54: {  	v3 =	vld [tilespmem:s22+$0xFFFFFD10]  }
0x55: {  	v59 =	vld [tilespmem:s23+$0xFFFFFD10]  }
0x56: {  	v60 =	vld [tilespmem:s22+$0xFFFFFD20]  }
0x57: {  	v61 =	vld [tilespmem:s23+$0xFFFFFD20]  }
0x58: {  	v62 =	vld [tilespmem:s22+$0xFFFFFD30]  }
0x59: {  	v63 =	vld [tilespmem:s23+$0xFFFFFD30];
	_ =	sdelay $0x3  }
0x5a: {  	v1 =	vmul.bf16 v2, v1;
	v2 =	vmul.bf16 v59, v3  }
0x5b: {  	s31 =	sadd.s32 $0x2, s25;
	v3 =	vmul.bf16 v61, v60;
	v10 =	vmul.bf16 v63, v62  }
0x5c: {  	v1 =	vadd.bf16 v2, v1;
	v2 =	vmov s31  }
0x5d: {  	v3 =	vadd.bf16 v10, v3;
	v2 =	vand.u32 $0xFFFFFFF2, v2  }
0x5e: {  	v11 =	vunpack.i.u.bf16.f32 v1;
	v2 =	vbroadcast v2, $0x0  }
0x5f: {  	v1 =	vunpack.i.l.bf16.f32 v1;
	v12 =	vunpack.i.u.bf16.f32 v3;
	v3 =	vunpack.i.l.bf16.f32 v3  }
0x60: {  	v1 =	vadd.f32 v1, v11;
	v3 =	vadd.f32 v3, v12;
	_ =	sdelay $0x1  }
0x61: {  	v1 =	vadd.f32 v3, v1;
	_ =	sdelay $0x1  }
0x62: {  	[tilespmem:v2+s16+$0x0] =	vst.idx.add.f32.msk $0xffff, v1  }
0x63: {  	v1 =	vld [tilespmem:s22+$0xFFFFFD80]  }
0x64: {  	v2 =	vld [tilespmem:s23+$0xFFFFFD80]  }
0x65: {  	v3 =	vld [tilespmem:s22+$0xFFFFFD90]  }
0x66: {  	v13 =	vld [tilespmem:s23+$0xFFFFFD90]  }
0x67: {  	v14 =	vld [tilespmem:s22+$0xFFFFFDA0]  }
0x68: {  	v15 =	vld [tilespmem:s23+$0xFFFFFDA0]  }
0x69: {  	v16 =	vld [tilespmem:s22+$0xFFFFFDB0]  }
0x6a: {  	v17 =	vld [tilespmem:s23+$0xFFFFFDB0];
	_ =	sdelay $0x3  }
0x6b: {  	v1 =	vmul.bf16 v2, v1;
	v2 =	vmul.bf16 v13, v3  }
0x6c: {  	s28 =	sadd.s32 $0x3, s25;
	v3 =	vmul.bf16 v15, v14;
	v18 =	vmul.bf16 v17, v16  }
0x6d: {  	v1 =	vadd.bf16 v2, v1;
	v2 =	vmov s28  }
0x6e: {  	v3 =	vadd.bf16 v18, v3;
	v2 =	vand.u32 $0xFFFFFFF3, v2  }
0x6f: {  	v19 =	vunpack.i.u.bf16.f32 v1;
	v2 =	vbroadcast v2, $0x0  }
0x70: {  	v1 =	vunpack.i.l.bf16.f32 v1;
	v20 =	vunpack.i.u.bf16.f32 v3;
	v3 =	vunpack.i.l.bf16.f32 v3  }
0x71: {  	v1 =	vadd.f32 v1, v19;
	v3 =	vadd.f32 v3, v20;
	_ =	sdelay $0x1  }
0x72: {  	v1 =	vadd.f32 v3, v1;
	_ =	sdelay $0x1  }
0x73: {  	[tilespmem:v2+s16+$0x0] =	vst.idx.add.f32.msk $0xffff, v1  }
0x74: {  	v1 =	vld [tilespmem:s22+$0xFFFFFE00]  }
0x75: {  	v2 =	vld [tilespmem:s23+$0xFFFFFE00]  }
0x76: {  	v3 =	vld [tilespmem:s22+$0xFFFFFE10]  }
0x77: {  	v21 =	vld [tilespmem:s23+$0xFFFFFE10]  }
0x78: {  	v22 =	vld [tilespmem:s22+$0xFFFFFE20]  }
0x79: {  	v23 =	vld [tilespmem:s23+$0xFFFFFE20]  }
0x7a: {  	v24 =	vld [tilespmem:s22+$0xFFFFFE30]  }
0x7b: {  	v25 =	vld [tilespmem:s23+$0xFFFFFE30];
	_ =	sdelay $0x3  }
0x7c: {  	v1 =	vmul.bf16 v2, v1;
	v2 =	vmul.bf16 v21, v3  }
0x7d: {  	s29 =	sadd.s32 $0x4, s25;
	v3 =	vmul.bf16 v23, v22;
	v26 =	vmul.bf16 v25, v24  }
0x7e: {  	v1 =	vadd.bf16 v2, v1;
	v2 =	vmov s29  }
0x7f: {  	v3 =	vadd.bf16 v26, v3;
	v2 =	vand.u32 $0xFFFFFFF4, v2  }
0x80: {  	v27 =	vunpack.i.u.bf16.f32 v1;
	v2 =	vbroadcast v2, $0x0  }
0x81: {  	v1 =	vunpack.i.l.bf16.f32 v1;
	v28 =	vunpack.i.u.bf16.f32 v3;
	v3 =	vunpack.i.l.bf16.f32 v3  }
0x82: {  	v1 =	vadd.f32 v1, v27;
	v3 =	vadd.f32 v3, v28;
	_ =	sdelay $0x1  }
0x83: {  	v1 =	vadd.f32 v3, v1;
	_ =	sdelay $0x1  }
0x84: {  	[tilespmem:v2+s16+$0x0] =	vst.idx.add.f32.msk $0xffff, v1  }
0x85: {  	v1 =	vld [tilespmem:s22+$0xFFFFFE80]  }
0x86: {  	v2 =	vld [tilespmem:s23+$0xFFFFFE80]  }
0x87: {  	v3 =	vld [tilespmem:s22+$0xFFFFFE90]  }
0x88: {  	v29 =	vld [tilespmem:s23+$0xFFFFFE90]  }
0x89: {  	v30 =	vld [tilespmem:s22+$0xFFFFFEA0]  }
0x8a: {  	v31 =	vld [tilespmem:s23+$0xFFFFFEA0]  }
0x8b: {  	v32 =	vld [tilespmem:s22+$0xFFFFFEB0]  }
0x8c: {  	v33 =	vld [tilespmem:s23+$0xFFFFFEB0];
	_ =	sdelay $0x3  }
0x8d: {  	v1 =	vmul.bf16 v2, v1;
	v2 =	vmul.bf16 v29, v3  }
0x8e: {  	s30 =	sadd.s32 $0x5, s25;
	v3 =	vmul.bf16 v31, v30;
	v34 =	vmul.bf16 v33, v32  }
0x8f: {  	v1 =	vadd.bf16 v2, v1;
	v2 =	vmov s30  }
0x90: {  	v3 =	vadd.bf16 v34, v3;
	v2 =	vand.u32 $0xFFFFFFF5, v2  }
0x91: {  	v35 =	vunpack.i.u.bf16.f32 v1;
	v2 =	vbroadcast v2, $0x0  }
0x92: {  	v1 =	vunpack.i.l.bf16.f32 v1;
	v36 =	vunpack.i.u.bf16.f32 v3;
	v3 =	vunpack.i.l.bf16.f32 v3  }
0x93: {  	v1 =	vadd.f32 v1, v35;
	v3 =	vadd.f32 v3, v36;
	_ =	sdelay $0x1  }
0x94: {  	v1 =	vadd.f32 v3, v1;
	_ =	sdelay $0x1  }
0x95: {  	[tilespmem:v2+s16+$0x0] =	vst.idx.add.f32.msk $0xffff, v1  }
0x96: {  	v1 =	vld [tilespmem:s22+$0xFFFFFF00]  }
0x97: {  	v2 =	vld [tilespmem:s23+$0xFFFFFF00]  }
0x98: {  	v3 =	vld [tilespmem:s22+$0xFFFFFF10]  }
0x99: {  	v37 =	vld [tilespmem:s23+$0xFFFFFF10]  }
0x9a: {  	v38 =	vld [tilespmem:s22+$0xFFFFFF20]  }
0x9b: {  	v39 =	vld [tilespmem:s23+$0xFFFFFF20]  }
0x9c: {  	v40 =	vld [tilespmem:s22+$0xFFFFFF30]  }
0x9d: {  	v41 =	vld [tilespmem:s23+$0xFFFFFF30];
	_ =	sdelay $0x3  }
0x9e: {  	v1 =	vmul.bf16 v2, v1;
	v2 =	vmul.bf16 v37, v3  }
0x9f: {  	s31 =	sadd.s32 $0x6, s25;
	v3 =	vmul.bf16 v39, v38;
	v42 =	vmul.bf16 v41, v40  }
0xa0: {  	v1 =	vadd.bf16 v2, v1;
	v2 =	vmov s31  }
0xa1: {  	v3 =	vadd.bf16 v42, v3;
	v2 =	vand.u32 $0xFFFFFFF6, v2  }
0xa2: {  	v43 =	vunpack.i.u.bf16.f32 v1;
	v2 =	vbroadcast v2, $0x0  }
0xa3: {  	v1 =	vunpack.i.l.bf16.f32 v1;
	v44 =	vunpack.i.u.bf16.f32 v3;
	v3 =	vunpack.i.l.bf16.f32 v3  }
0xa4: {  	v1 =	vadd.f32 v1, v43;
	v3 =	vadd.f32 v3, v44;
	_ =	sdelay $0x1  }
0xa5: {  	v1 =	vadd.f32 v3, v1;
	_ =	sdelay $0x1  }
0xa6: {  	[tilespmem:v2+s16+$0x0] =	vst.idx.add.f32.msk $0xffff, v1  }
0xa7: {  	v1 =	vld [tilespmem:s22+$0xFFFFFF80]  }
0xa8: {  	v2 =	vld [tilespmem:s23+$0xFFFFFF80]  }
0xa9: {  	v3 =	vld [tilespmem:s22+$0xFFFFFF90]  }
0xaa: {  	v45 =	vld [tilespmem:s23+$0xFFFFFF90]  }
0xab: {  	v46 =	vld [tilespmem:s22+$0xFFFFFFA0]  }
0xac: {  	v47 =	vld [tilespmem:s23+$0xFFFFFFA0]  }
0xad: {  	v48 =	vld [tilespmem:s22+$0xFFFFFFB0]  }
0xae: {  	v49 =	vld [tilespmem:s23+$0xFFFFFFB0];
	_ =	sdelay $0x3  }
0xaf: {  	v1 =	vmul.bf16 v2, v1;
	v2 =	vmul.bf16 v45, v3  }
0xb0: {  	s28 =	sadd.s32 $0x7, s25;
	v3 =	vmul.bf16 v47, v46;
	v50 =	vmul.bf16 v49, v48  }
0xb1: {  	v1 =	vadd.bf16 v2, v1;
	v2 =	vmov s28  }
0xb2: {  	v3 =	vadd.bf16 v50, v3;
	v2 =	vand.u32 $0xFFFFFFF7, v2  }
0xb3: {  	v51 =	vunpack.i.u.bf16.f32 v1;
	v2 =	vbroadcast v2, $0x0  }
0xb4: {  	v1 =	vunpack.i.l.bf16.f32 v1;
	v52 =	vunpack.i.u.bf16.f32 v3;
	v3 =	vunpack.i.l.bf16.f32 v3  }
0xb5: {  	v1 =	vadd.f32 v1, v51;
	v3 =	vadd.f32 v3, v52;
	_ =	sdelay $0x1  }
0xb6: {  	v1 =	vadd.f32 v3, v1;
	_ =	sdelay $0x1  }
0xb7: {  	[tilespmem:v2+s16+$0x0] =	vst.idx.add.f32.msk $0xffff, v1  }
0xb8: {  	v1 =	vld [tilespmem:s22+$0x0]  }
0xb9: {  	v2 =	vld [tilespmem:s23+$0x0]  }
0xba: {  	v3 =	vld [tilespmem:s22+$0x10]  }
0xbb: {  	v53 =	vld [tilespmem:s23+$0x10]  }
0xbc: {  	v54 =	vld [tilespmem:s22+$0x20]  }
0xbd: {  	v55 =	vld [tilespmem:s23+$0x20]  }
0xbe: {  	v56 =	vld [tilespmem:s22+$0x30]  }
0xbf: {  	v57 =	vld [tilespmem:s23+$0x30];
	_ =	sdelay $0x3  }
0xc0: {  	v1 =	vmul.bf16 v2, v1;
	v2 =	vmul.bf16 v53, v3  }
0xc1: {  	s29 =	sadd.s32 $0x8, s25;
	v3 =	vmul.bf16 v55, v54;
	v58 =	vmul.bf16 v57, v56  }
0xc2: {  	v1 =	vadd.bf16 v2, v1;
	v2 =	vmov s29  }
0xc3: {  	v3 =	vadd.bf16 v58, v3;
	v2 =	vand.u32 $0xFFFFFFF8, v2  }
0xc4: {  	v59 =	vunpack.i.u.bf16.f32 v1;
	v2 =	vbroadcast v2, $0x0  }
0xc5: {  	v1 =	vunpack.i.l.bf16.f32 v1;
	v60 =	vunpack.i.u.bf16.f32 v3;
	v3 =	vunpack.i.l.bf16.f32 v3  }
0xc6: {  	v1 =	vadd.f32 v1, v59;
	v3 =	vadd.f32 v3, v60;
	_ =	sdelay $0x1  }
0xc7: {  	v1 =	vadd.f32 v3, v1;
	_ =	sdelay $0x1  }
0xc8: {  	[tilespmem:v2+s16+$0x0] =	vst.idx.add.f32.msk $0xffff, v1  }
0xc9: {  	v1 =	vld [tilespmem:s22+$0x80]  }
0xca: {  	v2 =	vld [tilespmem:s23+$0x80]  }
0xcb: {  	v3 =	vld [tilespmem:s22+$0x90]  }
0xcc: {  	v61 =	vld [tilespmem:s23+$0x90]  }
0xcd: {  	v62 =	vld [tilespmem:s22+$0xA0]  }
0xce: {  	v63 =	vld [tilespmem:s23+$0xA0]  }
0xcf: {  	v12 =	vld [tilespmem:s22+$0xB0]  }
0xd0: {  	v13 =	vld [tilespmem:s23+$0xB0];
	_ =	sdelay $0x3  }
0xd1: {  	v1 =	vmul.bf16 v2, v1;
	v2 =	vmul.bf16 v61, v3  }
0xd2: {  	s30 =	sadd.s32 $0x9, s25;
	v3 =	vmul.bf16 v63, v62;
	v14 =	vmul.bf16 v13, v12  }
0xd3: {  	v1 =	vadd.bf16 v2, v1;
	v2 =	vmov s30  }
0xd4: {  	v3 =	vadd.bf16 v14, v3;
	v2 =	vand.u32 $0xFFFFFFF9, v2  }
0xd5: {  	v15 =	vunpack.i.u.bf16.f32 v1;
	v2 =	vbroadcast v2, $0x0  }
0xd6: {  	v1 =	vunpack.i.l.bf16.f32 v1;
	v16 =	vunpack.i.u.bf16.f32 v3;
	v3 =	vunpack.i.l.bf16.f32 v3  }
0xd7: {  	v1 =	vadd.f32 v1, v15;
	v3 =	vadd.f32 v3, v16;
	_ =	sdelay $0x1  }
0xd8: {  	v1 =	vadd.f32 v3, v1;
	_ =	sdelay $0x1  }
0xd9: {  	[tilespmem:v2+s16+$0x0] =	vst.idx.add.f32.msk $0xffff, v1  }
0xda: {  	v1 =	vld [tilespmem:s22+$0x100]  }
0xdb: {  	v2 =	vld [tilespmem:s23+$0x100]  }
0xdc: {  	v3 =	vld [tilespmem:s22+$0x110]  }
0xdd: {  	v17 =	vld [tilespmem:s23+$0x110]  }
0xde: {  	v18 =	vld [tilespmem:s22+$0x120]  }
0xdf: {  	v19 =	vld [tilespmem:s23+$0x120]  }
0xe0: {  	v20 =	vld [tilespmem:s22+$0x130]  }
0xe1: {  	v21 =	vld [tilespmem:s23+$0x130];
	_ =	sdelay $0x3  }
0xe2: {  	v1 =	vmul.bf16 v2, v1;
	v2 =	vmul.bf16 v17, v3  }
0xe3: {  	s31 =	sadd.s32 $0xA, s25;
	v3 =	vmul.bf16 v19, v18;
	v22 =	vmul.bf16 v21, v20  }
0xe4: {  	v1 =	vadd.bf16 v2, v1;
	v2 =	vmov s31  }
0xe5: {  	v3 =	vadd.bf16 v22, v3;
	v2 =	vand.u32 $0xFFFFFFFA, v2  }
0xe6: {  	v23 =	vunpack.i.u.bf16.f32 v1;
	v2 =	vbroadcast v2, $0x0  }
0xe7: {  	v1 =	vunpack.i.l.bf16.f32 v1;
	v24 =	vunpack.i.u.bf16.f32 v3;
	v3 =	vunpack.i.l.bf16.f32 v3  }
0xe8: {  	v1 =	vadd.f32 v1, v23;
	v3 =	vadd.f32 v3, v24;
	_ =	sdelay $0x1  }
0xe9: {  	v1 =	vadd.f32 v3, v1;
	_ =	sdelay $0x1  }
0xea: {  	[tilespmem:v2+s16+$0x0] =	vst.idx.add.f32.msk $0xffff, v1  }
0xeb: {  	v1 =	vld [tilespmem:s22+$0x180]  }
0xec: {  	v2 =	vld [tilespmem:s23+$0x180]  }
0xed: {  	v3 =	vld [tilespmem:s22+$0x190]  }
0xee: {  	v25 =	vld [tilespmem:s23+$0x190]  }
0xef: {  	v26 =	vld [tilespmem:s22+$0x1A0]  }
0xf0: {  	v27 =	vld [tilespmem:s23+$0x1A0]  }
0xf1: {  	v28 =	vld [tilespmem:s22+$0x1B0]  }
0xf2: {  	v29 =	vld [tilespmem:s23+$0x1B0];
	_ =	sdelay $0x3  }
0xf3: {  	v1 =	vmul.bf16 v2, v1;
	v2 =	vmul.bf16 v25, v3  }
0xf4: {  	s28 =	sadd.s32 $0xB, s25;
	v3 =	vmul.bf16 v27, v26;
	v30 =	vmul.bf16 v29, v28  }
0xf5: {  	v1 =	vadd.bf16 v2, v1;
	v2 =	vmov s28  }
0xf6: {  	v3 =	vadd.bf16 v30, v3;
	v2 =	vand.u32 $0xFFFFFFFB, v2  }
0xf7: {  	v31 =	vunpack.i.u.bf16.f32 v1;
	v2 =	vbroadcast v2, $0x0  }
0xf8: {  	v1 =	vunpack.i.l.bf16.f32 v1;
	v32 =	vunpack.i.u.bf16.f32 v3;
	v3 =	vunpack.i.l.bf16.f32 v3  }
0xf9: {  	v1 =	vadd.f32 v1, v31;
	v3 =	vadd.f32 v3, v32;
	_ =	sdelay $0x1  }
0xfa: {  	v1 =	vadd.f32 v3, v1;
	_ =	sdelay $0x1  }
0xfb: {  	[tilespmem:v2+s16+$0x0] =	vst.idx.add.f32.msk $0xffff, v1  }
0xfc: {  	v1 =	vld [tilespmem:s22+$0x200]  }
0xfd: {  	v2 =	vld [tilespmem:s23+$0x200]  }
0xfe: {  	v3 =	vld [tilespmem:s22+$0x210]  }
0xff: {  	v33 =	vld [tilespmem:s23+$0x210]  }
0x100: {  	v34 =	vld [tilespmem:s22+$0x220]  }
0x101: {  	v35 =	vld [tilespmem:s23+$0x220]  }
0x102: {  	v36 =	vld [tilespmem:s22+$0x230]  }
0x103: {  	v37 =	vld [tilespmem:s23+$0x230];
	_ =	sdelay $0x3  }
0x104: {  	v1 =	vmul.bf16 v2, v1;
	v2 =	vmul.bf16 v33, v3  }
0x105: {  	s29 =	sadd.s32 $0xC, s25;
	v3 =	vmul.bf16 v35, v34;
	v38 =	vmul.bf16 v37, v36  }
0x106: {  	v1 =	vadd.bf16 v2, v1;
	v2 =	vmov s29  }
0x107: {  	v3 =	vadd.bf16 v38, v3;
	v2 =	vand.u32 $0xFFFFFFFC, v2  }
0x108: {  	v39 =	vunpack.i.u.bf16.f32 v1;
	v2 =	vbroadcast v2, $0x0  }
0x109: {  	v1 =	vunpack.i.l.bf16.f32 v1;
	v40 =	vunpack.i.u.bf16.f32 v3;
	v3 =	vunpack.i.l.bf16.f32 v3  }
0x10a: {  	v1 =	vadd.f32 v1, v39;
	v3 =	vadd.f32 v3, v40;
	_ =	sdelay $0x1  }
0x10b: {  	v1 =	vadd.f32 v3, v1;
	_ =	sdelay $0x1  }
0x10c: {  	[tilespmem:v2+s16+$0x0] =	vst.idx.add.f32.msk $0xffff, v1  }
0x10d: {  	v1 =	vld [tilespmem:s22+$0x280]  }
0x10e: {  	v2 =	vld [tilespmem:s23+$0x280]  }
0x10f: {  	v3 =	vld [tilespmem:s22+$0x290]  }
0x110: {  	v41 =	vld [tilespmem:s23+$0x290]  }
0x111: {  	v42 =	vld [tilespmem:s22+$0x2A0]  }
0x112: {  	v43 =	vld [tilespmem:s23+$0x2A0]  }
0x113: {  	v44 =	vld [tilespmem:s22+$0x2B0]  }
0x114: {  	v45 =	vld [tilespmem:s23+$0x2B0];
	_ =	sdelay $0x3  }
0x115: {  	v1 =	vmul.bf16 v2, v1;
	v2 =	vmul.bf16 v41, v3  }
0x116: {  	s30 =	sadd.s32 $0xD, s25;
	v3 =	vmul.bf16 v43, v42;
	v46 =	vmul.bf16 v45, v44  }
0x117: {  	v1 =	vadd.bf16 v2, v1;
	v2 =	vmov s30  }
0x118: {  	v3 =	vadd.bf16 v46, v3;
	v2 =	vand.u32 $0xFFFFFFFD, v2  }
0x119: {  	v47 =	vunpack.i.u.bf16.f32 v1;
	v2 =	vbroadcast v2, $0x0  }
0x11a: {  	v1 =	vunpack.i.l.bf16.f32 v1;
	v48 =	vunpack.i.u.bf16.f32 v3;
	v3 =	vunpack.i.l.bf16.f32 v3  }
0x11b: {  	v1 =	vadd.f32 v1, v47;
	v3 =	vadd.f32 v3, v48;
	_ =	sdelay $0x1  }
0x11c: {  	v1 =	vadd.f32 v3, v1;
	_ =	sdelay $0x1  }
0x11d: {  	[tilespmem:v2+s16+$0x0] =	vst.idx.add.f32.msk $0xffff, v1  }
0x11e: {  	v1 =	vld [tilespmem:s22+$0x300]  }
0x11f: {  	v2 =	vld [tilespmem:s23+$0x300]  }
0x120: {  	v3 =	vld [tilespmem:s22+$0x310]  }
0x121: {  	v49 =	vld [tilespmem:s23+$0x310]  }
0x122: {  	v50 =	vld [tilespmem:s22+$0x320]  }
0x123: {  	v51 =	vld [tilespmem:s23+$0x320]  }
0x124: {  	v52 =	vld [tilespmem:s22+$0x330]  }
0x125: {  	v53 =	vld [tilespmem:s23+$0x330];
	_ =	sdelay $0x3  }
0x126: {  	v1 =	vmul.bf16 v2, v1;
	v2 =	vmul.bf16 v49, v3  }
0x127: {  	s31 =	sadd.s32 $0xE, s25;
	v3 =	vmul.bf16 v51, v50;
	v54 =	vmul.bf16 v53, v52  }
0x128: {  	v1 =	vadd.bf16 v2, v1;
	v2 =	vmov s31  }
0x129: {  	v3 =	vadd.bf16 v54, v3;
	v2 =	vand.u32 $0xFFFFFFFE, v2  }
0x12a: {  	v55 =	vunpack.i.u.bf16.f32 v1;
	v2 =	vbroadcast v2, $0x0  }
0x12b: {  	v1 =	vunpack.i.l.bf16.f32 v1;
	v56 =	vunpack.i.u.bf16.f32 v3;
	v3 =	vunpack.i.l.bf16.f32 v3  }
0x12c: {  	v1 =	vadd.f32 v1, v55;
	v3 =	vadd.f32 v3, v56;
	_ =	sdelay $0x1  }
0x12d: {  	v1 =	vadd.f32 v3, v1;
	_ =	sdelay $0x1  }
0x12e: {  	[tilespmem:v2+s16+$0x0] =	vst.idx.add.f32.msk $0xffff, v1  }
0x12f: {  	v1 =	vld [tilespmem:s22+$0x380]  }
0x130: {  	v2 =	vld [tilespmem:s23+$0x380]  }
0x131: {  	v3 =	vld [tilespmem:s22+$0x390]  }
0x132: {  	v57 =	vld [tilespmem:s23+$0x390]  }
0x133: {  	v58 =	vld [tilespmem:s22+$0x3A0]  }
0x134: {  	v59 =	vld [tilespmem:s23+$0x3A0]  }
0x135: {  	v60 =	vld [tilespmem:s22+$0x3B0]  }
0x136: {  	v61 =	vld [tilespmem:s23+$0x3B0];
	_ =	sdelay $0x3  }
0x137: {  	v1 =	vmul.bf16 v2, v1;
	v2 =	vmul.bf16 v57, v3  }
0x138: {  	v3 =	vmul.bf16 v59, v58;
	v62 =	vmul.bf16 v61, v60  }
0x139: {  	v1 =	vadd.bf16 v2, v1  }
0x13a: {  	s25 =	sadd.s32 $0xF, s25;
	v2 =	vadd.bf16 v62, v3  }
0x13b: {  	v63 =	vmov s25;
	v3 =	vunpack.i.u.bf16.f32 v1  }
0x13c: {  	p1 =	sne.s32 s24, $0x40;
	v1 =	vunpack.i.l.bf16.f32 v1;
	v4 =	vunpack.i.u.bf16.f32 v2;
	v2 =	vunpack.i.l.bf16.f32 v2  }
.Ltmp3:
0x13d: {  	v1 =	vadd.f32 v1, v3;
	v2 =	vadd.f32 v2, v4;
	(pc) =	sbr.rel @p1 .LBB2_5-.Ltmp3, $3  }
0x13e: {  	_ = 	snop  }
0x13f: {  	v1 =	vadd.f32 v2, v1;
	_ =	sdelay $0x1  }
0x140: {  	s24 =	sadd.s32 $0x10, s24;
	s22 =	sadd.s32 $0x800, s22;
	s23 =	sadd.s32 $0x800, s23;
	[tilespmem:v63+s16+$0x0] =	vst.idx.add.f32.msk $0xffff, v1  }
.Ltmp4:
0x141: {  	(pc) =	sbr.rel @p0 .LBB2_9-.Ltmp4, $1  }
0x142: {  	_ =	sdelay $0x3  }
0x143: {  	s22 =	sshll.u32 s21, $0x8  }
0x144: {  	s23 =	sadd.s32 $0x100, s22  }
0x145: {  	[tilespmem:s12], [sflag:$0x1] =	stream.indirect.gather [hbm4b:s2+s11], $0x80, s23, s11, $0xb8;
	[tilespmem:$0x14780] =	vst v63  }
0x146: {  	s22 =	sadd.s32 $0x4100, s22  }
0x147: {  	[tilespmem:s13], [sflag:$0x2] =	stream.indirect.gather [hbm4b:s4+s11], $0x80, s22, s11, $0xb8;
	[tilespmem:$0x14780] =	vst v63  }
0x148: {  	_ =	swait.ge [sflag:s14], $0x2800  }
0x149: {  	[sflag:s14] =	ssyncset.done $0x0  }
0x14a: {  	[sflag:s14] =	ssyncadd.s32 $0xFFFFD800  }
0x14b: {  	_ =	swait.ge [sflag:s15], $0x2800  }
0x14c: {  	s24 =	simm.s32 $0xFFB0;
	[sflag:s15] =	ssyncset.done $0x0  }
0x14d: {  	s23 =	simm.s32 $0xAFB0;
	s22 =	simm.s32 $0x0;
	[sflag:s15] =	ssyncadd.s32 $0xFFFFD800  }
.LBB2_8:
0x14e: {  	v1 =	vld [tilespmem:s23+$0xFFFFF850]  }
0x14f: {  	v2 =	vld [tilespmem:s24+$0xFFFFF850]  }
0x150: {  	v3 =	vld [tilespmem:s23+$0xFFFFF860]  }
0x151: {  	v4 =	vld [tilespmem:s24+$0xFFFFF860]  }
0x152: {  	v5 =	vld [tilespmem:s23+$0xFFFFF870]  }
0x153: {  	v6 =	vld [tilespmem:s24+$0xFFFFF870]  }
0x154: {  	v7 =	vld [tilespmem:s23+$0xFFFFF880]  }
0x155: {  	v8 =	vld [tilespmem:s24+$0xFFFFF880];
	_ =	sdelay $0x3  }
0x156: {  	s25 =	sadd.s32 s22, s20;
	v1 =	vmul.bf16 v2, v1;
	v2 =	vmul.bf16 v4, v3  }
0x157: {  	s26 =	sadd.s32 $0x50, s25;
	v3 =	vmul.bf16 v6, v5;
	v48 =	vmul.bf16 v8, v7  }
0x158: {  	v1 =	vadd.bf16 v2, v1;
	v2 =	vmov s26  }
0x159: {  	v3 =	vadd.bf16 v48, v3;
	v2 =	vand.u32 $0xFFFFFFF0, v2  }
0x15a: {  	v49 =	vunpack.i.u.bf16.f32 v1;
	v2 =	vbroadcast v2, $0x0  }
0x15b: {  	v1 =	vunpack.i.l.bf16.f32 v1;
	v50 =	vunpack.i.u.bf16.f32 v3;
	v3 =	vunpack.i.l.bf16.f32 v3  }
0x15c: {  	v1 =	vadd.f32 v1, v49;
	v3 =	vadd.f32 v3, v50;
	_ =	sdelay $0x1  }
0x15d: {  	v1 =	vadd.f32 v3, v1;
	_ =	sdelay $0x1  }
0x15e: {  	[tilespmem:v2+s16+$0x0] =	vst.idx.add.f32.msk $0xffff, v1  }
0x15f: {  	v1 =	vld [tilespmem:s23+$0xFFFFF8D0]  }
0x160: {  	v2 =	vld [tilespmem:s24+$0xFFFFF8D0]  }
0x161: {  	v3 =	vld [tilespmem:s23+$0xFFFFF8E0]  }
0x162: {  	v51 =	vld [tilespmem:s24+$0xFFFFF8E0]  }
0x163: {  	v52 =	vld [tilespmem:s23+$0xFFFFF8F0]  }
0x164: {  	v53 =	vld [tilespmem:s24+$0xFFFFF8F0]  }
0x165: {  	v54 =	vld [tilespmem:s23+$0xFFFFF900]  }
0x166: {  	v55 =	vld [tilespmem:s24+$0xFFFFF900];
	_ =	sdelay $0x3  }
0x167: {  	v1 =	vmul.bf16 v2, v1;
	v2 =	vmul.bf16 v51, v3  }
0x168: {  	s30 =	sadd.s32 $0x51, s25;
	v3 =	vmul.bf16 v53, v52;
	v56 =	vmul.bf16 v55, v54  }
0x169: {  	v1 =	vadd.bf16 v2, v1;
	v2 =	vmov s30  }
0x16a: {  	v3 =	vadd.bf16 v56, v3;
	v2 =	vand.u32 $0xFFFFFFF1, v2  }
0x16b: {  	v57 =	vunpack.i.u.bf16.f32 v1;
	v2 =	vbroadcast v2, $0x0  }
0x16c: {  	v1 =	vunpack.i.l.bf16.f32 v1;
	v58 =	vunpack.i.u.bf16.f32 v3;
	v3 =	vunpack.i.l.bf16.f32 v3  }
0x16d: {  	v1 =	vadd.f32 v1, v57;
	v3 =	vadd.f32 v3, v58;
	_ =	sdelay $0x1  }
0x16e: {  	v1 =	vadd.f32 v3, v1;
	_ =	sdelay $0x1  }
0x16f: {  	[tilespmem:v2+s16+$0x0] =	vst.idx.add.f32.msk $0xffff, v1  }
0x170: {  	v1 =	vld [tilespmem:s23+$0xFFFFF950]  }
0x171: {  	v2 =	vld [tilespmem:s24+$0xFFFFF950]  }
0x172: {  	v3 =	vld [tilespmem:s23+$0xFFFFF960]  }
0x173: {  	v59 =	vld [tilespmem:s24+$0xFFFFF960]  }
0x174: {  	v60 =	vld [tilespmem:s23+$0xFFFFF970]  }
0x175: {  	v61 =	vld [tilespmem:s24+$0xFFFFF970]  }
0x176: {  	v62 =	vld [tilespmem:s23+$0xFFFFF980]  }
0x177: {  	v63 =	vld [tilespmem:s24+$0xFFFFF980];
	_ =	sdelay $0x3  }
0x178: {  	v1 =	vmul.bf16 v2, v1;
	v2 =	vmul.bf16 v59, v3  }
0x179: {  	s31 =	sadd.s32 $0x52, s25;
	v3 =	vmul.bf16 v61, v60;
	v10 =	vmul.bf16 v63, v62  }
0x17a: {  	v1 =	vadd.bf16 v2, v1;
	v2 =	vmov s31  }
0x17b: {  	v3 =	vadd.bf16 v10, v3;
	v2 =	vand.u32 $0xFFFFFFF2, v2  }
0x17c: {  	v11 =	vunpack.i.u.bf16.f32 v1;
	v2 =	vbroadcast v2, $0x0  }
0x17d: {  	v1 =	vunpack.i.l.bf16.f32 v1;
	v12 =	vunpack.i.u.bf16.f32 v3;
	v3 =	vunpack.i.l.bf16.f32 v3  }
0x17e: {  	v1 =	vadd.f32 v1, v11;
	v3 =	vadd.f32 v3, v12;
	_ =	sdelay $0x1  }
0x17f: {  	v1 =	vadd.f32 v3, v1;
	_ =	sdelay $0x1  }
0x180: {  	[tilespmem:v2+s16+$0x0] =	vst.idx.add.f32.msk $0xffff, v1  }
0x181: {  	v1 =	vld [tilespmem:s23+$0xFFFFF9D0]  }
0x182: {  	v2 =	vld [tilespmem:s24+$0xFFFFF9D0]  }
0x183: {  	v3 =	vld [tilespmem:s23+$0xFFFFF9E0]  }
0x184: {  	v13 =	vld [tilespmem:s24+$0xFFFFF9E0]  }
0x185: {  	v14 =	vld [tilespmem:s23+$0xFFFFF9F0]  }
0x186: {  	v15 =	vld [tilespmem:s24+$0xFFFFF9F0]  }
0x187: {  	v16 =	vld [tilespmem:s23+$0xFFFFFA00]  }
0x188: {  	v17 =	vld [tilespmem:s24+$0xFFFFFA00];
	_ =	sdelay $0x3  }
0x189: {  	v1 =	vmul.bf16 v2, v1;
	v2 =	vmul.bf16 v13, v3  }
0x18a: {  	s28 =	sadd.s32 $0x53, s25;
	v3 =	vmul.bf16 v15, v14;
	v18 =	vmul.bf16 v17, v16  }
0x18b: {  	v1 =	vadd.bf16 v2, v1;
	v2 =	vmov s28  }
0x18c: {  	v3 =	vadd.bf16 v18, v3;
	v2 =	vand.u32 $0xFFFFFFF3, v2  }
0x18d: {  	v19 =	vunpack.i.u.bf16.f32 v1;
	v2 =	vbroadcast v2, $0x0  }
0x18e: {  	v1 =	vunpack.i.l.bf16.f32 v1;
	v20 =	vunpack.i.u.bf16.f32 v3;
	v3 =	vunpack.i.l.bf16.f32 v3  }
0x18f: {  	v1 =	vadd.f32 v1, v19;
	v3 =	vadd.f32 v3, v20;
	_ =	sdelay $0x1  }
0x190: {  	v1 =	vadd.f32 v3, v1;
	_ =	sdelay $0x1  }
0x191: {  	[tilespmem:v2+s16+$0x0] =	vst.idx.add.f32.msk $0xffff, v1  }
0x192: {  	v1 =	vld [tilespmem:s23+$0xFFFFFA50]  }
0x193: {  	v2 =	vld [tilespmem:s24+$0xFFFFFA50]  }
0x194: {  	v3 =	vld [tilespmem:s23+$0xFFFFFA60]  }
0x195: {  	v21 =	vld [tilespmem:s24+$0xFFFFFA60]  }
0x196: {  	v22 =	vld [tilespmem:s23+$0xFFFFFA70]  }
0x197: {  	v23 =	vld [tilespmem:s24+$0xFFFFFA70]  }
0x198: {  	v24 =	vld [tilespmem:s23+$0xFFFFFA80]  }
0x199: {  	v25 =	vld [tilespmem:s24+$0xFFFFFA80];
	_ =	sdelay $0x3  }
0x19a: {  	v1 =	vmul.bf16 v2, v1;
	v2 =	vmul.bf16 v21, v3  }
0x19b: {  	s29 =	sadd.s32 $0x54, s25;
	v3 =	vmul.bf16 v23, v22;
	v26 =	vmul.bf16 v25, v24  }
0x19c: {  	v1 =	vadd.bf16 v2, v1;
	v2 =	vmov s29  }
0x19d: {  	v3 =	vadd.bf16 v26, v3;
	v2 =	vand.u32 $0xFFFFFFF4, v2  }
0x19e: {  	v27 =	vunpack.i.u.bf16.f32 v1;
	v2 =	vbroadcast v2, $0x0  }
0x19f: {  	v1 =	vunpack.i.l.bf16.f32 v1;
	v28 =	vunpack.i.u.bf16.f32 v3;
	v3 =	vunpack.i.l.bf16.f32 v3  }
0x1a0: {  	v1 =	vadd.f32 v1, v27;
	v3 =	vadd.f32 v3, v28;
	_ =	sdelay $0x1  }
0x1a1: {  	v1 =	vadd.f32 v3, v1;
	_ =	sdelay $0x1  }
0x1a2: {  	[tilespmem:v2+s16+$0x0] =	vst.idx.add.f32.msk $0xffff, v1  }
0x1a3: {  	v1 =	vld [tilespmem:s23+$0xFFFFFAD0]  }
0x1a4: {  	v2 =	vld [tilespmem:s24+$0xFFFFFAD0]  }
0x1a5: {  	v3 =	vld [tilespmem:s23+$0xFFFFFAE0]  }
0x1a6: {  	v29 =	vld [tilespmem:s24+$0xFFFFFAE0]  }
0x1a7: {  	v30 =	vld [tilespmem:s23+$0xFFFFFAF0]  }
0x1a8: {  	v31 =	vld [tilespmem:s24+$0xFFFFFAF0]  }
0x1a9: {  	v32 =	vld [tilespmem:s23+$0xFFFFFB00]  }
0x1aa: {  	v33 =	vld [tilespmem:s24+$0xFFFFFB00];
	_ =	sdelay $0x3  }
0x1ab: {  	v1 =	vmul.bf16 v2, v1;
	v2 =	vmul.bf16 v29, v3  }
0x1ac: {  	s30 =	sadd.s32 $0x55, s25;
	v3 =	vmul.bf16 v31, v30;
	v34 =	vmul.bf16 v33, v32  }
0x1ad: {  	v1 =	vadd.bf16 v2, v1;
	v2 =	vmov s30  }
0x1ae: {  	v3 =	vadd.bf16 v34, v3;
	v2 =	vand.u32 $0xFFFFFFF5, v2  }
0x1af: {  	v35 =	vunpack.i.u.bf16.f32 v1;
	v2 =	vbroadcast v2, $0x0  }
0x1b0: {  	v1 =	vunpack.i.l.bf16.f32 v1;
	v36 =	vunpack.i.u.bf16.f32 v3;
	v3 =	vunpack.i.l.bf16.f32 v3  }
0x1b1: {  	v1 =	vadd.f32 v1, v35;
	v3 =	vadd.f32 v3, v36;
	_ =	sdelay $0x1  }
0x1b2: {  	v1 =	vadd.f32 v3, v1;
	_ =	sdelay $0x1  }
0x1b3: {  	[tilespmem:v2+s16+$0x0] =	vst.idx.add.f32.msk $0xffff, v1  }
0x1b4: {  	v1 =	vld [tilespmem:s23+$0xFFFFFB50]  }
0x1b5: {  	v2 =	vld [tilespmem:s24+$0xFFFFFB50]  }
0x1b6: {  	v3 =	vld [tilespmem:s23+$0xFFFFFB60]  }
0x1b7: {  	v37 =	vld [tilespmem:s24+$0xFFFFFB60]  }
0x1b8: {  	v38 =	vld [tilespmem:s23+$0xFFFFFB70]  }
0x1b9: {  	v39 =	vld [tilespmem:s24+$0xFFFFFB70]  }
0x1ba: {  	v40 =	vld [tilespmem:s23+$0xFFFFFB80]  }
0x1bb: {  	v41 =	vld [tilespmem:s24+$0xFFFFFB80];
	_ =	sdelay $0x3  }
0x1bc: {  	v1 =	vmul.bf16 v2, v1;
	v2 =	vmul.bf16 v37, v3  }
0x1bd: {  	s31 =	sadd.s32 $0x56, s25;
	v3 =	vmul.bf16 v39, v38;
	v42 =	vmul.bf16 v41, v40  }
0x1be: {  	v1 =	vadd.bf16 v2, v1;
	v2 =	vmov s31  }
0x1bf: {  	v3 =	vadd.bf16 v42, v3;
	v2 =	vand.u32 $0xFFFFFFF6, v2  }
0x1c0: {  	v43 =	vunpack.i.u.bf16.f32 v1;
	v2 =	vbroadcast v2, $0x0  }
0x1c1: {  	v1 =	vunpack.i.l.bf16.f32 v1;
	v44 =	vunpack.i.u.bf16.f32 v3;
	v3 =	vunpack.i.l.bf16.f32 v3  }
0x1c2: {  	v1 =	vadd.f32 v1, v43;
	v3 =	vadd.f32 v3, v44;
	_ =	sdelay $0x1  }
0x1c3: {  	v1 =	vadd.f32 v3, v1;
	_ =	sdelay $0x1  }
0x1c4: {  	[tilespmem:v2+s16+$0x0] =	vst.idx.add.f32.msk $0xffff, v1  }
0x1c5: {  	v1 =	vld [tilespmem:s23+$0xFFFFFBD0]  }
0x1c6: {  	v2 =	vld [tilespmem:s24+$0xFFFFFBD0]  }
0x1c7: {  	v3 =	vld [tilespmem:s23+$0xFFFFFBE0]  }
0x1c8: {  	v45 =	vld [tilespmem:s24+$0xFFFFFBE0]  }
0x1c9: {  	v46 =	vld [tilespmem:s23+$0xFFFFFBF0]  }
0x1ca: {  	v47 =	vld [tilespmem:s24+$0xFFFFFBF0]  }
0x1cb: {  	v48 =	vld [tilespmem:s23+$0xFFFFFC00]  }
0x1cc: {  	v49 =	vld [tilespmem:s24+$0xFFFFFC00];
	_ =	sdelay $0x3  }
0x1cd: {  	v1 =	vmul.bf16 v2, v1;
	v2 =	vmul.bf16 v45, v3  }
0x1ce: {  	s28 =	sadd.s32 $0x57, s25;
	v3 =	vmul.bf16 v47, v46;
	v50 =	vmul.bf16 v49, v48  }
0x1cf: {  	v1 =	vadd.bf16 v2, v1;
	v2 =	vmov s28  }
0x1d0: {  	v3 =	vadd.bf16 v50, v3;
	v2 =	vand.u32 $0xFFFFFFF7, v2  }
0x1d1: {  	v51 =	vunpack.i.u.bf16.f32 v1;
	v2 =	vbroadcast v2, $0x0  }
0x1d2: {  	v1 =	vunpack.i.l.bf16.f32 v1;
	v52 =	vunpack.i.u.bf16.f32 v3;
	v3 =	vunpack.i.l.bf16.f32 v3  }
0x1d3: {  	v1 =	vadd.f32 v1, v51;
	v3 =	vadd.f32 v3, v52;
	_ =	sdelay $0x1  }
0x1d4: {  	v1 =	vadd.f32 v3, v1;
	_ =	sdelay $0x1  }
0x1d5: {  	[tilespmem:v2+s16+$0x0] =	vst.idx.add.f32.msk $0xffff, v1  }
0x1d6: {  	v1 =	vld [tilespmem:s23+$0xFFFFFC50]  }
0x1d7: {  	v2 =	vld [tilespmem:s24+$0xFFFFFC50]  }
0x1d8: {  	v3 =	vld [tilespmem:s23+$0xFFFFFC60]  }
0x1d9: {  	v53 =	vld [tilespmem:s24+$0xFFFFFC60]  }
0x1da: {  	v54 =	vld [tilespmem:s23+$0xFFFFFC70]  }
0x1db: {  	v55 =	vld [tilespmem:s24+$0xFFFFFC70]  }
0x1dc: {  	v56 =	vld [tilespmem:s23+$0xFFFFFC80]  }
0x1dd: {  	v57 =	vld [tilespmem:s24+$0xFFFFFC80];
	_ =	sdelay $0x3  }
0x1de: {  	v1 =	vmul.bf16 v2, v1;
	v2 =	vmul.bf16 v53, v3  }
0x1df: {  	s29 =	sadd.s32 $0x58, s25;
	v3 =	vmul.bf16 v55, v54;
	v58 =	vmul.bf16 v57, v56  }
0x1e0: {  	v1 =	vadd.bf16 v2, v1;
	v2 =	vmov s29  }
0x1e1: {  	v3 =	vadd.bf16 v58, v3;
	v2 =	vand.u32 $0xFFFFFFF8, v2  }
0x1e2: {  	v59 =	vunpack.i.u.bf16.f32 v1;
	v2 =	vbroadcast v2, $0x0  }
0x1e3: {  	v1 =	vunpack.i.l.bf16.f32 v1;
	v60 =	vunpack.i.u.bf16.f32 v3;
	v3 =	vunpack.i.l.bf16.f32 v3  }
0x1e4: {  	v1 =	vadd.f32 v1, v59;
	v3 =	vadd.f32 v3, v60;
	_ =	sdelay $0x1  }
0x1e5: {  	v1 =	vadd.f32 v3, v1;
	_ =	sdelay $0x1  }
0x1e6: {  	[tilespmem:v2+s16+$0x0] =	vst.idx.add.f32.msk $0xffff, v1  }
0x1e7: {  	v1 =	vld [tilespmem:s23+$0xFFFFFCD0]  }
0x1e8: {  	v2 =	vld [tilespmem:s24+$0xFFFFFCD0]  }
0x1e9: {  	v3 =	vld [tilespmem:s23+$0xFFFFFCE0]  }
0x1ea: {  	v61 =	vld [tilespmem:s24+$0xFFFFFCE0]  }
0x1eb: {  	v62 =	vld [tilespmem:s23+$0xFFFFFCF0]  }
0x1ec: {  	v63 =	vld [tilespmem:s24+$0xFFFFFCF0]  }
0x1ed: {  	v12 =	vld [tilespmem:s23+$0xFFFFFD00]  }
0x1ee: {  	v13 =	vld [tilespmem:s24+$0xFFFFFD00];
	_ =	sdelay $0x3  }
0x1ef: {  	v1 =	vmul.bf16 v2, v1;
	v2 =	vmul.bf16 v61, v3  }
0x1f0: {  	s30 =	sadd.s32 $0x59, s25;
	v3 =	vmul.bf16 v63, v62;
	v14 =	vmul.bf16 v13, v12  }
0x1f1: {  	v1 =	vadd.bf16 v2, v1;
	v2 =	vmov s30  }
0x1f2: {  	v3 =	vadd.bf16 v14, v3;
	v2 =	vand.u32 $0xFFFFFFF9, v2  }
0x1f3: {  	v15 =	vunpack.i.u.bf16.f32 v1;
	v2 =	vbroadcast v2, $0x0  }
0x1f4: {  	v1 =	vunpack.i.l.bf16.f32 v1;
	v16 =	vunpack.i.u.bf16.f32 v3;
	v3 =	vunpack.i.l.bf16.f32 v3  }
0x1f5: {  	v1 =	vadd.f32 v1, v15;
	v3 =	vadd.f32 v3, v16;
	_ =	sdelay $0x1  }
0x1f6: {  	v1 =	vadd.f32 v3, v1;
	_ =	sdelay $0x1  }
0x1f7: {  	[tilespmem:v2+s16+$0x0] =	vst.idx.add.f32.msk $0xffff, v1  }
0x1f8: {  	v1 =	vld [tilespmem:s23+$0xFFFFFD50]  }
0x1f9: {  	v2 =	vld [tilespmem:s24+$0xFFFFFD50]  }
0x1fa: {  	v3 =	vld [tilespmem:s23+$0xFFFFFD60]  }
0x1fb: {  	v17 =	vld [tilespmem:s24+$0xFFFFFD60]  }
0x1fc: {  	v18 =	vld [tilespmem:s23+$0xFFFFFD70]  }
0x1fd: {  	v19 =	vld [tilespmem:s24+$0xFFFFFD70]  }
0x1fe: {  	v20 =	vld [tilespmem:s23+$0xFFFFFD80]  }
0x1ff: {  	v21 =	vld [tilespmem:s24+$0xFFFFFD80];
	_ =	sdelay $0x3  }
0x200: {  	v1 =	vmul.bf16 v2, v1;
	v2 =	vmul.bf16 v17, v3  }
0x201: {  	s31 =	sadd.s32 $0x5A, s25;
	v3 =	vmul.bf16 v19, v18;
	v22 =	vmul.bf16 v21, v20  }
0x202: {  	v1 =	vadd.bf16 v2, v1;
	v2 =	vmov s31  }
0x203: {  	v3 =	vadd.bf16 v22, v3;
	v2 =	vand.u32 $0xFFFFFFFA, v2  }
0x204: {  	v23 =	vunpack.i.u.bf16.f32 v1;
	v2 =	vbroadcast v2, $0x0  }
0x205: {  	v1 =	vunpack.i.l.bf16.f32 v1;
	v24 =	vunpack.i.u.bf16.f32 v3;
	v3 =	vunpack.i.l.bf16.f32 v3  }
0x206: {  	v1 =	vadd.f32 v1, v23;
	v3 =	vadd.f32 v3, v24;
	_ =	sdelay $0x1  }
0x207: {  	v1 =	vadd.f32 v3, v1;
	_ =	sdelay $0x1  }
0x208: {  	[tilespmem:v2+s16+$0x0] =	vst.idx.add.f32.msk $0xffff, v1  }
0x209: {  	v1 =	vld [tilespmem:s23+$0xFFFFFDD0]  }
0x20a: {  	v2 =	vld [tilespmem:s24+$0xFFFFFDD0]  }
0x20b: {  	v3 =	vld [tilespmem:s23+$0xFFFFFDE0]  }
0x20c: {  	v25 =	vld [tilespmem:s24+$0xFFFFFDE0]  }
0x20d: {  	v26 =	vld [tilespmem:s23+$0xFFFFFDF0]  }
0x20e: {  	v27 =	vld [tilespmem:s24+$0xFFFFFDF0]  }
0x20f: {  	v28 =	vld [tilespmem:s23+$0xFFFFFE00]  }
0x210: {  	v29 =	vld [tilespmem:s24+$0xFFFFFE00];
	_ =	sdelay $0x3  }
0x211: {  	v1 =	vmul.bf16 v2, v1;
	v2 =	vmul.bf16 v25, v3  }
0x212: {  	s28 =	sadd.s32 $0x5B, s25;
	v3 =	vmul.bf16 v27, v26;
	v30 =	vmul.bf16 v29, v28  }
0x213: {  	v1 =	vadd.bf16 v2, v1;
	v2 =	vmov s28  }
0x214: {  	v3 =	vadd.bf16 v30, v3;
	v2 =	vand.u32 $0xFFFFFFFB, v2  }
0x215: {  	v31 =	vunpack.i.u.bf16.f32 v1;
	v2 =	vbroadcast v2, $0x0  }
0x216: {  	v1 =	vunpack.i.l.bf16.f32 v1;
	v32 =	vunpack.i.u.bf16.f32 v3;
	v3 =	vunpack.i.l.bf16.f32 v3  }
0x217: {  	v1 =	vadd.f32 v1, v31;
	v3 =	vadd.f32 v3, v32;
	_ =	sdelay $0x1  }
0x218: {  	v1 =	vadd.f32 v3, v1;
	_ =	sdelay $0x1  }
0x219: {  	[tilespmem:v2+s16+$0x0] =	vst.idx.add.f32.msk $0xffff, v1  }
0x21a: {  	v1 =	vld [tilespmem:s23+$0xFFFFFE50]  }
0x21b: {  	v2 =	vld [tilespmem:s24+$0xFFFFFE50]  }
0x21c: {  	v3 =	vld [tilespmem:s23+$0xFFFFFE60]  }
0x21d: {  	v33 =	vld [tilespmem:s24+$0xFFFFFE60]  }
0x21e: {  	v34 =	vld [tilespmem:s23+$0xFFFFFE70]  }
0x21f: {  	v35 =	vld [tilespmem:s24+$0xFFFFFE70]  }
0x220: {  	v36 =	vld [tilespmem:s23+$0xFFFFFE80]  }
0x221: {  	v37 =	vld [tilespmem:s24+$0xFFFFFE80];
	_ =	sdelay $0x3  }
0x222: {  	v1 =	vmul.bf16 v2, v1;
	v2 =	vmul.bf16 v33, v3  }
0x223: {  	s29 =	sadd.s32 $0x5C, s25;
	v3 =	vmul.bf16 v35, v34;
	v38 =	vmul.bf16 v37, v36  }
0x224: {  	v1 =	vadd.bf16 v2, v1;
	v2 =	vmov s29  }
0x225: {  	v3 =	vadd.bf16 v38, v3;
	v2 =	vand.u32 $0xFFFFFFFC, v2  }
0x226: {  	v39 =	vunpack.i.u.bf16.f32 v1;
	v2 =	vbroadcast v2, $0x0  }
0x227: {  	v1 =	vunpack.i.l.bf16.f32 v1;
	v40 =	vunpack.i.u.bf16.f32 v3;
	v3 =	vunpack.i.l.bf16.f32 v3  }
0x228: {  	v1 =	vadd.f32 v1, v39;
	v3 =	vadd.f32 v3, v40;
	_ =	sdelay $0x1  }
0x229: {  	v1 =	vadd.f32 v3, v1;
	_ =	sdelay $0x1  }
0x22a: {  	[tilespmem:v2+s16+$0x0] =	vst.idx.add.f32.msk $0xffff, v1  }
0x22b: {  	v1 =	vld [tilespmem:s23+$0xFFFFFED0]  }
0x22c: {  	v2 =	vld [tilespmem:s24+$0xFFFFFED0]  }
0x22d: {  	v3 =	vld [tilespmem:s23+$0xFFFFFEE0]  }
0x22e: {  	v41 =	vld [tilespmem:s24+$0xFFFFFEE0]  }
0x22f: {  	v42 =	vld [tilespmem:s23+$0xFFFFFEF0]  }
0x230: {  	v43 =	vld [tilespmem:s24+$0xFFFFFEF0]  }
0x231: {  	v44 =	vld [tilespmem:s23+$0xFFFFFF00]  }
0x232: {  	v45 =	vld [tilespmem:s24+$0xFFFFFF00];
	_ =	sdelay $0x3  }
0x233: {  	v1 =	vmul.bf16 v2, v1;
	v2 =	vmul.bf16 v41, v3  }
0x234: {  	s30 =	sadd.s32 $0x5D, s25;
	v3 =	vmul.bf16 v43, v42;
	v46 =	vmul.bf16 v45, v44  }
0x235: {  	v1 =	vadd.bf16 v2, v1;
	v2 =	vmov s30  }
0x236: {  	v3 =	vadd.bf16 v46, v3;
	v2 =	vand.u32 $0xFFFFFFFD, v2  }
0x237: {  	v47 =	vunpack.i.u.bf16.f32 v1;
	v2 =	vbroadcast v2, $0x0  }
0x238: {  	v1 =	vunpack.i.l.bf16.f32 v1;
	v48 =	vunpack.i.u.bf16.f32 v3;
	v3 =	vunpack.i.l.bf16.f32 v3  }
0x239: {  	v1 =	vadd.f32 v1, v47;
	v3 =	vadd.f32 v3, v48;
	_ =	sdelay $0x1  }
0x23a: {  	v1 =	vadd.f32 v3, v1;
	_ =	sdelay $0x1  }
0x23b: {  	[tilespmem:v2+s16+$0x0] =	vst.idx.add.f32.msk $0xffff, v1  }
0x23c: {  	v1 =	vld [tilespmem:s23+$0xFFFFFF50]  }
0x23d: {  	v2 =	vld [tilespmem:s24+$0xFFFFFF50]  }
0x23e: {  	v3 =	vld [tilespmem:s23+$0xFFFFFF60]  }
0x23f: {  	v49 =	vld [tilespmem:s24+$0xFFFFFF60]  }
0x240: {  	v50 =	vld [tilespmem:s23+$0xFFFFFF70]  }
0x241: {  	v51 =	vld [tilespmem:s24+$0xFFFFFF70]  }
0x242: {  	v52 =	vld [tilespmem:s23+$0xFFFFFF80]  }
0x243: {  	v53 =	vld [tilespmem:s24+$0xFFFFFF80];
	_ =	sdelay $0x3  }
0x244: {  	v1 =	vmul.bf16 v2, v1;
	v2 =	vmul.bf16 v49, v3  }
0x245: {  	s31 =	sadd.s32 $0x5E, s25;
	v3 =	vmul.bf16 v51, v50;
	v54 =	vmul.bf16 v53, v52  }
0x246: {  	v1 =	vadd.bf16 v2, v1;
	v2 =	vmov s31  }
0x247: {  	v3 =	vadd.bf16 v54, v3;
	v2 =	vand.u32 $0xFFFFFFFE, v2  }
0x248: {  	v55 =	vunpack.i.u.bf16.f32 v1;
	v2 =	vbroadcast v2, $0x0  }
0x249: {  	v1 =	vunpack.i.l.bf16.f32 v1;
	v56 =	vunpack.i.u.bf16.f32 v3;
	v3 =	vunpack.i.l.bf16.f32 v3  }
0x24a: {  	v1 =	vadd.f32 v1, v55;
	v3 =	vadd.f32 v3, v56;
	_ =	sdelay $0x1  }
0x24b: {  	v1 =	vadd.f32 v3, v1;
	_ =	sdelay $0x1  }
0x24c: {  	[tilespmem:v2+s16+$0x0] =	vst.idx.add.f32.msk $0xffff, v1  }
0x24d: {  	v1 =	vld [tilespmem:s23+$0xFFFFFFD0]  }
0x24e: {  	v2 =	vld [tilespmem:s24+$0xFFFFFFD0]  }
0x24f: {  	v3 =	vld [tilespmem:s23+$0xFFFFFFE0]  }
0x250: {  	v57 =	vld [tilespmem:s24+$0xFFFFFFE0]  }
0x251: {  	v58 =	vld [tilespmem:s23+$0xFFFFFFF0]  }
0x252: {  	v59 =	vld [tilespmem:s24+$0xFFFFFFF0]  }
0x253: {  	v60 =	vld [tilespmem:s23+$0x0]  }
0x254: {  	v61 =	vld [tilespmem:s24+$0x0];
	_ =	sdelay $0x3  }
0x255: {  	v1 =	vmul.bf16 v2, v1;
	v2 =	vmul.bf16 v57, v3  }
0x256: {  	v3 =	vmul.bf16 v59, v58;
	v62 =	vmul.bf16 v61, v60  }
0x257: {  	v1 =	vadd.bf16 v2, v1  }
0x258: {  	s25 =	sadd.s32 $0x5F, s25;
	v2 =	vadd.bf16 v62, v3  }
0x259: {  	v63 =	vmov s25;
	v3 =	vunpack.i.u.bf16.f32 v1  }
0x25a: {  	p0 =	sne.s32 s22, $0x40;
	v1 =	vunpack.i.l.bf16.f32 v1;
	v4 =	vunpack.i.u.bf16.f32 v2;
	v2 =	vunpack.i.l.bf16.f32 v2  }
.Ltmp5:
0x25b: {  	v1 =	vadd.f32 v1, v3;
	v2 =	vadd.f32 v2, v4;
	(pc) =	sbr.rel @p0 .LBB2_8-.Ltmp5, $3  }
0x25c: {  	_ = 	snop  }
0x25d: {  	v1 =	vadd.f32 v2, v1;
	_ =	sdelay $0x1  }
0x25e: {  	s22 =	sadd.s32 $0x10, s22;
	s23 =	sadd.s32 $0x800, s23;
	s24 =	sadd.s32 $0x800, s24;
	[tilespmem:v63+s16+$0x0] =	vst.idx.add.f32.msk $0xffff, v1  }
.Ltmp6:
0x25f: {  	_ = 	snop;
	(pc) =	sbr.rel .LBB2_9-.Ltmp6, $1  }
0x260: {  	_ =	sdelay $0x3  }
.LBB2_10:
0x261: {  	s20 =	simm.s32 $0x0;
	s21 =	simm.s32 $0x40  }
.LBB2_11:
0x262: {  	p0 =	sne.s32 s21, $0x9C00;
	v1 =	vld [tilespmem:s20+$0x12000];
	_ =	sdelay $0x4  }
0x263: {  	v1 =	vsub.f32 $0.0e+00, v1;
	_ =	sdelay $0x1  }
0x264: {  	v1 =	vmul.f32 $1.442695020e+00, v1;
	_ =	sdelay $0x1  }
0x265: {  	(erf) = vpow2.f32 v1;
	_ =	sdelay $0x8  }
0x266: {  	v1 =	vpop (erf)  }
0x267: {  	v1 =	vadd.f32 $1.000000000e+00, v1;
	_ =	sdelay $0x1  }
0x268: {  	(erf) = vrcp.f32 v1;
	_ =	sdelay $0x5  }
.Ltmp7:
0x269: {  	(pc) =	sbr.rel @p0 .LBB2_11-.Ltmp7, $3  }
0x26a: {  	_ =	sdelay $0x1  }
0x26b: {  	v1 =	vpop (erf)  }
0x26c: {  	[tilespmem:s20+$0x12000] =	vst v1;
	s20 =	sshra.s32 s21, $0x2;
	s21 =	sadd.s32 $0x40, s21  }
0x26d: {  	v1 =	vld [tilespmem:s20+$0x12000];
	_ =	sdelay $0x4  }
0x26e: {  	v1 =	vsub.f32 $0.0e+00, v1;
	_ =	sdelay $0x1  }
0x26f: {  	v1 =	vmul.f32 $1.442695020e+00, v1;
	_ =	sdelay $0x1  }
0x270: {  	(erf) = vpow2.f32 v1;
	_ =	sdelay $0x8  }
0x271: {  	v1 =	vpop (erf)  }
0x272: {  	v1 =	vadd.f32 $1.000000000e+00, v1;
	_ =	sdelay $0x1  }
0x273: {  	(erf) = vrcp.f32 v1;
	_ =	sdelay $0x7  }
0x274: {  	s19 =	sadd.s32 $0x1, s19  }
0x275: {  	p0 =	sne.s32 s19, s8;
	v1 =	vpop (erf)  }
.Ltmp8:
0x276: {  	[tilespmem:s20+$0x12000] =	vst v1;
	(pc) =	sbr.rel @p0 .LBB2_1-.Ltmp8, $4  }
0x277: {  	[hbm4b:s7+s17] =	stream.strided.scatter [tilespmem:s16], [sflag:$0x3], $0x2780, s18, s17, $0x38;
	[tilespmem:$0x14780] =	vst v63  }
0x278: {  	_ =	swait.ge [sflag:s9], $0x2780  }
0x279: {  	[sflag:s9] =	ssyncset.done $0x0  }
0x27a: {  	[sflag:s9] =	ssyncadd.s32 $0xFFFFD880  }
0x27b: {  	_ =	sfence.sel $0x180000  }
0x27c: {  	[bflag:$0x0] =	sbarrier.arrive $0xFFFF  }
0x27d: {  	p0 =	sne.s32 s1, $0x0;
	_ =	strace $0x90000047  }
0x27e: {  	s0 =	sadd.s32 @!p0 $0x100000, s0;
	[bflag:$0x2] =	sbarrier.arrive $0xFFFF  }
0x27f: {  	[sflag:s0] =	ssyncadd.tile.s32 @!p0 $0x1;
	_ =	shalt  }
.Lfunc_end2:
_tile_overlayer_lowered:
.L_overlay_start_2:
0x280: {  	(tag) =	ssettag $0x2  }
0x281: {  	s0 =	rddreg [dreg:$0x0];
	s2 =	stileid.u32  }
0x282: {  	s1 =	rddreg [dreg:$0x1];
	p0 =	sne.s32 s2, $0x0  }
0x283: {  	s3 =	rddreg [dreg:$0x2];
	[bflag:$0x3] =	sbarrier.arrive $0xFFFF;
	s2 =	simm.s32 @!p0 $0x1C03  }
0x284: {  	[timem:s3], [sflag:s2] =	dma.local @!p0 [hbm:s0], s1  }
0x285: {  	s0 =	simm.s32 @!p0 $0x3  }
0x286: {  	_ =	swait.ge @!p0 [sflag:s0], s1  }
0x287: {  	s1 =	ssub.s32 @!p0 $0x0, s1;
	[sflag:s0] =	ssyncset.done @!p0 $0x0  }
0x288: {  	[sflag:s0] =	ssyncadd.s32 @!p0 s1  }
0x289: {  	[bflag:$0x3] =	sbarrier.arrive $0xFFFF  }
0x28a: {  	_ =	shalt  }

</sc_bundles>
